<compile_context>
chip_gen: v7x
topology: tpu7x:2x2x1
jax: 0.10.2.dev20260603
libtpu: 0.0.44.dev20260713+nightly
codegen_flags: <defaults>
</compile_context>

<pallas_src>
import functools

import jax
import jax.numpy as jnp
from jax import lax
from jax.experimental import pallas as pl
from jax.experimental.pallas import tpu as pltpu
from jax.experimental.pallas import tpu_sc as plsc

_BATCH = 4096
_STATE = 32
_DICT = 8192
_EMB = 64

_NC = 2
_NS = 16
_NW = _NC * _NS
_L = 16

_EBLK = 4
_NBLK = _EMB // _EBLK
_VPB = _BATCH // _L
_UNROLL = 8


def _gather_body(emb_hbm, idx_hbm, out_hbm, idx_v, rows, outs,
                 sr0, sr1, so0, so1):
    w = lax.axis_index("s") * _NC + lax.axis_index("c")

    sems_r = (sr0, sr1)
    sems_o = (so0, so1)

    d_idx = pltpu.make_async_copy(idx_hbm.at[pl.ds(w, 1)], idx_v, so0)
    d_idx.start()

    def stage(blk):
        d = pltpu.make_async_copy(
            emb_hbm.at[pl.ds(w, 1), pl.ds(blk * _EBLK, _EBLK)],
            rows[blk % 2], sems_r[blk % 2])
        d.start()
        return d

    def flush(blk):
        d = pltpu.make_async_copy(
            outs[blk % 2],
            out_hbm.at[pl.ds(w, 1), pl.ds(blk * _EBLK, _EBLK)],
            sems_o[blk % 2])
        d.start()
        return d

    zero16 = jnp.zeros((_L,), jnp.int32)
    e_vecs = [jnp.full((_L,), e, jnp.int32) for e in range(_EBLK)]

    stage_d = {0: stage(0)}
    flush_d = {}
    for blk in range(_NBLK):
        p = blk % 2
        if blk + 1 < _NBLK:
            stage_d[blk + 1] = stage(blk + 1)
        stage_d.pop(blk).wait()
        if blk == 0:
            d_idx.wait()
        if blk - 2 >= 0:
            flush_d.pop(blk - 2).wait()

        row_blk = rows[p]
        out_blk = outs[p]

        @plsc.parallel_loop(0, _VPB, step=1, unroll=_UNROLL)
        def _loop(v):
            off = v * _L
            idx16 = idx_v[0, pl.ds(off, _L)]
            for e in range(_EBLK):
                out_blk[0, e, pl.ds(off, _L)] = plsc.load_gather(
                    row_blk, [zero16, e_vecs[e], idx16])
        flush_d[blk] = flush(blk)
    for blk in sorted(flush_d):
        flush_d[blk].wait()


@functools.partial(
    pl.kernel,
    mesh=plsc.VectorSubcoreMesh(core_axis_name="c", subcore_axis_name="s"),
    out_type=jax.ShapeDtypeStruct((_STATE, _EMB, _BATCH), jnp.float32),
    compiler_params=pltpu.CompilerParams(needs_layout_passes=False,
                                         disable_bounds_checks=True,
                                         disable_semaphore_checks=True),
    scratch_types=[
        pltpu.VMEM((1, _BATCH), jnp.int32),
        pltpu.VMEM((1, _EBLK, _DICT), jnp.float32),
        pltpu.VMEM((1, _EBLK, _DICT), jnp.float32),
        pltpu.VMEM((1, _EBLK, _BATCH), jnp.float32),
        pltpu.VMEM((1, _EBLK, _BATCH), jnp.float32),
        pltpu.SemaphoreType.DMA,
        pltpu.SemaphoreType.DMA,
        pltpu.SemaphoreType.DMA,
        pltpu.SemaphoreType.DMA,
    ],
)
def _gather(emb_hbm, idx_hbm, out_hbm, idx_v, rows0, rows1, outs0, outs1,
            sr0, sr1, so0, so1):
    _gather_body(emb_hbm, idx_hbm, out_hbm, idx_v, (rows0, rows1),
                 (outs0, outs1), sr0, sr1, so0, so1)


def kernel(indices, embedding, ema_cluster_size, ema_w):
    del ema_cluster_size, ema_w
    emb_t = embedding.transpose(0, 2, 1)
    idx_t = indices.transpose(1, 0)
    out_t = _gather(emb_t, idx_t)
    return out_t.transpose(2, 0, 1)

# --- scband reference (transcript-rebuilt; emitter-appended) ---
"""Pipeline reference for scband-gfncodebook-27315992003198 (READ-ONLY COPY).

The authoritative reference and input builder live on the scoring server;
editing this copy changes nothing except your own understanding.
"""

import jax, jax.numpy as jnp
import numpy as np

BATCH = 4096
STATE_SIZE = 32
DICT_SIZE = 8192
EMB_DIM = 64
DECAY = 0.99
EPS = 1e-05


def setup_inputs(seed: int = 0) -> dict:
    key = jax.random.key(seed)
    k1, k2, k3 = jax.random.split(key, 3)
    indices = jax.random.randint(k1, (BATCH, STATE_SIZE), 0, DICT_SIZE, dtype=jnp.int32)
    embedding = jax.random.normal(k2, (STATE_SIZE, DICT_SIZE, EMB_DIM), dtype=jnp.float32)
    ema_cluster_size = jnp.zeros((STATE_SIZE, DICT_SIZE), dtype=jnp.float32)
    ema_w = jax.random.normal(k3, (STATE_SIZE, DICT_SIZE, EMB_DIM), dtype=jnp.float32)
    return {"indices": indices, "embedding": embedding,
            "ema_cluster_size": ema_cluster_size, "ema_w": ema_w}


def reference(indices, embedding, ema_cluster_size, ema_w):
    batch, state_size = indices.shape
    s_idx = jnp.arange(state_size, dtype=indices.dtype)[None, :]  # [1, S]
    # z_q[b, s, :] = embedding[s, indices[b, s], :]  (the torch gather)
    z_q = embedding[s_idx, indices]  # [B, S, D]

    # training=True EMA path (side-effect updates in torch; output is still z_q).
    # one_hot.sum(0) and einsum('bsk,bsd->skd') expressed as scatter-adds (same math).
    s_b = jnp.broadcast_to(s_idx, indices.shape)  # [B, S]
    cluster_size = jnp.zeros((state_size, DICT_SIZE), jnp.float32).at[s_b, indices].add(1.0)
    dw = jnp.zeros((state_size, DICT_SIZE, EMB_DIM), jnp.float32).at[s_b, indices].add(z_q)
    new_ema_cluster_size = DECAY * ema_cluster_size + (1.0 - DECAY) * cluster_size
    new_ema_w = DECAY * ema_w + (1.0 - DECAY) * dw
    n = new_ema_cluster_size.sum(axis=-1, keepdims=True)
    cs = (new_ema_cluster_size + EPS) / (n + DICT_SIZE * EPS) * n
    new_embedding = new_ema_w / cs[..., None]
    # torch forward returns z_q only; buffer/param updates are in-place side effects.
    del new_embedding
    return z_q

if __name__ == "__main__":
    import jax
    _d = setup_inputs()
    print(jax.jit(kernel)(*tuple(_d.values())))

</pallas_src>

<mosaic_0001>
#map = affine_map<(d0, d1) -> (0, 0, 0)>
#map1 = affine_map<(d0, d1) -> (0, 0)>
module attributes {stable_mosaic.version = 14 : i64} {
  func.func @_gather(%arg0: i32, %arg1: i32, %arg2: memref<32x64x8192xf32, #tpu.memory_space<hbm>>, %arg3: memref<32x4096xi32, #tpu.memory_space<hbm>>, %arg4: memref<32x64x4096xf32, #tpu.memory_space<hbm>>, %arg5: memref<1x4096xi32, #tpu.memory_space<vmem>>, %arg6: memref<1x4x8192xf32, #tpu.memory_space<vmem>>, %arg7: memref<1x4x8192xf32, #tpu.memory_space<vmem>>, %arg8: memref<1x4x4096xf32, #tpu.memory_space<vmem>>, %arg9: memref<1x4x4096xf32, #tpu.memory_space<vmem>>, %arg10: memref<!tpu.dma_semaphore, #tpu.memory_space<semaphore_mem>>, %arg11: memref<!tpu.dma_semaphore, #tpu.memory_space<semaphore_mem>>, %arg12: memref<!tpu.dma_semaphore, #tpu.memory_space<semaphore_mem>>, %arg13: memref<!tpu.dma_semaphore, #tpu.memory_space<semaphore_mem>>) attributes {dimension_semantics = [#tpu.dimension_semantics<core_parallel>, #tpu.dimension_semantics<subcore_parallel>], iteration_bounds = array<i64: 2, 16>, scalar_prefetch = 0 : i64, scratch_operands = 9 : i64, tpu.core_type = #tpu.core_type<sc_vector_subcore>, window_params = [{transform_indices = #map}, {transform_indices = #map1}, {transform_indices = #map}]} {
    %mul3A = arith.constant 2 : i32
    %mul3A_0 = arith.muli %arg1, %mul3A : i32
    %add3A = arith.addi %mul3A_0, %arg0 : i32
    %dma_start3A = arith.constant 0 : i32
    %dma_start3A_1 = tpu.memref_slice %arg3[%add3A, %dma_start3A] : memref<32x4096xi32, #tpu.memory_space<hbm>> -> memref<1x4096xi32, #tpu.memory_space<hbm>>
    %dma_start3A_2 = arith.constant 0 : i32
    %dma_start3A_3 = tpu.memref_slice %arg3[%add3A, %dma_start3A_2] : memref<32x4096xi32, #tpu.memory_space<hbm>> -> memref<1x4096xi32, #tpu.memory_space<hbm>>
    tpu.enqueue_dma source(%dma_start3A_3 : memref<1x4096xi32, #tpu.memory_space<hbm>>) target(%arg5 : memref<1x4096xi32, #tpu.memory_space<vmem>>) target_semaphore(%arg12 : memref<!tpu.dma_semaphore, #tpu.memory_space<semaphore_mem>>)
    %broadcast_in_dim3A = arith.constant 0 : i32
    %broadcast_in_dim3A_4 = vector.broadcast %broadcast_in_dim3A : i32 to vector<16xi32>
    %broadcast_in_dim3A_5 = arith.constant 0 : i32
    %broadcast_in_dim3A_6 = vector.broadcast %broadcast_in_dim3A_5 : i32 to vector<16xi32>
    %broadcast_in_dim3A_7 = arith.constant 1 : i32
    %broadcast_in_dim3A_8 = vector.broadcast %broadcast_in_dim3A_7 : i32 to vector<16xi32>
    %broadcast_in_dim3A_9 = arith.constant 2 : i32
    %broadcast_in_dim3A_10 = vector.broadcast %broadcast_in_dim3A_9 : i32 to vector<16xi32>
    %broadcast_in_dim3A_11 = arith.constant 3 : i32
    %broadcast_in_dim3A_12 = vector.broadcast %broadcast_in_dim3A_11 : i32 to vector<16xi32>
    %dma_start3A_13 = arith.constant 0 : i32
    %dma_start3A_14 = arith.constant 0 : i32
    %dma_start3A_15 = tpu.memref_slice %arg2[%add3A, %dma_start3A_13, %dma_start3A_14] : memref<32x64x8192xf32, #tpu.memory_space<hbm>> -> memref<1x4x8192xf32, #tpu.memory_space<hbm>>
    %dma_start3A_16 = arith.constant 0 : i32
    %dma_start3A_17 = arith.constant 0 : i32
    %dma_start3A_18 = tpu.memref_slice %arg2[%add3A, %dma_start3A_16, %dma_start3A_17] : memref<32x64x8192xf32, #tpu.memory_space<hbm>> -> memref<1x4x8192xf32, #tpu.memory_space<hbm>>
    tpu.enqueue_dma source(%dma_start3A_18 : memref<1x4x8192xf32, #tpu.memory_space<hbm>>) target(%arg6 : memref<1x4x8192xf32, #tpu.memory_space<vmem>>) target_semaphore(%arg10 : memref<!tpu.dma_semaphore, #tpu.memory_space<semaphore_mem>>)
    %dma_start3A_19 = arith.constant 4 : i32
    %dma_start3A_20 = arith.constant 0 : i32
    %dma_start3A_21 = tpu.memref_slice %arg2[%add3A, %dma_start3A_19, %dma_start3A_20] : memref<32x64x8192xf32, #tpu.memory_space<hbm>> -> memref<1x4x8192xf32, #tpu.memory_space<hbm>>
    %dma_start3A_22 = arith.constant 4 : i32
    %dma_start3A_23 = arith.constant 0 : i32
    %dma_start3A_24 = tpu.memref_slice %arg2[%add3A, %dma_start3A_22, %dma_start3A_23] : memref<32x64x8192xf32, #tpu.memory_space<hbm>> -> memref<1x4x8192xf32, #tpu.memory_space<hbm>>
    tpu.enqueue_dma source(%dma_start3A_24 : memref<1x4x8192xf32, #tpu.memory_space<hbm>>) target(%arg7 : memref<1x4x8192xf32, #tpu.memory_space<vmem>>) target_semaphore(%arg11 : memref<!tpu.dma_semaphore, #tpu.memory_space<semaphore_mem>>)
    %dma_wait3A = arith.constant 0 : i32
    %dma_wait3A_25 = arith.constant 0 : i32
    %dma_wait3A_26 = tpu.memref_slice %arg2[%add3A, %dma_wait3A, %dma_wait3A_25] : memref<32x64x8192xf32, #tpu.memory_space<hbm>> -> memref<1x4x8192xf32, #tpu.memory_space<hbm>>
    %dma_wait3A_27 = arith.constant 0 : i32
    %dma_wait3A_28 = arith.constant 0 : i32
    %dma_wait3A_29 = tpu.memref_slice %arg2[%add3A, %dma_wait3A_27, %dma_wait3A_28] : memref<32x64x8192xf32, #tpu.memory_space<hbm>> -> memref<1x4x8192xf32, #tpu.memory_space<hbm>>
    tpu.wait_dma2 semaphore(%arg10 : memref<!tpu.dma_semaphore, #tpu.memory_space<semaphore_mem>>) src(%dma_wait3A_29 : memref<1x4x8192xf32, #tpu.memory_space<hbm>>) dst(%arg6 : memref<1x4x8192xf32, #tpu.memory_space<vmem>>)
    %dma_wait3A_30 = arith.constant 0 : i32
    %dma_wait3A_31 = tpu.memref_slice %arg3[%add3A, %dma_wait3A_30] : memref<32x4096xi32, #tpu.memory_space<hbm>> -> memref<1x4096xi32, #tpu.memory_space<hbm>>
    %dma_wait3A_32 = arith.constant 0 : i32
    %dma_wait3A_33 = tpu.memref_slice %arg3[%add3A, %dma_wait3A_32] : memref<32x4096xi32, #tpu.memory_space<hbm>> -> memref<1x4096xi32, #tpu.memory_space<hbm>>
    tpu.wait_dma2 semaphore(%arg12 : memref<!tpu.dma_semaphore, #tpu.memory_space<semaphore_mem>>) src(%dma_wait3A_33 : memref<1x4096xi32, #tpu.memory_space<hbm>>) dst(%arg5 : memref<1x4096xi32, #tpu.memory_space<vmem>>)
    %parallel_loop3A = arith.constant 0 : i32
    %parallel_loop3A_34 = arith.constant 256 : i32
    %parallel_loop3A_35 = arith.constant 1 : i32
    scf.for %parallel_loop3A_447 = %parallel_loop3A to %parallel_loop3A_34 step %parallel_loop3A_35  : i32 {
      %parallel_loop3A_448 = arith.constant 16 : i32
      %parallel_loop3A_449 = arith.muli %parallel_loop3A_447, %parallel_loop3A_448 : i32
      %parallel_loop3A_450 = arith.constant 0 : i32
      %parallel_loop3A_451 = arith.index_cast %parallel_loop3A_450 : i32 to index
      %parallel_loop3A_452 = arith.index_cast %parallel_loop3A_449 : i32 to index
      %parallel_loop3A_453 = tpu.vector_load %arg5[%parallel_loop3A_451, %parallel_loop3A_452] {strides = array<i32>} : memref<1x4096xi32, #tpu.memory_space<vmem>>, vector<16xi32>,
      %parallel_loop3A_454 = tpu.vector_load_idx %arg6[%broadcast_in_dim3A_4, %broadcast_in_dim3A_6, %parallel_loop3A_453] : memref<1x4x8192xf32, #tpu.memory_space<vmem>>[vector<16xi32>, vector<16xi32>, vector<16xi32>], vector<16xf32>,
      %parallel_loop3A_455 = arith.constant 0 : i32
      %parallel_loop3A_456 = arith.constant 0 : i32
      %parallel_loop3A_457 = arith.index_cast %parallel_loop3A_455 : i32 to index
      %parallel_loop3A_458 = arith.index_cast %parallel_loop3A_456 : i32 to index
      %parallel_loop3A_459 = arith.index_cast %parallel_loop3A_449 : i32 to index
      %parallel_loop3A_460 = tpu.vector_load %arg8[%parallel_loop3A_457, %parallel_loop3A_458, %parallel_loop3A_459] {strides = array<i32>} : memref<1x4x4096xf32, #tpu.memory_space<vmem>>, vector<16xf32>,
      tpu.vector_store %arg8[%parallel_loop3A_457, %parallel_loop3A_458, %parallel_loop3A_459], %parallel_loop3A_454 {strides = array<i32>} : memref<1x4x4096xf32, #tpu.memory_space<vmem>>, vector<16xf32>,
      %parallel_loop3A_461 = tpu.vector_load_idx %arg6[%broadcast_in_dim3A_4, %broadcast_in_dim3A_8, %parallel_loop3A_453] : memref<1x4x8192xf32, #tpu.memory_space<vmem>>[vector<16xi32>, vector<16xi32>, vector<16xi32>], vector<16xf32>,
      %parallel_loop3A_462 = arith.constant 0 : i32
      %parallel_loop3A_463 = arith.constant 1 : i32
      %parallel_loop3A_464 = arith.index_cast %parallel_loop3A_462 : i32 to index
      %parallel_loop3A_465 = arith.index_cast %parallel_loop3A_463 : i32 to index
      %parallel_loop3A_466 = arith.index_cast %parallel_loop3A_449 : i32 to index
      %parallel_loop3A_467 = tpu.vector_load %arg8[%parallel_loop3A_464, %parallel_loop3A_465, %parallel_loop3A_466] {strides = array<i32>} : memref<1x4x4096xf32, #tpu.memory_space<vmem>>, vector<16xf32>,
      tpu.vector_store %arg8[%parallel_loop3A_464, %parallel_loop3A_465, %parallel_loop3A_466], %parallel_loop3A_461 {strides = array<i32>} : memref<1x4x4096xf32, #tpu.memory_space<vmem>>, vector<16xf32>,
      %parallel_loop3A_468 = tpu.vector_load_idx %arg6[%broadcast_in_dim3A_4, %broadcast_in_dim3A_10, %parallel_loop3A_453] : memref<1x4x8192xf32, #tpu.memory_space<vmem>>[vector<16xi32>, vector<16xi32>, vector<16xi32>], vector<16xf32>,
      %parallel_loop3A_469 = arith.constant 0 : i32
      %parallel_loop3A_470 = arith.constant 2 : i32
      %parallel_loop3A_471 = arith.index_cast %parallel_loop3A_469 : i32 to index
      %parallel_loop3A_472 = arith.index_cast %parallel_loop3A_470 : i32 to index
      %parallel_loop3A_473 = arith.index_cast %parallel_loop3A_449 : i32 to index
      %parallel_loop3A_474 = tpu.vector_load %arg8[%parallel_loop3A_471, %parallel_loop3A_472, %parallel_loop3A_473] {strides = array<i32>} : memref<1x4x4096xf32, #tpu.memory_space<vmem>>, vector<16xf32>,
      tpu.vector_store %arg8[%parallel_loop3A_471, %parallel_loop3A_472, %parallel_loop3A_473], %parallel_loop3A_468 {strides = array<i32>} : memref<1x4x4096xf32, #tpu.memory_space<vmem>>, vector<16xf32>,
      %parallel_loop3A_475 = tpu.vector_load_idx %arg6[%broadcast_in_dim3A_4, %broadcast_in_dim3A_12, %parallel_loop3A_453] : memref<1x4x8192xf32, #tpu.memory_space<vmem>>[vector<16xi32>, vector<16xi32>, vector<16xi32>], vector<16xf32>,
      %parallel_loop3A_476 = arith.constant 0 : i32
      %parallel_loop3A_477 = arith.constant 3 : i32
      %parallel_loop3A_478 = arith.index_cast %parallel_loop3A_476 : i32 to index
      %parallel_loop3A_479 = arith.index_cast %parallel_loop3A_477 : i32 to index
      %parallel_loop3A_480 = arith.index_cast %parallel_loop3A_449 : i32 to index
      %parallel_loop3A_481 = tpu.vector_load %arg8[%parallel_loop3A_478, %parallel_loop3A_479, %parallel_loop3A_480] {strides = array<i32>} : memref<1x4x4096xf32, #tpu.memory_space<vmem>>, vector<16xf32>,
      tpu.vector_store %arg8[%parallel_loop3A_478, %parallel_loop3A_479, %parallel_loop3A_480], %parallel_loop3A_475 {strides = array<i32>} : memref<1x4x4096xf32, #tpu.memory_space<vmem>>, vector<16xf32>,
    } {sc.loop_unroll_factor = 8 : i64, sc.parallel_access}
    %dma_start3A_36 = arith.constant 0 : i32
    %dma_start3A_37 = arith.constant 0 : i32
    %dma_start3A_38 = tpu.memref_slice %arg4[%add3A, %dma_start3A_36, %dma_start3A_37] : memref<32x64x4096xf32, #tpu.memory_space<hbm>> -> memref<1x4x4096xf32, #tpu.memory_space<hbm>>
    %dma_start3A_39 = arith.constant 0 : i32
    %dma_start3A_40 = arith.constant 0 : i32
    %dma_start3A_41 = tpu.memref_slice %arg4[%add3A, %dma_start3A_39, %dma_start3A_40] : memref<32x64x4096xf32, #tpu.memory_space<hbm>> -> memref<1x4x4096xf32, #tpu.memory_space<hbm>>
    tpu.enqueue_dma source(%arg8 : memref<1x4x4096xf32, #tpu.memory_space<vmem>>) target(%dma_start3A_41 : memref<1x4x4096xf32, #tpu.memory_space<hbm>>) target_semaphore(%arg12 : memref<!tpu.dma_semaphore, #tpu.memory_space<semaphore_mem>>)
    %dma_start3A_42 = arith.constant 8 : i32
    %dma_start3A_43 = arith.constant 0 : i32
    %dma_start3A_44 = tpu.memref_slice %arg2[%add3A, %dma_start3A_42, %dma_start3A_43] : memref<32x64x8192xf32, #tpu.memory_space<hbm>> -> memref<1x4x8192xf32, #tpu.memory_space<hbm>>
    %dma_start3A_45 = arith.constant 8 : i32
    %dma_start3A_46 = arith.constant 0 : i32
    %dma_start3A_47 = tpu.memref_slice %arg2[%add3A, %dma_start3A_45, %dma_start3A_46] : memref<32x64x8192xf32, #tpu.memory_space<hbm>> -> memref<1x4x8192xf32, #tpu.memory_space<hbm>>
    tpu.enqueue_dma source(%dma_start3A_47 : memref<1x4x8192xf32, #tpu.memory_space<hbm>>) target(%arg6 : memref<1x4x8192xf32, #tpu.memory_space<vmem>>) target_semaphore(%arg10 : memref<!tpu.dma_semaphore, #tpu.memory_space<semaphore_mem>>)
    %dma_wait3A_48 = arith.constant 4 : i32
    %dma_wait3A_49 = arith.constant 0 : i32
    %dma_wait3A_50 = tpu.memref_slice %arg2[%add3A, %dma_wait3A_48, %dma_wait3A_49] : memref<32x64x8192xf32, #tpu.memory_space<hbm>> -> memref<1x4x8192xf32, #tpu.memory_space<hbm>>
    %dma_wait3A_51 = arith.constant 4 : i32
    %dma_wait3A_52 = arith.constant 0 : i32
    %dma_wait3A_53 = tpu.memref_slice %arg2[%add3A, %dma_wait3A_51, %dma_wait3A_52] : memref<32x64x8192xf32, #tpu.memory_space<hbm>> -> memref<1x4x8192xf32, #tpu.memory_space<hbm>>
    tpu.wait_dma2 semaphore(%arg11 : memref<!tpu.dma_semaphore, #tpu.memory_space<semaphore_mem>>) src(%dma_wait3A_53 : memref<1x4x8192xf32, #tpu.memory_space<hbm>>) dst(%arg7 : memref<1x4x8192xf32, #tpu.memory_space<vmem>>)
    %parallel_loop3A_54 = arith.constant 0 : i32
    %parallel_loop3A_55 = arith.constant 256 : i32
    %parallel_loop3A_56 = arith.constant 1 : i32
    scf.for %parallel_loop3A_447 = %parallel_loop3A_54 to %parallel_loop3A_55 step %parallel_loop3A_56  : i32 {
      %parallel_loop3A_448 = arith.constant 16 : i32
      %parallel_loop3A_449 = arith.muli %parallel_loop3A_447, %parallel_loop3A_448 : i32
      %parallel_loop3A_450 = arith.constant 0 : i32
      %parallel_loop3A_451 = arith.index_cast %parallel_loop3A_450 : i32 to index
      %parallel_loop3A_452 = arith.index_cast %parallel_loop3A_449 : i32 to index
      %parallel_loop3A_453 = tpu.vector_load %arg5[%parallel_loop3A_451, %parallel_loop3A_452] {strides = array<i32>} : memref<1x4096xi32, #tpu.memory_space<vmem>>, vector<16xi32>,
      %parallel_loop3A_454 = tpu.vector_load_idx %arg7[%broadcast_in_dim3A_4, %broadcast_in_dim3A_6, %parallel_loop3A_453] : memref<1x4x8192xf32, #tpu.memory_space<vmem>>[vector<16xi32>, vector<16xi32>, vector<16xi32>], vector<16xf32>,
      %parallel_loop3A_455 = arith.constant 0 : i32
      %parallel_loop3A_456 = arith.constant 0 : i32
      %parallel_loop3A_457 = arith.index_cast %parallel_loop3A_455 : i32 to index
      %parallel_loop3A_458 = arith.index_cast %parallel_loop3A_456 : i32 to index
      %parallel_loop3A_459 = arith.index_cast %parallel_loop3A_449 : i32 to index
      %parallel_loop3A_460 = tpu.vector_load %arg9[%parallel_loop3A_457, %parallel_loop3A_458, %parallel_loop3A_459] {strides = array<i32>} : memref<1x4x4096xf32, #tpu.memory_space<vmem>>, vector<16xf32>,
      tpu.vector_store %arg9[%parallel_loop3A_457, %parallel_loop3A_458, %parallel_loop3A_459], %parallel_loop3A_454 {strides = array<i32>} : memref<1x4x4096xf32, #tpu.memory_space<vmem>>, vector<16xf32>,
      %parallel_loop3A_461 = tpu.vector_load_idx %arg7[%broadcast_in_dim3A_4, %broadcast_in_dim3A_8, %parallel_loop3A_453] : memref<1x4x8192xf32, #tpu.memory_space<vmem>>[vector<16xi32>, vector<16xi32>, vector<16xi32>], vector<16xf32>,
      %parallel_loop3A_462 = arith.constant 0 : i32
      %parallel_loop3A_463 = arith.constant 1 : i32
      %parallel_loop3A_464 = arith.index_cast %parallel_loop3A_462 : i32 to index
      %parallel_loop3A_465 = arith.index_cast %parallel_loop3A_463 : i32 to index
      %parallel_loop3A_466 = arith.index_cast %parallel_loop3A_449 : i32 to index
      %parallel_loop3A_467 = tpu.vector_load %arg9[%parallel_loop3A_464, %parallel_loop3A_465, %parallel_loop3A_466] {strides = array<i32>} : memref<1x4x4096xf32, #tpu.memory_space<vmem>>, vector<16xf32>,
      tpu.vector_store %arg9[%parallel_loop3A_464, %parallel_loop3A_465, %parallel_loop3A_466], %parallel_loop3A_461 {strides = array<i32>} : memref<1x4x4096xf32, #tpu.memory_space<vmem>>, vector<16xf32>,
      %parallel_loop3A_468 = tpu.vector_load_idx %arg7[%broadcast_in_dim3A_4, %broadcast_in_dim3A_10, %parallel_loop3A_453] : memref<1x4x8192xf32, #tpu.memory_space<vmem>>[vector<16xi32>, vector<16xi32>, vector<16xi32>], vector<16xf32>,
      %parallel_loop3A_469 = arith.constant 0 : i32
      %parallel_loop3A_470 = arith.constant 2 : i32
      %parallel_loop3A_471 = arith.index_cast %parallel_loop3A_469 : i32 to index
      %parallel_loop3A_472 = arith.index_cast %parallel_loop3A_470 : i32 to index
      %parallel_loop3A_473 = arith.index_cast %parallel_loop3A_449 : i32 to index
      %parallel_loop3A_474 = tpu.vector_load %arg9[%parallel_loop3A_471, %parallel_loop3A_472, %parallel_loop3A_473] {strides = array<i32>} : memref<1x4x4096xf32, #tpu.memory_space<vmem>>, vector<16xf32>,
      tpu.vector_store %arg9[%parallel_loop3A_471, %parallel_loop3A_472, %parallel_loop3A_473], %parallel_loop3A_468 {strides = array<i32>} : memref<1x4x4096xf32, #tpu.memory_space<vmem>>, vector<16xf32>,
      %parallel_loop3A_475 = tpu.vector_load_idx %arg7[%broadcast_in_dim3A_4, %broadcast_in_dim3A_12, %parallel_loop3A_453] : memref<1x4x8192xf32, #tpu.memory_space<vmem>>[vector<16xi32>, vector<16xi32>, vector<16xi32>], vector<16xf32>,
      %parallel_loop3A_476 = arith.constant 0 : i32
      %parallel_loop3A_477 = arith.constant 3 : i32
      %parallel_loop3A_478 = arith.index_cast %parallel_loop3A_476 : i32 to index
      %parallel_loop3A_479 = arith.index_cast %parallel_loop3A_477 : i32 to index
      %parallel_loop3A_480 = arith.index_cast %parallel_loop3A_449 : i32 to index
      %parallel_loop3A_481 = tpu.vector_load %arg9[%parallel_loop3A_478, %parallel_loop3A_479, %parallel_loop3A_480] {strides = array<i32>} : memref<1x4x4096xf32, #tpu.memory_space<vmem>>, vector<16xf32>,
      tpu.vector_store %arg9[%parallel_loop3A_478, %parallel_loop3A_479, %parallel_loop3A_480], %parallel_loop3A_475 {strides = array<i32>} : memref<1x4x4096xf32, #tpu.memory_space<vmem>>, vector<16xf32>,
    } {sc.loop_unroll_factor = 8 : i64, sc.parallel_access}
    %dma_start3A_57 = arith.constant 4 : i32
    %dma_start3A_58 = arith.constant 0 : i32
    %dma_start3A_59 = tpu.memref_slice %arg4[%add3A, %dma_start3A_57, %dma_start3A_58] : memref<32x64x4096xf32, #tpu.memory_space<hbm>> -> memref<1x4x4096xf32, #tpu.memory_space<hbm>>
    %dma_start3A_60 = arith.constant 4 : i32
    %dma_start3A_61 = arith.constant 0 : i32
    %dma_start3A_62 = tpu.memref_slice %arg4[%add3A, %dma_start3A_60, %dma_start3A_61] : memref<32x64x4096xf32, #tpu.memory_space<hbm>> -> memref<1x4x4096xf32, #tpu.memory_space<hbm>>
    tpu.enqueue_dma source(%arg9 : memref<1x4x4096xf32, #tpu.memory_space<vmem>>) target(%dma_start3A_62 : memref<1x4x4096xf32, #tpu.memory_space<hbm>>) target_semaphore(%arg13 : memref<!tpu.dma_semaphore, #tpu.memory_space<semaphore_mem>>)
    %dma_start3A_63 = arith.constant 12 : i32
    %dma_start3A_64 = arith.constant 0 : i32
    %dma_start3A_65 = tpu.memref_slice %arg2[%add3A, %dma_start3A_63, %dma_start3A_64] : memref<32x64x8192xf32, #tpu.memory_space<hbm>> -> memref<1x4x8192xf32, #tpu.memory_space<hbm>>
    %dma_start3A_66 = arith.constant 12 : i32
    %dma_start3A_67 = arith.constant 0 : i32
    %dma_start3A_68 = tpu.memref_slice %arg2[%add3A, %dma_start3A_66, %dma_start3A_67] : memref<32x64x8192xf32, #tpu.memory_space<hbm>> -> memref<1x4x8192xf32, #tpu.memory_space<hbm>>
    tpu.enqueue_dma source(%dma_start3A_68 : memref<1x4x8192xf32, #tpu.memory_space<hbm>>) target(%arg7 : memref<1x4x8192xf32, #tpu.memory_space<vmem>>) target_semaphore(%arg11 : memref<!tpu.dma_semaphore, #tpu.memory_space<semaphore_mem>>)
    %dma_wait3A_69 = arith.constant 8 : i32
    %dma_wait3A_70 = arith.constant 0 : i32
    %dma_wait3A_71 = tpu.memref_slice %arg2[%add3A, %dma_wait3A_69, %dma_wait3A_70] : memref<32x64x8192xf32, #tpu.memory_space<hbm>> -> memref<1x4x8192xf32, #tpu.memory_space<hbm>>
    %dma_wait3A_72 = arith.constant 8 : i32
    %dma_wait3A_73 = arith.constant 0 : i32
    %dma_wait3A_74 = tpu.memref_slice %arg2[%add3A, %dma_wait3A_72, %dma_wait3A_73] : memref<32x64x8192xf32, #tpu.memory_space<hbm>> -> memref<1x4x8192xf32, #tpu.memory_space<hbm>>
    tpu.wait_dma2 semaphore(%arg10 : memref<!tpu.dma_semaphore, #tpu.memory_space<semaphore_mem>>) src(%dma_wait3A_74 : memref<1x4x8192xf32, #tpu.memory_space<hbm>>) dst(%arg6 : memref<1x4x8192xf32, #tpu.memory_space<vmem>>)
    %dma_wait3A_75 = arith.constant 0 : i32
    %dma_wait3A_76 = arith.constant 0 : i32
    %dma_wait3A_77 = tpu.memref_slice %arg4[%add3A, %dma_wait3A_75, %dma_wait3A_76] : memref<32x64x4096xf32, #tpu.memory_space<hbm>> -> memref<1x4x4096xf32, #tpu.memory_space<hbm>>
    %dma_wait3A_78 = arith.constant 0 : i32
    %dma_wait3A_79 = arith.constant 0 : i32
    %dma_wait3A_80 = tpu.memref_slice %arg4[%add3A, %dma_wait3A_78, %dma_wait3A_79] : memref<32x64x4096xf32, #tpu.memory_space<hbm>> -> memref<1x4x4096xf32, #tpu.memory_space<hbm>>
    tpu.wait_dma2 semaphore(%arg12 : memref<!tpu.dma_semaphore, #tpu.memory_space<semaphore_mem>>) src(%arg8 : memref<1x4x4096xf32, #tpu.memory_space<vmem>>) dst(%dma_wait3A_80 : memref<1x4x4096xf32, #tpu.memory_space<hbm>>)
    %parallel_loop3A_81 = arith.constant 0 : i32
    %parallel_loop3A_82 = arith.constant 256 : i32
    %parallel_loop3A_83 = arith.constant 1 : i32
    scf.for %parallel_loop3A_447 = %parallel_loop3A_81 to %parallel_loop3A_82 step %parallel_loop3A_83  : i32 {
      %parallel_loop3A_448 = arith.constant 16 : i32
      %parallel_loop3A_449 = arith.muli %parallel_loop3A_447, %parallel_loop3A_448 : i32
      %parallel_loop3A_450 = arith.constant 0 : i32
      %parallel_loop3A_451 = arith.index_cast %parallel_loop3A_450 : i32 to index
      %parallel_loop3A_452 = arith.index_cast %parallel_loop3A_449 : i32 to index
      %parallel_loop3A_453 = tpu.vector_load %arg5[%parallel_loop3A_451, %parallel_loop3A_452] {strides = array<i32>} : memref<1x4096xi32, #tpu.memory_space<vmem>>, vector<16xi32>,
      %parallel_loop3A_454 = tpu.vector_load_idx %arg6[%broadcast_in_dim3A_4, %broadcast_in_dim3A_6, %parallel_loop3A_453] : memref<1x4x8192xf32, #tpu.memory_space<vmem>>[vector<16xi32>, vector<16xi32>, vector<16xi32>], vector<16xf32>,
      %parallel_loop3A_455 = arith.constant 0 : i32
      %parallel_loop3A_456 = arith.constant 0 : i32
      %parallel_loop3A_457 = arith.index_cast %parallel_loop3A_455 : i32 to index
      %parallel_loop3A_458 = arith.index_cast %parallel_loop3A_456 : i32 to index
      %parallel_loop3A_459 = arith.index_cast %parallel_loop3A_449 : i32 to index
      %parallel_loop3A_460 = tpu.vector_load %arg8[%parallel_loop3A_457, %parallel_loop3A_458, %parallel_loop3A_459] {strides = array<i32>} : memref<1x4x4096xf32, #tpu.memory_space<vmem>>, vector<16xf32>,
      tpu.vector_store %arg8[%parallel_loop3A_457, %parallel_loop3A_458, %parallel_loop3A_459], %parallel_loop3A_454 {strides = array<i32>} : memref<1x4x4096xf32, #tpu.memory_space<vmem>>, vector<16xf32>,
      %parallel_loop3A_461 = tpu.vector_load_idx %arg6[%broadcast_in_dim3A_4, %broadcast_in_dim3A_8, %parallel_loop3A_453] : memref<1x4x8192xf32, #tpu.memory_space<vmem>>[vector<16xi32>, vector<16xi32>, vector<16xi32>], vector<16xf32>,
      %parallel_loop3A_462 = arith.constant 0 : i32
      %parallel_loop3A_463 = arith.constant 1 : i32
      %parallel_loop3A_464 = arith.index_cast %parallel_loop3A_462 : i32 to index
      %parallel_loop3A_465 = arith.index_cast %parallel_loop3A_463 : i32 to index
      %parallel_loop3A_466 = arith.index_cast %parallel_loop3A_449 : i32 to index
      %parallel_loop3A_467 = tpu.vector_load %arg8[%parallel_loop3A_464, %parallel_loop3A_465, %parallel_loop3A_466] {strides = array<i32>} : memref<1x4x4096xf32, #tpu.memory_space<vmem>>, vector<16xf32>,
      tpu.vector_store %arg8[%parallel_loop3A_464, %parallel_loop3A_465, %parallel_loop3A_466], %parallel_loop3A_461 {strides = array<i32>} : memref<1x4x4096xf32, #tpu.memory_space<vmem>>, vector<16xf32>,
      %parallel_loop3A_468 = tpu.vector_load_idx %arg6[%broadcast_in_dim3A_4, %broadcast_in_dim3A_10, %parallel_loop3A_453] : memref<1x4x8192xf32, #tpu.memory_space<vmem>>[vector<16xi32>, vector<16xi32>, vector<16xi32>], vector<16xf32>,
      %parallel_loop3A_469 = arith.constant 0 : i32
      %parallel_loop3A_470 = arith.constant 2 : i32
      %parallel_loop3A_471 = arith.index_cast %parallel_loop3A_469 : i32 to index
      %parallel_loop3A_472 = arith.index_cast %parallel_loop3A_470 : i32 to index
      %parallel_loop3A_473 = arith.index_cast %parallel_loop3A_449 : i32 to index
      %parallel_loop3A_474 = tpu.vector_load %arg8[%parallel_loop3A_471, %parallel_loop3A_472, %parallel_loop3A_473] {strides = array<i32>} : memref<1x4x4096xf32, #tpu.memory_space<vmem>>, vector<16xf32>,
      tpu.vector_store %arg8[%parallel_loop3A_471, %parallel_loop3A_472, %parallel_loop3A_473], %parallel_loop3A_468 {strides = array<i32>} : memref<1x4x4096xf32, #tpu.memory_space<vmem>>, vector<16xf32>,
      %parallel_loop3A_475 = tpu.vector_load_idx %arg6[%broadcast_in_dim3A_4, %broadcast_in_dim3A_12, %parallel_loop3A_453] : memref<1x4x8192xf32, #tpu.memory_space<vmem>>[vector<16xi32>, vector<16xi32>, vector<16xi32>], vector<16xf32>,
      %parallel_loop3A_476 = arith.constant 0 : i32
      %parallel_loop3A_477 = arith.constant 3 : i32
      %parallel_loop3A_478 = arith.index_cast %parallel_loop3A_476 : i32 to index
      %parallel_loop3A_479 = arith.index_cast %parallel_loop3A_477 : i32 to index
      %parallel_loop3A_480 = arith.index_cast %parallel_loop3A_449 : i32 to index
      %parallel_loop3A_481 = tpu.vector_load %arg8[%parallel_loop3A_478, %parallel_loop3A_479, %parallel_loop3A_480] {strides = array<i32>} : memref<1x4x4096xf32, #tpu.memory_space<vmem>>, vector<16xf32>,
      tpu.vector_store %arg8[%parallel_loop3A_478, %parallel_loop3A_479, %parallel_loop3A_480], %parallel_loop3A_475 {strides = array<i32>} : memref<1x4x4096xf32, #tpu.memory_space<vmem>>, vector<16xf32>,
    } {sc.loop_unroll_factor = 8 : i64, sc.parallel_access}
    %dma_start3A_84 = arith.constant 8 : i32
    %dma_start3A_85 = arith.constant 0 : i32
    %dma_start3A_86 = tpu.memref_slice %arg4[%add3A, %dma_start3A_84, %dma_start3A_85] : memref<32x64x4096xf32, #tpu.memory_space<hbm>> -> memref<1x4x4096xf32, #tpu.memory_space<hbm>>
    %dma_start3A_87 = arith.constant 8 : i32
    %dma_start3A_88 = arith.constant 0 : i32
    %dma_start3A_89 = tpu.memref_slice %arg4[%add3A, %dma_start3A_87, %dma_start3A_88] : memref<32x64x4096xf32, #tpu.memory_space<hbm>> -> memref<1x4x4096xf32, #tpu.memory_space<hbm>>
    tpu.enqueue_dma source(%arg8 : memref<1x4x4096xf32, #tpu.memory_space<vmem>>) target(%dma_start3A_89 : memref<1x4x4096xf32, #tpu.memory_space<hbm>>) target_semaphore(%arg12 : memref<!tpu.dma_semaphore, #tpu.memory_space<semaphore_mem>>)
    %dma_start3A_90 = arith.constant 16 : i32
    %dma_start3A_91 = arith.constant 0 : i32
    %dma_start3A_92 = tpu.memref_slice %arg2[%add3A, %dma_start3A_90, %dma_start3A_91] : memref<32x64x8192xf32, #tpu.memory_space<hbm>> -> memref<1x4x8192xf32, #tpu.memory_space<hbm>>
    %dma_start3A_93 = arith.constant 16 : i32
    %dma_start3A_94 = arith.constant 0 : i32
    %dma_start3A_95 = tpu.memref_slice %arg2[%add3A, %dma_start3A_93, %dma_start3A_94] : memref<32x64x8192xf32, #tpu.memory_space<hbm>> -> memref<1x4x8192xf32, #tpu.memory_space<hbm>>
    tpu.enqueue_dma source(%dma_start3A_95 : memref<1x4x8192xf32, #tpu.memory_space<hbm>>) target(%arg6 : memref<1x4x8192xf32, #tpu.memory_space<vmem>>) target_semaphore(%arg10 : memref<!tpu.dma_semaphore, #tpu.memory_space<semaphore_mem>>)
    %dma_wait3A_96 = arith.constant 12 : i32
    %dma_wait3A_97 = arith.constant 0 : i32
    %dma_wait3A_98 = tpu.memref_slice %arg2[%add3A, %dma_wait3A_96, %dma_wait3A_97] : memref<32x64x8192xf32, #tpu.memory_space<hbm>> -> memref<1x4x8192xf32, #tpu.memory_space<hbm>>
    %dma_wait3A_99 = arith.constant 12 : i32
    %dma_wait3A_100 = arith.constant 0 : i32
    %dma_wait3A_101 = tpu.memref_slice %arg2[%add3A, %dma_wait3A_99, %dma_wait3A_100] : memref<32x64x8192xf32, #tpu.memory_space<hbm>> -> memref<1x4x8192xf32, #tpu.memory_space<hbm>>
    tpu.wait_dma2 semaphore(%arg11 : memref<!tpu.dma_semaphore, #tpu.memory_space<semaphore_mem>>) src(%dma_wait3A_101 : memref<1x4x8192xf32, #tpu.memory_space<hbm>>) dst(%arg7 : memref<1x4x8192xf32, #tpu.memory_space<vmem>>)
    %dma_wait3A_102 = arith.constant 4 : i32
    %dma_wait3A_103 = arith.constant 0 : i32
    %dma_wait3A_104 = tpu.memref_slice %arg4[%add3A, %dma_wait3A_102, %dma_wait3A_103] : memref<32x64x4096xf32, #tpu.memory_space<hbm>> -> memref<1x4x4096xf32, #tpu.memory_space<hbm>>
    %dma_wait3A_105 = arith.constant 4 : i32
    %dma_wait3A_106 = arith.constant 0 : i32
    %dma_wait3A_107 = tpu.memref_slice %arg4[%add3A, %dma_wait3A_105, %dma_wait3A_106] : memref<32x64x4096xf32, #tpu.memory_space<hbm>> -> memref<1x4x4096xf32, #tpu.memory_space<hbm>>
    tpu.wait_dma2 semaphore(%arg13 : memref<!tpu.dma_semaphore, #tpu.memory_space<semaphore_mem>>) src(%arg9 : memref<1x4x4096xf32, #tpu.memory_space<vmem>>) dst(%dma_wait3A_107 : memref<1x4x4096xf32, #tpu.memory_space<hbm>>)
    %parallel_loop3A_108 = arith.constant 0 : i32
    %parallel_loop3A_109 = arith.constant 256 : i32
    %parallel_loop3A_110 = arith.constant 1 : i32
    scf.for %parallel_loop3A_447 = %parallel_loop3A_108 to %parallel_loop3A_109 step %parallel_loop3A_110  : i32 {
      %parallel_loop3A_448 = arith.constant 16 : i32
      %parallel_loop3A_449 = arith.muli %parallel_loop3A_447, %parallel_loop3A_448 : i32
      %parallel_loop3A_450 = arith.constant 0 : i32
      %parallel_loop3A_451 = arith.index_cast %parallel_loop3A_450 : i32 to index
      %parallel_loop3A_452 = arith.index_cast %parallel_loop3A_449 : i32 to index
      %parallel_loop3A_453 = tpu.vector_load %arg5[%parallel_loop3A_451, %parallel_loop3A_452] {strides = array<i32>} : memref<1x4096xi32, #tpu.memory_space<vmem>>, vector<16xi32>,
      %parallel_loop3A_454 = tpu.vector_load_idx %arg7[%broadcast_in_dim3A_4, %broadcast_in_dim3A_6, %parallel_loop3A_453] : memref<1x4x8192xf32, #tpu.memory_space<vmem>>[vector<16xi32>, vector<16xi32>, vector<16xi32>], vector<16xf32>,
      %parallel_loop3A_455 = arith.constant 0 : i32
      %parallel_loop3A_456 = arith.constant 0 : i32
      %parallel_loop3A_457 = arith.index_cast %parallel_loop3A_455 : i32 to index
      %parallel_loop3A_458 = arith.index_cast %parallel_loop3A_456 : i32 to index
      %parallel_loop3A_459 = arith.index_cast %parallel_loop3A_449 : i32 to index
      %parallel_loop3A_460 = tpu.vector_load %arg9[%parallel_loop3A_457, %parallel_loop3A_458, %parallel_loop3A_459] {strides = array<i32>} : memref<1x4x4096xf32, #tpu.memory_space<vmem>>, vector<16xf32>,
      tpu.vector_store %arg9[%parallel_loop3A_457, %parallel_loop3A_458, %parallel_loop3A_459], %parallel_loop3A_454 {strides = array<i32>} : memref<1x4x4096xf32, #tpu.memory_space<vmem>>, vector<16xf32>,
      %parallel_loop3A_461 = tpu.vector_load_idx %arg7[%broadcast_in_dim3A_4, %broadcast_in_dim3A_8, %parallel_loop3A_453] : memref<1x4x8192xf32, #tpu.memory_space<vmem>>[vector<16xi32>, vector<16xi32>, vector<16xi32>], vector<16xf32>,
      %parallel_loop3A_462 = arith.constant 0 : i32
      %parallel_loop3A_463 = arith.constant 1 : i32
      %parallel_loop3A_464 = arith.index_cast %parallel_loop3A_462 : i32 to index
      %parallel_loop3A_465 = arith.index_cast %parallel_loop3A_463 : i32 to index
      %parallel_loop3A_466 = arith.index_cast %parallel_loop3A_449 : i32 to index
      %parallel_loop3A_467 = tpu.vector_load %arg9[%parallel_loop3A_464, %parallel_loop3A_465, %parallel_loop3A_466] {strides = array<i32>} : memref<1x4x4096xf32, #tpu.memory_space<vmem>>, vector<16xf32>,
      tpu.vector_store %arg9[%parallel_loop3A_464, %parallel_loop3A_465, %parallel_loop3A_466], %parallel_loop3A_461 {strides = array<i32>} : memref<1x4x4096xf32, #tpu.memory_space<vmem>>, vector<16xf32>,
      %parallel_loop3A_468 = tpu.vector_load_idx %arg7[%broadcast_in_dim3A_4, %broadcast_in_dim3A_10, %parallel_loop3A_453] : memref<1x4x8192xf32, #tpu.memory_space<vmem>>[vector<16xi32>, vector<16xi32>, vector<16xi32>], vector<16xf32>,
      %parallel_loop3A_469 = arith.constant 0 : i32
      %parallel_loop3A_470 = arith.constant 2 : i32
      %parallel_loop3A_471 = arith.index_cast %parallel_loop3A_469 : i32 to index
      %parallel_loop3A_472 = arith.index_cast %parallel_loop3A_470 : i32 to index
      %parallel_loop3A_473 = arith.index_cast %parallel_loop3A_449 : i32 to index
      %parallel_loop3A_474 = tpu.vector_load %arg9[%parallel_loop3A_471, %parallel_loop3A_472, %parallel_loop3A_473] {strides = array<i32>} : memref<1x4x4096xf32, #tpu.memory_space<vmem>>, vector<16xf32>,
      tpu.vector_store %arg9[%parallel_loop3A_471, %parallel_loop3A_472, %parallel_loop3A_473], %parallel_loop3A_468 {strides = array<i32>} : memref<1x4x4096xf32, #tpu.memory_space<vmem>>, vector<16xf32>,
      %parallel_loop3A_475 = tpu.vector_load_idx %arg7[%broadcast_in_dim3A_4, %broadcast_in_dim3A_12, %parallel_loop3A_453] : memref<1x4x8192xf32, #tpu.memory_space<vmem>>[vector<16xi32>, vector<16xi32>, vector<16xi32>], vector<16xf32>,
      %parallel_loop3A_476 = arith.constant 0 : i32
      %parallel_loop3A_477 = arith.constant 3 : i32
      %parallel_loop3A_478 = arith.index_cast %parallel_loop3A_476 : i32 to index
      %parallel_loop3A_479 = arith.index_cast %parallel_loop3A_477 : i32 to index
      %parallel_loop3A_480 = arith.index_cast %parallel_loop3A_449 : i32 to index
      %parallel_loop3A_481 = tpu.vector_load %arg9[%parallel_loop3A_478, %parallel_loop3A_479, %parallel_loop3A_480] {strides = array<i32>} : memref<1x4x4096xf32, #tpu.memory_space<vmem>>, vector<16xf32>,
      tpu.vector_store %arg9[%parallel_loop3A_478, %parallel_loop3A_479, %parallel_loop3A_480], %parallel_loop3A_475 {strides = array<i32>} : memref<1x4x4096xf32, #tpu.memory_space<vmem>>, vector<16xf32>,
    } {sc.loop_unroll_factor = 8 : i64, sc.parallel_access}
    %dma_start3A_111 = arith.constant 12 : i32
    %dma_start3A_112 = arith.constant 0 : i32
    %dma_start3A_113 = tpu.memref_slice %arg4[%add3A, %dma_start3A_111, %dma_start3A_112] : memref<32x64x4096xf32, #tpu.memory_space<hbm>> -> memref<1x4x4096xf32, #tpu.memory_space<hbm>>
    %dma_start3A_114 = arith.constant 12 : i32
    %dma_start3A_115 = arith.constant 0 : i32
    %dma_start3A_116 = tpu.memref_slice %arg4[%add3A, %dma_start3A_114, %dma_start3A_115] : memref<32x64x4096xf32, #tpu.memory_space<hbm>> -> memref<1x4x4096xf32, #tpu.memory_space<hbm>>
    tpu.enqueue_dma source(%arg9 : memref<1x4x4096xf32, #tpu.memory_space<vmem>>) target(%dma_start3A_116 : memref<1x4x4096xf32, #tpu.memory_space<hbm>>) target_semaphore(%arg13 : memref<!tpu.dma_semaphore, #tpu.memory_space<semaphore_mem>>)
    %dma_start3A_117 = arith.constant 20 : i32
    %dma_start3A_118 = arith.constant 0 : i32
    %dma_start3A_119 = tpu.memref_slice %arg2[%add3A, %dma_start3A_117, %dma_start3A_118] : memref<32x64x8192xf32, #tpu.memory_space<hbm>> -> memref<1x4x8192xf32, #tpu.memory_space<hbm>>
    %dma_start3A_120 = arith.constant 20 : i32
    %dma_start3A_121 = arith.constant 0 : i32
    %dma_start3A_122 = tpu.memref_slice %arg2[%add3A, %dma_start3A_120, %dma_start3A_121] : memref<32x64x8192xf32, #tpu.memory_space<hbm>> -> memref<1x4x8192xf32, #tpu.memory_space<hbm>>
    tpu.enqueue_dma source(%dma_start3A_122 : memref<1x4x8192xf32, #tpu.memory_space<hbm>>) target(%arg7 : memref<1x4x8192xf32, #tpu.memory_space<vmem>>) target_semaphore(%arg11 : memref<!tpu.dma_semaphore, #tpu.memory_space<semaphore_mem>>)
    %dma_wait3A_123 = arith.constant 16 : i32
    %dma_wait3A_124 = arith.constant 0 : i32
    %dma_wait3A_125 = tpu.memref_slice %arg2[%add3A, %dma_wait3A_123, %dma_wait3A_124] : memref<32x64x8192xf32, #tpu.memory_space<hbm>> -> memref<1x4x8192xf32, #tpu.memory_space<hbm>>
    %dma_wait3A_126 = arith.constant 16 : i32
    %dma_wait3A_127 = arith.constant 0 : i32
    %dma_wait3A_128 = tpu.memref_slice %arg2[%add3A, %dma_wait3A_126, %dma_wait3A_127] : memref<32x64x8192xf32, #tpu.memory_space<hbm>> -> memref<1x4x8192xf32, #tpu.memory_space<hbm>>
    tpu.wait_dma2 semaphore(%arg10 : memref<!tpu.dma_semaphore, #tpu.memory_space<semaphore_mem>>) src(%dma_wait3A_128 : memref<1x4x8192xf32, #tpu.memory_space<hbm>>) dst(%arg6 : memref<1x4x8192xf32, #tpu.memory_space<vmem>>)
    %dma_wait3A_129 = arith.constant 8 : i32
    %dma_wait3A_130 = arith.constant 0 : i32
    %dma_wait3A_131 = tpu.memref_slice %arg4[%add3A, %dma_wait3A_129, %dma_wait3A_130] : memref<32x64x4096xf32, #tpu.memory_space<hbm>> -> memref<1x4x4096xf32, #tpu.memory_space<hbm>>
    %dma_wait3A_132 = arith.constant 8 : i32
    %dma_wait3A_133 = arith.constant 0 : i32
    %dma_wait3A_134 = tpu.memref_slice %arg4[%add3A, %dma_wait3A_132, %dma_wait3A_133] : memref<32x64x4096xf32, #tpu.memory_space<hbm>> -> memref<1x4x4096xf32, #tpu.memory_space<hbm>>
    tpu.wait_dma2 semaphore(%arg12 : memref<!tpu.dma_semaphore, #tpu.memory_space<semaphore_mem>>) src(%arg8 : memref<1x4x4096xf32, #tpu.memory_space<vmem>>) dst(%dma_wait3A_134 : memref<1x4x4096xf32, #tpu.memory_space<hbm>>)
    %parallel_loop3A_135 = arith.constant 0 : i32
    %parallel_loop3A_136 = arith.constant 256 : i32
    %parallel_loop3A_137 = arith.constant 1 : i32
    scf.for %parallel_loop3A_447 = %parallel_loop3A_135 to %parallel_loop3A_136 step %parallel_loop3A_137  : i32 {
      %parallel_loop3A_448 = arith.constant 16 : i32
      %parallel_loop3A_449 = arith.muli %parallel_loop3A_447, %parallel_loop3A_448 : i32
      %parallel_loop3A_450 = arith.constant 0 : i32
      %parallel_loop3A_451 = arith.index_cast %parallel_loop3A_450 : i32 to index
      %parallel_loop3A_452 = arith.index_cast %parallel_loop3A_449 : i32 to index
      %parallel_loop3A_453 = tpu.vector_load %arg5[%parallel_loop3A_451, %parallel_loop3A_452] {strides = array<i32>} : memref<1x4096xi32, #tpu.memory_space<vmem>>, vector<16xi32>,
      %parallel_loop3A_454 = tpu.vector_load_idx %arg6[%broadcast_in_dim3A_4, %broadcast_in_dim3A_6, %parallel_loop3A_453] : memref<1x4x8192xf32, #tpu.memory_space<vmem>>[vector<16xi32>, vector<16xi32>, vector<16xi32>], vector<16xf32>,
      %parallel_loop3A_455 = arith.constant 0 : i32
      %parallel_loop3A_456 = arith.constant 0 : i32
      %parallel_loop3A_457 = arith.index_cast %parallel_loop3A_455 : i32 to index
      %parallel_loop3A_458 = arith.index_cast %parallel_loop3A_456 : i32 to index
      %parallel_loop3A_459 = arith.index_cast %parallel_loop3A_449 : i32 to index
      %parallel_loop3A_460 = tpu.vector_load %arg8[%parallel_loop3A_457, %parallel_loop3A_458, %parallel_loop3A_459] {strides = array<i32>} : memref<1x4x4096xf32, #tpu.memory_space<vmem>>, vector<16xf32>,
      tpu.vector_store %arg8[%parallel_loop3A_457, %parallel_loop3A_458, %parallel_loop3A_459], %parallel_loop3A_454 {strides = array<i32>} : memref<1x4x4096xf32, #tpu.memory_space<vmem>>, vector<16xf32>,
      %parallel_loop3A_461 = tpu.vector_load_idx %arg6[%broadcast_in_dim3A_4, %broadcast_in_dim3A_8, %parallel_loop3A_453] : memref<1x4x8192xf32, #tpu.memory_space<vmem>>[vector<16xi32>, vector<16xi32>, vector<16xi32>], vector<16xf32>,
      %parallel_loop3A_462 = arith.constant 0 : i32
      %parallel_loop3A_463 = arith.constant 1 : i32
      %parallel_loop3A_464 = arith.index_cast %parallel_loop3A_462 : i32 to index
      %parallel_loop3A_465 = arith.index_cast %parallel_loop3A_463 : i32 to index
      %parallel_loop3A_466 = arith.index_cast %parallel_loop3A_449 : i32 to index
      %parallel_loop3A_467 = tpu.vector_load %arg8[%parallel_loop3A_464, %parallel_loop3A_465, %parallel_loop3A_466] {strides = array<i32>} : memref<1x4x4096xf32, #tpu.memory_space<vmem>>, vector<16xf32>,
      tpu.vector_store %arg8[%parallel_loop3A_464, %parallel_loop3A_465, %parallel_loop3A_466], %parallel_loop3A_461 {strides = array<i32>} : memref<1x4x4096xf32, #tpu.memory_space<vmem>>, vector<16xf32>,
      %parallel_loop3A_468 = tpu.vector_load_idx %arg6[%broadcast_in_dim3A_4, %broadcast_in_dim3A_10, %parallel_loop3A_453] : memref<1x4x8192xf32, #tpu.memory_space<vmem>>[vector<16xi32>, vector<16xi32>, vector<16xi32>], vector<16xf32>,
      %parallel_loop3A_469 = arith.constant 0 : i32
      %parallel_loop3A_470 = arith.constant 2 : i32
      %parallel_loop3A_471 = arith.index_cast %parallel_loop3A_469 : i32 to index
      %parallel_loop3A_472 = arith.index_cast %parallel_loop3A_470 : i32 to index
      %parallel_loop3A_473 = arith.index_cast %parallel_loop3A_449 : i32 to index
      %parallel_loop3A_474 = tpu.vector_load %arg8[%parallel_loop3A_471, %parallel_loop3A_472, %parallel_loop3A_473] {strides = array<i32>} : memref<1x4x4096xf32, #tpu.memory_space<vmem>>, vector<16xf32>,
      tpu.vector_store %arg8[%parallel_loop3A_471, %parallel_loop3A_472, %parallel_loop3A_473], %parallel_loop3A_468 {strides = array<i32>} : memref<1x4x4096xf32, #tpu.memory_space<vmem>>, vector<16xf32>,
      %parallel_loop3A_475 = tpu.vector_load_idx %arg6[%broadcast_in_dim3A_4, %broadcast_in_dim3A_12, %parallel_loop3A_453] : memref<1x4x8192xf32, #tpu.memory_space<vmem>>[vector<16xi32>, vector<16xi32>, vector<16xi32>], vector<16xf32>,
      %parallel_loop3A_476 = arith.constant 0 : i32
      %parallel_loop3A_477 = arith.constant 3 : i32
      %parallel_loop3A_478 = arith.index_cast %parallel_loop3A_476 : i32 to index
      %parallel_loop3A_479 = arith.index_cast %parallel_loop3A_477 : i32 to index
      %parallel_loop3A_480 = arith.index_cast %parallel_loop3A_449 : i32 to index
      %parallel_loop3A_481 = tpu.vector_load %arg8[%parallel_loop3A_478, %parallel_loop3A_479, %parallel_loop3A_480] {strides = array<i32>} : memref<1x4x4096xf32, #tpu.memory_space<vmem>>, vector<16xf32>,
      tpu.vector_store %arg8[%parallel_loop3A_478, %parallel_loop3A_479, %parallel_loop3A_480], %parallel_loop3A_475 {strides = array<i32>} : memref<1x4x4096xf32, #tpu.memory_space<vmem>>, vector<16xf32>,
    } {sc.loop_unroll_factor = 8 : i64, sc.parallel_access}
    %dma_start3A_138 = arith.constant 16 : i32
    %dma_start3A_139 = arith.constant 0 : i32
    %dma_start3A_140 = tpu.memref_slice %arg4[%add3A, %dma_start3A_138, %dma_start3A_139] : memref<32x64x4096xf32, #tpu.memory_space<hbm>> -> memref<1x4x4096xf32, #tpu.memory_space<hbm>>
    %dma_start3A_141 = arith.constant 16 : i32
    %dma_start3A_142 = arith.constant 0 : i32
    %dma_start3A_143 = tpu.memref_slice %arg4[%add3A, %dma_start3A_141, %dma_start3A_142] : memref<32x64x4096xf32, #tpu.memory_space<hbm>> -> memref<1x4x4096xf32, #tpu.memory_space<hbm>>
    tpu.enqueue_dma source(%arg8 : memref<1x4x4096xf32, #tpu.memory_space<vmem>>) target(%dma_start3A_143 : memref<1x4x4096xf32, #tpu.memory_space<hbm>>) target_semaphore(%arg12 : memref<!tpu.dma_semaphore, #tpu.memory_space<semaphore_mem>>)
    %dma_start3A_144 = arith.constant 24 : i32
    %dma_start3A_145 = arith.constant 0 : i32
    %dma_start3A_146 = tpu.memref_slice %arg2[%add3A, %dma_start3A_144, %dma_start3A_145] : memref<32x64x8192xf32, #tpu.memory_space<hbm>> -> memref<1x4x8192xf32, #tpu.memory_space<hbm>>
    %dma_start3A_147 = arith.constant 24 : i32
    %dma_start3A_148 = arith.constant 0 : i32
    %dma_start3A_149 = tpu.memref_slice %arg2[%add3A, %dma_start3A_147, %dma_start3A_148] : memref<32x64x8192xf32, #tpu.memory_space<hbm>> -> memref<1x4x8192xf32, #tpu.memory_space<hbm>>
    tpu.enqueue_dma source(%dma_start3A_149 : memref<1x4x8192xf32, #tpu.memory_space<hbm>>) target(%arg6 : memref<1x4x8192xf32, #tpu.memory_space<vmem>>) target_semaphore(%arg10 : memref<!tpu.dma_semaphore, #tpu.memory_space<semaphore_mem>>)
    %dma_wait3A_150 = arith.constant 20 : i32
    %dma_wait3A_151 = arith.constant 0 : i32
    %dma_wait3A_152 = tpu.memref_slice %arg2[%add3A, %dma_wait3A_150, %dma_wait3A_151] : memref<32x64x8192xf32, #tpu.memory_space<hbm>> -> memref<1x4x8192xf32, #tpu.memory_space<hbm>>
    %dma_wait3A_153 = arith.constant 20 : i32
    %dma_wait3A_154 = arith.constant 0 : i32
    %dma_wait3A_155 = tpu.memref_slice %arg2[%add3A, %dma_wait3A_153, %dma_wait3A_154] : memref<32x64x8192xf32, #tpu.memory_space<hbm>> -> memref<1x4x8192xf32, #tpu.memory_space<hbm>>
    tpu.wait_dma2 semaphore(%arg11 : memref<!tpu.dma_semaphore, #tpu.memory_space<semaphore_mem>>) src(%dma_wait3A_155 : memref<1x4x8192xf32, #tpu.memory_space<hbm>>) dst(%arg7 : memref<1x4x8192xf32, #tpu.memory_space<vmem>>)
    %dma_wait3A_156 = arith.constant 12 : i32
    %dma_wait3A_157 = arith.constant 0 : i32
    %dma_wait3A_158 = tpu.memref_slice %arg4[%add3A, %dma_wait3A_156, %dma_wait3A_157] : memref<32x64x4096xf32, #tpu.memory_space<hbm>> -> memref<1x4x4096xf32, #tpu.memory_space<hbm>>
    %dma_wait3A_159 = arith.constant 12 : i32
    %dma_wait3A_160 = arith.constant 0 : i32
    %dma_wait3A_161 = tpu.memref_slice %arg4[%add3A, %dma_wait3A_159, %dma_wait3A_160] : memref<32x64x4096xf32, #tpu.memory_space<hbm>> -> memref<1x4x4096xf32, #tpu.memory_space<hbm>>
    tpu.wait_dma2 semaphore(%arg13 : memref<!tpu.dma_semaphore, #tpu.memory_space<semaphore_mem>>) src(%arg9 : memref<1x4x4096xf32, #tpu.memory_space<vmem>>) dst(%dma_wait3A_161 : memref<1x4x4096xf32, #tpu.memory_space<hbm>>)
    %parallel_loop3A_162 = arith.constant 0 : i32
    %parallel_loop3A_163 = arith.constant 256 : i32
    %parallel_loop3A_164 = arith.constant 1 : i32
    scf.for %parallel_loop3A_447 = %parallel_loop3A_162 to %parallel_loop3A_163 step %parallel_loop3A_164  : i32 {
      %parallel_loop3A_448 = arith.constant 16 : i32
      %parallel_loop3A_449 = arith.muli %parallel_loop3A_447, %parallel_loop3A_448 : i32
      %parallel_loop3A_450 = arith.constant 0 : i32
      %parallel_loop3A_451 = arith.index_cast %parallel_loop3A_450 : i32 to index
      %parallel_loop3A_452 = arith.index_cast %parallel_loop3A_449 : i32 to index
      %parallel_loop3A_453 = tpu.vector_load %arg5[%parallel_loop3A_451, %parallel_loop3A_452] {strides = array<i32>} : memref<1x4096xi32, #tpu.memory_space<vmem>>, vector<16xi32>,
      %parallel_loop3A_454 = tpu.vector_load_idx %arg7[%broadcast_in_dim3A_4, %broadcast_in_dim3A_6, %parallel_loop3A_453] : memref<1x4x8192xf32, #tpu.memory_space<vmem>>[vector<16xi32>, vector<16xi32>, vector<16xi32>], vector<16xf32>,
      %parallel_loop3A_455 = arith.constant 0 : i32
      %parallel_loop3A_456 = arith.constant 0 : i32
      %parallel_loop3A_457 = arith.index_cast %parallel_loop3A_455 : i32 to index
      %parallel_loop3A_458 = arith.index_cast %parallel_loop3A_456 : i32 to index
      %parallel_loop3A_459 = arith.index_cast %parallel_loop3A_449 : i32 to index
      %parallel_loop3A_460 = tpu.vector_load %arg9[%parallel_loop3A_457, %parallel_loop3A_458, %parallel_loop3A_459] {strides = array<i32>} : memref<1x4x4096xf32, #tpu.memory_space<vmem>>, vector<16xf32>,
      tpu.vector_store %arg9[%parallel_loop3A_457, %parallel_loop3A_458, %parallel_loop3A_459], %parallel_loop3A_454 {strides = array<i32>} : memref<1x4x4096xf32, #tpu.memory_space<vmem>>, vector<16xf32>,
      %parallel_loop3A_461 = tpu.vector_load_idx %arg7[%broadcast_in_dim3A_4, %broadcast_in_dim3A_8, %parallel_loop3A_453] : memref<1x4x8192xf32, #tpu.memory_space<vmem>>[vector<16xi32>, vector<16xi32>, vector<16xi32>], vector<16xf32>,
      %parallel_loop3A_462 = arith.constant 0 : i32
      %parallel_loop3A_463 = arith.constant 1 : i32
      %parallel_loop3A_464 = arith.index_cast %parallel_loop3A_462 : i32 to index
      %parallel_loop3A_465 = arith.index_cast %parallel_loop3A_463 : i32 to index
      %parallel_loop3A_466 = arith.index_cast %parallel_loop3A_449 : i32 to index
      %parallel_loop3A_467 = tpu.vector_load %arg9[%parallel_loop3A_464, %parallel_loop3A_465, %parallel_loop3A_466] {strides = array<i32>} : memref<1x4x4096xf32, #tpu.memory_space<vmem>>, vector<16xf32>,
      tpu.vector_store %arg9[%parallel_loop3A_464, %parallel_loop3A_465, %parallel_loop3A_466], %parallel_loop3A_461 {strides = array<i32>} : memref<1x4x4096xf32, #tpu.memory_space<vmem>>, vector<16xf32>,
      %parallel_loop3A_468 = tpu.vector_load_idx %arg7[%broadcast_in_dim3A_4, %broadcast_in_dim3A_10, %parallel_loop3A_453] : memref<1x4x8192xf32, #tpu.memory_space<vmem>>[vector<16xi32>, vector<16xi32>, vector<16xi32>], vector<16xf32>,
      %parallel_loop3A_469 = arith.constant 0 : i32
      %parallel_loop3A_470 = arith.constant 2 : i32
      %parallel_loop3A_471 = arith.index_cast %parallel_loop3A_469 : i32 to index
      %parallel_loop3A_472 = arith.index_cast %parallel_loop3A_470 : i32 to index
      %parallel_loop3A_473 = arith.index_cast %parallel_loop3A_449 : i32 to index
      %parallel_loop3A_474 = tpu.vector_load %arg9[%parallel_loop3A_471, %parallel_loop3A_472, %parallel_loop3A_473] {strides = array<i32>} : memref<1x4x4096xf32, #tpu.memory_space<vmem>>, vector<16xf32>,
      tpu.vector_store %arg9[%parallel_loop3A_471, %parallel_loop3A_472, %parallel_loop3A_473], %parallel_loop3A_468 {strides = array<i32>} : memref<1x4x4096xf32, #tpu.memory_space<vmem>>, vector<16xf32>,
      %parallel_loop3A_475 = tpu.vector_load_idx %arg7[%broadcast_in_dim3A_4, %broadcast_in_dim3A_12, %parallel_loop3A_453] : memref<1x4x8192xf32, #tpu.memory_space<vmem>>[vector<16xi32>, vector<16xi32>, vector<16xi32>], vector<16xf32>,
      %parallel_loop3A_476 = arith.constant 0 : i32
      %parallel_loop3A_477 = arith.constant 3 : i32
      %parallel_loop3A_478 = arith.index_cast %parallel_loop3A_476 : i32 to index
      %parallel_loop3A_479 = arith.index_cast %parallel_loop3A_477 : i32 to index
      %parallel_loop3A_480 = arith.index_cast %parallel_loop3A_449 : i32 to index
      %parallel_loop3A_481 = tpu.vector_load %arg9[%parallel_loop3A_478, %parallel_loop3A_479, %parallel_loop3A_480] {strides = array<i32>} : memref<1x4x4096xf32, #tpu.memory_space<vmem>>, vector<16xf32>,
      tpu.vector_store %arg9[%parallel_loop3A_478, %parallel_loop3A_479, %parallel_loop3A_480], %parallel_loop3A_475 {strides = array<i32>} : memref<1x4x4096xf32, #tpu.memory_space<vmem>>, vector<16xf32>,
    } {sc.loop_unroll_factor = 8 : i64, sc.parallel_access}
    %dma_start3A_165 = arith.constant 20 : i32
    %dma_start3A_166 = arith.constant 0 : i32
    %dma_start3A_167 = tpu.memref_slice %arg4[%add3A, %dma_start3A_165, %dma_start3A_166] : memref<32x64x4096xf32, #tpu.memory_space<hbm>> -> memref<1x4x4096xf32, #tpu.memory_space<hbm>>
    %dma_start3A_168 = arith.constant 20 : i32
    %dma_start3A_169 = arith.constant 0 : i32
    %dma_start3A_170 = tpu.memref_slice %arg4[%add3A, %dma_start3A_168, %dma_start3A_169] : memref<32x64x4096xf32, #tpu.memory_space<hbm>> -> memref<1x4x4096xf32, #tpu.memory_space<hbm>>
    tpu.enqueue_dma source(%arg9 : memref<1x4x4096xf32, #tpu.memory_space<vmem>>) target(%dma_start3A_170 : memref<1x4x4096xf32, #tpu.memory_space<hbm>>) target_semaphore(%arg13 : memref<!tpu.dma_semaphore, #tpu.memory_space<semaphore_mem>>)
    %dma_start3A_171 = arith.constant 28 : i32
    %dma_start3A_172 = arith.constant 0 : i32
    %dma_start3A_173 = tpu.memref_slice %arg2[%add3A, %dma_start3A_171, %dma_start3A_172] : memref<32x64x8192xf32, #tpu.memory_space<hbm>> -> memref<1x4x8192xf32, #tpu.memory_space<hbm>>
    %dma_start3A_174 = arith.constant 28 : i32
    %dma_start3A_175 = arith.constant 0 : i32
    %dma_start3A_176 = tpu.memref_slice %arg2[%add3A, %dma_start3A_174, %dma_start3A_175] : memref<32x64x8192xf32, #tpu.memory_space<hbm>> -> memref<1x4x8192xf32, #tpu.memory_space<hbm>>
    tpu.enqueue_dma source(%dma_start3A_176 : memref<1x4x8192xf32, #tpu.memory_space<hbm>>) target(%arg7 : memref<1x4x8192xf32, #tpu.memory_space<vmem>>) target_semaphore(%arg11 : memref<!tpu.dma_semaphore, #tpu.memory_space<semaphore_mem>>)
    %dma_wait3A_177 = arith.constant 24 : i32
    %dma_wait3A_178 = arith.constant 0 : i32
    %dma_wait3A_179 = tpu.memref_slice %arg2[%add3A, %dma_wait3A_177, %dma_wait3A_178] : memref<32x64x8192xf32, #tpu.memory_space<hbm>> -> memref<1x4x8192xf32, #tpu.memory_space<hbm>>
    %dma_wait3A_180 = arith.constant 24 : i32
    %dma_wait3A_181 = arith.constant 0 : i32
    %dma_wait3A_182 = tpu.memref_slice %arg2[%add3A, %dma_wait3A_180, %dma_wait3A_181] : memref<32x64x8192xf32, #tpu.memory_space<hbm>> -> memref<1x4x8192xf32, #tpu.memory_space<hbm>>
    tpu.wait_dma2 semaphore(%arg10 : memref<!tpu.dma_semaphore, #tpu.memory_space<semaphore_mem>>) src(%dma_wait3A_182 : memref<1x4x8192xf32, #tpu.memory_space<hbm>>) dst(%arg6 : memref<1x4x8192xf32, #tpu.memory_space<vmem>>)
    %dma_wait3A_183 = arith.constant 16 : i32
    %dma_wait3A_184 = arith.constant 0 : i32
    %dma_wait3A_185 = tpu.memref_slice %arg4[%add3A, %dma_wait3A_183, %dma_wait3A_184] : memref<32x64x4096xf32, #tpu.memory_space<hbm>> -> memref<1x4x4096xf32, #tpu.memory_space<hbm>>
    %dma_wait3A_186 = arith.constant 16 : i32
    %dma_wait3A_187 = arith.constant 0 : i32
    %dma_wait3A_188 = tpu.memref_slice %arg4[%add3A, %dma_wait3A_186, %dma_wait3A_187] : memref<32x64x4096xf32, #tpu.memory_space<hbm>> -> memref<1x4x4096xf32, #tpu.memory_space<hbm>>
    tpu.wait_dma2 semaphore(%arg12 : memref<!tpu.dma_semaphore, #tpu.memory_space<semaphore_mem>>) src(%arg8 : memref<1x4x4096xf32, #tpu.memory_space<vmem>>) dst(%dma_wait3A_188 : memref<1x4x4096xf32, #tpu.memory_space<hbm>>)
    %parallel_loop3A_189 = arith.constant 0 : i32
    %parallel_loop3A_190 = arith.constant 256 : i32
    %parallel_loop3A_191 = arith.constant 1 : i32
    scf.for %parallel_loop3A_447 = %parallel_loop3A_189 to %parallel_loop3A_190 step %parallel_loop3A_191  : i32 {
      %parallel_loop3A_448 = arith.constant 16 : i32
      %parallel_loop3A_449 = arith.muli %parallel_loop3A_447, %parallel_loop3A_448 : i32
      %parallel_loop3A_450 = arith.constant 0 : i32
      %parallel_loop3A_451 = arith.index_cast %parallel_loop3A_450 : i32 to index
      %parallel_loop3A_452 = arith.index_cast %parallel_loop3A_449 : i32 to index
      %parallel_loop3A_453 = tpu.vector_load %arg5[%parallel_loop3A_451, %parallel_loop3A_452] {strides = array<i32>} : memref<1x4096xi32, #tpu.memory_space<vmem>>, vector<16xi32>,
      %parallel_loop3A_454 = tpu.vector_load_idx %arg6[%broadcast_in_dim3A_4, %broadcast_in_dim3A_6, %parallel_loop3A_453] : memref<1x4x8192xf32, #tpu.memory_space<vmem>>[vector<16xi32>, vector<16xi32>, vector<16xi32>], vector<16xf32>,
      %parallel_loop3A_455 = arith.constant 0 : i32
      %parallel_loop3A_456 = arith.constant 0 : i32
      %parallel_loop3A_457 = arith.index_cast %parallel_loop3A_455 : i32 to index
      %parallel_loop3A_458 = arith.index_cast %parallel_loop3A_456 : i32 to index
      %parallel_loop3A_459 = arith.index_cast %parallel_loop3A_449 : i32 to index
      %parallel_loop3A_460 = tpu.vector_load %arg8[%parallel_loop3A_457, %parallel_loop3A_458, %parallel_loop3A_459] {strides = array<i32>} : memref<1x4x4096xf32, #tpu.memory_space<vmem>>, vector<16xf32>,
      tpu.vector_store %arg8[%parallel_loop3A_457, %parallel_loop3A_458, %parallel_loop3A_459], %parallel_loop3A_454 {strides = array<i32>} : memref<1x4x4096xf32, #tpu.memory_space<vmem>>, vector<16xf32>,
      %parallel_loop3A_461 = tpu.vector_load_idx %arg6[%broadcast_in_dim3A_4, %broadcast_in_dim3A_8, %parallel_loop3A_453] : memref<1x4x8192xf32, #tpu.memory_space<vmem>>[vector<16xi32>, vector<16xi32>, vector<16xi32>], vector<16xf32>,
      %parallel_loop3A_462 = arith.constant 0 : i32
      %parallel_loop3A_463 = arith.constant 1 : i32
      %parallel_loop3A_464 = arith.index_cast %parallel_loop3A_462 : i32 to index
      %parallel_loop3A_465 = arith.index_cast %parallel_loop3A_463 : i32 to index
      %parallel_loop3A_466 = arith.index_cast %parallel_loop3A_449 : i32 to index
      %parallel_loop3A_467 = tpu.vector_load %arg8[%parallel_loop3A_464, %parallel_loop3A_465, %parallel_loop3A_466] {strides = array<i32>} : memref<1x4x4096xf32, #tpu.memory_space<vmem>>, vector<16xf32>,
      tpu.vector_store %arg8[%parallel_loop3A_464, %parallel_loop3A_465, %parallel_loop3A_466], %parallel_loop3A_461 {strides = array<i32>} : memref<1x4x4096xf32, #tpu.memory_space<vmem>>, vector<16xf32>,
      %parallel_loop3A_468 = tpu.vector_load_idx %arg6[%broadcast_in_dim3A_4, %broadcast_in_dim3A_10, %parallel_loop3A_453] : memref<1x4x8192xf32, #tpu.memory_space<vmem>>[vector<16xi32>, vector<16xi32>, vector<16xi32>], vector<16xf32>,
      %parallel_loop3A_469 = arith.constant 0 : i32
      %parallel_loop3A_470 = arith.constant 2 : i32
      %parallel_loop3A_471 = arith.index_cast %parallel_loop3A_469 : i32 to index
      %parallel_loop3A_472 = arith.index_cast %parallel_loop3A_470 : i32 to index
      %parallel_loop3A_473 = arith.index_cast %parallel_loop3A_449 : i32 to index
      %parallel_loop3A_474 = tpu.vector_load %arg8[%parallel_loop3A_471, %parallel_loop3A_472, %parallel_loop3A_473] {strides = array<i32>} : memref<1x4x4096xf32, #tpu.memory_space<vmem>>, vector<16xf32>,
      tpu.vector_store %arg8[%parallel_loop3A_471, %parallel_loop3A_472, %parallel_loop3A_473], %parallel_loop3A_468 {strides = array<i32>} : memref<1x4x4096xf32, #tpu.memory_space<vmem>>, vector<16xf32>,
      %parallel_loop3A_475 = tpu.vector_load_idx %arg6[%broadcast_in_dim3A_4, %broadcast_in_dim3A_12, %parallel_loop3A_453] : memref<1x4x8192xf32, #tpu.memory_space<vmem>>[vector<16xi32>, vector<16xi32>, vector<16xi32>], vector<16xf32>,
      %parallel_loop3A_476 = arith.constant 0 : i32
      %parallel_loop3A_477 = arith.constant 3 : i32
      %parallel_loop3A_478 = arith.index_cast %parallel_loop3A_476 : i32 to index
      %parallel_loop3A_479 = arith.index_cast %parallel_loop3A_477 : i32 to index
      %parallel_loop3A_480 = arith.index_cast %parallel_loop3A_449 : i32 to index
      %parallel_loop3A_481 = tpu.vector_load %arg8[%parallel_loop3A_478, %parallel_loop3A_479, %parallel_loop3A_480] {strides = array<i32>} : memref<1x4x4096xf32, #tpu.memory_space<vmem>>, vector<16xf32>,
      tpu.vector_store %arg8[%parallel_loop3A_478, %parallel_loop3A_479, %parallel_loop3A_480], %parallel_loop3A_475 {strides = array<i32>} : memref<1x4x4096xf32, #tpu.memory_space<vmem>>, vector<16xf32>,
    } {sc.loop_unroll_factor = 8 : i64, sc.parallel_access}
    %dma_start3A_192 = arith.constant 24 : i32
    %dma_start3A_193 = arith.constant 0 : i32
    %dma_start3A_194 = tpu.memref_slice %arg4[%add3A, %dma_start3A_192, %dma_start3A_193] : memref<32x64x4096xf32, #tpu.memory_space<hbm>> -> memref<1x4x4096xf32, #tpu.memory_space<hbm>>
    %dma_start3A_195 = arith.constant 24 : i32
    %dma_start3A_196 = arith.constant 0 : i32
    %dma_start3A_197 = tpu.memref_slice %arg4[%add3A, %dma_start3A_195, %dma_start3A_196] : memref<32x64x4096xf32, #tpu.memory_space<hbm>> -> memref<1x4x4096xf32, #tpu.memory_space<hbm>>
    tpu.enqueue_dma source(%arg8 : memref<1x4x4096xf32, #tpu.memory_space<vmem>>) target(%dma_start3A_197 : memref<1x4x4096xf32, #tpu.memory_space<hbm>>) target_semaphore(%arg12 : memref<!tpu.dma_semaphore, #tpu.memory_space<semaphore_mem>>)
    %dma_start3A_198 = arith.constant 32 : i32
    %dma_start3A_199 = arith.constant 0 : i32
    %dma_start3A_200 = tpu.memref_slice %arg2[%add3A, %dma_start3A_198, %dma_start3A_199] : memref<32x64x8192xf32, #tpu.memory_space<hbm>> -> memref<1x4x8192xf32, #tpu.memory_space<hbm>>
    %dma_start3A_201 = arith.constant 32 : i32
    %dma_start3A_202 = arith.constant 0 : i32
    %dma_start3A_203 = tpu.memref_slice %arg2[%add3A, %dma_start3A_201, %dma_start3A_202] : memref<32x64x8192xf32, #tpu.memory_space<hbm>> -> memref<1x4x8192xf32, #tpu.memory_space<hbm>>
    tpu.enqueue_dma source(%dma_start3A_203 : memref<1x4x8192xf32, #tpu.memory_space<hbm>>) target(%arg6 : memref<1x4x8192xf32, #tpu.memory_space<vmem>>) target_semaphore(%arg10 : memref<!tpu.dma_semaphore, #tpu.memory_space<semaphore_mem>>)
    %dma_wait3A_204 = arith.constant 28 : i32
    %dma_wait3A_205 = arith.constant 0 : i32
    %dma_wait3A_206 = tpu.memref_slice %arg2[%add3A, %dma_wait3A_204, %dma_wait3A_205] : memref<32x64x8192xf32, #tpu.memory_space<hbm>> -> memref<1x4x8192xf32, #tpu.memory_space<hbm>>
    %dma_wait3A_207 = arith.constant 28 : i32
    %dma_wait3A_208 = arith.constant 0 : i32
    %dma_wait3A_209 = tpu.memref_slice %arg2[%add3A, %dma_wait3A_207, %dma_wait3A_208] : memref<32x64x8192xf32, #tpu.memory_space<hbm>> -> memref<1x4x8192xf32, #tpu.memory_space<hbm>>
    tpu.wait_dma2 semaphore(%arg11 : memref<!tpu.dma_semaphore, #tpu.memory_space<semaphore_mem>>) src(%dma_wait3A_209 : memref<1x4x8192xf32, #tpu.memory_space<hbm>>) dst(%arg7 : memref<1x4x8192xf32, #tpu.memory_space<vmem>>)
    %dma_wait3A_210 = arith.constant 20 : i32
    %dma_wait3A_211 = arith.constant 0 : i32
    %dma_wait3A_212 = tpu.memref_slice %arg4[%add3A, %dma_wait3A_210, %dma_wait3A_211] : memref<32x64x4096xf32, #tpu.memory_space<hbm>> -> memref<1x4x4096xf32, #tpu.memory_space<hbm>>
    %dma_wait3A_213 = arith.constant 20 : i32
    %dma_wait3A_214 = arith.constant 0 : i32
    %dma_wait3A_215 = tpu.memref_slice %arg4[%add3A, %dma_wait3A_213, %dma_wait3A_214] : memref<32x64x4096xf32, #tpu.memory_space<hbm>> -> memref<1x4x4096xf32, #tpu.memory_space<hbm>>
    tpu.wait_dma2 semaphore(%arg13 : memref<!tpu.dma_semaphore, #tpu.memory_space<semaphore_mem>>) src(%arg9 : memref<1x4x4096xf32, #tpu.memory_space<vmem>>) dst(%dma_wait3A_215 : memref<1x4x4096xf32, #tpu.memory_space<hbm>>)
    %parallel_loop3A_216 = arith.constant 0 : i32
    %parallel_loop3A_217 = arith.constant 256 : i32
    %parallel_loop3A_218 = arith.constant 1 : i32
    scf.for %parallel_loop3A_447 = %parallel_loop3A_216 to %parallel_loop3A_217 step %parallel_loop3A_218  : i32 {
      %parallel_loop3A_448 = arith.constant 16 : i32
      %parallel_loop3A_449 = arith.muli %parallel_loop3A_447, %parallel_loop3A_448 : i32
      %parallel_loop3A_450 = arith.constant 0 : i32
      %parallel_loop3A_451 = arith.index_cast %parallel_loop3A_450 : i32 to index
      %parallel_loop3A_452 = arith.index_cast %parallel_loop3A_449 : i32 to index
      %parallel_loop3A_453 = tpu.vector_load %arg5[%parallel_loop3A_451, %parallel_loop3A_452] {strides = array<i32>} : memref<1x4096xi32, #tpu.memory_space<vmem>>, vector<16xi32>,
      %parallel_loop3A_454 = tpu.vector_load_idx %arg7[%broadcast_in_dim3A_4, %broadcast_in_dim3A_6, %parallel_loop3A_453] : memref<1x4x8192xf32, #tpu.memory_space<vmem>>[vector<16xi32>, vector<16xi32>, vector<16xi32>], vector<16xf32>,
      %parallel_loop3A_455 = arith.constant 0 : i32
      %parallel_loop3A_456 = arith.constant 0 : i32
      %parallel_loop3A_457 = arith.index_cast %parallel_loop3A_455 : i32 to index
      %parallel_loop3A_458 = arith.index_cast %parallel_loop3A_456 : i32 to index
      %parallel_loop3A_459 = arith.index_cast %parallel_loop3A_449 : i32 to index
      %parallel_loop3A_460 = tpu.vector_load %arg9[%parallel_loop3A_457, %parallel_loop3A_458, %parallel_loop3A_459] {strides = array<i32>} : memref<1x4x4096xf32, #tpu.memory_space<vmem>>, vector<16xf32>,
      tpu.vector_store %arg9[%parallel_loop3A_457, %parallel_loop3A_458, %parallel_loop3A_459], %parallel_loop3A_454 {strides = array<i32>} : memref<1x4x4096xf32, #tpu.memory_space<vmem>>, vector<16xf32>,
      %parallel_loop3A_461 = tpu.vector_load_idx %arg7[%broadcast_in_dim3A_4, %broadcast_in_dim3A_8, %parallel_loop3A_453] : memref<1x4x8192xf32, #tpu.memory_space<vmem>>[vector<16xi32>, vector<16xi32>, vector<16xi32>], vector<16xf32>,
      %parallel_loop3A_462 = arith.constant 0 : i32
      %parallel_loop3A_463 = arith.constant 1 : i32
      %parallel_loop3A_464 = arith.index_cast %parallel_loop3A_462 : i32 to index
      %parallel_loop3A_465 = arith.index_cast %parallel_loop3A_463 : i32 to index
      %parallel_loop3A_466 = arith.index_cast %parallel_loop3A_449 : i32 to index
      %parallel_loop3A_467 = tpu.vector_load %arg9[%parallel_loop3A_464, %parallel_loop3A_465, %parallel_loop3A_466] {strides = array<i32>} : memref<1x4x4096xf32, #tpu.memory_space<vmem>>, vector<16xf32>,
      tpu.vector_store %arg9[%parallel_loop3A_464, %parallel_loop3A_465, %parallel_loop3A_466], %parallel_loop3A_461 {strides = array<i32>} : memref<1x4x4096xf32, #tpu.memory_space<vmem>>, vector<16xf32>,
      %parallel_loop3A_468 = tpu.vector_load_idx %arg7[%broadcast_in_dim3A_4, %broadcast_in_dim3A_10, %parallel_loop3A_453] : memref<1x4x8192xf32, #tpu.memory_space<vmem>>[vector<16xi32>, vector<16xi32>, vector<16xi32>], vector<16xf32>,
      %parallel_loop3A_469 = arith.constant 0 : i32
      %parallel_loop3A_470 = arith.constant 2 : i32
      %parallel_loop3A_471 = arith.index_cast %parallel_loop3A_469 : i32 to index
      %parallel_loop3A_472 = arith.index_cast %parallel_loop3A_470 : i32 to index
      %parallel_loop3A_473 = arith.index_cast %parallel_loop3A_449 : i32 to index
      %parallel_loop3A_474 = tpu.vector_load %arg9[%parallel_loop3A_471, %parallel_loop3A_472, %parallel_loop3A_473] {strides = array<i32>} : memref<1x4x4096xf32, #tpu.memory_space<vmem>>, vector<16xf32>,
      tpu.vector_store %arg9[%parallel_loop3A_471, %parallel_loop3A_472, %parallel_loop3A_473], %parallel_loop3A_468 {strides = array<i32>} : memref<1x4x4096xf32, #tpu.memory_space<vmem>>, vector<16xf32>,
      %parallel_loop3A_475 = tpu.vector_load_idx %arg7[%broadcast_in_dim3A_4, %broadcast_in_dim3A_12, %parallel_loop3A_453] : memref<1x4x8192xf32, #tpu.memory_space<vmem>>[vector<16xi32>, vector<16xi32>, vector<16xi32>], vector<16xf32>,
      %parallel_loop3A_476 = arith.constant 0 : i32
      %parallel_loop3A_477 = arith.constant 3 : i32
      %parallel_loop3A_478 = arith.index_cast %parallel_loop3A_476 : i32 to index
      %parallel_loop3A_479 = arith.index_cast %parallel_loop3A_477 : i32 to index
      %parallel_loop3A_480 = arith.index_cast %parallel_loop3A_449 : i32 to index
      %parallel_loop3A_481 = tpu.vector_load %arg9[%parallel_loop3A_478, %parallel_loop3A_479, %parallel_loop3A_480] {strides = array<i32>} : memref<1x4x4096xf32, #tpu.memory_space<vmem>>, vector<16xf32>,
      tpu.vector_store %arg9[%parallel_loop3A_478, %parallel_loop3A_479, %parallel_loop3A_480], %parallel_loop3A_475 {strides = array<i32>} : memref<1x4x4096xf32, #tpu.memory_space<vmem>>, vector<16xf32>,
    } {sc.loop_unroll_factor = 8 : i64, sc.parallel_access}
    %dma_start3A_219 = arith.constant 28 : i32
    %dma_start3A_220 = arith.constant 0 : i32
    %dma_start3A_221 = tpu.memref_slice %arg4[%add3A, %dma_start3A_219, %dma_start3A_220] : memref<32x64x4096xf32, #tpu.memory_space<hbm>> -> memref<1x4x4096xf32, #tpu.memory_space<hbm>>
    %dma_start3A_222 = arith.constant 28 : i32
    %dma_start3A_223 = arith.constant 0 : i32
    %dma_start3A_224 = tpu.memref_slice %arg4[%add3A, %dma_start3A_222, %dma_start3A_223] : memref<32x64x4096xf32, #tpu.memory_space<hbm>> -> memref<1x4x4096xf32, #tpu.memory_space<hbm>>
    tpu.enqueue_dma source(%arg9 : memref<1x4x4096xf32, #tpu.memory_space<vmem>>) target(%dma_start3A_224 : memref<1x4x4096xf32, #tpu.memory_space<hbm>>) target_semaphore(%arg13 : memref<!tpu.dma_semaphore, #tpu.memory_space<semaphore_mem>>)
    %dma_start3A_225 = arith.constant 36 : i32
    %dma_start3A_226 = arith.constant 0 : i32
    %dma_start3A_227 = tpu.memref_slice %arg2[%add3A, %dma_start3A_225, %dma_start3A_226] : memref<32x64x8192xf32, #tpu.memory_space<hbm>> -> memref<1x4x8192xf32, #tpu.memory_space<hbm>>
    %dma_start3A_228 = arith.constant 36 : i32
    %dma_start3A_229 = arith.constant 0 : i32
    %dma_start3A_230 = tpu.memref_slice %arg2[%add3A, %dma_start3A_228, %dma_start3A_229] : memref<32x64x8192xf32, #tpu.memory_space<hbm>> -> memref<1x4x8192xf32, #tpu.memory_space<hbm>>
    tpu.enqueue_dma source(%dma_start3A_230 : memref<1x4x8192xf32, #tpu.memory_space<hbm>>) target(%arg7 : memref<1x4x8192xf32, #tpu.memory_space<vmem>>) target_semaphore(%arg11 : memref<!tpu.dma_semaphore, #tpu.memory_space<semaphore_mem>>)
    %dma_wait3A_231 = arith.constant 32 : i32
    %dma_wait3A_232 = arith.constant 0 : i32
    %dma_wait3A_233 = tpu.memref_slice %arg2[%add3A, %dma_wait3A_231, %dma_wait3A_232] : memref<32x64x8192xf32, #tpu.memory_space<hbm>> -> memref<1x4x8192xf32, #tpu.memory_space<hbm>>
    %dma_wait3A_234 = arith.constant 32 : i32
    %dma_wait3A_235 = arith.constant 0 : i32
    %dma_wait3A_236 = tpu.memref_slice %arg2[%add3A, %dma_wait3A_234, %dma_wait3A_235] : memref<32x64x8192xf32, #tpu.memory_space<hbm>> -> memref<1x4x8192xf32, #tpu.memory_space<hbm>>
    tpu.wait_dma2 semaphore(%arg10 : memref<!tpu.dma_semaphore, #tpu.memory_space<semaphore_mem>>) src(%dma_wait3A_236 : memref<1x4x8192xf32, #tpu.memory_space<hbm>>) dst(%arg6 : memref<1x4x8192xf32, #tpu.memory_space<vmem>>)
    %dma_wait3A_237 = arith.constant 24 : i32
    %dma_wait3A_238 = arith.constant 0 : i32
    %dma_wait3A_239 = tpu.memref_slice %arg4[%add3A, %dma_wait3A_237, %dma_wait3A_238] : memref<32x64x4096xf32, #tpu.memory_space<hbm>> -> memref<1x4x4096xf32, #tpu.memory_space<hbm>>
    %dma_wait3A_240 = arith.constant 24 : i32
    %dma_wait3A_241 = arith.constant 0 : i32
    %dma_wait3A_242 = tpu.memref_slice %arg4[%add3A, %dma_wait3A_240, %dma_wait3A_241] : memref<32x64x4096xf32, #tpu.memory_space<hbm>> -> memref<1x4x4096xf32, #tpu.memory_space<hbm>>
    tpu.wait_dma2 semaphore(%arg12 : memref<!tpu.dma_semaphore, #tpu.memory_space<semaphore_mem>>) src(%arg8 : memref<1x4x4096xf32, #tpu.memory_space<vmem>>) dst(%dma_wait3A_242 : memref<1x4x4096xf32, #tpu.memory_space<hbm>>)
    %parallel_loop3A_243 = arith.constant 0 : i32
    %parallel_loop3A_244 = arith.constant 256 : i32
    %parallel_loop3A_245 = arith.constant 1 : i32
    scf.for %parallel_loop3A_447 = %parallel_loop3A_243 to %parallel_loop3A_244 step %parallel_loop3A_245  : i32 {
      %parallel_loop3A_448 = arith.constant 16 : i32
      %parallel_loop3A_449 = arith.muli %parallel_loop3A_447, %parallel_loop3A_448 : i32
      %parallel_loop3A_450 = arith.constant 0 : i32
      %parallel_loop3A_451 = arith.index_cast %parallel_loop3A_450 : i32 to index
      %parallel_loop3A_452 = arith.index_cast %parallel_loop3A_449 : i32 to index
      %parallel_loop3A_453 = tpu.vector_load %arg5[%parallel_loop3A_451, %parallel_loop3A_452] {strides = array<i32>} : memref<1x4096xi32, #tpu.memory_space<vmem>>, vector<16xi32>,
      %parallel_loop3A_454 = tpu.vector_load_idx %arg6[%broadcast_in_dim3A_4, %broadcast_in_dim3A_6, %parallel_loop3A_453] : memref<1x4x8192xf32, #tpu.memory_space<vmem>>[vector<16xi32>, vector<16xi32>, vector<16xi32>], vector<16xf32>,
      %parallel_loop3A_455 = arith.constant 0 : i32
      %parallel_loop3A_456 = arith.constant 0 : i32
      %parallel_loop3A_457 = arith.index_cast %parallel_loop3A_455 : i32 to index
      %parallel_loop3A_458 = arith.index_cast %parallel_loop3A_456 : i32 to index
      %parallel_loop3A_459 = arith.index_cast %parallel_loop3A_449 : i32 to index
      %parallel_loop3A_460 = tpu.vector_load %arg8[%parallel_loop3A_457, %parallel_loop3A_458, %parallel_loop3A_459] {strides = array<i32>} : memref<1x4x4096xf32, #tpu.memory_space<vmem>>, vector<16xf32>,
      tpu.vector_store %arg8[%parallel_loop3A_457, %parallel_loop3A_458, %parallel_loop3A_459], %parallel_loop3A_454 {strides = array<i32>} : memref<1x4x4096xf32, #tpu.memory_space<vmem>>, vector<16xf32>,
      %parallel_loop3A_461 = tpu.vector_load_idx %arg6[%broadcast_in_dim3A_4, %broadcast_in_dim3A_8, %parallel_loop3A_453] : memref<1x4x8192xf32, #tpu.memory_space<vmem>>[vector<16xi32>, vector<16xi32>, vector<16xi32>], vector<16xf32>,
      %parallel_loop3A_462 = arith.constant 0 : i32
      %parallel_loop3A_463 = arith.constant 1 : i32
      %parallel_loop3A_464 = arith.index_cast %parallel_loop3A_462 : i32 to index
      %parallel_loop3A_465 = arith.index_cast %parallel_loop3A_463 : i32 to index
      %parallel_loop3A_466 = arith.index_cast %parallel_loop3A_449 : i32 to index
      %parallel_loop3A_467 = tpu.vector_load %arg8[%parallel_loop3A_464, %parallel_loop3A_465, %parallel_loop3A_466] {strides = array<i32>} : memref<1x4x4096xf32, #tpu.memory_space<vmem>>, vector<16xf32>,
      tpu.vector_store %arg8[%parallel_loop3A_464, %parallel_loop3A_465, %parallel_loop3A_466], %parallel_loop3A_461 {strides = array<i32>} : memref<1x4x4096xf32, #tpu.memory_space<vmem>>, vector<16xf32>,
      %parallel_loop3A_468 = tpu.vector_load_idx %arg6[%broadcast_in_dim3A_4, %broadcast_in_dim3A_10, %parallel_loop3A_453] : memref<1x4x8192xf32, #tpu.memory_space<vmem>>[vector<16xi32>, vector<16xi32>, vector<16xi32>], vector<16xf32>,
      %parallel_loop3A_469 = arith.constant 0 : i32
      %parallel_loop3A_470 = arith.constant 2 : i32
      %parallel_loop3A_471 = arith.index_cast %parallel_loop3A_469 : i32 to index
      %parallel_loop3A_472 = arith.index_cast %parallel_loop3A_470 : i32 to index
      %parallel_loop3A_473 = arith.index_cast %parallel_loop3A_449 : i32 to index
      %parallel_loop3A_474 = tpu.vector_load %arg8[%parallel_loop3A_471, %parallel_loop3A_472, %parallel_loop3A_473] {strides = array<i32>} : memref<1x4x4096xf32, #tpu.memory_space<vmem>>, vector<16xf32>,
      tpu.vector_store %arg8[%parallel_loop3A_471, %parallel_loop3A_472, %parallel_loop3A_473], %parallel_loop3A_468 {strides = array<i32>} : memref<1x4x4096xf32, #tpu.memory_space<vmem>>, vector<16xf32>,
      %parallel_loop3A_475 = tpu.vector_load_idx %arg6[%broadcast_in_dim3A_4, %broadcast_in_dim3A_12, %parallel_loop3A_453] : memref<1x4x8192xf32, #tpu.memory_space<vmem>>[vector<16xi32>, vector<16xi32>, vector<16xi32>], vector<16xf32>,
      %parallel_loop3A_476 = arith.constant 0 : i32
      %parallel_loop3A_477 = arith.constant 3 : i32
      %parallel_loop3A_478 = arith.index_cast %parallel_loop3A_476 : i32 to index
      %parallel_loop3A_479 = arith.index_cast %parallel_loop3A_477 : i32 to index
      %parallel_loop3A_480 = arith.index_cast %parallel_loop3A_449 : i32 to index
      %parallel_loop3A_481 = tpu.vector_load %arg8[%parallel_loop3A_478, %parallel_loop3A_479, %parallel_loop3A_480] {strides = array<i32>} : memref<1x4x4096xf32, #tpu.memory_space<vmem>>, vector<16xf32>,
      tpu.vector_store %arg8[%parallel_loop3A_478, %parallel_loop3A_479, %parallel_loop3A_480], %parallel_loop3A_475 {strides = array<i32>} : memref<1x4x4096xf32, #tpu.memory_space<vmem>>, vector<16xf32>,
    } {sc.loop_unroll_factor = 8 : i64, sc.parallel_access}
    %dma_start3A_246 = arith.constant 32 : i32
    %dma_start3A_247 = arith.constant 0 : i32
    %dma_start3A_248 = tpu.memref_slice %arg4[%add3A, %dma_start3A_246, %dma_start3A_247] : memref<32x64x4096xf32, #tpu.memory_space<hbm>> -> memref<1x4x4096xf32, #tpu.memory_space<hbm>>
    %dma_start3A_249 = arith.constant 32 : i32
    %dma_start3A_250 = arith.constant 0 : i32
    %dma_start3A_251 = tpu.memref_slice %arg4[%add3A, %dma_start3A_249, %dma_start3A_250] : memref<32x64x4096xf32, #tpu.memory_space<hbm>> -> memref<1x4x4096xf32, #tpu.memory_space<hbm>>
    tpu.enqueue_dma source(%arg8 : memref<1x4x4096xf32, #tpu.memory_space<vmem>>) target(%dma_start3A_251 : memref<1x4x4096xf32, #tpu.memory_space<hbm>>) target_semaphore(%arg12 : memref<!tpu.dma_semaphore, #tpu.memory_space<semaphore_mem>>)
    %dma_start3A_252 = arith.constant 40 : i32
    %dma_start3A_253 = arith.constant 0 : i32
    %dma_start3A_254 = tpu.memref_slice %arg2[%add3A, %dma_start3A_252, %dma_start3A_253] : memref<32x64x8192xf32, #tpu.memory_space<hbm>> -> memref<1x4x8192xf32, #tpu.memory_space<hbm>>
    %dma_start3A_255 = arith.constant 40 : i32
    %dma_start3A_256 = arith.constant 0 : i32
    %dma_start3A_257 = tpu.memref_slice %arg2[%add3A, %dma_start3A_255, %dma_start3A_256] : memref<32x64x8192xf32, #tpu.memory_space<hbm>> -> memref<1x4x8192xf32, #tpu.memory_space<hbm>>
    tpu.enqueue_dma source(%dma_start3A_257 : memref<1x4x8192xf32, #tpu.memory_space<hbm>>) target(%arg6 : memref<1x4x8192xf32, #tpu.memory_space<vmem>>) target_semaphore(%arg10 : memref<!tpu.dma_semaphore, #tpu.memory_space<semaphore_mem>>)
    %dma_wait3A_258 = arith.constant 36 : i32
    %dma_wait3A_259 = arith.constant 0 : i32
    %dma_wait3A_260 = tpu.memref_slice %arg2[%add3A, %dma_wait3A_258, %dma_wait3A_259] : memref<32x64x8192xf32, #tpu.memory_space<hbm>> -> memref<1x4x8192xf32, #tpu.memory_space<hbm>>
    %dma_wait3A_261 = arith.constant 36 : i32
    %dma_wait3A_262 = arith.constant 0 : i32
    %dma_wait3A_263 = tpu.memref_slice %arg2[%add3A, %dma_wait3A_261, %dma_wait3A_262] : memref<32x64x8192xf32, #tpu.memory_space<hbm>> -> memref<1x4x8192xf32, #tpu.memory_space<hbm>>
    tpu.wait_dma2 semaphore(%arg11 : memref<!tpu.dma_semaphore, #tpu.memory_space<semaphore_mem>>) src(%dma_wait3A_263 : memref<1x4x8192xf32, #tpu.memory_space<hbm>>) dst(%arg7 : memref<1x4x8192xf32, #tpu.memory_space<vmem>>)
    %dma_wait3A_264 = arith.constant 28 : i32
    %dma_wait3A_265 = arith.constant 0 : i32
    %dma_wait3A_266 = tpu.memref_slice %arg4[%add3A, %dma_wait3A_264, %dma_wait3A_265] : memref<32x64x4096xf32, #tpu.memory_space<hbm>> -> memref<1x4x4096xf32, #tpu.memory_space<hbm>>
    %dma_wait3A_267 = arith.constant 28 : i32
    %dma_wait3A_268 = arith.constant 0 : i32
    %dma_wait3A_269 = tpu.memref_slice %arg4[%add3A, %dma_wait3A_267, %dma_wait3A_268] : memref<32x64x4096xf32, #tpu.memory_space<hbm>> -> memref<1x4x4096xf32, #tpu.memory_space<hbm>>
    tpu.wait_dma2 semaphore(%arg13 : memref<!tpu.dma_semaphore, #tpu.memory_space<semaphore_mem>>) src(%arg9 : memref<1x4x4096xf32, #tpu.memory_space<vmem>>) dst(%dma_wait3A_269 : memref<1x4x4096xf32, #tpu.memory_space<hbm>>)
    %parallel_loop3A_270 = arith.constant 0 : i32
    %parallel_loop3A_271 = arith.constant 256 : i32
    %parallel_loop3A_272 = arith.constant 1 : i32
    scf.for %parallel_loop3A_447 = %parallel_loop3A_270 to %parallel_loop3A_271 step %parallel_loop3A_272  : i32 {
      %parallel_loop3A_448 = arith.constant 16 : i32
      %parallel_loop3A_449 = arith.muli %parallel_loop3A_447, %parallel_loop3A_448 : i32
      %parallel_loop3A_450 = arith.constant 0 : i32
      %parallel_loop3A_451 = arith.index_cast %parallel_loop3A_450 : i32 to index
      %parallel_loop3A_452 = arith.index_cast %parallel_loop3A_449 : i32 to index
      %parallel_loop3A_453 = tpu.vector_load %arg5[%parallel_loop3A_451, %parallel_loop3A_452] {strides = array<i32>} : memref<1x4096xi32, #tpu.memory_space<vmem>>, vector<16xi32>,
      %parallel_loop3A_454 = tpu.vector_load_idx %arg7[%broadcast_in_dim3A_4, %broadcast_in_dim3A_6, %parallel_loop3A_453] : memref<1x4x8192xf32, #tpu.memory_space<vmem>>[vector<16xi32>, vector<16xi32>, vector<16xi32>], vector<16xf32>,
      %parallel_loop3A_455 = arith.constant 0 : i32
      %parallel_loop3A_456 = arith.constant 0 : i32
      %parallel_loop3A_457 = arith.index_cast %parallel_loop3A_455 : i32 to index
      %parallel_loop3A_458 = arith.index_cast %parallel_loop3A_456 : i32 to index
      %parallel_loop3A_459 = arith.index_cast %parallel_loop3A_449 : i32 to index
      %parallel_loop3A_460 = tpu.vector_load %arg9[%parallel_loop3A_457, %parallel_loop3A_458, %parallel_loop3A_459] {strides = array<i32>} : memref<1x4x4096xf32, #tpu.memory_space<vmem>>, vector<16xf32>,
      tpu.vector_store %arg9[%parallel_loop3A_457, %parallel_loop3A_458, %parallel_loop3A_459], %parallel_loop3A_454 {strides = array<i32>} : memref<1x4x4096xf32, #tpu.memory_space<vmem>>, vector<16xf32>,
      %parallel_loop3A_461 = tpu.vector_load_idx %arg7[%broadcast_in_dim3A_4, %broadcast_in_dim3A_8, %parallel_loop3A_453] : memref<1x4x8192xf32, #tpu.memory_space<vmem>>[vector<16xi32>, vector<16xi32>, vector<16xi32>], vector<16xf32>,
      %parallel_loop3A_462 = arith.constant 0 : i32
      %parallel_loop3A_463 = arith.constant 1 : i32
      %parallel_loop3A_464 = arith.index_cast %parallel_loop3A_462 : i32 to index
      %parallel_loop3A_465 = arith.index_cast %parallel_loop3A_463 : i32 to index
      %parallel_loop3A_466 = arith.index_cast %parallel_loop3A_449 : i32 to index
      %parallel_loop3A_467 = tpu.vector_load %arg9[%parallel_loop3A_464, %parallel_loop3A_465, %parallel_loop3A_466] {strides = array<i32>} : memref<1x4x4096xf32, #tpu.memory_space<vmem>>, vector<16xf32>,
      tpu.vector_store %arg9[%parallel_loop3A_464, %parallel_loop3A_465, %parallel_loop3A_466], %parallel_loop3A_461 {strides = array<i32>} : memref<1x4x4096xf32, #tpu.memory_space<vmem>>, vector<16xf32>,
      %parallel_loop3A_468 = tpu.vector_load_idx %arg7[%broadcast_in_dim3A_4, %broadcast_in_dim3A_10, %parallel_loop3A_453] : memref<1x4x8192xf32, #tpu.memory_space<vmem>>[vector<16xi32>, vector<16xi32>, vector<16xi32>], vector<16xf32>,
      %parallel_loop3A_469 = arith.constant 0 : i32
      %parallel_loop3A_470 = arith.constant 2 : i32
      %parallel_loop3A_471 = arith.index_cast %parallel_loop3A_469 : i32 to index
      %parallel_loop3A_472 = arith.index_cast %parallel_loop3A_470 : i32 to index
      %parallel_loop3A_473 = arith.index_cast %parallel_loop3A_449 : i32 to index
      %parallel_loop3A_474 = tpu.vector_load %arg9[%parallel_loop3A_471, %parallel_loop3A_472, %parallel_loop3A_473] {strides = array<i32>} : memref<1x4x4096xf32, #tpu.memory_space<vmem>>, vector<16xf32>,
      tpu.vector_store %arg9[%parallel_loop3A_471, %parallel_loop3A_472, %parallel_loop3A_473], %parallel_loop3A_468 {strides = array<i32>} : memref<1x4x4096xf32, #tpu.memory_space<vmem>>, vector<16xf32>,
      %parallel_loop3A_475 = tpu.vector_load_idx %arg7[%broadcast_in_dim3A_4, %broadcast_in_dim3A_12, %parallel_loop3A_453] : memref<1x4x8192xf32, #tpu.memory_space<vmem>>[vector<16xi32>, vector<16xi32>, vector<16xi32>], vector<16xf32>,
      %parallel_loop3A_476 = arith.constant 0 : i32
      %parallel_loop3A_477 = arith.constant 3 : i32
      %parallel_loop3A_478 = arith.index_cast %parallel_loop3A_476 : i32 to index
      %parallel_loop3A_479 = arith.index_cast %parallel_loop3A_477 : i32 to index
      %parallel_loop3A_480 = arith.index_cast %parallel_loop3A_449 : i32 to index
      %parallel_loop3A_481 = tpu.vector_load %arg9[%parallel_loop3A_478, %parallel_loop3A_479, %parallel_loop3A_480] {strides = array<i32>} : memref<1x4x4096xf32, #tpu.memory_space<vmem>>, vector<16xf32>,
      tpu.vector_store %arg9[%parallel_loop3A_478, %parallel_loop3A_479, %parallel_loop3A_480], %parallel_loop3A_475 {strides = array<i32>} : memref<1x4x4096xf32, #tpu.memory_space<vmem>>, vector<16xf32>,
    } {sc.loop_unroll_factor = 8 : i64, sc.parallel_access}
    %dma_start3A_273 = arith.constant 36 : i32
    %dma_start3A_274 = arith.constant 0 : i32
    %dma_start3A_275 = tpu.memref_slice %arg4[%add3A, %dma_start3A_273, %dma_start3A_274] : memref<32x64x4096xf32, #tpu.memory_space<hbm>> -> memref<1x4x4096xf32, #tpu.memory_space<hbm>>
    %dma_start3A_276 = arith.constant 36 : i32
    %dma_start3A_277 = arith.constant 0 : i32
    %dma_start3A_278 = tpu.memref_slice %arg4[%add3A, %dma_start3A_276, %dma_start3A_277] : memref<32x64x4096xf32, #tpu.memory_space<hbm>> -> memref<1x4x4096xf32, #tpu.memory_space<hbm>>
    tpu.enqueue_dma source(%arg9 : memref<1x4x4096xf32, #tpu.memory_space<vmem>>) target(%dma_start3A_278 : memref<1x4x4096xf32, #tpu.memory_space<hbm>>) target_semaphore(%arg13 : memref<!tpu.dma_semaphore, #tpu.memory_space<semaphore_mem>>)
    %dma_start3A_279 = arith.constant 44 : i32
    %dma_start3A_280 = arith.constant 0 : i32
    %dma_start3A_281 = tpu.memref_slice %arg2[%add3A, %dma_start3A_279, %dma_start3A_280] : memref<32x64x8192xf32, #tpu.memory_space<hbm>> -> memref<1x4x8192xf32, #tpu.memory_space<hbm>>
    %dma_start3A_282 = arith.constant 44 : i32
    %dma_start3A_283 = arith.constant 0 : i32
    %dma_start3A_284 = tpu.memref_slice %arg2[%add3A, %dma_start3A_282, %dma_start3A_283] : memref<32x64x8192xf32, #tpu.memory_space<hbm>> -> memref<1x4x8192xf32, #tpu.memory_space<hbm>>
    tpu.enqueue_dma source(%dma_start3A_284 : memref<1x4x8192xf32, #tpu.memory_space<hbm>>) target(%arg7 : memref<1x4x8192xf32, #tpu.memory_space<vmem>>) target_semaphore(%arg11 : memref<!tpu.dma_semaphore, #tpu.memory_space<semaphore_mem>>)
    %dma_wait3A_285 = arith.constant 40 : i32
    %dma_wait3A_286 = arith.constant 0 : i32
    %dma_wait3A_287 = tpu.memref_slice %arg2[%add3A, %dma_wait3A_285, %dma_wait3A_286] : memref<32x64x8192xf32, #tpu.memory_space<hbm>> -> memref<1x4x8192xf32, #tpu.memory_space<hbm>>
    %dma_wait3A_288 = arith.constant 40 : i32
    %dma_wait3A_289 = arith.constant 0 : i32
    %dma_wait3A_290 = tpu.memref_slice %arg2[%add3A, %dma_wait3A_288, %dma_wait3A_289] : memref<32x64x8192xf32, #tpu.memory_space<hbm>> -> memref<1x4x8192xf32, #tpu.memory_space<hbm>>
    tpu.wait_dma2 semaphore(%arg10 : memref<!tpu.dma_semaphore, #tpu.memory_space<semaphore_mem>>) src(%dma_wait3A_290 : memref<1x4x8192xf32, #tpu.memory_space<hbm>>) dst(%arg6 : memref<1x4x8192xf32, #tpu.memory_space<vmem>>)
    %dma_wait3A_291 = arith.constant 32 : i32
    %dma_wait3A_292 = arith.constant 0 : i32
    %dma_wait3A_293 = tpu.memref_slice %arg4[%add3A, %dma_wait3A_291, %dma_wait3A_292] : memref<32x64x4096xf32, #tpu.memory_space<hbm>> -> memref<1x4x4096xf32, #tpu.memory_space<hbm>>
    %dma_wait3A_294 = arith.constant 32 : i32
    %dma_wait3A_295 = arith.constant 0 : i32
    %dma_wait3A_296 = tpu.memref_slice %arg4[%add3A, %dma_wait3A_294, %dma_wait3A_295] : memref<32x64x4096xf32, #tpu.memory_space<hbm>> -> memref<1x4x4096xf32, #tpu.memory_space<hbm>>
    tpu.wait_dma2 semaphore(%arg12 : memref<!tpu.dma_semaphore, #tpu.memory_space<semaphore_mem>>) src(%arg8 : memref<1x4x4096xf32, #tpu.memory_space<vmem>>) dst(%dma_wait3A_296 : memref<1x4x4096xf32, #tpu.memory_space<hbm>>)
    %parallel_loop3A_297 = arith.constant 0 : i32
    %parallel_loop3A_298 = arith.constant 256 : i32
    %parallel_loop3A_299 = arith.constant 1 : i32
    scf.for %parallel_loop3A_447 = %parallel_loop3A_297 to %parallel_loop3A_298 step %parallel_loop3A_299  : i32 {
      %parallel_loop3A_448 = arith.constant 16 : i32
      %parallel_loop3A_449 = arith.muli %parallel_loop3A_447, %parallel_loop3A_448 : i32
      %parallel_loop3A_450 = arith.constant 0 : i32
      %parallel_loop3A_451 = arith.index_cast %parallel_loop3A_450 : i32 to index
      %parallel_loop3A_452 = arith.index_cast %parallel_loop3A_449 : i32 to index
      %parallel_loop3A_453 = tpu.vector_load %arg5[%parallel_loop3A_451, %parallel_loop3A_452] {strides = array<i32>} : memref<1x4096xi32, #tpu.memory_space<vmem>>, vector<16xi32>,
      %parallel_loop3A_454 = tpu.vector_load_idx %arg6[%broadcast_in_dim3A_4, %broadcast_in_dim3A_6, %parallel_loop3A_453] : memref<1x4x8192xf32, #tpu.memory_space<vmem>>[vector<16xi32>, vector<16xi32>, vector<16xi32>], vector<16xf32>,
      %parallel_loop3A_455 = arith.constant 0 : i32
      %parallel_loop3A_456 = arith.constant 0 : i32
      %parallel_loop3A_457 = arith.index_cast %parallel_loop3A_455 : i32 to index
      %parallel_loop3A_458 = arith.index_cast %parallel_loop3A_456 : i32 to index
      %parallel_loop3A_459 = arith.index_cast %parallel_loop3A_449 : i32 to index
      %parallel_loop3A_460 = tpu.vector_load %arg8[%parallel_loop3A_457, %parallel_loop3A_458, %parallel_loop3A_459] {strides = array<i32>} : memref<1x4x4096xf32, #tpu.memory_space<vmem>>, vector<16xf32>,
      tpu.vector_store %arg8[%parallel_loop3A_457, %parallel_loop3A_458, %parallel_loop3A_459], %parallel_loop3A_454 {strides = array<i32>} : memref<1x4x4096xf32, #tpu.memory_space<vmem>>, vector<16xf32>,
      %parallel_loop3A_461 = tpu.vector_load_idx %arg6[%broadcast_in_dim3A_4, %broadcast_in_dim3A_8, %parallel_loop3A_453] : memref<1x4x8192xf32, #tpu.memory_space<vmem>>[vector<16xi32>, vector<16xi32>, vector<16xi32>], vector<16xf32>,
      %parallel_loop3A_462 = arith.constant 0 : i32
      %parallel_loop3A_463 = arith.constant 1 : i32
      %parallel_loop3A_464 = arith.index_cast %parallel_loop3A_462 : i32 to index
      %parallel_loop3A_465 = arith.index_cast %parallel_loop3A_463 : i32 to index
      %parallel_loop3A_466 = arith.index_cast %parallel_loop3A_449 : i32 to index
      %parallel_loop3A_467 = tpu.vector_load %arg8[%parallel_loop3A_464, %parallel_loop3A_465, %parallel_loop3A_466] {strides = array<i32>} : memref<1x4x4096xf32, #tpu.memory_space<vmem>>, vector<16xf32>,
      tpu.vector_store %arg8[%parallel_loop3A_464, %parallel_loop3A_465, %parallel_loop3A_466], %parallel_loop3A_461 {strides = array<i32>} : memref<1x4x4096xf32, #tpu.memory_space<vmem>>, vector<16xf32>,
      %parallel_loop3A_468 = tpu.vector_load_idx %arg6[%broadcast_in_dim3A_4, %broadcast_in_dim3A_10, %parallel_loop3A_453] : memref<1x4x8192xf32, #tpu.memory_space<vmem>>[vector<16xi32>, vector<16xi32>, vector<16xi32>], vector<16xf32>,
      %parallel_loop3A_469 = arith.constant 0 : i32
      %parallel_loop3A_470 = arith.constant 2 : i32
      %parallel_loop3A_471 = arith.index_cast %parallel_loop3A_469 : i32 to index
      %parallel_loop3A_472 = arith.index_cast %parallel_loop3A_470 : i32 to index
      %parallel_loop3A_473 = arith.index_cast %parallel_loop3A_449 : i32 to index
      %parallel_loop3A_474 = tpu.vector_load %arg8[%parallel_loop3A_471, %parallel_loop3A_472, %parallel_loop3A_473] {strides = array<i32>} : memref<1x4x4096xf32, #tpu.memory_space<vmem>>, vector<16xf32>,
      tpu.vector_store %arg8[%parallel_loop3A_471, %parallel_loop3A_472, %parallel_loop3A_473], %parallel_loop3A_468 {strides = array<i32>} : memref<1x4x4096xf32, #tpu.memory_space<vmem>>, vector<16xf32>,
      %parallel_loop3A_475 = tpu.vector_load_idx %arg6[%broadcast_in_dim3A_4, %broadcast_in_dim3A_12, %parallel_loop3A_453] : memref<1x4x8192xf32, #tpu.memory_space<vmem>>[vector<16xi32>, vector<16xi32>, vector<16xi32>], vector<16xf32>,
      %parallel_loop3A_476 = arith.constant 0 : i32
      %parallel_loop3A_477 = arith.constant 3 : i32
      %parallel_loop3A_478 = arith.index_cast %parallel_loop3A_476 : i32 to index
      %parallel_loop3A_479 = arith.index_cast %parallel_loop3A_477 : i32 to index
      %parallel_loop3A_480 = arith.index_cast %parallel_loop3A_449 : i32 to index
      %parallel_loop3A_481 = tpu.vector_load %arg8[%parallel_loop3A_478, %parallel_loop3A_479, %parallel_loop3A_480] {strides = array<i32>} : memref<1x4x4096xf32, #tpu.memory_space<vmem>>, vector<16xf32>,
      tpu.vector_store %arg8[%parallel_loop3A_478, %parallel_loop3A_479, %parallel_loop3A_480], %parallel_loop3A_475 {strides = array<i32>} : memref<1x4x4096xf32, #tpu.memory_space<vmem>>, vector<16xf32>,
    } {sc.loop_unroll_factor = 8 : i64, sc.parallel_access}
    %dma_start3A_300 = arith.constant 40 : i32
    %dma_start3A_301 = arith.constant 0 : i32
    %dma_start3A_302 = tpu.memref_slice %arg4[%add3A, %dma_start3A_300, %dma_start3A_301] : memref<32x64x4096xf32, #tpu.memory_space<hbm>> -> memref<1x4x4096xf32, #tpu.memory_space<hbm>>
    %dma_start3A_303 = arith.constant 40 : i32
    %dma_start3A_304 = arith.constant 0 : i32
    %dma_start3A_305 = tpu.memref_slice %arg4[%add3A, %dma_start3A_303, %dma_start3A_304] : memref<32x64x4096xf32, #tpu.memory_space<hbm>> -> memref<1x4x4096xf32, #tpu.memory_space<hbm>>
    tpu.enqueue_dma source(%arg8 : memref<1x4x4096xf32, #tpu.memory_space<vmem>>) target(%dma_start3A_305 : memref<1x4x4096xf32, #tpu.memory_space<hbm>>) target_semaphore(%arg12 : memref<!tpu.dma_semaphore, #tpu.memory_space<semaphore_mem>>)
    %dma_start3A_306 = arith.constant 48 : i32
    %dma_start3A_307 = arith.constant 0 : i32
    %dma_start3A_308 = tpu.memref_slice %arg2[%add3A, %dma_start3A_306, %dma_start3A_307] : memref<32x64x8192xf32, #tpu.memory_space<hbm>> -> memref<1x4x8192xf32, #tpu.memory_space<hbm>>
    %dma_start3A_309 = arith.constant 48 : i32
    %dma_start3A_310 = arith.constant 0 : i32
    %dma_start3A_311 = tpu.memref_slice %arg2[%add3A, %dma_start3A_309, %dma_start3A_310] : memref<32x64x8192xf32, #tpu.memory_space<hbm>> -> memref<1x4x8192xf32, #tpu.memory_space<hbm>>
    tpu.enqueue_dma source(%dma_start3A_311 : memref<1x4x8192xf32, #tpu.memory_space<hbm>>) target(%arg6 : memref<1x4x8192xf32, #tpu.memory_space<vmem>>) target_semaphore(%arg10 : memref<!tpu.dma_semaphore, #tpu.memory_space<semaphore_mem>>)
    %dma_wait3A_312 = arith.constant 44 : i32
    %dma_wait3A_313 = arith.constant 0 : i32
    %dma_wait3A_314 = tpu.memref_slice %arg2[%add3A, %dma_wait3A_312, %dma_wait3A_313] : memref<32x64x8192xf32, #tpu.memory_space<hbm>> -> memref<1x4x8192xf32, #tpu.memory_space<hbm>>
    %dma_wait3A_315 = arith.constant 44 : i32
    %dma_wait3A_316 = arith.constant 0 : i32
    %dma_wait3A_317 = tpu.memref_slice %arg2[%add3A, %dma_wait3A_315, %dma_wait3A_316] : memref<32x64x8192xf32, #tpu.memory_space<hbm>> -> memref<1x4x8192xf32, #tpu.memory_space<hbm>>
    tpu.wait_dma2 semaphore(%arg11 : memref<!tpu.dma_semaphore, #tpu.memory_space<semaphore_mem>>) src(%dma_wait3A_317 : memref<1x4x8192xf32, #tpu.memory_space<hbm>>) dst(%arg7 : memref<1x4x8192xf32, #tpu.memory_space<vmem>>)
    %dma_wait3A_318 = arith.constant 36 : i32
    %dma_wait3A_319 = arith.constant 0 : i32
    %dma_wait3A_320 = tpu.memref_slice %arg4[%add3A, %dma_wait3A_318, %dma_wait3A_319] : memref<32x64x4096xf32, #tpu.memory_space<hbm>> -> memref<1x4x4096xf32, #tpu.memory_space<hbm>>
    %dma_wait3A_321 = arith.constant 36 : i32
    %dma_wait3A_322 = arith.constant 0 : i32
    %dma_wait3A_323 = tpu.memref_slice %arg4[%add3A, %dma_wait3A_321, %dma_wait3A_322] : memref<32x64x4096xf32, #tpu.memory_space<hbm>> -> memref<1x4x4096xf32, #tpu.memory_space<hbm>>
    tpu.wait_dma2 semaphore(%arg13 : memref<!tpu.dma_semaphore, #tpu.memory_space<semaphore_mem>>) src(%arg9 : memref<1x4x4096xf32, #tpu.memory_space<vmem>>) dst(%dma_wait3A_323 : memref<1x4x4096xf32, #tpu.memory_space<hbm>>)
    %parallel_loop3A_324 = arith.constant 0 : i32
    %parallel_loop3A_325 = arith.constant 256 : i32
    %parallel_loop3A_326 = arith.constant 1 : i32
    scf.for %parallel_loop3A_447 = %parallel_loop3A_324 to %parallel_loop3A_325 step %parallel_loop3A_326  : i32 {
      %parallel_loop3A_448 = arith.constant 16 : i32
      %parallel_loop3A_449 = arith.muli %parallel_loop3A_447, %parallel_loop3A_448 : i32
      %parallel_loop3A_450 = arith.constant 0 : i32
      %parallel_loop3A_451 = arith.index_cast %parallel_loop3A_450 : i32 to index
      %parallel_loop3A_452 = arith.index_cast %parallel_loop3A_449 : i32 to index
      %parallel_loop3A_453 = tpu.vector_load %arg5[%parallel_loop3A_451, %parallel_loop3A_452] {strides = array<i32>} : memref<1x4096xi32, #tpu.memory_space<vmem>>, vector<16xi32>,
      %parallel_loop3A_454 = tpu.vector_load_idx %arg7[%broadcast_in_dim3A_4, %broadcast_in_dim3A_6, %parallel_loop3A_453] : memref<1x4x8192xf32, #tpu.memory_space<vmem>>[vector<16xi32>, vector<16xi32>, vector<16xi32>], vector<16xf32>,
      %parallel_loop3A_455 = arith.constant 0 : i32
      %parallel_loop3A_456 = arith.constant 0 : i32
      %parallel_loop3A_457 = arith.index_cast %parallel_loop3A_455 : i32 to index
      %parallel_loop3A_458 = arith.index_cast %parallel_loop3A_456 : i32 to index
      %parallel_loop3A_459 = arith.index_cast %parallel_loop3A_449 : i32 to index
      %parallel_loop3A_460 = tpu.vector_load %arg9[%parallel_loop3A_457, %parallel_loop3A_458, %parallel_loop3A_459] {strides = array<i32>} : memref<1x4x4096xf32, #tpu.memory_space<vmem>>, vector<16xf32>,
      tpu.vector_store %arg9[%parallel_loop3A_457, %parallel_loop3A_458, %parallel_loop3A_459], %parallel_loop3A_454 {strides = array<i32>} : memref<1x4x4096xf32, #tpu.memory_space<vmem>>, vector<16xf32>,
      %parallel_loop3A_461 = tpu.vector_load_idx %arg7[%broadcast_in_dim3A_4, %broadcast_in_dim3A_8, %parallel_loop3A_453] : memref<1x4x8192xf32, #tpu.memory_space<vmem>>[vector<16xi32>, vector<16xi32>, vector<16xi32>], vector<16xf32>,
      %parallel_loop3A_462 = arith.constant 0 : i32
      %parallel_loop3A_463 = arith.constant 1 : i32
      %parallel_loop3A_464 = arith.index_cast %parallel_loop3A_462 : i32 to index
      %parallel_loop3A_465 = arith.index_cast %parallel_loop3A_463 : i32 to index
      %parallel_loop3A_466 = arith.index_cast %parallel_loop3A_449 : i32 to index
      %parallel_loop3A_467 = tpu.vector_load %arg9[%parallel_loop3A_464, %parallel_loop3A_465, %parallel_loop3A_466] {strides = array<i32>} : memref<1x4x4096xf32, #tpu.memory_space<vmem>>, vector<16xf32>,
      tpu.vector_store %arg9[%parallel_loop3A_464, %parallel_loop3A_465, %parallel_loop3A_466], %parallel_loop3A_461 {strides = array<i32>} : memref<1x4x4096xf32, #tpu.memory_space<vmem>>, vector<16xf32>,
      %parallel_loop3A_468 = tpu.vector_load_idx %arg7[%broadcast_in_dim3A_4, %broadcast_in_dim3A_10, %parallel_loop3A_453] : memref<1x4x8192xf32, #tpu.memory_space<vmem>>[vector<16xi32>, vector<16xi32>, vector<16xi32>], vector<16xf32>,
      %parallel_loop3A_469 = arith.constant 0 : i32
      %parallel_loop3A_470 = arith.constant 2 : i32
      %parallel_loop3A_471 = arith.index_cast %parallel_loop3A_469 : i32 to index
      %parallel_loop3A_472 = arith.index_cast %parallel_loop3A_470 : i32 to index
      %parallel_loop3A_473 = arith.index_cast %parallel_loop3A_449 : i32 to index
      %parallel_loop3A_474 = tpu.vector_load %arg9[%parallel_loop3A_471, %parallel_loop3A_472, %parallel_loop3A_473] {strides = array<i32>} : memref<1x4x4096xf32, #tpu.memory_space<vmem>>, vector<16xf32>,
      tpu.vector_store %arg9[%parallel_loop3A_471, %parallel_loop3A_472, %parallel_loop3A_473], %parallel_loop3A_468 {strides = array<i32>} : memref<1x4x4096xf32, #tpu.memory_space<vmem>>, vector<16xf32>,
      %parallel_loop3A_475 = tpu.vector_load_idx %arg7[%broadcast_in_dim3A_4, %broadcast_in_dim3A_12, %parallel_loop3A_453] : memref<1x4x8192xf32, #tpu.memory_space<vmem>>[vector<16xi32>, vector<16xi32>, vector<16xi32>], vector<16xf32>,
      %parallel_loop3A_476 = arith.constant 0 : i32
      %parallel_loop3A_477 = arith.constant 3 : i32
      %parallel_loop3A_478 = arith.index_cast %parallel_loop3A_476 : i32 to index
      %parallel_loop3A_479 = arith.index_cast %parallel_loop3A_477 : i32 to index
      %parallel_loop3A_480 = arith.index_cast %parallel_loop3A_449 : i32 to index
      %parallel_loop3A_481 = tpu.vector_load %arg9[%parallel_loop3A_478, %parallel_loop3A_479, %parallel_loop3A_480] {strides = array<i32>} : memref<1x4x4096xf32, #tpu.memory_space<vmem>>, vector<16xf32>,
      tpu.vector_store %arg9[%parallel_loop3A_478, %parallel_loop3A_479, %parallel_loop3A_480], %parallel_loop3A_475 {strides = array<i32>} : memref<1x4x4096xf32, #tpu.memory_space<vmem>>, vector<16xf32>,
    } {sc.loop_unroll_factor = 8 : i64, sc.parallel_access}
    %dma_start3A_327 = arith.constant 44 : i32
    %dma_start3A_328 = arith.constant 0 : i32
    %dma_start3A_329 = tpu.memref_slice %arg4[%add3A, %dma_start3A_327, %dma_start3A_328] : memref<32x64x4096xf32, #tpu.memory_space<hbm>> -> memref<1x4x4096xf32, #tpu.memory_space<hbm>>
    %dma_start3A_330 = arith.constant 44 : i32
    %dma_start3A_331 = arith.constant 0 : i32
    %dma_start3A_332 = tpu.memref_slice %arg4[%add3A, %dma_start3A_330, %dma_start3A_331] : memref<32x64x4096xf32, #tpu.memory_space<hbm>> -> memref<1x4x4096xf32, #tpu.memory_space<hbm>>
    tpu.enqueue_dma source(%arg9 : memref<1x4x4096xf32, #tpu.memory_space<vmem>>) target(%dma_start3A_332 : memref<1x4x4096xf32, #tpu.memory_space<hbm>>) target_semaphore(%arg13 : memref<!tpu.dma_semaphore, #tpu.memory_space<semaphore_mem>>)
    %dma_start3A_333 = arith.constant 52 : i32
    %dma_start3A_334 = arith.constant 0 : i32
    %dma_start3A_335 = tpu.memref_slice %arg2[%add3A, %dma_start3A_333, %dma_start3A_334] : memref<32x64x8192xf32, #tpu.memory_space<hbm>> -> memref<1x4x8192xf32, #tpu.memory_space<hbm>>
    %dma_start3A_336 = arith.constant 52 : i32
    %dma_start3A_337 = arith.constant 0 : i32
    %dma_start3A_338 = tpu.memref_slice %arg2[%add3A, %dma_start3A_336, %dma_start3A_337] : memref<32x64x8192xf32, #tpu.memory_space<hbm>> -> memref<1x4x8192xf32, #tpu.memory_space<hbm>>
    tpu.enqueue_dma source(%dma_start3A_338 : memref<1x4x8192xf32, #tpu.memory_space<hbm>>) target(%arg7 : memref<1x4x8192xf32, #tpu.memory_space<vmem>>) target_semaphore(%arg11 : memref<!tpu.dma_semaphore, #tpu.memory_space<semaphore_mem>>)
    %dma_wait3A_339 = arith.constant 48 : i32
    %dma_wait3A_340 = arith.constant 0 : i32
    %dma_wait3A_341 = tpu.memref_slice %arg2[%add3A, %dma_wait3A_339, %dma_wait3A_340] : memref<32x64x8192xf32, #tpu.memory_space<hbm>> -> memref<1x4x8192xf32, #tpu.memory_space<hbm>>
    %dma_wait3A_342 = arith.constant 48 : i32
    %dma_wait3A_343 = arith.constant 0 : i32
    %dma_wait3A_344 = tpu.memref_slice %arg2[%add3A, %dma_wait3A_342, %dma_wait3A_343] : memref<32x64x8192xf32, #tpu.memory_space<hbm>> -> memref<1x4x8192xf32, #tpu.memory_space<hbm>>
    tpu.wait_dma2 semaphore(%arg10 : memref<!tpu.dma_semaphore, #tpu.memory_space<semaphore_mem>>) src(%dma_wait3A_344 : memref<1x4x8192xf32, #tpu.memory_space<hbm>>) dst(%arg6 : memref<1x4x8192xf32, #tpu.memory_space<vmem>>)
    %dma_wait3A_345 = arith.constant 40 : i32
    %dma_wait3A_346 = arith.constant 0 : i32
    %dma_wait3A_347 = tpu.memref_slice %arg4[%add3A, %dma_wait3A_345, %dma_wait3A_346] : memref<32x64x4096xf32, #tpu.memory_space<hbm>> -> memref<1x4x4096xf32, #tpu.memory_space<hbm>>
    %dma_wait3A_348 = arith.constant 40 : i32
    %dma_wait3A_349 = arith.constant 0 : i32
    %dma_wait3A_350 = tpu.memref_slice %arg4[%add3A, %dma_wait3A_348, %dma_wait3A_349] : memref<32x64x4096xf32, #tpu.memory_space<hbm>> -> memref<1x4x4096xf32, #tpu.memory_space<hbm>>
    tpu.wait_dma2 semaphore(%arg12 : memref<!tpu.dma_semaphore, #tpu.memory_space<semaphore_mem>>) src(%arg8 : memref<1x4x4096xf32, #tpu.memory_space<vmem>>) dst(%dma_wait3A_350 : memref<1x4x4096xf32, #tpu.memory_space<hbm>>)
    %parallel_loop3A_351 = arith.constant 0 : i32
    %parallel_loop3A_352 = arith.constant 256 : i32
    %parallel_loop3A_353 = arith.constant 1 : i32
    scf.for %parallel_loop3A_447 = %parallel_loop3A_351 to %parallel_loop3A_352 step %parallel_loop3A_353  : i32 {
      %parallel_loop3A_448 = arith.constant 16 : i32
      %parallel_loop3A_449 = arith.muli %parallel_loop3A_447, %parallel_loop3A_448 : i32
      %parallel_loop3A_450 = arith.constant 0 : i32
      %parallel_loop3A_451 = arith.index_cast %parallel_loop3A_450 : i32 to index
      %parallel_loop3A_452 = arith.index_cast %parallel_loop3A_449 : i32 to index
      %parallel_loop3A_453 = tpu.vector_load %arg5[%parallel_loop3A_451, %parallel_loop3A_452] {strides = array<i32>} : memref<1x4096xi32, #tpu.memory_space<vmem>>, vector<16xi32>,
      %parallel_loop3A_454 = tpu.vector_load_idx %arg6[%broadcast_in_dim3A_4, %broadcast_in_dim3A_6, %parallel_loop3A_453] : memref<1x4x8192xf32, #tpu.memory_space<vmem>>[vector<16xi32>, vector<16xi32>, vector<16xi32>], vector<16xf32>,
      %parallel_loop3A_455 = arith.constant 0 : i32
      %parallel_loop3A_456 = arith.constant 0 : i32
      %parallel_loop3A_457 = arith.index_cast %parallel_loop3A_455 : i32 to index
      %parallel_loop3A_458 = arith.index_cast %parallel_loop3A_456 : i32 to index
      %parallel_loop3A_459 = arith.index_cast %parallel_loop3A_449 : i32 to index
      %parallel_loop3A_460 = tpu.vector_load %arg8[%parallel_loop3A_457, %parallel_loop3A_458, %parallel_loop3A_459] {strides = array<i32>} : memref<1x4x4096xf32, #tpu.memory_space<vmem>>, vector<16xf32>,
      tpu.vector_store %arg8[%parallel_loop3A_457, %parallel_loop3A_458, %parallel_loop3A_459], %parallel_loop3A_454 {strides = array<i32>} : memref<1x4x4096xf32, #tpu.memory_space<vmem>>, vector<16xf32>,
      %parallel_loop3A_461 = tpu.vector_load_idx %arg6[%broadcast_in_dim3A_4, %broadcast_in_dim3A_8, %parallel_loop3A_453] : memref<1x4x8192xf32, #tpu.memory_space<vmem>>[vector<16xi32>, vector<16xi32>, vector<16xi32>], vector<16xf32>,
      %parallel_loop3A_462 = arith.constant 0 : i32
      %parallel_loop3A_463 = arith.constant 1 : i32
      %parallel_loop3A_464 = arith.index_cast %parallel_loop3A_462 : i32 to index
      %parallel_loop3A_465 = arith.index_cast %parallel_loop3A_463 : i32 to index
      %parallel_loop3A_466 = arith.index_cast %parallel_loop3A_449 : i32 to index
      %parallel_loop3A_467 = tpu.vector_load %arg8[%parallel_loop3A_464, %parallel_loop3A_465, %parallel_loop3A_466] {strides = array<i32>} : memref<1x4x4096xf32, #tpu.memory_space<vmem>>, vector<16xf32>,
      tpu.vector_store %arg8[%parallel_loop3A_464, %parallel_loop3A_465, %parallel_loop3A_466], %parallel_loop3A_461 {strides = array<i32>} : memref<1x4x4096xf32, #tpu.memory_space<vmem>>, vector<16xf32>,
      %parallel_loop3A_468 = tpu.vector_load_idx %arg6[%broadcast_in_dim3A_4, %broadcast_in_dim3A_10, %parallel_loop3A_453] : memref<1x4x8192xf32, #tpu.memory_space<vmem>>[vector<16xi32>, vector<16xi32>, vector<16xi32>], vector<16xf32>,
      %parallel_loop3A_469 = arith.constant 0 : i32
      %parallel_loop3A_470 = arith.constant 2 : i32
      %parallel_loop3A_471 = arith.index_cast %parallel_loop3A_469 : i32 to index
      %parallel_loop3A_472 = arith.index_cast %parallel_loop3A_470 : i32 to index
      %parallel_loop3A_473 = arith.index_cast %parallel_loop3A_449 : i32 to index
      %parallel_loop3A_474 = tpu.vector_load %arg8[%parallel_loop3A_471, %parallel_loop3A_472, %parallel_loop3A_473] {strides = array<i32>} : memref<1x4x4096xf32, #tpu.memory_space<vmem>>, vector<16xf32>,
      tpu.vector_store %arg8[%parallel_loop3A_471, %parallel_loop3A_472, %parallel_loop3A_473], %parallel_loop3A_468 {strides = array<i32>} : memref<1x4x4096xf32, #tpu.memory_space<vmem>>, vector<16xf32>,
      %parallel_loop3A_475 = tpu.vector_load_idx %arg6[%broadcast_in_dim3A_4, %broadcast_in_dim3A_12, %parallel_loop3A_453] : memref<1x4x8192xf32, #tpu.memory_space<vmem>>[vector<16xi32>, vector<16xi32>, vector<16xi32>], vector<16xf32>,
      %parallel_loop3A_476 = arith.constant 0 : i32
      %parallel_loop3A_477 = arith.constant 3 : i32
      %parallel_loop3A_478 = arith.index_cast %parallel_loop3A_476 : i32 to index
      %parallel_loop3A_479 = arith.index_cast %parallel_loop3A_477 : i32 to index
      %parallel_loop3A_480 = arith.index_cast %parallel_loop3A_449 : i32 to index
      %parallel_loop3A_481 = tpu.vector_load %arg8[%parallel_loop3A_478, %parallel_loop3A_479, %parallel_loop3A_480] {strides = array<i32>} : memref<1x4x4096xf32, #tpu.memory_space<vmem>>, vector<16xf32>,
      tpu.vector_store %arg8[%parallel_loop3A_478, %parallel_loop3A_479, %parallel_loop3A_480], %parallel_loop3A_475 {strides = array<i32>} : memref<1x4x4096xf32, #tpu.memory_space<vmem>>, vector<16xf32>,
    } {sc.loop_unroll_factor = 8 : i64, sc.parallel_access}
    %dma_start3A_354 = arith.constant 48 : i32
    %dma_start3A_355 = arith.constant 0 : i32
    %dma_start3A_356 = tpu.memref_slice %arg4[%add3A, %dma_start3A_354, %dma_start3A_355] : memref<32x64x4096xf32, #tpu.memory_space<hbm>> -> memref<1x4x4096xf32, #tpu.memory_space<hbm>>
    %dma_start3A_357 = arith.constant 48 : i32
    %dma_start3A_358 = arith.constant 0 : i32
    %dma_start3A_359 = tpu.memref_slice %arg4[%add3A, %dma_start3A_357, %dma_start3A_358] : memref<32x64x4096xf32, #tpu.memory_space<hbm>> -> memref<1x4x4096xf32, #tpu.memory_space<hbm>>
    tpu.enqueue_dma source(%arg8 : memref<1x4x4096xf32, #tpu.memory_space<vmem>>) target(%dma_start3A_359 : memref<1x4x4096xf32, #tpu.memory_space<hbm>>) target_semaphore(%arg12 : memref<!tpu.dma_semaphore, #tpu.memory_space<semaphore_mem>>)
    %dma_start3A_360 = arith.constant 56 : i32
    %dma_start3A_361 = arith.constant 0 : i32
    %dma_start3A_362 = tpu.memref_slice %arg2[%add3A, %dma_start3A_360, %dma_start3A_361] : memref<32x64x8192xf32, #tpu.memory_space<hbm>> -> memref<1x4x8192xf32, #tpu.memory_space<hbm>>
    %dma_start3A_363 = arith.constant 56 : i32
    %dma_start3A_364 = arith.constant 0 : i32
    %dma_start3A_365 = tpu.memref_slice %arg2[%add3A, %dma_start3A_363, %dma_start3A_364] : memref<32x64x8192xf32, #tpu.memory_space<hbm>> -> memref<1x4x8192xf32, #tpu.memory_space<hbm>>
    tpu.enqueue_dma source(%dma_start3A_365 : memref<1x4x8192xf32, #tpu.memory_space<hbm>>) target(%arg6 : memref<1x4x8192xf32, #tpu.memory_space<vmem>>) target_semaphore(%arg10 : memref<!tpu.dma_semaphore, #tpu.memory_space<semaphore_mem>>)
    %dma_wait3A_366 = arith.constant 52 : i32
    %dma_wait3A_367 = arith.constant 0 : i32
    %dma_wait3A_368 = tpu.memref_slice %arg2[%add3A, %dma_wait3A_366, %dma_wait3A_367] : memref<32x64x8192xf32, #tpu.memory_space<hbm>> -> memref<1x4x8192xf32, #tpu.memory_space<hbm>>
    %dma_wait3A_369 = arith.constant 52 : i32
    %dma_wait3A_370 = arith.constant 0 : i32
    %dma_wait3A_371 = tpu.memref_slice %arg2[%add3A, %dma_wait3A_369, %dma_wait3A_370] : memref<32x64x8192xf32, #tpu.memory_space<hbm>> -> memref<1x4x8192xf32, #tpu.memory_space<hbm>>
    tpu.wait_dma2 semaphore(%arg11 : memref<!tpu.dma_semaphore, #tpu.memory_space<semaphore_mem>>) src(%dma_wait3A_371 : memref<1x4x8192xf32, #tpu.memory_space<hbm>>) dst(%arg7 : memref<1x4x8192xf32, #tpu.memory_space<vmem>>)
    %dma_wait3A_372 = arith.constant 44 : i32
    %dma_wait3A_373 = arith.constant 0 : i32
    %dma_wait3A_374 = tpu.memref_slice %arg4[%add3A, %dma_wait3A_372, %dma_wait3A_373] : memref<32x64x4096xf32, #tpu.memory_space<hbm>> -> memref<1x4x4096xf32, #tpu.memory_space<hbm>>
    %dma_wait3A_375 = arith.constant 44 : i32
    %dma_wait3A_376 = arith.constant 0 : i32
    %dma_wait3A_377 = tpu.memref_slice %arg4[%add3A, %dma_wait3A_375, %dma_wait3A_376] : memref<32x64x4096xf32, #tpu.memory_space<hbm>> -> memref<1x4x4096xf32, #tpu.memory_space<hbm>>
    tpu.wait_dma2 semaphore(%arg13 : memref<!tpu.dma_semaphore, #tpu.memory_space<semaphore_mem>>) src(%arg9 : memref<1x4x4096xf32, #tpu.memory_space<vmem>>) dst(%dma_wait3A_377 : memref<1x4x4096xf32, #tpu.memory_space<hbm>>)
    %parallel_loop3A_378 = arith.constant 0 : i32
    %parallel_loop3A_379 = arith.constant 256 : i32
    %parallel_loop3A_380 = arith.constant 1 : i32
    scf.for %parallel_loop3A_447 = %parallel_loop3A_378 to %parallel_loop3A_379 step %parallel_loop3A_380  : i32 {
      %parallel_loop3A_448 = arith.constant 16 : i32
      %parallel_loop3A_449 = arith.muli %parallel_loop3A_447, %parallel_loop3A_448 : i32
      %parallel_loop3A_450 = arith.constant 0 : i32
      %parallel_loop3A_451 = arith.index_cast %parallel_loop3A_450 : i32 to index
      %parallel_loop3A_452 = arith.index_cast %parallel_loop3A_449 : i32 to index
      %parallel_loop3A_453 = tpu.vector_load %arg5[%parallel_loop3A_451, %parallel_loop3A_452] {strides = array<i32>} : memref<1x4096xi32, #tpu.memory_space<vmem>>, vector<16xi32>,
      %parallel_loop3A_454 = tpu.vector_load_idx %arg7[%broadcast_in_dim3A_4, %broadcast_in_dim3A_6, %parallel_loop3A_453] : memref<1x4x8192xf32, #tpu.memory_space<vmem>>[vector<16xi32>, vector<16xi32>, vector<16xi32>], vector<16xf32>,
      %parallel_loop3A_455 = arith.constant 0 : i32
      %parallel_loop3A_456 = arith.constant 0 : i32
      %parallel_loop3A_457 = arith.index_cast %parallel_loop3A_455 : i32 to index
      %parallel_loop3A_458 = arith.index_cast %parallel_loop3A_456 : i32 to index
      %parallel_loop3A_459 = arith.index_cast %parallel_loop3A_449 : i32 to index
      %parallel_loop3A_460 = tpu.vector_load %arg9[%parallel_loop3A_457, %parallel_loop3A_458, %parallel_loop3A_459] {strides = array<i32>} : memref<1x4x4096xf32, #tpu.memory_space<vmem>>, vector<16xf32>,
      tpu.vector_store %arg9[%parallel_loop3A_457, %parallel_loop3A_458, %parallel_loop3A_459], %parallel_loop3A_454 {strides = array<i32>} : memref<1x4x4096xf32, #tpu.memory_space<vmem>>, vector<16xf32>,
      %parallel_loop3A_461 = tpu.vector_load_idx %arg7[%broadcast_in_dim3A_4, %broadcast_in_dim3A_8, %parallel_loop3A_453] : memref<1x4x8192xf32, #tpu.memory_space<vmem>>[vector<16xi32>, vector<16xi32>, vector<16xi32>], vector<16xf32>,
      %parallel_loop3A_462 = arith.constant 0 : i32
      %parallel_loop3A_463 = arith.constant 1 : i32
      %parallel_loop3A_464 = arith.index_cast %parallel_loop3A_462 : i32 to index
      %parallel_loop3A_465 = arith.index_cast %parallel_loop3A_463 : i32 to index
      %parallel_loop3A_466 = arith.index_cast %parallel_loop3A_449 : i32 to index
      %parallel_loop3A_467 = tpu.vector_load %arg9[%parallel_loop3A_464, %parallel_loop3A_465, %parallel_loop3A_466] {strides = array<i32>} : memref<1x4x4096xf32, #tpu.memory_space<vmem>>, vector<16xf32>,
      tpu.vector_store %arg9[%parallel_loop3A_464, %parallel_loop3A_465, %parallel_loop3A_466], %parallel_loop3A_461 {strides = array<i32>} : memref<1x4x4096xf32, #tpu.memory_space<vmem>>, vector<16xf32>,
      %parallel_loop3A_468 = tpu.vector_load_idx %arg7[%broadcast_in_dim3A_4, %broadcast_in_dim3A_10, %parallel_loop3A_453] : memref<1x4x8192xf32, #tpu.memory_space<vmem>>[vector<16xi32>, vector<16xi32>, vector<16xi32>], vector<16xf32>,
      %parallel_loop3A_469 = arith.constant 0 : i32
      %parallel_loop3A_470 = arith.constant 2 : i32
      %parallel_loop3A_471 = arith.index_cast %parallel_loop3A_469 : i32 to index
      %parallel_loop3A_472 = arith.index_cast %parallel_loop3A_470 : i32 to index
      %parallel_loop3A_473 = arith.index_cast %parallel_loop3A_449 : i32 to index
      %parallel_loop3A_474 = tpu.vector_load %arg9[%parallel_loop3A_471, %parallel_loop3A_472, %parallel_loop3A_473] {strides = array<i32>} : memref<1x4x4096xf32, #tpu.memory_space<vmem>>, vector<16xf32>,
      tpu.vector_store %arg9[%parallel_loop3A_471, %parallel_loop3A_472, %parallel_loop3A_473], %parallel_loop3A_468 {strides = array<i32>} : memref<1x4x4096xf32, #tpu.memory_space<vmem>>, vector<16xf32>,
      %parallel_loop3A_475 = tpu.vector_load_idx %arg7[%broadcast_in_dim3A_4, %broadcast_in_dim3A_12, %parallel_loop3A_453] : memref<1x4x8192xf32, #tpu.memory_space<vmem>>[vector<16xi32>, vector<16xi32>, vector<16xi32>], vector<16xf32>,
      %parallel_loop3A_476 = arith.constant 0 : i32
      %parallel_loop3A_477 = arith.constant 3 : i32
      %parallel_loop3A_478 = arith.index_cast %parallel_loop3A_476 : i32 to index
      %parallel_loop3A_479 = arith.index_cast %parallel_loop3A_477 : i32 to index
      %parallel_loop3A_480 = arith.index_cast %parallel_loop3A_449 : i32 to index
      %parallel_loop3A_481 = tpu.vector_load %arg9[%parallel_loop3A_478, %parallel_loop3A_479, %parallel_loop3A_480] {strides = array<i32>} : memref<1x4x4096xf32, #tpu.memory_space<vmem>>, vector<16xf32>,
      tpu.vector_store %arg9[%parallel_loop3A_478, %parallel_loop3A_479, %parallel_loop3A_480], %parallel_loop3A_475 {strides = array<i32>} : memref<1x4x4096xf32, #tpu.memory_space<vmem>>, vector<16xf32>,
    } {sc.loop_unroll_factor = 8 : i64, sc.parallel_access}
    %dma_start3A_381 = arith.constant 52 : i32
    %dma_start3A_382 = arith.constant 0 : i32
    %dma_start3A_383 = tpu.memref_slice %arg4[%add3A, %dma_start3A_381, %dma_start3A_382] : memref<32x64x4096xf32, #tpu.memory_space<hbm>> -> memref<1x4x4096xf32, #tpu.memory_space<hbm>>
    %dma_start3A_384 = arith.constant 52 : i32
    %dma_start3A_385 = arith.constant 0 : i32
    %dma_start3A_386 = tpu.memref_slice %arg4[%add3A, %dma_start3A_384, %dma_start3A_385] : memref<32x64x4096xf32, #tpu.memory_space<hbm>> -> memref<1x4x4096xf32, #tpu.memory_space<hbm>>
    tpu.enqueue_dma source(%arg9 : memref<1x4x4096xf32, #tpu.memory_space<vmem>>) target(%dma_start3A_386 : memref<1x4x4096xf32, #tpu.memory_space<hbm>>) target_semaphore(%arg13 : memref<!tpu.dma_semaphore, #tpu.memory_space<semaphore_mem>>)
    %dma_start3A_387 = arith.constant 60 : i32
    %dma_start3A_388 = arith.constant 0 : i32
    %dma_start3A_389 = tpu.memref_slice %arg2[%add3A, %dma_start3A_387, %dma_start3A_388] : memref<32x64x8192xf32, #tpu.memory_space<hbm>> -> memref<1x4x8192xf32, #tpu.memory_space<hbm>>
    %dma_start3A_390 = arith.constant 60 : i32
    %dma_start3A_391 = arith.constant 0 : i32
    %dma_start3A_392 = tpu.memref_slice %arg2[%add3A, %dma_start3A_390, %dma_start3A_391] : memref<32x64x8192xf32, #tpu.memory_space<hbm>> -> memref<1x4x8192xf32, #tpu.memory_space<hbm>>
    tpu.enqueue_dma source(%dma_start3A_392 : memref<1x4x8192xf32, #tpu.memory_space<hbm>>) target(%arg7 : memref<1x4x8192xf32, #tpu.memory_space<vmem>>) target_semaphore(%arg11 : memref<!tpu.dma_semaphore, #tpu.memory_space<semaphore_mem>>)
    %dma_wait3A_393 = arith.constant 56 : i32
    %dma_wait3A_394 = arith.constant 0 : i32
    %dma_wait3A_395 = tpu.memref_slice %arg2[%add3A, %dma_wait3A_393, %dma_wait3A_394] : memref<32x64x8192xf32, #tpu.memory_space<hbm>> -> memref<1x4x8192xf32, #tpu.memory_space<hbm>>
    %dma_wait3A_396 = arith.constant 56 : i32
    %dma_wait3A_397 = arith.constant 0 : i32
    %dma_wait3A_398 = tpu.memref_slice %arg2[%add3A, %dma_wait3A_396, %dma_wait3A_397] : memref<32x64x8192xf32, #tpu.memory_space<hbm>> -> memref<1x4x8192xf32, #tpu.memory_space<hbm>>
    tpu.wait_dma2 semaphore(%arg10 : memref<!tpu.dma_semaphore, #tpu.memory_space<semaphore_mem>>) src(%dma_wait3A_398 : memref<1x4x8192xf32, #tpu.memory_space<hbm>>) dst(%arg6 : memref<1x4x8192xf32, #tpu.memory_space<vmem>>)
    %dma_wait3A_399 = arith.constant 48 : i32
    %dma_wait3A_400 = arith.constant 0 : i32
    %dma_wait3A_401 = tpu.memref_slice %arg4[%add3A, %dma_wait3A_399, %dma_wait3A_400] : memref<32x64x4096xf32, #tpu.memory_space<hbm>> -> memref<1x4x4096xf32, #tpu.memory_space<hbm>>
    %dma_wait3A_402 = arith.constant 48 : i32
    %dma_wait3A_403 = arith.constant 0 : i32
    %dma_wait3A_404 = tpu.memref_slice %arg4[%add3A, %dma_wait3A_402, %dma_wait3A_403] : memref<32x64x4096xf32, #tpu.memory_space<hbm>> -> memref<1x4x4096xf32, #tpu.memory_space<hbm>>
    tpu.wait_dma2 semaphore(%arg12 : memref<!tpu.dma_semaphore, #tpu.memory_space<semaphore_mem>>) src(%arg8 : memref<1x4x4096xf32, #tpu.memory_space<vmem>>) dst(%dma_wait3A_404 : memref<1x4x4096xf32, #tpu.memory_space<hbm>>)
    %parallel_loop3A_405 = arith.constant 0 : i32
    %parallel_loop3A_406 = arith.constant 256 : i32
    %parallel_loop3A_407 = arith.constant 1 : i32
    scf.for %parallel_loop3A_447 = %parallel_loop3A_405 to %parallel_loop3A_406 step %parallel_loop3A_407  : i32 {
      %parallel_loop3A_448 = arith.constant 16 : i32
      %parallel_loop3A_449 = arith.muli %parallel_loop3A_447, %parallel_loop3A_448 : i32
      %parallel_loop3A_450 = arith.constant 0 : i32
      %parallel_loop3A_451 = arith.index_cast %parallel_loop3A_450 : i32 to index
      %parallel_loop3A_452 = arith.index_cast %parallel_loop3A_449 : i32 to index
      %parallel_loop3A_453 = tpu.vector_load %arg5[%parallel_loop3A_451, %parallel_loop3A_452] {strides = array<i32>} : memref<1x4096xi32, #tpu.memory_space<vmem>>, vector<16xi32>,
      %parallel_loop3A_454 = tpu.vector_load_idx %arg6[%broadcast_in_dim3A_4, %broadcast_in_dim3A_6, %parallel_loop3A_453] : memref<1x4x8192xf32, #tpu.memory_space<vmem>>[vector<16xi32>, vector<16xi32>, vector<16xi32>], vector<16xf32>,
      %parallel_loop3A_455 = arith.constant 0 : i32
      %parallel_loop3A_456 = arith.constant 0 : i32
      %parallel_loop3A_457 = arith.index_cast %parallel_loop3A_455 : i32 to index
      %parallel_loop3A_458 = arith.index_cast %parallel_loop3A_456 : i32 to index
      %parallel_loop3A_459 = arith.index_cast %parallel_loop3A_449 : i32 to index
      %parallel_loop3A_460 = tpu.vector_load %arg8[%parallel_loop3A_457, %parallel_loop3A_458, %parallel_loop3A_459] {strides = array<i32>} : memref<1x4x4096xf32, #tpu.memory_space<vmem>>, vector<16xf32>,
      tpu.vector_store %arg8[%parallel_loop3A_457, %parallel_loop3A_458, %parallel_loop3A_459], %parallel_loop3A_454 {strides = array<i32>} : memref<1x4x4096xf32, #tpu.memory_space<vmem>>, vector<16xf32>,
      %parallel_loop3A_461 = tpu.vector_load_idx %arg6[%broadcast_in_dim3A_4, %broadcast_in_dim3A_8, %parallel_loop3A_453] : memref<1x4x8192xf32, #tpu.memory_space<vmem>>[vector<16xi32>, vector<16xi32>, vector<16xi32>], vector<16xf32>,
      %parallel_loop3A_462 = arith.constant 0 : i32
      %parallel_loop3A_463 = arith.constant 1 : i32
      %parallel_loop3A_464 = arith.index_cast %parallel_loop3A_462 : i32 to index
      %parallel_loop3A_465 = arith.index_cast %parallel_loop3A_463 : i32 to index
      %parallel_loop3A_466 = arith.index_cast %parallel_loop3A_449 : i32 to index
      %parallel_loop3A_467 = tpu.vector_load %arg8[%parallel_loop3A_464, %parallel_loop3A_465, %parallel_loop3A_466] {strides = array<i32>} : memref<1x4x4096xf32, #tpu.memory_space<vmem>>, vector<16xf32>,
      tpu.vector_store %arg8[%parallel_loop3A_464, %parallel_loop3A_465, %parallel_loop3A_466], %parallel_loop3A_461 {strides = array<i32>} : memref<1x4x4096xf32, #tpu.memory_space<vmem>>, vector<16xf32>,
      %parallel_loop3A_468 = tpu.vector_load_idx %arg6[%broadcast_in_dim3A_4, %broadcast_in_dim3A_10, %parallel_loop3A_453] : memref<1x4x8192xf32, #tpu.memory_space<vmem>>[vector<16xi32>, vector<16xi32>, vector<16xi32>], vector<16xf32>,
      %parallel_loop3A_469 = arith.constant 0 : i32
      %parallel_loop3A_470 = arith.constant 2 : i32
      %parallel_loop3A_471 = arith.index_cast %parallel_loop3A_469 : i32 to index
      %parallel_loop3A_472 = arith.index_cast %parallel_loop3A_470 : i32 to index
      %parallel_loop3A_473 = arith.index_cast %parallel_loop3A_449 : i32 to index
      %parallel_loop3A_474 = tpu.vector_load %arg8[%parallel_loop3A_471, %parallel_loop3A_472, %parallel_loop3A_473] {strides = array<i32>} : memref<1x4x4096xf32, #tpu.memory_space<vmem>>, vector<16xf32>,
      tpu.vector_store %arg8[%parallel_loop3A_471, %parallel_loop3A_472, %parallel_loop3A_473], %parallel_loop3A_468 {strides = array<i32>} : memref<1x4x4096xf32, #tpu.memory_space<vmem>>, vector<16xf32>,
      %parallel_loop3A_475 = tpu.vector_load_idx %arg6[%broadcast_in_dim3A_4, %broadcast_in_dim3A_12, %parallel_loop3A_453] : memref<1x4x8192xf32, #tpu.memory_space<vmem>>[vector<16xi32>, vector<16xi32>, vector<16xi32>], vector<16xf32>,
      %parallel_loop3A_476 = arith.constant 0 : i32
      %parallel_loop3A_477 = arith.constant 3 : i32
      %parallel_loop3A_478 = arith.index_cast %parallel_loop3A_476 : i32 to index
      %parallel_loop3A_479 = arith.index_cast %parallel_loop3A_477 : i32 to index
      %parallel_loop3A_480 = arith.index_cast %parallel_loop3A_449 : i32 to index
      %parallel_loop3A_481 = tpu.vector_load %arg8[%parallel_loop3A_478, %parallel_loop3A_479, %parallel_loop3A_480] {strides = array<i32>} : memref<1x4x4096xf32, #tpu.memory_space<vmem>>, vector<16xf32>,
      tpu.vector_store %arg8[%parallel_loop3A_478, %parallel_loop3A_479, %parallel_loop3A_480], %parallel_loop3A_475 {strides = array<i32>} : memref<1x4x4096xf32, #tpu.memory_space<vmem>>, vector<16xf32>,
    } {sc.loop_unroll_factor = 8 : i64, sc.parallel_access}
    %dma_start3A_408 = arith.constant 56 : i32
    %dma_start3A_409 = arith.constant 0 : i32
    %dma_start3A_410 = tpu.memref_slice %arg4[%add3A, %dma_start3A_408, %dma_start3A_409] : memref<32x64x4096xf32, #tpu.memory_space<hbm>> -> memref<1x4x4096xf32, #tpu.memory_space<hbm>>
    %dma_start3A_411 = arith.constant 56 : i32
    %dma_start3A_412 = arith.constant 0 : i32
    %dma_start3A_413 = tpu.memref_slice %arg4[%add3A, %dma_start3A_411, %dma_start3A_412] : memref<32x64x4096xf32, #tpu.memory_space<hbm>> -> memref<1x4x4096xf32, #tpu.memory_space<hbm>>
    tpu.enqueue_dma source(%arg8 : memref<1x4x4096xf32, #tpu.memory_space<vmem>>) target(%dma_start3A_413 : memref<1x4x4096xf32, #tpu.memory_space<hbm>>) target_semaphore(%arg12 : memref<!tpu.dma_semaphore, #tpu.memory_space<semaphore_mem>>)
    %dma_wait3A_414 = arith.constant 60 : i32
    %dma_wait3A_415 = arith.constant 0 : i32
    %dma_wait3A_416 = tpu.memref_slice %arg2[%add3A, %dma_wait3A_414, %dma_wait3A_415] : memref<32x64x8192xf32, #tpu.memory_space<hbm>> -> memref<1x4x8192xf32, #tpu.memory_space<hbm>>
    %dma_wait3A_417 = arith.constant 60 : i32
    %dma_wait3A_418 = arith.constant 0 : i32
    %dma_wait3A_419 = tpu.memref_slice %arg2[%add3A, %dma_wait3A_417, %dma_wait3A_418] : memref<32x64x8192xf32, #tpu.memory_space<hbm>> -> memref<1x4x8192xf32, #tpu.memory_space<hbm>>
    tpu.wait_dma2 semaphore(%arg11 : memref<!tpu.dma_semaphore, #tpu.memory_space<semaphore_mem>>) src(%dma_wait3A_419 : memref<1x4x8192xf32, #tpu.memory_space<hbm>>) dst(%arg7 : memref<1x4x8192xf32, #tpu.memory_space<vmem>>)
    %dma_wait3A_420 = arith.constant 52 : i32
    %dma_wait3A_421 = arith.constant 0 : i32
    %dma_wait3A_422 = tpu.memref_slice %arg4[%add3A, %dma_wait3A_420, %dma_wait3A_421] : memref<32x64x4096xf32, #tpu.memory_space<hbm>> -> memref<1x4x4096xf32, #tpu.memory_space<hbm>>
    %dma_wait3A_423 = arith.constant 52 : i32
    %dma_wait3A_424 = arith.constant 0 : i32
    %dma_wait3A_425 = tpu.memref_slice %arg4[%add3A, %dma_wait3A_423, %dma_wait3A_424] : memref<32x64x4096xf32, #tpu.memory_space<hbm>> -> memref<1x4x4096xf32, #tpu.memory_space<hbm>>
    tpu.wait_dma2 semaphore(%arg13 : memref<!tpu.dma_semaphore, #tpu.memory_space<semaphore_mem>>) src(%arg9 : memref<1x4x4096xf32, #tpu.memory_space<vmem>>) dst(%dma_wait3A_425 : memref<1x4x4096xf32, #tpu.memory_space<hbm>>)
    %parallel_loop3A_426 = arith.constant 0 : i32
    %parallel_loop3A_427 = arith.constant 256 : i32
    %parallel_loop3A_428 = arith.constant 1 : i32
    scf.for %parallel_loop3A_447 = %parallel_loop3A_426 to %parallel_loop3A_427 step %parallel_loop3A_428  : i32 {
      %parallel_loop3A_448 = arith.constant 16 : i32
      %parallel_loop3A_449 = arith.muli %parallel_loop3A_447, %parallel_loop3A_448 : i32
      %parallel_loop3A_450 = arith.constant 0 : i32
      %parallel_loop3A_451 = arith.index_cast %parallel_loop3A_450 : i32 to index
      %parallel_loop3A_452 = arith.index_cast %parallel_loop3A_449 : i32 to index
      %parallel_loop3A_453 = tpu.vector_load %arg5[%parallel_loop3A_451, %parallel_loop3A_452] {strides = array<i32>} : memref<1x4096xi32, #tpu.memory_space<vmem>>, vector<16xi32>,
      %parallel_loop3A_454 = tpu.vector_load_idx %arg7[%broadcast_in_dim3A_4, %broadcast_in_dim3A_6, %parallel_loop3A_453] : memref<1x4x8192xf32, #tpu.memory_space<vmem>>[vector<16xi32>, vector<16xi32>, vector<16xi32>], vector<16xf32>,
      %parallel_loop3A_455 = arith.constant 0 : i32
      %parallel_loop3A_456 = arith.constant 0 : i32
      %parallel_loop3A_457 = arith.index_cast %parallel_loop3A_455 : i32 to index
      %parallel_loop3A_458 = arith.index_cast %parallel_loop3A_456 : i32 to index
      %parallel_loop3A_459 = arith.index_cast %parallel_loop3A_449 : i32 to index
      %parallel_loop3A_460 = tpu.vector_load %arg9[%parallel_loop3A_457, %parallel_loop3A_458, %parallel_loop3A_459] {strides = array<i32>} : memref<1x4x4096xf32, #tpu.memory_space<vmem>>, vector<16xf32>,
      tpu.vector_store %arg9[%parallel_loop3A_457, %parallel_loop3A_458, %parallel_loop3A_459], %parallel_loop3A_454 {strides = array<i32>} : memref<1x4x4096xf32, #tpu.memory_space<vmem>>, vector<16xf32>,
      %parallel_loop3A_461 = tpu.vector_load_idx %arg7[%broadcast_in_dim3A_4, %broadcast_in_dim3A_8, %parallel_loop3A_453] : memref<1x4x8192xf32, #tpu.memory_space<vmem>>[vector<16xi32>, vector<16xi32>, vector<16xi32>], vector<16xf32>,
      %parallel_loop3A_462 = arith.constant 0 : i32
      %parallel_loop3A_463 = arith.constant 1 : i32
      %parallel_loop3A_464 = arith.index_cast %parallel_loop3A_462 : i32 to index
      %parallel_loop3A_465 = arith.index_cast %parallel_loop3A_463 : i32 to index
      %parallel_loop3A_466 = arith.index_cast %parallel_loop3A_449 : i32 to index
      %parallel_loop3A_467 = tpu.vector_load %arg9[%parallel_loop3A_464, %parallel_loop3A_465, %parallel_loop3A_466] {strides = array<i32>} : memref<1x4x4096xf32, #tpu.memory_space<vmem>>, vector<16xf32>,
      tpu.vector_store %arg9[%parallel_loop3A_464, %parallel_loop3A_465, %parallel_loop3A_466], %parallel_loop3A_461 {strides = array<i32>} : memref<1x4x4096xf32, #tpu.memory_space<vmem>>, vector<16xf32>,
      %parallel_loop3A_468 = tpu.vector_load_idx %arg7[%broadcast_in_dim3A_4, %broadcast_in_dim3A_10, %parallel_loop3A_453] : memref<1x4x8192xf32, #tpu.memory_space<vmem>>[vector<16xi32>, vector<16xi32>, vector<16xi32>], vector<16xf32>,
      %parallel_loop3A_469 = arith.constant 0 : i32
      %parallel_loop3A_470 = arith.constant 2 : i32
      %parallel_loop3A_471 = arith.index_cast %parallel_loop3A_469 : i32 to index
      %parallel_loop3A_472 = arith.index_cast %parallel_loop3A_470 : i32 to index
      %parallel_loop3A_473 = arith.index_cast %parallel_loop3A_449 : i32 to index
      %parallel_loop3A_474 = tpu.vector_load %arg9[%parallel_loop3A_471, %parallel_loop3A_472, %parallel_loop3A_473] {strides = array<i32>} : memref<1x4x4096xf32, #tpu.memory_space<vmem>>, vector<16xf32>,
      tpu.vector_store %arg9[%parallel_loop3A_471, %parallel_loop3A_472, %parallel_loop3A_473], %parallel_loop3A_468 {strides = array<i32>} : memref<1x4x4096xf32, #tpu.memory_space<vmem>>, vector<16xf32>,
      %parallel_loop3A_475 = tpu.vector_load_idx %arg7[%broadcast_in_dim3A_4, %broadcast_in_dim3A_12, %parallel_loop3A_453] : memref<1x4x8192xf32, #tpu.memory_space<vmem>>[vector<16xi32>, vector<16xi32>, vector<16xi32>], vector<16xf32>,
      %parallel_loop3A_476 = arith.constant 0 : i32
      %parallel_loop3A_477 = arith.constant 3 : i32
      %parallel_loop3A_478 = arith.index_cast %parallel_loop3A_476 : i32 to index
      %parallel_loop3A_479 = arith.index_cast %parallel_loop3A_477 : i32 to index
      %parallel_loop3A_480 = arith.index_cast %parallel_loop3A_449 : i32 to index
      %parallel_loop3A_481 = tpu.vector_load %arg9[%parallel_loop3A_478, %parallel_loop3A_479, %parallel_loop3A_480] {strides = array<i32>} : memref<1x4x4096xf32, #tpu.memory_space<vmem>>, vector<16xf32>,
      tpu.vector_store %arg9[%parallel_loop3A_478, %parallel_loop3A_479, %parallel_loop3A_480], %parallel_loop3A_475 {strides = array<i32>} : memref<1x4x4096xf32, #tpu.memory_space<vmem>>, vector<16xf32>,
    } {sc.loop_unroll_factor = 8 : i64, sc.parallel_access}
    %dma_start3A_429 = arith.constant 60 : i32
    %dma_start3A_430 = arith.constant 0 : i32
    %dma_start3A_431 = tpu.memref_slice %arg4[%add3A, %dma_start3A_429, %dma_start3A_430] : memref<32x64x4096xf32, #tpu.memory_space<hbm>> -> memref<1x4x4096xf32, #tpu.memory_space<hbm>>
    %dma_start3A_432 = arith.constant 60 : i32
    %dma_start3A_433 = arith.constant 0 : i32
    %dma_start3A_434 = tpu.memref_slice %arg4[%add3A, %dma_start3A_432, %dma_start3A_433] : memref<32x64x4096xf32, #tpu.memory_space<hbm>> -> memref<1x4x4096xf32, #tpu.memory_space<hbm>>
    tpu.enqueue_dma source(%arg9 : memref<1x4x4096xf32, #tpu.memory_space<vmem>>) target(%dma_start3A_434 : memref<1x4x4096xf32, #tpu.memory_space<hbm>>) target_semaphore(%arg13 : memref<!tpu.dma_semaphore, #tpu.memory_space<semaphore_mem>>)
    %dma_wait3A_435 = arith.constant 56 : i32
    %dma_wait3A_436 = arith.constant 0 : i32
    %dma_wait3A_437 = tpu.memref_slice %arg4[%add3A, %dma_wait3A_435, %dma_wait3A_436] : memref<32x64x4096xf32, #tpu.memory_space<hbm>> -> memref<1x4x4096xf32, #tpu.memory_space<hbm>>
    %dma_wait3A_438 = arith.constant 56 : i32
    %dma_wait3A_439 = arith.constant 0 : i32
    %dma_wait3A_440 = tpu.memref_slice %arg4[%add3A, %dma_wait3A_438, %dma_wait3A_439] : memref<32x64x4096xf32, #tpu.memory_space<hbm>> -> memref<1x4x4096xf32, #tpu.memory_space<hbm>>
    tpu.wait_dma2 semaphore(%arg12 : memref<!tpu.dma_semaphore, #tpu.memory_space<semaphore_mem>>) src(%arg8 : memref<1x4x4096xf32, #tpu.memory_space<vmem>>) dst(%dma_wait3A_440 : memref<1x4x4096xf32, #tpu.memory_space<hbm>>)
    %dma_wait3A_441 = arith.constant 60 : i32
    %dma_wait3A_442 = arith.constant 0 : i32
    %dma_wait3A_443 = tpu.memref_slice %arg4[%add3A, %dma_wait3A_441, %dma_wait3A_442] : memref<32x64x4096xf32, #tpu.memory_space<hbm>> -> memref<1x4x4096xf32, #tpu.memory_space<hbm>>
    %dma_wait3A_444 = arith.constant 60 : i32
    %dma_wait3A_445 = arith.constant 0 : i32
    %dma_wait3A_446 = tpu.memref_slice %arg4[%add3A, %dma_wait3A_444, %dma_wait3A_445] : memref<32x64x4096xf32, #tpu.memory_space<hbm>> -> memref<1x4x4096xf32, #tpu.memory_space<hbm>>
    tpu.wait_dma2 semaphore(%arg13 : memref<!tpu.dma_semaphore, #tpu.memory_space<semaphore_mem>>) src(%arg9 : memref<1x4x4096xf32, #tpu.memory_space<vmem>>) dst(%dma_wait3A_446 : memref<1x4x4096xf32, #tpu.memory_space<hbm>>)
    return
  }
}

</mosaic_0001>

<sc_bundles>
// kernel: kernel.3.cloned.1.call-start
scs
__scs_entry_jumppad:
0x0: {  	(pc) =	sbr.rel $0x88, $3  }
0x1: {  	(tag) =	ssettag $0x0;
	lr =	simm.s32 $0x1  }
0x2: {  	[smem:$0x3F9F] =	sst lr;
	_ =	strace $0xD0000000  }
0x3: {  	_ = 	snop  }
0x4: {  	_ = 	snop  }
0x5: {  	_ = 	snop  }
0x6: {  	_ = 	snop  }
0x7: {  	_ = 	snop  }
__scs_overlays_trampoline_lowered:
0x8: {  	[smem:$0x3FAE] =	sst s0  }
0x9: {  	[smem:$0x3FAF] =	sst s1  }
0xa: {  	[smem:$0x3FB0] =	sst s2  }
0xb: {  	[smem:$0x3FB1] =	sst s3  }
0xc: {  	[smem:$0x3FB2] =	sst s4  }
0xd: {  	[smem:$0x3FB3] =	sst s5  }
0xe: {  	[smem:$0x3FB4] =	sst s6  }
0xf: {  	[smem:$0x3FB5] =	sst s7  }
0x10: {  	[smem:$0x3FB6] =	sst s8  }
0x11: {  	[smem:$0x3FB7] =	sst s9;
	s0 =	simm.s32 @!p0 $0x0  }
0x12: {  	s1 =	sld [smem:$0x3F9D];
	s0 =	simm.s32 @p0 $0x1  }
0x13: {  	[smem:$0x3FB8] =	sst s0;
	s0 =	simm.s32 @!p1 $0x0  }
0x14: {  	s2 =	sld [smem:$0x3F9C];
	s0 =	simm.s32 @p1 $0x1  }
0x15: {  	[smem:$0x3FB9] =	sst s0;
	s0 =	simm.s32 @!p2 $0x0  }
0x16: {  	s3 =	sld [smem:$0x3FDB];
	s0 =	simm.s32 @p2 $0x1  }
0x17: {  	s4 =	simm.s32 $0x1BF5;
	[smem:$0x3FBB] =	sst s0  }
0x18: {  	s0 =	sld [smem:$0x3F9E];
	_ =	swait.ge [sflag:s4], $0x0  }
0x19: {  	s7 =	sld [smem:$0x3F9F]  }
0x1a: {  	s8 =	sadd.s32 $0xFFFFE003, lr  }
0x1b: {  	s9 =	sadd.s32 $0xFFFFFEF7, lr;
	s5 =	simm.s32 $0xFFFFFFFF;
	p2 =	slt.u32 s8, $0xFFFFF086  }
0x1c: {  	p1 =	slt.u32 s9, $0xF7A;
	s5 =	simm.s32 @!p2 $0x0  }
0x1d: {  	s5 =	simm.s32 @p1 $0x1;
	p0 =	seq.s32 s7, s2  }
0x1e: {  	s7 =	smul.u32 @!p0 $0xF7A, s2;
	p2 =	seq.s32 @!p0 s5, $0x0  }
0x1f: {  	s9 =	smul.u32 $0xF7A, s1;
	s8 =	simm.s32 @!p0 $0x1BF5;
	p2 =	por !p2, p0  }
0x20: {  	[sflag:s8] =	ssyncset.s32 @!p0 $0xFFFFF086;
	s6 =	sadd.s32 @!p0 s3, s7;
	s7 =	simm.s32 @!p0 $0x108  }
0x21: {  	s3 =	sadd.s32 s3, s9;
	s6 =	sadd.s32 @!p0 $0x88, s6;
	s7 =	simm.s32 @p2 $0x1082  }
0x22: {  	[simem:s7], [sflag:s8] =	dma.local @!p0 [hbm:s6], $0xF7A  }
0x23: {  	s9 =	sor.u32 $0xD0000000, s2;
	s6 =	simm.s32 $0x108;
	_ =	swait.ge @!p0 [sflag:s8], $0x0  }
0x24: {  	s3 =	sadd.s32 $0x88, s3;
	s6 =	simm.s32 @!p1 $0x1082;
	[sflag:s4] =	ssyncset.s32 $0xFFFFF086  }
0x25: {  	[simem:s6], [sflag:s4] =	dma.local [hbm:s3], $0xF7A  }
0x26: {  	[smem:$0x3F9F] =	sst s1;
	(tag) =	ssettag s2;
	_ =	strace s9  }
0x27: {  	s1 =	sld [smem:$0x3FAF]  }
0x28: {  	s2 =	sld [smem:$0x3FB0]  }
0x29: {  	s4 =	sld [smem:$0x3FB2]  }
0x2a: {  	p0 =	seq.s32 s5, $0x0;
	s5 =	sld [smem:$0x3FB3]  }
0x2b: {  	s6 =	sld [smem:$0x3FB4]  }
0x2c: {  	s7 =	sld [smem:$0x3FB5]  }
0x2d: {  	s3 =	simm.s32 $0x108;
	s8 =	sld [smem:$0x3FB6]  }
0x2e: {  	s3 =	simm.s32 @!p0 $0x1082;
	s9 =	sld [smem:$0x3FB7]  }
0x2f: {  	lr =	sadd.s32 s0, s3;
	s0 =	sld [smem:$0x3FAE]  }
0x30: {  	s3 =	sld [smem:$0x3FB1]  }
0x31: {  	[smem:$0x3FBA] =	sst s10  }
0x32: {  	s10 =	sld [smem:$0x3FB8];
	_ =	sdelay $0x3  }
0x33: {  	p0 =	seq.s32 s10, $0x1;
	s10 =	sld [smem:$0x3FBA];
	_ =	sdelay $0x3  }
0x34: {  	[smem:$0x3FBA] =	sst s10  }
0x35: {  	s10 =	sld [smem:$0x3FB9];
	_ =	sdelay $0x3  }
0x36: {  	p1 =	seq.s32 s10, $0x1;
	s10 =	sld [smem:$0x3FBA];
	_ =	sdelay $0x3  }
0x37: {  	[smem:$0x3FBA] =	sst s10  }
0x38: {  	s10 =	sld [smem:$0x3FBB]  }
0x39: {  	_ = 	snop;
	(pc) =	sbr.ind lr, $3  }
0x3a: {  	_ = 	snop  }
0x3b: {  	_ = 	snop  }
0x3c: {  	p2 =	seq.s32 s10, $0x1;
	s10 =	sld [smem:$0x3FBA]  }
0x3d: {  	_ =	shalt  }
0x3e: {  	_ =	shalt  }
0x3f: {  	_ =	shalt  }
0x40: {  	_ =	shalt  }
0x41: {  	_ =	shalt  }
0x42: {  	_ =	shalt  }
0x43: {  	_ =	shalt  }
0x44: {  	_ =	shalt  }
0x45: {  	_ =	shalt  }
0x46: {  	_ =	shalt  }
0x47: {  	_ =	shalt  }
0x48: {  	_ =	shalt  }
0x49: {  	_ =	shalt  }
0x4a: {  	_ =	shalt  }
0x4b: {  	_ =	shalt  }
0x4c: {  	_ =	shalt  }
0x4d: {  	_ =	shalt  }
0x4e: {  	_ =	shalt  }
0x4f: {  	_ =	shalt  }
0x50: {  	_ =	shalt  }
0x51: {  	_ =	shalt  }
0x52: {  	_ =	shalt  }
0x53: {  	_ =	shalt  }
0x54: {  	_ =	shalt  }
0x55: {  	_ =	shalt  }
0x56: {  	_ =	shalt  }
0x57: {  	_ =	shalt  }
0x58: {  	_ =	shalt  }
0x59: {  	_ =	shalt  }
0x5a: {  	_ =	shalt  }
0x5b: {  	_ =	shalt  }
0x5c: {  	_ =	shalt  }
0x5d: {  	_ =	shalt  }
0x5e: {  	_ =	shalt  }
0x5f: {  	_ =	shalt  }
0x60: {  	_ =	shalt  }
0x61: {  	_ =	shalt  }
0x62: {  	_ =	shalt  }
0x63: {  	_ =	shalt  }
0x64: {  	_ =	shalt  }
0x65: {  	_ =	shalt  }
0x66: {  	_ =	shalt  }
0x67: {  	_ =	shalt  }
0x68: {  	_ =	shalt  }
0x69: {  	_ =	shalt  }
0x6a: {  	_ =	shalt  }
0x6b: {  	_ =	shalt  }
0x6c: {  	_ =	shalt  }
0x6d: {  	_ =	shalt  }
0x6e: {  	_ =	shalt  }
0x6f: {  	_ =	shalt  }
0x70: {  	_ =	shalt  }
0x71: {  	_ =	shalt  }
0x72: {  	_ =	shalt  }
0x73: {  	_ =	shalt  }
0x74: {  	_ =	shalt  }
0x75: {  	_ =	shalt  }
0x76: {  	_ =	shalt  }
0x77: {  	_ =	shalt  }
0x78: {  	_ =	shalt  }
0x79: {  	_ =	shalt  }
0x7a: {  	_ =	shalt  }
0x7b: {  	_ =	shalt  }
0x7c: {  	_ =	shalt  }
0x7d: {  	_ =	shalt  }
0x7e: {  	_ =	shalt  }
0x7f: {  	_ =	shalt  }
0x80: {  	_ =	shalt  }
0x81: {  	_ =	shalt  }
0x82: {  	_ =	shalt  }
0x83: {  	_ =	shalt  }
0x84: {  	_ =	shalt  }
0x85: {  	_ =	shalt  }
0x86: {  	_ =	shalt  }
0x87: {  	_ =	shalt  }
.Lfunc_end0:
.L_simem_size_0:
called_computation_lowered:
.L_overlay_start_0:
0x88: {  	s2 =	sld [smem:$0x3FD9]  }
0x89: {  	s3 =	sld [smem:$0x3FFE];
	_ =	sdelay $0x1  }
0x8a: {  	s1 =	srdreg.scid  }
0x8b: {  	s0 =	sand.u32 $0x1, s1  }
0x8c: {  	s18 =	sshll.u32 s0, $0xA;
	s2 =	sadd.s32 s3, s2  }
0x8d: {  	s2 =	sadd.s32 s2, s18  }
0x8e: {  	[smem:$0x3FC6] =	sst s2  }
0x8f: {  	_ = 	snop  }
0x90: {  	s2 =	sld [smem:$0x3FC9]  }
0x91: {  	s19 =	sld [smem:$0x3FC8]  }
0x92: {  	s4 =	sld [smem:$0x3FD0];
	(tm) =	ssettm $0x1  }
0x93: {  	s5 =	sld [smem:$0x3FFB];
	_ =	sdelay $0x3  }
0x94: {  	_ =	strace s5  }
0x95: {  	s5 =	sld [smem:$0x3FFC];
	_ =	sdelay $0x3  }
0x96: {  	_ =	strace s5  }
0x97: {  	s5 =	sld [smem:$0x3FFD];
	_ =	sdelay $0x3  }
0x98: {  	_ =	strace s5  }
0x99: {  	_ =	strace $0x8FFFFFFF  }
0x9a: {  	s20 =	sld [smem:$0x3FDB];
	_ =	sdelay $0x1  }
0x9b: {  	s6 =	simm.s32 $_scs_section_size  }
0x9c: {  	s7 =	simm.s32 $_size__tile_overlayer_lowered;
	s8 =	simm.s32 $_tile_overlayer_lowered  }
0x9d: {  	s23 =	simm.s32 $0x1BFF;
	s22 =	sshll.u32 s8, $0x1;
	s5 =	sadd.s32 s6, s20  }
0x9e: {  	s9 =	simm.s32 $0x0;
	s21 =	sshll.u32 s7, $0x1;
	s7 =	sadd.s32 s22, s5  }
0x9f: {  	[timem:s9], [sflag:s23] =	dma.local [hbm:s7], s21  }
0xa0: {  	_ =	swait.ge [sflag:s23], s21  }
0xa1: {  	s6 =	ssub.s32 $0x0, s21;
	[sflag:s23] =	ssyncset.done $0x0  }
0xa2: {  	[sflag:s23] =	ssyncadd.s32 s6;
	_ =	sdelay $0x1  }
0xa3: {  	s24 =	simm.s32 $0x1B8B  }
0xa4: {  	_ =	swait.ge [sflag:s24], $0x1  }
0xa5: {  	[sflag:s24] =	ssyncset.done $0x0  }
0xa6: {  	s25 =	simm.s32 $0x1B8E;
	[sflag:s24] =	ssyncadd.s32 $0xFFFFFFFF  }
0xa7: {  	s26 =	simm.s32 $execute0_lowered;
	[smem:$0x3FD2] =	sst s25  }
0xa8: {  	s6 =	sshll.u32 s26, $0x1;
	_ =	strace $0x80000046;
	[dreg:$0x1] =	wrdreg $0xFFFFFFFF  }
0xa9: {  	s28 =	simm.s32 $_size_execute0_lowered;
	s5 =	sadd.s32 s5, s6;
	[dreg:$0x0] =	wrdreg $0x0  }
0xaa: {  	s6 =	sshll.u32 s28, $0x1;
	[dreg:$0x2] =	wrdreg s5  }
0xab: {  	[dreg:$0x3] =	wrdreg s6  }
0xac: {  	[dreg:$0x4] =	wrdreg $0xC0  }
0xad: {  	_ =	task [dreg:s9], $0x5FFFF  }
0xae: {  	[dreg:$0x1] =	wrdreg $0xFFFFFFFF  }
0xaf: {  	[dreg:$0x0] =	wrdreg $0x60  }
0xb0: {  	[dreg:$0x2] =	wrdreg s19  }
0xb1: {  	[dreg:$0x3] =	wrdreg s2  }
0xb2: {  	[dreg:$0x4] =	wrdreg s4  }
0xb3: {  	[dreg:$0x5] =	wrdreg $0x9  }
0xb4: {  	_ =	task.clear_ibuf [dreg:s9], $0x6FFFF;
	_ =	strace $0x90000046  }
0xb5: {  	s29 =	simm.s32 $0x9;
	_ =	strace $0x80000048  }
0xb6: {  	_ =	swait.ge [sflag:s29], $0x1  }
0xb7: {  	[sflag:s29] =	ssyncadd.s32 $0xFFFFFFFF  }
0xb8: {  	_ =	strace $0x90000048  }
0xb9: {  	_ =	sfence  }
0xba: {  	s30 =	sld [smem:$0x0];
	_ =	sdelay $0x2  }
0xbb: {  	s31 =	sshll.u32 s1, $0xD;
	s1 =	sshrl.u32 s1, $0x2  }
0xbc: {  	s3 =	sand.u32 $0x4000, s31;
	s1 =	sadd.s32 s1, s30  }
0xbd: {  	s0 =	sor.u32 s3, s0;
	s1 =	sshll.u32 s1, $0x11  }
0xbe: {  	s0 =	sor.u32 s1, s0  }
0xbf: {  	s0 =	sadd.s32 $0x8F2B, s0  }
0xc0: {  	[sflag:s0] =	ssyncadd.remote.s32 $0x1  }
0xc1: {  	_ =	sfence.sel $0xFFFF  }
0xc2: {  	[dreg:$0x0] =	wrdreg $0xFFFFFFFF;
	(pc) =	sbr.abs _section_cstart, $3  }
0xc3: {  	[dreg:$0x1] =	wrdreg $0xFFFFFFFF  }
0xc4: {  	_ =	task.clear_ibuf [dreg:s9], $0x2FFFF;
	_ =	strace $0x9FFFFFFF  }
0xc5: {  	(tm) =	ssettm $0x7FFFFFFF  }
tec
execute0_lowered:
.L_overlay_start_1:
0x0: {  	(tag) =	ssettag $0x1  }
0x1: {  	s0 =	rddreg [dreg:$0x0]  }
0x2: {  	s1 =	rddreg [dreg:$0x1];
	s3 =	srdreg.scid  }
0x3: {  	s2 =	rddreg [dreg:$0x2];
	s4 =	simm.s32 $0x0;
	s3 =	sand.u32 $0x1, s3  }
0x4: {  	s7 =	stileid.u32;
	[smem:$0x7FF] =	sst s4;
	s26 =	ssub.s32 $0x2, s3  }
0x5: {  	s5 =	sshll.u32 s7, $0x1;
	_ =	strace $0x80000047;
	s6 =	sshrl.u32 s26, $0x1  }
0x6: {  	s5 =	sor.u32 s3, s5;
	s4 =	ssub.s32 s26, s6;
	s6 =	sshll.u32 s7, $0xA  }
0x7: {  	s8 =	sshll.u32 s5, $0x10;
	s7 =	sshll.u32 s5, $0x4;
	s3 =	sand.u32 $0x3000, s6  }
0x8: {  	s9 =	sshll.u32 s5, $0xF;
	s6 =	sand.u32 $0x70, s7;
	s1 =	sadd.s32 s1, s3  }
0x9: {  	s3 =	sadd.s32 s0, s8;
	s8 =	simm.s32 $0x400;
	s1 =	sadd.s32 s6, s1  }
0xa: {  	s10 =	sadd.s32 $0x40, s3;
	s6 =	sadd.s32 s2, s9;
	[dreg:$0x4] =	wrdreg s1  }
0xb: {  	s11 =	sadd.s32 $0x2000, s3;
	s13 =	sadd.s32 $0x2040, s3;
	[dreg:$0x5] =	wrdreg s10  }
0xc: {  	s15 =	sadd.s32 $0x4000, s3;
	s17 =	sadd.s32 $0x4040, s3;
	[dreg:$0x6] =	wrdreg s11  }
0xd: {  	s19 =	sadd.s32 $0x6000, s3;
	s21 =	sadd.s32 $0x6040, s3;
	[dreg:$0x8] =	wrdreg s13  }
0xe: {  	s23 =	sadd.s32 $0x8000, s3;
	s25 =	sadd.s32 $0x8040, s3;
	[dreg:$0xa] =	wrdreg s15  }
0xf: {  	s29 =	sadd.s32 $0xC000, s3;
	s31 =	sadd.s32 $0xC040, s3;
	[dreg:$0xc] =	wrdreg s17  }
0x10: {  	s9 =	simm.s32 $0x200;
	s12 =	sadd.s32 $0x40, s6;
	[dreg:$0xe] =	wrdreg s19  }
0x11: {  	s14 =	sadd.s32 $0x1000, s6;
	s16 =	sadd.s32 $0x1040, s6;
	[dreg:$0x10] =	wrdreg s21  }
0x12: {  	s18 =	sadd.s32 $0x2000, s6;
	s20 =	sadd.s32 $0x2040, s6;
	[dreg:$0x12] =	wrdreg s23  }
0x13: {  	s22 =	sadd.s32 $0x3000, s6;
	s24 =	sadd.s32 $0x3040, s6;
	[dreg:$0x14] =	wrdreg s25  }
0x14: {  	s26 =	sadd.s32 $0x4000, s6;
	s23 =	sadd.s32 $0xA000, s3;
	[dreg:$0x7] =	wrdreg s12  }
0x15: {  	s25 =	smax.u32 s4, $0x1;
	s28 =	sadd.s32 $0x5000, s6;
	[dreg:$0x9] =	wrdreg s14  }
0x16: {  	s30 =	sadd.s32 $0x5040, s6;
	s0 =	sadd.s32 $0x6000, s6;
	[dreg:$0xb] =	wrdreg s16  }
0x17: {  	s1 =	sadd.s32 $0xE000, s3;
	s2 =	sadd.s32 $0x6040, s6;
	[dreg:$0xd] =	wrdreg s18  }
0x18: {  	s4 =	sadd.s32 $0xE040, s3;
	s5 =	sadd.s32 $0x7000, s6;
	[dreg:$0xf] =	wrdreg s20  }
0x19: {  	s7 =	sadd.s32 $0x7040, s6;
	s10 =	simm.s32 $0x1000;
	[dreg:$0x11] =	wrdreg s22  }
0x1a: {  	s11 =	simm.s32 $0x9000;
	s13 =	simm.s32 $0x3;
	[dreg:$0x13] =	wrdreg s24  }
0x1b: {  	s15 =	simm.s32 $0x2;
	s17 =	simm.s32 $0x4;
	[dreg:$0x15] =	wrdreg s26  }
0x1c: {  	s24 =	sadd.s32 $0x4040, s6;
	s26 =	sadd.s32 $0xA040, s3;
	s12 =	simm.s32 $0x1  }
0x1d: {  	s14 =	simm.s32 $0x11000;
	s16 =	simm.s32 $0x15000;
	s18 =	simm.s32 $0x0  }
.LBB2_1:
0x1e: {  	s19 =	simm.s32 $0x0;
	s20 =	rddreg [dreg:$0x4];
	s21 =	simm.s32 $0x80  }
0x1f: {  	[tilespmem:s19], [sflag:$0x3] =	stream.strided.gather [hbm4b:s20+s21], $0x1000, s8, s21, $0x38;
	[tilespmem:$0x19000] =	vst v63  }
0x20: {  	_ = 	snop  }
0x21: {  	[tilespmem:s10], [sflag:$0x1] =	stream.strided.gather [hbm4b:s3+s9], $0x8000, s8, s9, $0x38;
	[tilespmem:$0x19000] =	vst v63  }
0x22: {  	s21 =	rddreg [dreg:$0x5]  }
0x23: {  	[tilespmem:s11], [sflag:$0x2] =	stream.strided.gather [hbm4b:s21+s9], $0x8000, s8, s9, $0x38;
	[tilespmem:$0x19000] =	vst v63  }
0x24: {  	_ =	swait.ge [sflag:s12], $0x8000  }
0x25: {  	[sflag:s12] =	ssyncset.done $0x0  }
0x26: {  	[sflag:s12] =	ssyncadd.s32 $0xFFFF8000  }
0x27: {  	_ =	swait.ge [sflag:s13], $0x1000  }
0x28: {  	[sflag:s13] =	ssyncset.done $0x0  }
0x29: {  	s22 =	simm.s32 $0x40;
	[sflag:s13] =	ssyncadd.s32 $0xFFFFF000  }
0x2a: {  	v0 =	vld [tilespmem:s22+$0xFFFFFFC0]  }
0x2b: {  	v1 =	vld [tilespmem:s22+$0x10]  }
0x2c: {  	v3 =	vld [tilespmem:s22+$0xFFFFFFE0]  }
0x2d: {  	v2 =	vld [tilespmem:s22+$0x0];
	_ =	sdelay $0x1  }
0x2e: {  	v6 =	vld [tilespmem:s22+$0x20]  }
0x2f: {  	v7 =	vld [tilespmem:s22+$0xFFFFFFF0];
	v4 =	vshll.u32 v0, $0x2;
	v0 =	vand.u32 $0x7F, v0;
	v5 =	vshll.u32 v1, $0x2  }
0x30: {  	v1 =	vand.u32 $0x7F, v1;
	v9 =	vshll.u32 v3, $0x2;
	v4 =	vand.u32 $0xFFFFFE00, v4  }
0x31: {  	v8 =	vld [tilespmem:s22+$0xFFFFFFD0];
	v3 =	vand.u32 $0x7F, v3;
	v4 =	vor.u32 v0, v4;
	v0 =	vshll.u32 v2, $0x2  }
0x32: {  	v5 =	vand.u32 $0xFFFFFE00, v5;
	v2 =	vand.u32 $0x7F, v2;
	v0 =	vand.u32 $0xFFFFFE00, v0  }
0x33: {  	v5 =	vor.u32 v1, v5;
	v0 =	vor.u32 v2, v0;
	v2 =	vand.u32 $0xFFFFFE00, v9;
	v9 =	vld [tilespmem:s22+$0x30]  }
0x34: {  	v11 =	vand.u32 $0x7F, v7;
	v2 =	vor.u32 v3, v2;
	v3 =	vshll.u32 v6, $0x2  }
0x35: {  	v1 =	vand.u32 $0x7F, v6;
	v12 =	vor.u32 $0x80, v4;
	v3 =	vand.u32 $0xFFFFFE00, v3  }
0x36: {  	v6 =	vshll.u32 v7, $0x2;
	v10 =	vld.idx.msk [tilespmem:v4+s10+$0x0], $0xffff;
	v1 =	vor.u32 v1, v3;
	v3 =	vshll.u32 v8, $0x2  }
0x37: {  	v6 =	vand.u32 $0xFFFFFE00, v6;
	v8 =	vand.u32 $0x7F, v8;
	v3 =	vand.u32 $0xFFFFFE00, v3  }
0x38: {  	v6 =	vor.u32 v11, v6;
	v17 =	vld.idx.msk [tilespmem:v5+s10+$0x0], $0xffff;
	v7 =	vor.u32 v8, v3;
	v3 =	vshll.u32 v9, $0x2  }
0x39: {  	v13 =	vld.idx.msk [tilespmem:v0+s10+$0x0], $0xffff;
	v8 =	vand.u32 $0x7F, v9;
	v3 =	vand.u32 $0xFFFFFE00, v3  }
0x3a: {  	s19 =	simm.s32 $0x11100;
	v11 =	vld.idx.msk [tilespmem:v2+s10+$0x0], $0xffff;
	v3 =	vor.u32 v8, v3  }
0x3b: {  	v20 =	vor.u32 $0x80, v0;
	[tilespmem:s19+$0xFFFFFF00] =	vst v10;
	v10 =	vld.idx.msk [tilespmem:v1+s10+$0x0], $0xffff  }
0x3c: {  	v18 =	vld.idx.msk [tilespmem:v12+s10+$0x0], $0xffff;
	v12 =	vor.u32 $0x80, v5  }
0x3d: {  	v15 =	vor.u32 $0x80, v2;
	v16 =	vld.idx.msk [tilespmem:v6+s10+$0x0], $0xffff  }
0x3e: {  	s20 =	simm.s32 $0x0;
	s21 =	simm.s32 $0xC0;
	s22 =	simm.s32 $0x11100;
	v9 =	vor.u32 $0x80, v1;
	v14 =	vor.u32 $0x80, v7;
	v8 =	vor.u32 $0x80, v3;
	v19 =	vld.idx.msk [tilespmem:v7+s10+$0x0], $0xffff  }
.LBB2_2:
0x3f: {  	s20 =	sadd.s32 $0x8, s20;
	[tilespmem:s19+$0xFFFFFF40] =	vst v13;
	v13 =	vld.idx.msk [tilespmem:v3+s10+$0x0], $0xffff;
	s22 =	sadd.s32 $0x200, s22  }
0x40: {  	p0 =	slt.u32 s20, $0xF8;
	v20 =	vld.idx.msk [tilespmem:v20+s10+$0x0], $0xffff;
	[tilespmem:s19+$0xFFFFFF50] =	vst v17  }
0x41: {  	v17 =	vor.u32 $0x100, v4;
	v12 =	vld.idx.msk [tilespmem:v12+s10+$0x0], $0xffff  }
0x42: {  	v21 =	vld [tilespmem:s21+$0x10];
	[tilespmem:s19+$0xFFFFFF80] =	vst v18  }
0x43: {  	v18 =	vld [tilespmem:s21+$0xFFFFFFE0];
	[tilespmem:s19+$0xFFFFFF10] =	vst v19;
	v19 =	vor.u32 $0x80, v6  }
0x44: {  	v14 =	vld.idx.msk [tilespmem:v14+s10+$0x0], $0xffff;
	[tilespmem:s19+$0xFFFFFF20] =	vst v11  }
0x45: {  	v11 =	vld.idx.msk [tilespmem:v15+s10+$0x0], $0xffff;
	[tilespmem:s19+$0xFFFFFF70] =	vst v13  }
0x46: {  	v13 =	vld.idx.msk [tilespmem:v17+s10+$0x0], $0xffff;
	[tilespmem:s19+$0xFFFFFFC0] =	vst v20  }
0x47: {  	v15 =	vld [tilespmem:s21+$0xFFFFFFF0];
	[tilespmem:s19+$0xFFFFFF30] =	vst v16  }
0x48: {  	v16 =	vld.idx.msk [tilespmem:v19+s10+$0x0], $0xffff;
	[tilespmem:s19+$0xFFFFFFD0] =	vst v12  }
0x49: {  	v12 =	vld [tilespmem:s21+$0xFFFFFFC0];
	[tilespmem:s19+$0xFFFFFF60] =	vst v10  }
0x4a: {  	[tilespmem:s19+$0xFFFFFF90] =	vst v14;
	v8 =	vld.idx.msk [tilespmem:v8+s10+$0x0], $0xffff  }
0x4b: {  	v10 =	vld [tilespmem:s21+$0x20];
	[tilespmem:s19+$0xFFFFFFA0] =	vst v11;
	v11 =	vor.u32 $0x100, v5  }
0x4c: {  	v14 =	vld [tilespmem:s21+$0x30];
	[tilespmem:s19+$0x0] =	vst v13;
	v13 =	vor.u32 $0x100, v7  }
0x4d: {  	v19 =	vor.u32 $0x100, v6;
	v17 =	vld [tilespmem:s21+$0xFFFFFFD0]  }
0x4e: {  	v20 =	vor.u32 $0x180, v4;
	[tilespmem:s19+$0xFFFFFFB0] =	vst v16;
	v9 =	vld.idx.msk [tilespmem:v9+s10+$0x0], $0xffff  }
0x4f: {  	v22 =	vor.u32 $0x100, v2;
	v23 =	vor.u32 $0x180, v5;
	v5 =	vor.u32 $0x100, v1;
	v16 =	vld [tilespmem:s21+$0x0]  }
0x50: {  	v24 =	vor.u32 $0x100, v0;
	v4 =	vshll.u32 v12, $0x2;
	v11 =	vld.idx.msk [tilespmem:v11+s10+$0x0], $0xffff;
	[tilespmem:s19+$0xFFFFFFF0] =	vst v8;
	v8 =	vor.u32 $0x100, v3  }
0x51: {  	v4 =	vand.u32 $0xFFFFFE00, v4;
	v25 =	vand.u32 $0x7F, v14;
	v14 =	vshll.u32 v14, $0x2;
	v13 =	vld.idx.msk [tilespmem:v13+s10+$0x0], $0xffff  }
0x52: {  	v6 =	vor.u32 $0x180, v6;
	v12 =	vand.u32 $0x7F, v12;
	v14 =	vand.u32 $0xFFFFFE00, v14;
	v19 =	vld.idx.msk [tilespmem:v19+s10+$0x0], $0xffff  }
0x53: {  	v7 =	vor.u32 $0x180, v7;
	v4 =	vor.u32 v12, v4;
	v12 =	vshll.u32 v21, $0x2;
	v20 =	vld.idx.msk [tilespmem:v20+s10+$0x0], $0xffff  }
0x54: {  	v26 =	vshll.u32 v15, $0x2;
	v14 =	vor.u32 v25, v14;
	v27 =	vshll.u32 v16, $0x2;
	v22 =	vld.idx.msk [tilespmem:v22+s10+$0x0], $0xffff;
	[tilespmem:s19+$0xFFFFFFE0] =	vst v9  }
0x55: {  	v21 =	vand.u32 $0x7F, v21;
	v9 =	vand.u32 $0xFFFFFE00, v26;
	v16 =	vand.u32 $0x7F, v16;
	v25 =	vld.idx.msk [tilespmem:v5+s10+$0x0], $0xffff  }
0x56: {  	v12 =	vand.u32 $0xFFFFFE00, v12;
	v26 =	vor.u32 $0x180, v2;
	v5 =	vand.u32 $0xFFFFFE00, v27;
	[tilespmem:s19+$0x50] =	vst v11;
	v8 =	vld.idx.msk [tilespmem:v8+s10+$0x0], $0xffff  }
0x57: {  	v2 =	vshll.u32 v18, $0x2;
	v11 =	vor.u32 v16, v5;
	v5 =	vor.u32 v21, v12;
	[tilespmem:s19+$0x10] =	vst v13;
	v12 =	vld.idx.msk [tilespmem:v24+s10+$0x0], $0xffff  }
0x58: {  	v2 =	vand.u32 $0xFFFFFE00, v2;
	v13 =	vor.u32 $0x180, v3;
	v3 =	vmov v14;
	v7 =	vld.idx.msk [tilespmem:v7+s10+$0x0], $0xffff;
	[tilespmem:s19+$0x30] =	vst v19  }
0x59: {  	v14 =	vand.u32 $0x7F, v18;
	v18 =	vor.u32 $0x180, v0;
	v0 =	vmovc v11;
	v19 =	vor.u32 $0x180, v1;
	[tilespmem:s19+$0x80] =	vst v20;
	v16 =	vld.idx.msk [tilespmem:v6+s10+$0x0], $0xffff  }
0x5a: {  	v21 =	vor.u32 $0x80, v4;
	v2 =	vor.u32 v14, v2;
	v1 =	vand.u32 $0x7F, v15;
	[tilespmem:s19+$0x20] =	vst v22;
	v11 =	vld.idx.msk [tilespmem:v23+s10+$0x0], $0xffff  }
0x5b: {  	v6 =	vor.u32 v1, v9;
	v1 =	vshll.u32 v10, $0x2;
	v9 =	vld.idx.msk [tilespmem:v26+s10+$0x0], $0xffff;
	[tilespmem:s19+$0x60] =	vst v25  }
0x5c: {  	v10 =	vand.u32 $0x7F, v10;
	v1 =	vand.u32 $0xFFFFFE00, v1;
	v15 =	vld.idx.msk [tilespmem:v4+s10+$0x0], $0xffff;
	[tilespmem:s19+$0x70] =	vst v8  }
0x5d: {  	v1 =	vor.u32 v10, v1;
	[tilespmem:s19+$0x40] =	vst v12;
	v22 =	vld.idx.msk [tilespmem:v13+s10+$0x0], $0xffff  }
0x5e: {  	v8 =	vshll.u32 v17, $0x2;
	v12 =	vor.u32 $0x80, v5;
	v13 =	vld.idx.msk [tilespmem:v0+s10+$0x0], $0xffff;
	[tilespmem:s19+$0x90] =	vst v7  }
0x5f: {  	v10 =	vand.u32 $0xFFFFFE00, v8;
	v8 =	vor.u32 $0x80, v3;
	v7 =	vand.u32 $0x7F, v17;
	[tilespmem:s19+$0xB0] =	vst v16;
	v16 =	vld.idx.msk [tilespmem:v18+s10+$0x0], $0xffff  }
0x60: {  	v7 =	vor.u32 v7, v10;
	[tilespmem:s19+$0xD0] =	vst v11;
	v23 =	vld.idx.msk [tilespmem:v19+s10+$0x0], $0xffff  }
0x61: {  	v14 =	vor.u32 $0x80, v7;
	v11 =	vld.idx.msk [tilespmem:v2+s10+$0x0], $0xffff  }
.Ltmp0:
0x62: {  	[tilespmem:s22+$0xFFFFFF00] =	vst v15;
	v15 =	vor.u32 $0x80, v2;
	v17 =	vld.idx.msk [tilespmem:v5+s10+$0x0], $0xffff;
	(pc) =	sbr.rel @p0 .LBB2_2-.Ltmp0, $4  }
0x63: {  	v20 =	vor.u32 $0x80, v0;
	v10 =	vld.idx.msk [tilespmem:v1+s10+$0x0], $0xffff;
	[tilespmem:s19+$0xF0] =	vst v22  }
0x64: {  	v18 =	vld.idx.msk [tilespmem:v21+s10+$0x0], $0xffff;
	[tilespmem:s19+$0xA0] =	vst v9  }
0x65: {  	v19 =	vld.idx.msk [tilespmem:v7+s10+$0x0], $0xffff;
	[tilespmem:s19+$0xC0] =	vst v16  }
0x66: {  	s21 =	sadd.s32 $0x80, s21;
	v9 =	vor.u32 $0x80, v1;
	v16 =	vld.idx.msk [tilespmem:v6+s10+$0x0], $0xffff;
	[tilespmem:s19+$0xE0] =	vst v23;
	s19 =	smov.u32 s22  }
0x67: {  	_ =	sdelay $0x2  }
0x68: {  	[tilespmem:s19+$0xFFFFFF40] =	vst v13  }
0x69: {  	v13 =	vld.idx.msk [tilespmem:v3+s10+$0x0], $0xffff;
	[tilespmem:s19+$0xFFFFFF50] =	vst v17  }
0x6a: {  	[tilespmem:s19+$0xFFFFFF20] =	vst v11;
	v17 =	vld.idx.msk [tilespmem:v20+s10+$0x0], $0xffff;
	v20 =	vor.u32 $0x100, v4  }
0x6b: {  	[tilespmem:s19+$0xFFFFFF80] =	vst v18  }
0x6c: {  	v12 =	vld.idx.msk [tilespmem:v12+s10+$0x0], $0xffff;
	v18 =	vor.u32 $0x80, v6;
	[tilespmem:s19+$0xFFFFFF10] =	vst v19  }
0x6d: {  	[tilespmem:s19+$0xFFFFFF60] =	vst v10;
	v11 =	vld.idx.msk [tilespmem:v14+s10+$0x0], $0xffff  }
0x6e: {  	[tilespmem:s19+$0xFFFFFF70] =	vst v13;
	v13 =	vld.idx.msk [tilespmem:v15+s10+$0x0], $0xffff  }
0x6f: {  	v14 =	vor.u32 $0x100, v5;
	[tilespmem:s19+$0xFFFFFFC0] =	vst v17;
	v17 =	vld.idx.msk [tilespmem:v20+s10+$0x0], $0xffff  }
0x70: {  	v10 =	vor.u32 $0x100, v2;
	[tilespmem:s19+$0xFFFFFF30] =	vst v16;
	v8 =	vld.idx.msk [tilespmem:v8+s10+$0x0], $0xffff  }
0x71: {  	v16 =	vor.u32 $0x100, v7;
	[tilespmem:s19+$0xFFFFFFD0] =	vst v12;
	v15 =	vld.idx.msk [tilespmem:v18+s10+$0x0], $0xffff  }
0x72: {  	v4 =	vor.u32 $0x180, v4;
	[tilespmem:s19+$0xFFFFFF90] =	vst v11  }
0x73: {  	v9 =	vld.idx.msk [tilespmem:v9+s10+$0x0], $0xffff;
	v12 =	vor.u32 $0x100, v6;
	[tilespmem:s19+$0xFFFFFFA0] =	vst v13  }
0x74: {  	v11 =	vld.idx.msk [tilespmem:v14+s10+$0x0], $0xffff;
	v14 =	vor.u32 $0x100, v1;
	[tilespmem:s19+$0x0] =	vst v17  }
0x75: {  	v13 =	vor.u32 $0x100, v3;
	[tilespmem:s19+$0xFFFFFFF0] =	vst v8;
	v8 =	vld.idx.msk [tilespmem:v10+s10+$0x0], $0xffff  }
0x76: {  	v5 =	vor.u32 $0x180, v5;
	[tilespmem:s19+$0xFFFFFFB0] =	vst v15;
	v15 =	vld.idx.msk [tilespmem:v16+s10+$0x0], $0xffff  }
0x77: {  	v16 =	vor.u32 $0x100, v0;
	v4 =	vld.idx.msk [tilespmem:v4+s10+$0x0], $0xffff  }
0x78: {  	v2 =	vor.u32 $0x180, v2;
	[tilespmem:s19+$0xFFFFFFE0] =	vst v9;
	v12 =	vld.idx.msk [tilespmem:v12+s10+$0x0], $0xffff  }
0x79: {  	v7 =	vor.u32 $0x180, v7;
	[tilespmem:s19+$0x50] =	vst v11;
	v10 =	vld.idx.msk [tilespmem:v14+s10+$0x0], $0xffff  }
0x7a: {  	v6 =	vor.u32 $0x180, v6;
	v9 =	vld.idx.msk [tilespmem:v13+s10+$0x0], $0xffff;
	[tilespmem:s19+$0x20] =	vst v8  }
0x7b: {  	v1 =	vor.u32 $0x180, v1;
	v5 =	vld.idx.msk [tilespmem:v5+s10+$0x0], $0xffff;
	[tilespmem:s19+$0x10] =	vst v15  }
0x7c: {  	v3 =	vor.u32 $0x180, v3;
	v11 =	vld.idx.msk [tilespmem:v16+s10+$0x0], $0xffff;
	[tilespmem:s19+$0x80] =	vst v4  }
0x7d: {  	v0 =	vor.u32 $0x180, v0;
	v2 =	vld.idx.msk [tilespmem:v2+s10+$0x0], $0xffff;
	[tilespmem:s19+$0x30] =	vst v12  }
0x7e: {  	v7 =	vld.idx.msk [tilespmem:v7+s10+$0x0], $0xffff;
	[tilespmem:s19+$0x60] =	vst v10  }
0x7f: {  	v4 =	vld.idx.msk [tilespmem:v6+s10+$0x0], $0xffff;
	[tilespmem:s19+$0x70] =	vst v9  }
0x80: {  	v1 =	vld.idx.msk [tilespmem:v1+s10+$0x0], $0xffff;
	[tilespmem:s19+$0xD0] =	vst v5  }
0x81: {  	v3 =	vld.idx.msk [tilespmem:v3+s10+$0x0], $0xffff;
	[tilespmem:s19+$0x40] =	vst v11  }
0x82: {  	[tilespmem:s19+$0xA0] =	vst v2;
	v0 =	vld.idx.msk [tilespmem:v0+s10+$0x0], $0xffff  }
0x83: {  	[tilespmem:s19+$0x90] =	vst v7  }
0x84: {  	[tilespmem:s19+$0xB0] =	vst v4  }
0x85: {  	[tilespmem:s19+$0xE0] =	vst v1  }
0x86: {  	[tilespmem:s19+$0xF0] =	vst v3  }
0x87: {  	[tilespmem:s19+$0xC0] =	vst v0  }
0x88: {  	[hbm4b:s6+s9] =	stream.strided.scatter [tilespmem:s14], [sflag:$0x3], $0x4000, s8, s9, $0x38;
	[tilespmem:$0x19000] =	vst v63  }
0x89: {  	s19 =	rddreg [dreg:$0x6]  }
0x8a: {  	[tilespmem:s10], [sflag:$0x1] =	stream.strided.gather [hbm4b:s19+s9], $0x8000, s8, s9, $0x38;
	[tilespmem:$0x19000] =	vst v63  }
0x8b: {  	_ =	swait.ge [sflag:s15], $0x8000  }
0x8c: {  	[sflag:s15] =	ssyncset.done $0x0  }
0x8d: {  	s22 =	simm.s32 $0x40;
	[sflag:s15] =	ssyncadd.s32 $0xFFFF8000  }
0x8e: {  	v0 =	vld [tilespmem:s22+$0xFFFFFFC0]  }
0x8f: {  	v1 =	vld [tilespmem:s22+$0x10]  }
0x90: {  	v3 =	vld [tilespmem:s22+$0xFFFFFFE0]  }
0x91: {  	v2 =	vld [tilespmem:s22+$0x0];
	_ =	sdelay $0x1  }
0x92: {  	v6 =	vld [tilespmem:s22+$0x20]  }
0x93: {  	v7 =	vld [tilespmem:s22+$0xFFFFFFF0];
	v4 =	vshll.u32 v0, $0x2;
	v0 =	vand.u32 $0x7F, v0;
	v5 =	vshll.u32 v1, $0x2  }
0x94: {  	v1 =	vand.u32 $0x7F, v1;
	v9 =	vshll.u32 v3, $0x2;
	v4 =	vand.u32 $0xFFFFFE00, v4  }
0x95: {  	v8 =	vld [tilespmem:s22+$0xFFFFFFD0];
	v3 =	vand.u32 $0x7F, v3;
	v4 =	vor.u32 v0, v4;
	v0 =	vshll.u32 v2, $0x2  }
0x96: {  	v5 =	vand.u32 $0xFFFFFE00, v5;
	v2 =	vand.u32 $0x7F, v2;
	v0 =	vand.u32 $0xFFFFFE00, v0  }
0x97: {  	v5 =	vor.u32 v1, v5;
	v0 =	vor.u32 v2, v0;
	v2 =	vand.u32 $0xFFFFFE00, v9;
	v9 =	vld [tilespmem:s22+$0x30]  }
0x98: {  	v11 =	vand.u32 $0x7F, v7;
	v2 =	vor.u32 v3, v2;
	v3 =	vshll.u32 v6, $0x2  }
0x99: {  	v1 =	vand.u32 $0x7F, v6;
	v12 =	vor.u32 $0x80, v4;
	v3 =	vand.u32 $0xFFFFFE00, v3  }
0x9a: {  	v6 =	vshll.u32 v7, $0x2;
	v10 =	vld.idx.msk [tilespmem:v4+s11+$0x0], $0xffff;
	v1 =	vor.u32 v1, v3;
	v3 =	vshll.u32 v8, $0x2  }
0x9b: {  	v6 =	vand.u32 $0xFFFFFE00, v6;
	v8 =	vand.u32 $0x7F, v8;
	v3 =	vand.u32 $0xFFFFFE00, v3  }
0x9c: {  	v6 =	vor.u32 v11, v6;
	v17 =	vld.idx.msk [tilespmem:v5+s11+$0x0], $0xffff;
	v7 =	vor.u32 v8, v3;
	v3 =	vshll.u32 v9, $0x2  }
0x9d: {  	v13 =	vld.idx.msk [tilespmem:v0+s11+$0x0], $0xffff;
	v8 =	vand.u32 $0x7F, v9;
	v3 =	vand.u32 $0xFFFFFE00, v3  }
0x9e: {  	s19 =	simm.s32 $0x15100;
	v11 =	vld.idx.msk [tilespmem:v2+s11+$0x0], $0xffff;
	v3 =	vor.u32 v8, v3  }
0x9f: {  	v20 =	vor.u32 $0x80, v0;
	[tilespmem:s19+$0xFFFFFF00] =	vst v10;
	v10 =	vld.idx.msk [tilespmem:v1+s11+$0x0], $0xffff  }
0xa0: {  	v18 =	vld.idx.msk [tilespmem:v12+s11+$0x0], $0xffff;
	v12 =	vor.u32 $0x80, v5  }
0xa1: {  	v15 =	vor.u32 $0x80, v2;
	v16 =	vld.idx.msk [tilespmem:v6+s11+$0x0], $0xffff  }
0xa2: {  	s20 =	simm.s32 $0x0;
	s21 =	simm.s32 $0xC0;
	s22 =	simm.s32 $0x15100;
	v9 =	vor.u32 $0x80, v1;
	v14 =	vor.u32 $0x80, v7;
	v8 =	vor.u32 $0x80, v3;
	v19 =	vld.idx.msk [tilespmem:v7+s11+$0x0], $0xffff  }
.LBB2_4:
0xa3: {  	s20 =	sadd.s32 $0x8, s20;
	[tilespmem:s19+$0xFFFFFF40] =	vst v13;
	v13 =	vld.idx.msk [tilespmem:v3+s11+$0x0], $0xffff;
	s22 =	sadd.s32 $0x200, s22  }
0xa4: {  	p0 =	slt.u32 s20, $0xF8;
	v20 =	vld.idx.msk [tilespmem:v20+s11+$0x0], $0xffff;
	[tilespmem:s19+$0xFFFFFF50] =	vst v17  }
0xa5: {  	v17 =	vor.u32 $0x100, v4;
	v12 =	vld.idx.msk [tilespmem:v12+s11+$0x0], $0xffff  }
0xa6: {  	v21 =	vld [tilespmem:s21+$0x10];
	[tilespmem:s19+$0xFFFFFF80] =	vst v18  }
0xa7: {  	v18 =	vld [tilespmem:s21+$0xFFFFFFE0];
	[tilespmem:s19+$0xFFFFFF10] =	vst v19;
	v19 =	vor.u32 $0x80, v6  }
0xa8: {  	v14 =	vld.idx.msk [tilespmem:v14+s11+$0x0], $0xffff;
	[tilespmem:s19+$0xFFFFFF20] =	vst v11  }
0xa9: {  	v11 =	vld.idx.msk [tilespmem:v15+s11+$0x0], $0xffff;
	[tilespmem:s19+$0xFFFFFF70] =	vst v13  }
0xaa: {  	v13 =	vld.idx.msk [tilespmem:v17+s11+$0x0], $0xffff;
	[tilespmem:s19+$0xFFFFFFC0] =	vst v20  }
0xab: {  	v15 =	vld [tilespmem:s21+$0xFFFFFFF0];
	[tilespmem:s19+$0xFFFFFF30] =	vst v16  }
0xac: {  	v16 =	vld.idx.msk [tilespmem:v19+s11+$0x0], $0xffff;
	[tilespmem:s19+$0xFFFFFFD0] =	vst v12  }
0xad: {  	v12 =	vld [tilespmem:s21+$0xFFFFFFC0];
	[tilespmem:s19+$0xFFFFFF60] =	vst v10  }
0xae: {  	[tilespmem:s19+$0xFFFFFF90] =	vst v14;
	v8 =	vld.idx.msk [tilespmem:v8+s11+$0x0], $0xffff  }
0xaf: {  	v10 =	vld [tilespmem:s21+$0x20];
	[tilespmem:s19+$0xFFFFFFA0] =	vst v11;
	v11 =	vor.u32 $0x100, v5  }
0xb0: {  	v14 =	vld [tilespmem:s21+$0x30];
	[tilespmem:s19+$0x0] =	vst v13;
	v13 =	vor.u32 $0x100, v7  }
0xb1: {  	v19 =	vor.u32 $0x100, v6;
	v17 =	vld [tilespmem:s21+$0xFFFFFFD0]  }
0xb2: {  	v20 =	vor.u32 $0x180, v4;
	[tilespmem:s19+$0xFFFFFFB0] =	vst v16;
	v9 =	vld.idx.msk [tilespmem:v9+s11+$0x0], $0xffff  }
0xb3: {  	v22 =	vor.u32 $0x100, v2;
	v23 =	vor.u32 $0x180, v5;
	v5 =	vor.u32 $0x100, v1;
	v16 =	vld [tilespmem:s21+$0x0]  }
0xb4: {  	v24 =	vor.u32 $0x100, v0;
	v4 =	vshll.u32 v12, $0x2;
	v11 =	vld.idx.msk [tilespmem:v11+s11+$0x0], $0xffff;
	[tilespmem:s19+$0xFFFFFFF0] =	vst v8;
	v8 =	vor.u32 $0x100, v3  }
0xb5: {  	v4 =	vand.u32 $0xFFFFFE00, v4;
	v25 =	vand.u32 $0x7F, v14;
	v14 =	vshll.u32 v14, $0x2;
	v13 =	vld.idx.msk [tilespmem:v13+s11+$0x0], $0xffff  }
0xb6: {  	v6 =	vor.u32 $0x180, v6;
	v12 =	vand.u32 $0x7F, v12;
	v14 =	vand.u32 $0xFFFFFE00, v14;
	v19 =	vld.idx.msk [tilespmem:v19+s11+$0x0], $0xffff  }
0xb7: {  	v7 =	vor.u32 $0x180, v7;
	v4 =	vor.u32 v12, v4;
	v12 =	vshll.u32 v21, $0x2;
	v20 =	vld.idx.msk [tilespmem:v20+s11+$0x0], $0xffff  }
0xb8: {  	v26 =	vshll.u32 v15, $0x2;
	v14 =	vor.u32 v25, v14;
	v27 =	vshll.u32 v16, $0x2;
	v22 =	vld.idx.msk [tilespmem:v22+s11+$0x0], $0xffff;
	[tilespmem:s19+$0xFFFFFFE0] =	vst v9  }
0xb9: {  	v21 =	vand.u32 $0x7F, v21;
	v9 =	vand.u32 $0xFFFFFE00, v26;
	v16 =	vand.u32 $0x7F, v16;
	v25 =	vld.idx.msk [tilespmem:v5+s11+$0x0], $0xffff  }
0xba: {  	v12 =	vand.u32 $0xFFFFFE00, v12;
	v26 =	vor.u32 $0x180, v2;
	v5 =	vand.u32 $0xFFFFFE00, v27;
	[tilespmem:s19+$0x50] =	vst v11;
	v8 =	vld.idx.msk [tilespmem:v8+s11+$0x0], $0xffff  }
0xbb: {  	v2 =	vshll.u32 v18, $0x2;
	v11 =	vor.u32 v16, v5;
	v5 =	vor.u32 v21, v12;
	[tilespmem:s19+$0x10] =	vst v13;
	v12 =	vld.idx.msk [tilespmem:v24+s11+$0x0], $0xffff  }
0xbc: {  	v2 =	vand.u32 $0xFFFFFE00, v2;
	v13 =	vor.u32 $0x180, v3;
	v3 =	vmov v14;
	v7 =	vld.idx.msk [tilespmem:v7+s11+$0x0], $0xffff;
	[tilespmem:s19+$0x30] =	vst v19  }
0xbd: {  	v14 =	vand.u32 $0x7F, v18;
	v18 =	vor.u32 $0x180, v0;
	v0 =	vmovc v11;
	v19 =	vor.u32 $0x180, v1;
	[tilespmem:s19+$0x80] =	vst v20;
	v16 =	vld.idx.msk [tilespmem:v6+s11+$0x0], $0xffff  }
0xbe: {  	v21 =	vor.u32 $0x80, v4;
	v2 =	vor.u32 v14, v2;
	v1 =	vand.u32 $0x7F, v15;
	[tilespmem:s19+$0x20] =	vst v22;
	v11 =	vld.idx.msk [tilespmem:v23+s11+$0x0], $0xffff  }
0xbf: {  	v6 =	vor.u32 v1, v9;
	v1 =	vshll.u32 v10, $0x2;
	v9 =	vld.idx.msk [tilespmem:v26+s11+$0x0], $0xffff;
	[tilespmem:s19+$0x60] =	vst v25  }
0xc0: {  	v10 =	vand.u32 $0x7F, v10;
	v1 =	vand.u32 $0xFFFFFE00, v1;
	v15 =	vld.idx.msk [tilespmem:v4+s11+$0x0], $0xffff;
	[tilespmem:s19+$0x70] =	vst v8  }
0xc1: {  	v1 =	vor.u32 v10, v1;
	[tilespmem:s19+$0x40] =	vst v12;
	v22 =	vld.idx.msk [tilespmem:v13+s11+$0x0], $0xffff  }
0xc2: {  	v8 =	vshll.u32 v17, $0x2;
	v12 =	vor.u32 $0x80, v5;
	v13 =	vld.idx.msk [tilespmem:v0+s11+$0x0], $0xffff;
	[tilespmem:s19+$0x90] =	vst v7  }
0xc3: {  	v10 =	vand.u32 $0xFFFFFE00, v8;
	v8 =	vor.u32 $0x80, v3;
	v7 =	vand.u32 $0x7F, v17;
	[tilespmem:s19+$0xB0] =	vst v16;
	v16 =	vld.idx.msk [tilespmem:v18+s11+$0x0], $0xffff  }
0xc4: {  	v7 =	vor.u32 v7, v10;
	[tilespmem:s19+$0xD0] =	vst v11;
	v23 =	vld.idx.msk [tilespmem:v19+s11+$0x0], $0xffff  }
0xc5: {  	v14 =	vor.u32 $0x80, v7;
	v11 =	vld.idx.msk [tilespmem:v2+s11+$0x0], $0xffff  }
.Ltmp1:
0xc6: {  	[tilespmem:s22+$0xFFFFFF00] =	vst v15;
	v15 =	vor.u32 $0x80, v2;
	v17 =	vld.idx.msk [tilespmem:v5+s11+$0x0], $0xffff;
	(pc) =	sbr.rel @p0 .LBB2_4-.Ltmp1, $4  }
0xc7: {  	v20 =	vor.u32 $0x80, v0;
	v10 =	vld.idx.msk [tilespmem:v1+s11+$0x0], $0xffff;
	[tilespmem:s19+$0xF0] =	vst v22  }
0xc8: {  	v18 =	vld.idx.msk [tilespmem:v21+s11+$0x0], $0xffff;
	[tilespmem:s19+$0xA0] =	vst v9  }
0xc9: {  	v19 =	vld.idx.msk [tilespmem:v7+s11+$0x0], $0xffff;
	[tilespmem:s19+$0xC0] =	vst v16  }
0xca: {  	s21 =	sadd.s32 $0x80, s21;
	v9 =	vor.u32 $0x80, v1;
	v16 =	vld.idx.msk [tilespmem:v6+s11+$0x0], $0xffff;
	[tilespmem:s19+$0xE0] =	vst v23;
	s19 =	smov.u32 s22  }
0xcb: {  	_ =	sdelay $0x2  }
0xcc: {  	[tilespmem:s19+$0xFFFFFF40] =	vst v13  }
0xcd: {  	v13 =	vld.idx.msk [tilespmem:v3+s11+$0x0], $0xffff;
	[tilespmem:s19+$0xFFFFFF50] =	vst v17  }
0xce: {  	[tilespmem:s19+$0xFFFFFF20] =	vst v11;
	v17 =	vld.idx.msk [tilespmem:v20+s11+$0x0], $0xffff;
	v20 =	vor.u32 $0x100, v4  }
0xcf: {  	[tilespmem:s19+$0xFFFFFF80] =	vst v18  }
0xd0: {  	v12 =	vld.idx.msk [tilespmem:v12+s11+$0x0], $0xffff;
	v18 =	vor.u32 $0x80, v6;
	[tilespmem:s19+$0xFFFFFF10] =	vst v19  }
0xd1: {  	[tilespmem:s19+$0xFFFFFF60] =	vst v10;
	v11 =	vld.idx.msk [tilespmem:v14+s11+$0x0], $0xffff  }
0xd2: {  	[tilespmem:s19+$0xFFFFFF70] =	vst v13;
	v13 =	vld.idx.msk [tilespmem:v15+s11+$0x0], $0xffff  }
0xd3: {  	v14 =	vor.u32 $0x100, v5;
	[tilespmem:s19+$0xFFFFFFC0] =	vst v17;
	v17 =	vld.idx.msk [tilespmem:v20+s11+$0x0], $0xffff  }
0xd4: {  	v10 =	vor.u32 $0x100, v2;
	[tilespmem:s19+$0xFFFFFF30] =	vst v16;
	v8 =	vld.idx.msk [tilespmem:v8+s11+$0x0], $0xffff  }
0xd5: {  	v16 =	vor.u32 $0x100, v7;
	[tilespmem:s19+$0xFFFFFFD0] =	vst v12;
	v15 =	vld.idx.msk [tilespmem:v18+s11+$0x0], $0xffff  }
0xd6: {  	v4 =	vor.u32 $0x180, v4;
	[tilespmem:s19+$0xFFFFFF90] =	vst v11  }
0xd7: {  	v9 =	vld.idx.msk [tilespmem:v9+s11+$0x0], $0xffff;
	v12 =	vor.u32 $0x100, v6;
	[tilespmem:s19+$0xFFFFFFA0] =	vst v13  }
0xd8: {  	v11 =	vld.idx.msk [tilespmem:v14+s11+$0x0], $0xffff;
	v14 =	vor.u32 $0x100, v1;
	[tilespmem:s19+$0x0] =	vst v17  }
0xd9: {  	v13 =	vor.u32 $0x100, v3;
	[tilespmem:s19+$0xFFFFFFF0] =	vst v8;
	v8 =	vld.idx.msk [tilespmem:v10+s11+$0x0], $0xffff  }
0xda: {  	v5 =	vor.u32 $0x180, v5;
	[tilespmem:s19+$0xFFFFFFB0] =	vst v15;
	v15 =	vld.idx.msk [tilespmem:v16+s11+$0x0], $0xffff  }
0xdb: {  	v16 =	vor.u32 $0x100, v0;
	v4 =	vld.idx.msk [tilespmem:v4+s11+$0x0], $0xffff  }
0xdc: {  	v2 =	vor.u32 $0x180, v2;
	[tilespmem:s19+$0xFFFFFFE0] =	vst v9;
	v12 =	vld.idx.msk [tilespmem:v12+s11+$0x0], $0xffff  }
0xdd: {  	v7 =	vor.u32 $0x180, v7;
	[tilespmem:s19+$0x50] =	vst v11;
	v10 =	vld.idx.msk [tilespmem:v14+s11+$0x0], $0xffff  }
0xde: {  	v6 =	vor.u32 $0x180, v6;
	v9 =	vld.idx.msk [tilespmem:v13+s11+$0x0], $0xffff;
	[tilespmem:s19+$0x20] =	vst v8  }
0xdf: {  	v1 =	vor.u32 $0x180, v1;
	v5 =	vld.idx.msk [tilespmem:v5+s11+$0x0], $0xffff;
	[tilespmem:s19+$0x10] =	vst v15  }
0xe0: {  	v3 =	vor.u32 $0x180, v3;
	v11 =	vld.idx.msk [tilespmem:v16+s11+$0x0], $0xffff;
	[tilespmem:s19+$0x80] =	vst v4  }
0xe1: {  	v0 =	vor.u32 $0x180, v0;
	v2 =	vld.idx.msk [tilespmem:v2+s11+$0x0], $0xffff;
	[tilespmem:s19+$0x30] =	vst v12  }
0xe2: {  	v7 =	vld.idx.msk [tilespmem:v7+s11+$0x0], $0xffff;
	[tilespmem:s19+$0x60] =	vst v10  }
0xe3: {  	v4 =	vld.idx.msk [tilespmem:v6+s11+$0x0], $0xffff;
	[tilespmem:s19+$0x70] =	vst v9  }
0xe4: {  	v1 =	vld.idx.msk [tilespmem:v1+s11+$0x0], $0xffff;
	[tilespmem:s19+$0xD0] =	vst v5  }
0xe5: {  	v3 =	vld.idx.msk [tilespmem:v3+s11+$0x0], $0xffff;
	[tilespmem:s19+$0x40] =	vst v11  }
0xe6: {  	[tilespmem:s19+$0xA0] =	vst v2;
	v0 =	vld.idx.msk [tilespmem:v0+s11+$0x0], $0xffff  }
0xe7: {  	[tilespmem:s19+$0x90] =	vst v7  }
0xe8: {  	[tilespmem:s19+$0xB0] =	vst v4  }
0xe9: {  	[tilespmem:s19+$0xE0] =	vst v1  }
0xea: {  	[tilespmem:s19+$0xF0] =	vst v3  }
0xeb: {  	[tilespmem:s19+$0xC0] =	vst v0  }
0xec: {  	s19 =	rddreg [dreg:$0x7]  }
0xed: {  	[hbm4b:s19+s9] =	stream.strided.scatter [tilespmem:s16], [sflag:$0x4], $0x4000, s8, s9, $0x38;
	[tilespmem:$0x19000] =	vst v63  }
0xee: {  	s21 =	rddreg [dreg:$0x8]  }
0xef: {  	[tilespmem:s11], [sflag:$0x2] =	stream.strided.gather [hbm4b:s21+s9], $0x8000, s8, s9, $0x38;
	[tilespmem:$0x19000] =	vst v63  }
0xf0: {  	_ =	swait.ge [sflag:s12], $0x8000  }
0xf1: {  	[sflag:s12] =	ssyncset.done $0x0  }
0xf2: {  	[sflag:s12] =	ssyncadd.s32 $0xFFFF8000  }
0xf3: {  	_ =	swait.ge [sflag:s13], $0x4000  }
0xf4: {  	[sflag:s13] =	ssyncset.done $0x0  }
0xf5: {  	s22 =	simm.s32 $0x40;
	[sflag:s13] =	ssyncadd.s32 $0xFFFFC000  }
0xf6: {  	v0 =	vld [tilespmem:s22+$0xFFFFFFC0]  }
0xf7: {  	v1 =	vld [tilespmem:s22+$0x10]  }
0xf8: {  	v3 =	vld [tilespmem:s22+$0xFFFFFFE0]  }
0xf9: {  	v2 =	vld [tilespmem:s22+$0x0];
	_ =	sdelay $0x1  }
0xfa: {  	v6 =	vld [tilespmem:s22+$0x20]  }
0xfb: {  	v7 =	vld [tilespmem:s22+$0xFFFFFFF0];
	v4 =	vshll.u32 v0, $0x2;
	v0 =	vand.u32 $0x7F, v0;
	v5 =	vshll.u32 v1, $0x2  }
0xfc: {  	v1 =	vand.u32 $0x7F, v1;
	v9 =	vshll.u32 v3, $0x2;
	v4 =	vand.u32 $0xFFFFFE00, v4  }
0xfd: {  	v8 =	vld [tilespmem:s22+$0xFFFFFFD0];
	v3 =	vand.u32 $0x7F, v3;
	v4 =	vor.u32 v0, v4;
	v0 =	vshll.u32 v2, $0x2  }
0xfe: {  	v5 =	vand.u32 $0xFFFFFE00, v5;
	v2 =	vand.u32 $0x7F, v2;
	v0 =	vand.u32 $0xFFFFFE00, v0  }
0xff: {  	v5 =	vor.u32 v1, v5;
	v0 =	vor.u32 v2, v0;
	v2 =	vand.u32 $0xFFFFFE00, v9;
	v9 =	vld [tilespmem:s22+$0x30]  }
0x100: {  	v11 =	vand.u32 $0x7F, v7;
	v2 =	vor.u32 v3, v2;
	v3 =	vshll.u32 v6, $0x2  }
0x101: {  	v1 =	vand.u32 $0x7F, v6;
	v12 =	vor.u32 $0x80, v4;
	v3 =	vand.u32 $0xFFFFFE00, v3  }
0x102: {  	v6 =	vshll.u32 v7, $0x2;
	v10 =	vld.idx.msk [tilespmem:v4+s10+$0x0], $0xffff;
	v1 =	vor.u32 v1, v3;
	v3 =	vshll.u32 v8, $0x2  }
0x103: {  	v6 =	vand.u32 $0xFFFFFE00, v6;
	v8 =	vand.u32 $0x7F, v8;
	v3 =	vand.u32 $0xFFFFFE00, v3  }
0x104: {  	v6 =	vor.u32 v11, v6;
	v17 =	vld.idx.msk [tilespmem:v5+s10+$0x0], $0xffff;
	v7 =	vor.u32 v8, v3;
	v3 =	vshll.u32 v9, $0x2  }
0x105: {  	v13 =	vld.idx.msk [tilespmem:v0+s10+$0x0], $0xffff;
	v8 =	vand.u32 $0x7F, v9;
	v3 =	vand.u32 $0xFFFFFE00, v3  }
0x106: {  	s19 =	simm.s32 $0x11100;
	v11 =	vld.idx.msk [tilespmem:v2+s10+$0x0], $0xffff;
	v3 =	vor.u32 v8, v3  }
0x107: {  	v20 =	vor.u32 $0x80, v0;
	[tilespmem:s19+$0xFFFFFF00] =	vst v10;
	v10 =	vld.idx.msk [tilespmem:v1+s10+$0x0], $0xffff  }
0x108: {  	v18 =	vld.idx.msk [tilespmem:v12+s10+$0x0], $0xffff;
	v12 =	vor.u32 $0x80, v5  }
0x109: {  	v15 =	vor.u32 $0x80, v2;
	v16 =	vld.idx.msk [tilespmem:v6+s10+$0x0], $0xffff  }
0x10a: {  	s20 =	simm.s32 $0x0;
	s21 =	simm.s32 $0xC0;
	s22 =	simm.s32 $0x11100;
	v9 =	vor.u32 $0x80, v1;
	v14 =	vor.u32 $0x80, v7;
	v8 =	vor.u32 $0x80, v3;
	v19 =	vld.idx.msk [tilespmem:v7+s10+$0x0], $0xffff  }
.LBB2_6:
0x10b: {  	s20 =	sadd.s32 $0x8, s20;
	[tilespmem:s19+$0xFFFFFF40] =	vst v13;
	v13 =	vld.idx.msk [tilespmem:v3+s10+$0x0], $0xffff;
	s22 =	sadd.s32 $0x200, s22  }
0x10c: {  	p0 =	slt.u32 s20, $0xF8;
	v20 =	vld.idx.msk [tilespmem:v20+s10+$0x0], $0xffff;
	[tilespmem:s19+$0xFFFFFF50] =	vst v17  }
0x10d: {  	v17 =	vor.u32 $0x100, v4;
	v12 =	vld.idx.msk [tilespmem:v12+s10+$0x0], $0xffff  }
0x10e: {  	v21 =	vld [tilespmem:s21+$0x10];
	[tilespmem:s19+$0xFFFFFF80] =	vst v18  }
0x10f: {  	v18 =	vld [tilespmem:s21+$0xFFFFFFE0];
	[tilespmem:s19+$0xFFFFFF10] =	vst v19;
	v19 =	vor.u32 $0x80, v6  }
0x110: {  	v14 =	vld.idx.msk [tilespmem:v14+s10+$0x0], $0xffff;
	[tilespmem:s19+$0xFFFFFF20] =	vst v11  }
0x111: {  	v11 =	vld.idx.msk [tilespmem:v15+s10+$0x0], $0xffff;
	[tilespmem:s19+$0xFFFFFF70] =	vst v13  }
0x112: {  	v13 =	vld.idx.msk [tilespmem:v17+s10+$0x0], $0xffff;
	[tilespmem:s19+$0xFFFFFFC0] =	vst v20  }
0x113: {  	v15 =	vld [tilespmem:s21+$0xFFFFFFF0];
	[tilespmem:s19+$0xFFFFFF30] =	vst v16  }
0x114: {  	v16 =	vld.idx.msk [tilespmem:v19+s10+$0x0], $0xffff;
	[tilespmem:s19+$0xFFFFFFD0] =	vst v12  }
0x115: {  	v12 =	vld [tilespmem:s21+$0xFFFFFFC0];
	[tilespmem:s19+$0xFFFFFF60] =	vst v10  }
0x116: {  	[tilespmem:s19+$0xFFFFFF90] =	vst v14;
	v8 =	vld.idx.msk [tilespmem:v8+s10+$0x0], $0xffff  }
0x117: {  	v10 =	vld [tilespmem:s21+$0x20];
	[tilespmem:s19+$0xFFFFFFA0] =	vst v11;
	v11 =	vor.u32 $0x100, v5  }
0x118: {  	v14 =	vld [tilespmem:s21+$0x30];
	[tilespmem:s19+$0x0] =	vst v13;
	v13 =	vor.u32 $0x100, v7  }
0x119: {  	v19 =	vor.u32 $0x100, v6;
	v17 =	vld [tilespmem:s21+$0xFFFFFFD0]  }
0x11a: {  	v20 =	vor.u32 $0x180, v4;
	[tilespmem:s19+$0xFFFFFFB0] =	vst v16;
	v9 =	vld.idx.msk [tilespmem:v9+s10+$0x0], $0xffff  }
0x11b: {  	v22 =	vor.u32 $0x100, v2;
	v23 =	vor.u32 $0x180, v5;
	v5 =	vor.u32 $0x100, v1;
	v16 =	vld [tilespmem:s21+$0x0]  }
0x11c: {  	v24 =	vor.u32 $0x100, v0;
	v4 =	vshll.u32 v12, $0x2;
	v11 =	vld.idx.msk [tilespmem:v11+s10+$0x0], $0xffff;
	[tilespmem:s19+$0xFFFFFFF0] =	vst v8;
	v8 =	vor.u32 $0x100, v3  }
0x11d: {  	v4 =	vand.u32 $0xFFFFFE00, v4;
	v25 =	vand.u32 $0x7F, v14;
	v14 =	vshll.u32 v14, $0x2;
	v13 =	vld.idx.msk [tilespmem:v13+s10+$0x0], $0xffff  }
0x11e: {  	v6 =	vor.u32 $0x180, v6;
	v12 =	vand.u32 $0x7F, v12;
	v14 =	vand.u32 $0xFFFFFE00, v14;
	v19 =	vld.idx.msk [tilespmem:v19+s10+$0x0], $0xffff  }
0x11f: {  	v7 =	vor.u32 $0x180, v7;
	v4 =	vor.u32 v12, v4;
	v12 =	vshll.u32 v21, $0x2;
	v20 =	vld.idx.msk [tilespmem:v20+s10+$0x0], $0xffff  }
0x120: {  	v26 =	vshll.u32 v15, $0x2;
	v14 =	vor.u32 v25, v14;
	v27 =	vshll.u32 v16, $0x2;
	v22 =	vld.idx.msk [tilespmem:v22+s10+$0x0], $0xffff;
	[tilespmem:s19+$0xFFFFFFE0] =	vst v9  }
0x121: {  	v21 =	vand.u32 $0x7F, v21;
	v9 =	vand.u32 $0xFFFFFE00, v26;
	v16 =	vand.u32 $0x7F, v16;
	v25 =	vld.idx.msk [tilespmem:v5+s10+$0x0], $0xffff  }
0x122: {  	v12 =	vand.u32 $0xFFFFFE00, v12;
	v26 =	vor.u32 $0x180, v2;
	v5 =	vand.u32 $0xFFFFFE00, v27;
	[tilespmem:s19+$0x50] =	vst v11;
	v8 =	vld.idx.msk [tilespmem:v8+s10+$0x0], $0xffff  }
0x123: {  	v2 =	vshll.u32 v18, $0x2;
	v11 =	vor.u32 v16, v5;
	v5 =	vor.u32 v21, v12;
	[tilespmem:s19+$0x10] =	vst v13;
	v12 =	vld.idx.msk [tilespmem:v24+s10+$0x0], $0xffff  }
0x124: {  	v2 =	vand.u32 $0xFFFFFE00, v2;
	v13 =	vor.u32 $0x180, v3;
	v3 =	vmov v14;
	v7 =	vld.idx.msk [tilespmem:v7+s10+$0x0], $0xffff;
	[tilespmem:s19+$0x30] =	vst v19  }
0x125: {  	v14 =	vand.u32 $0x7F, v18;
	v18 =	vor.u32 $0x180, v0;
	v0 =	vmovc v11;
	v19 =	vor.u32 $0x180, v1;
	[tilespmem:s19+$0x80] =	vst v20;
	v16 =	vld.idx.msk [tilespmem:v6+s10+$0x0], $0xffff  }
0x126: {  	v21 =	vor.u32 $0x80, v4;
	v2 =	vor.u32 v14, v2;
	v1 =	vand.u32 $0x7F, v15;
	[tilespmem:s19+$0x20] =	vst v22;
	v11 =	vld.idx.msk [tilespmem:v23+s10+$0x0], $0xffff  }
0x127: {  	v6 =	vor.u32 v1, v9;
	v1 =	vshll.u32 v10, $0x2;
	v9 =	vld.idx.msk [tilespmem:v26+s10+$0x0], $0xffff;
	[tilespmem:s19+$0x60] =	vst v25  }
0x128: {  	v10 =	vand.u32 $0x7F, v10;
	v1 =	vand.u32 $0xFFFFFE00, v1;
	v15 =	vld.idx.msk [tilespmem:v4+s10+$0x0], $0xffff;
	[tilespmem:s19+$0x70] =	vst v8  }
0x129: {  	v1 =	vor.u32 v10, v1;
	[tilespmem:s19+$0x40] =	vst v12;
	v22 =	vld.idx.msk [tilespmem:v13+s10+$0x0], $0xffff  }
0x12a: {  	v8 =	vshll.u32 v17, $0x2;
	v12 =	vor.u32 $0x80, v5;
	v13 =	vld.idx.msk [tilespmem:v0+s10+$0x0], $0xffff;
	[tilespmem:s19+$0x90] =	vst v7  }
0x12b: {  	v10 =	vand.u32 $0xFFFFFE00, v8;
	v8 =	vor.u32 $0x80, v3;
	v7 =	vand.u32 $0x7F, v17;
	[tilespmem:s19+$0xB0] =	vst v16;
	v16 =	vld.idx.msk [tilespmem:v18+s10+$0x0], $0xffff  }
0x12c: {  	v7 =	vor.u32 v7, v10;
	[tilespmem:s19+$0xD0] =	vst v11;
	v23 =	vld.idx.msk [tilespmem:v19+s10+$0x0], $0xffff  }
0x12d: {  	v14 =	vor.u32 $0x80, v7;
	v11 =	vld.idx.msk [tilespmem:v2+s10+$0x0], $0xffff  }
.Ltmp2:
0x12e: {  	[tilespmem:s22+$0xFFFFFF00] =	vst v15;
	v15 =	vor.u32 $0x80, v2;
	v17 =	vld.idx.msk [tilespmem:v5+s10+$0x0], $0xffff;
	(pc) =	sbr.rel @p0 .LBB2_6-.Ltmp2, $4  }
0x12f: {  	v20 =	vor.u32 $0x80, v0;
	v10 =	vld.idx.msk [tilespmem:v1+s10+$0x0], $0xffff;
	[tilespmem:s19+$0xF0] =	vst v22  }
0x130: {  	v18 =	vld.idx.msk [tilespmem:v21+s10+$0x0], $0xffff;
	[tilespmem:s19+$0xA0] =	vst v9  }
0x131: {  	v19 =	vld.idx.msk [tilespmem:v7+s10+$0x0], $0xffff;
	[tilespmem:s19+$0xC0] =	vst v16  }
0x132: {  	s21 =	sadd.s32 $0x80, s21;
	v9 =	vor.u32 $0x80, v1;
	v16 =	vld.idx.msk [tilespmem:v6+s10+$0x0], $0xffff;
	[tilespmem:s19+$0xE0] =	vst v23;
	s19 =	smov.u32 s22  }
0x133: {  	_ =	sdelay $0x2  }
0x134: {  	[tilespmem:s19+$0xFFFFFF40] =	vst v13  }
0x135: {  	v13 =	vld.idx.msk [tilespmem:v3+s10+$0x0], $0xffff;
	[tilespmem:s19+$0xFFFFFF50] =	vst v17  }
0x136: {  	[tilespmem:s19+$0xFFFFFF20] =	vst v11;
	v17 =	vld.idx.msk [tilespmem:v20+s10+$0x0], $0xffff;
	v20 =	vor.u32 $0x100, v4  }
0x137: {  	[tilespmem:s19+$0xFFFFFF80] =	vst v18  }
0x138: {  	v12 =	vld.idx.msk [tilespmem:v12+s10+$0x0], $0xffff;
	v18 =	vor.u32 $0x80, v6;
	[tilespmem:s19+$0xFFFFFF10] =	vst v19  }
0x139: {  	[tilespmem:s19+$0xFFFFFF60] =	vst v10;
	v11 =	vld.idx.msk [tilespmem:v14+s10+$0x0], $0xffff  }
0x13a: {  	[tilespmem:s19+$0xFFFFFF70] =	vst v13;
	v13 =	vld.idx.msk [tilespmem:v15+s10+$0x0], $0xffff  }
0x13b: {  	v14 =	vor.u32 $0x100, v5;
	[tilespmem:s19+$0xFFFFFFC0] =	vst v17;
	v17 =	vld.idx.msk [tilespmem:v20+s10+$0x0], $0xffff  }
0x13c: {  	v10 =	vor.u32 $0x100, v2;
	[tilespmem:s19+$0xFFFFFF30] =	vst v16;
	v8 =	vld.idx.msk [tilespmem:v8+s10+$0x0], $0xffff  }
0x13d: {  	v16 =	vor.u32 $0x100, v7;
	[tilespmem:s19+$0xFFFFFFD0] =	vst v12;
	v15 =	vld.idx.msk [tilespmem:v18+s10+$0x0], $0xffff  }
0x13e: {  	v4 =	vor.u32 $0x180, v4;
	[tilespmem:s19+$0xFFFFFF90] =	vst v11  }
0x13f: {  	v9 =	vld.idx.msk [tilespmem:v9+s10+$0x0], $0xffff;
	v12 =	vor.u32 $0x100, v6;
	[tilespmem:s19+$0xFFFFFFA0] =	vst v13  }
0x140: {  	v11 =	vld.idx.msk [tilespmem:v14+s10+$0x0], $0xffff;
	v14 =	vor.u32 $0x100, v1;
	[tilespmem:s19+$0x0] =	vst v17  }
0x141: {  	v13 =	vor.u32 $0x100, v3;
	[tilespmem:s19+$0xFFFFFFF0] =	vst v8;
	v8 =	vld.idx.msk [tilespmem:v10+s10+$0x0], $0xffff  }
0x142: {  	v5 =	vor.u32 $0x180, v5;
	[tilespmem:s19+$0xFFFFFFB0] =	vst v15;
	v15 =	vld.idx.msk [tilespmem:v16+s10+$0x0], $0xffff  }
0x143: {  	v16 =	vor.u32 $0x100, v0;
	v4 =	vld.idx.msk [tilespmem:v4+s10+$0x0], $0xffff  }
0x144: {  	v2 =	vor.u32 $0x180, v2;
	[tilespmem:s19+$0xFFFFFFE0] =	vst v9;
	v12 =	vld.idx.msk [tilespmem:v12+s10+$0x0], $0xffff  }
0x145: {  	v7 =	vor.u32 $0x180, v7;
	[tilespmem:s19+$0x50] =	vst v11;
	v10 =	vld.idx.msk [tilespmem:v14+s10+$0x0], $0xffff  }
0x146: {  	v6 =	vor.u32 $0x180, v6;
	v9 =	vld.idx.msk [tilespmem:v13+s10+$0x0], $0xffff;
	[tilespmem:s19+$0x20] =	vst v8  }
0x147: {  	v1 =	vor.u32 $0x180, v1;
	v5 =	vld.idx.msk [tilespmem:v5+s10+$0x0], $0xffff;
	[tilespmem:s19+$0x10] =	vst v15  }
0x148: {  	v3 =	vor.u32 $0x180, v3;
	v11 =	vld.idx.msk [tilespmem:v16+s10+$0x0], $0xffff;
	[tilespmem:s19+$0x80] =	vst v4  }
0x149: {  	v0 =	vor.u32 $0x180, v0;
	v2 =	vld.idx.msk [tilespmem:v2+s10+$0x0], $0xffff;
	[tilespmem:s19+$0x30] =	vst v12  }
0x14a: {  	v7 =	vld.idx.msk [tilespmem:v7+s10+$0x0], $0xffff;
	[tilespmem:s19+$0x60] =	vst v10  }
0x14b: {  	v4 =	vld.idx.msk [tilespmem:v6+s10+$0x0], $0xffff;
	[tilespmem:s19+$0x70] =	vst v9  }
0x14c: {  	v1 =	vld.idx.msk [tilespmem:v1+s10+$0x0], $0xffff;
	[tilespmem:s19+$0xD0] =	vst v5  }
0x14d: {  	v3 =	vld.idx.msk [tilespmem:v3+s10+$0x0], $0xffff;
	[tilespmem:s19+$0x40] =	vst v11  }
0x14e: {  	[tilespmem:s19+$0xA0] =	vst v2;
	v0 =	vld.idx.msk [tilespmem:v0+s10+$0x0], $0xffff  }
0x14f: {  	[tilespmem:s19+$0x90] =	vst v7  }
0x150: {  	[tilespmem:s19+$0xB0] =	vst v4  }
0x151: {  	[tilespmem:s19+$0xE0] =	vst v1  }
0x152: {  	[tilespmem:s19+$0xF0] =	vst v3  }
0x153: {  	[tilespmem:s19+$0xC0] =	vst v0  }
0x154: {  	s19 =	rddreg [dreg:$0x9]  }
0x155: {  	[hbm4b:s19+s9] =	stream.strided.scatter [tilespmem:s14], [sflag:$0x3], $0x4000, s8, s9, $0x38;
	[tilespmem:$0x19000] =	vst v63  }
0x156: {  	s21 =	rddreg [dreg:$0xa]  }
0x157: {  	[tilespmem:s10], [sflag:$0x1] =	stream.strided.gather [hbm4b:s21+s9], $0x8000, s8, s9, $0x38;
	[tilespmem:$0x19000] =	vst v63  }
0x158: {  	_ =	swait.ge [sflag:s15], $0x8000  }
0x159: {  	[sflag:s15] =	ssyncset.done $0x0  }
0x15a: {  	[sflag:s15] =	ssyncadd.s32 $0xFFFF8000  }
0x15b: {  	_ =	swait.ge [sflag:s17], $0x4000  }
0x15c: {  	[sflag:s17] =	ssyncset.done $0x0  }
0x15d: {  	s22 =	simm.s32 $0x40;
	[sflag:s17] =	ssyncadd.s32 $0xFFFFC000  }
0x15e: {  	v0 =	vld [tilespmem:s22+$0xFFFFFFC0]  }
0x15f: {  	v1 =	vld [tilespmem:s22+$0x10]  }
0x160: {  	v3 =	vld [tilespmem:s22+$0xFFFFFFE0]  }
0x161: {  	v2 =	vld [tilespmem:s22+$0x0];
	_ =	sdelay $0x1  }
0x162: {  	v6 =	vld [tilespmem:s22+$0x20]  }
0x163: {  	v7 =	vld [tilespmem:s22+$0xFFFFFFF0];
	v4 =	vshll.u32 v0, $0x2;
	v0 =	vand.u32 $0x7F, v0;
	v5 =	vshll.u32 v1, $0x2  }
0x164: {  	v1 =	vand.u32 $0x7F, v1;
	v9 =	vshll.u32 v3, $0x2;
	v4 =	vand.u32 $0xFFFFFE00, v4  }
0x165: {  	v8 =	vld [tilespmem:s22+$0xFFFFFFD0];
	v3 =	vand.u32 $0x7F, v3;
	v4 =	vor.u32 v0, v4;
	v0 =	vshll.u32 v2, $0x2  }
0x166: {  	v5 =	vand.u32 $0xFFFFFE00, v5;
	v2 =	vand.u32 $0x7F, v2;
	v0 =	vand.u32 $0xFFFFFE00, v0  }
0x167: {  	v5 =	vor.u32 v1, v5;
	v0 =	vor.u32 v2, v0;
	v2 =	vand.u32 $0xFFFFFE00, v9;
	v9 =	vld [tilespmem:s22+$0x30]  }
0x168: {  	v11 =	vand.u32 $0x7F, v7;
	v2 =	vor.u32 v3, v2;
	v3 =	vshll.u32 v6, $0x2  }
0x169: {  	v1 =	vand.u32 $0x7F, v6;
	v12 =	vor.u32 $0x80, v4;
	v3 =	vand.u32 $0xFFFFFE00, v3  }
0x16a: {  	v6 =	vshll.u32 v7, $0x2;
	v10 =	vld.idx.msk [tilespmem:v4+s11+$0x0], $0xffff;
	v1 =	vor.u32 v1, v3;
	v3 =	vshll.u32 v8, $0x2  }
0x16b: {  	v6 =	vand.u32 $0xFFFFFE00, v6;
	v8 =	vand.u32 $0x7F, v8;
	v3 =	vand.u32 $0xFFFFFE00, v3  }
0x16c: {  	v6 =	vor.u32 v11, v6;
	v17 =	vld.idx.msk [tilespmem:v5+s11+$0x0], $0xffff;
	v7 =	vor.u32 v8, v3;
	v3 =	vshll.u32 v9, $0x2  }
0x16d: {  	v13 =	vld.idx.msk [tilespmem:v0+s11+$0x0], $0xffff;
	v8 =	vand.u32 $0x7F, v9;
	v3 =	vand.u32 $0xFFFFFE00, v3  }
0x16e: {  	s19 =	simm.s32 $0x15100;
	v11 =	vld.idx.msk [tilespmem:v2+s11+$0x0], $0xffff;
	v3 =	vor.u32 v8, v3  }
0x16f: {  	v20 =	vor.u32 $0x80, v0;
	[tilespmem:s19+$0xFFFFFF00] =	vst v10;
	v10 =	vld.idx.msk [tilespmem:v1+s11+$0x0], $0xffff  }
0x170: {  	v18 =	vld.idx.msk [tilespmem:v12+s11+$0x0], $0xffff;
	v12 =	vor.u32 $0x80, v5  }
0x171: {  	v15 =	vor.u32 $0x80, v2;
	v16 =	vld.idx.msk [tilespmem:v6+s11+$0x0], $0xffff  }
0x172: {  	s20 =	simm.s32 $0x0;
	s21 =	simm.s32 $0xC0;
	s22 =	simm.s32 $0x15100;
	v9 =	vor.u32 $0x80, v1;
	v14 =	vor.u32 $0x80, v7;
	v8 =	vor.u32 $0x80, v3;
	v19 =	vld.idx.msk [tilespmem:v7+s11+$0x0], $0xffff  }
.LBB2_8:
0x173: {  	s20 =	sadd.s32 $0x8, s20;
	[tilespmem:s19+$0xFFFFFF40] =	vst v13;
	v13 =	vld.idx.msk [tilespmem:v3+s11+$0x0], $0xffff;
	s22 =	sadd.s32 $0x200, s22  }
0x174: {  	p0 =	slt.u32 s20, $0xF8;
	v20 =	vld.idx.msk [tilespmem:v20+s11+$0x0], $0xffff;
	[tilespmem:s19+$0xFFFFFF50] =	vst v17  }
0x175: {  	v17 =	vor.u32 $0x100, v4;
	v12 =	vld.idx.msk [tilespmem:v12+s11+$0x0], $0xffff  }
0x176: {  	v21 =	vld [tilespmem:s21+$0x10];
	[tilespmem:s19+$0xFFFFFF80] =	vst v18  }
0x177: {  	v18 =	vld [tilespmem:s21+$0xFFFFFFE0];
	[tilespmem:s19+$0xFFFFFF10] =	vst v19;
	v19 =	vor.u32 $0x80, v6  }
0x178: {  	v14 =	vld.idx.msk [tilespmem:v14+s11+$0x0], $0xffff;
	[tilespmem:s19+$0xFFFFFF20] =	vst v11  }
0x179: {  	v11 =	vld.idx.msk [tilespmem:v15+s11+$0x0], $0xffff;
	[tilespmem:s19+$0xFFFFFF70] =	vst v13  }
0x17a: {  	v13 =	vld.idx.msk [tilespmem:v17+s11+$0x0], $0xffff;
	[tilespmem:s19+$0xFFFFFFC0] =	vst v20  }
0x17b: {  	v15 =	vld [tilespmem:s21+$0xFFFFFFF0];
	[tilespmem:s19+$0xFFFFFF30] =	vst v16  }
0x17c: {  	v16 =	vld.idx.msk [tilespmem:v19+s11+$0x0], $0xffff;
	[tilespmem:s19+$0xFFFFFFD0] =	vst v12  }
0x17d: {  	v12 =	vld [tilespmem:s21+$0xFFFFFFC0];
	[tilespmem:s19+$0xFFFFFF60] =	vst v10  }
0x17e: {  	[tilespmem:s19+$0xFFFFFF90] =	vst v14;
	v8 =	vld.idx.msk [tilespmem:v8+s11+$0x0], $0xffff  }
0x17f: {  	v10 =	vld [tilespmem:s21+$0x20];
	[tilespmem:s19+$0xFFFFFFA0] =	vst v11;
	v11 =	vor.u32 $0x100, v5  }
0x180: {  	v14 =	vld [tilespmem:s21+$0x30];
	[tilespmem:s19+$0x0] =	vst v13;
	v13 =	vor.u32 $0x100, v7  }
0x181: {  	v19 =	vor.u32 $0x100, v6;
	v17 =	vld [tilespmem:s21+$0xFFFFFFD0]  }
0x182: {  	v20 =	vor.u32 $0x180, v4;
	[tilespmem:s19+$0xFFFFFFB0] =	vst v16;
	v9 =	vld.idx.msk [tilespmem:v9+s11+$0x0], $0xffff  }
0x183: {  	v22 =	vor.u32 $0x100, v2;
	v23 =	vor.u32 $0x180, v5;
	v5 =	vor.u32 $0x100, v1;
	v16 =	vld [tilespmem:s21+$0x0]  }
0x184: {  	v24 =	vor.u32 $0x100, v0;
	v4 =	vshll.u32 v12, $0x2;
	v11 =	vld.idx.msk [tilespmem:v11+s11+$0x0], $0xffff;
	[tilespmem:s19+$0xFFFFFFF0] =	vst v8;
	v8 =	vor.u32 $0x100, v3  }
0x185: {  	v4 =	vand.u32 $0xFFFFFE00, v4;
	v25 =	vand.u32 $0x7F, v14;
	v14 =	vshll.u32 v14, $0x2;
	v13 =	vld.idx.msk [tilespmem:v13+s11+$0x0], $0xffff  }
0x186: {  	v6 =	vor.u32 $0x180, v6;
	v12 =	vand.u32 $0x7F, v12;
	v14 =	vand.u32 $0xFFFFFE00, v14;
	v19 =	vld.idx.msk [tilespmem:v19+s11+$0x0], $0xffff  }
0x187: {  	v7 =	vor.u32 $0x180, v7;
	v4 =	vor.u32 v12, v4;
	v12 =	vshll.u32 v21, $0x2;
	v20 =	vld.idx.msk [tilespmem:v20+s11+$0x0], $0xffff  }
0x188: {  	v26 =	vshll.u32 v15, $0x2;
	v14 =	vor.u32 v25, v14;
	v27 =	vshll.u32 v16, $0x2;
	v22 =	vld.idx.msk [tilespmem:v22+s11+$0x0], $0xffff;
	[tilespmem:s19+$0xFFFFFFE0] =	vst v9  }
0x189: {  	v21 =	vand.u32 $0x7F, v21;
	v9 =	vand.u32 $0xFFFFFE00, v26;
	v16 =	vand.u32 $0x7F, v16;
	v25 =	vld.idx.msk [tilespmem:v5+s11+$0x0], $0xffff  }
0x18a: {  	v12 =	vand.u32 $0xFFFFFE00, v12;
	v26 =	vor.u32 $0x180, v2;
	v5 =	vand.u32 $0xFFFFFE00, v27;
	[tilespmem:s19+$0x50] =	vst v11;
	v8 =	vld.idx.msk [tilespmem:v8+s11+$0x0], $0xffff  }
0x18b: {  	v2 =	vshll.u32 v18, $0x2;
	v11 =	vor.u32 v16, v5;
	v5 =	vor.u32 v21, v12;
	[tilespmem:s19+$0x10] =	vst v13;
	v12 =	vld.idx.msk [tilespmem:v24+s11+$0x0], $0xffff  }
0x18c: {  	v2 =	vand.u32 $0xFFFFFE00, v2;
	v13 =	vor.u32 $0x180, v3;
	v3 =	vmov v14;
	v7 =	vld.idx.msk [tilespmem:v7+s11+$0x0], $0xffff;
	[tilespmem:s19+$0x30] =	vst v19  }
0x18d: {  	v14 =	vand.u32 $0x7F, v18;
	v18 =	vor.u32 $0x180, v0;
	v0 =	vmovc v11;
	v19 =	vor.u32 $0x180, v1;
	[tilespmem:s19+$0x80] =	vst v20;
	v16 =	vld.idx.msk [tilespmem:v6+s11+$0x0], $0xffff  }
0x18e: {  	v21 =	vor.u32 $0x80, v4;
	v2 =	vor.u32 v14, v2;
	v1 =	vand.u32 $0x7F, v15;
	[tilespmem:s19+$0x20] =	vst v22;
	v11 =	vld.idx.msk [tilespmem:v23+s11+$0x0], $0xffff  }
0x18f: {  	v6 =	vor.u32 v1, v9;
	v1 =	vshll.u32 v10, $0x2;
	v9 =	vld.idx.msk [tilespmem:v26+s11+$0x0], $0xffff;
	[tilespmem:s19+$0x60] =	vst v25  }
0x190: {  	v10 =	vand.u32 $0x7F, v10;
	v1 =	vand.u32 $0xFFFFFE00, v1;
	v15 =	vld.idx.msk [tilespmem:v4+s11+$0x0], $0xffff;
	[tilespmem:s19+$0x70] =	vst v8  }
0x191: {  	v1 =	vor.u32 v10, v1;
	[tilespmem:s19+$0x40] =	vst v12;
	v22 =	vld.idx.msk [tilespmem:v13+s11+$0x0], $0xffff  }
0x192: {  	v8 =	vshll.u32 v17, $0x2;
	v12 =	vor.u32 $0x80, v5;
	v13 =	vld.idx.msk [tilespmem:v0+s11+$0x0], $0xffff;
	[tilespmem:s19+$0x90] =	vst v7  }
0x193: {  	v10 =	vand.u32 $0xFFFFFE00, v8;
	v8 =	vor.u32 $0x80, v3;
	v7 =	vand.u32 $0x7F, v17;
	[tilespmem:s19+$0xB0] =	vst v16;
	v16 =	vld.idx.msk [tilespmem:v18+s11+$0x0], $0xffff  }
0x194: {  	v7 =	vor.u32 v7, v10;
	[tilespmem:s19+$0xD0] =	vst v11;
	v23 =	vld.idx.msk [tilespmem:v19+s11+$0x0], $0xffff  }
0x195: {  	v14 =	vor.u32 $0x80, v7;
	v11 =	vld.idx.msk [tilespmem:v2+s11+$0x0], $0xffff  }
.Ltmp3:
0x196: {  	[tilespmem:s22+$0xFFFFFF00] =	vst v15;
	v15 =	vor.u32 $0x80, v2;
	v17 =	vld.idx.msk [tilespmem:v5+s11+$0x0], $0xffff;
	(pc) =	sbr.rel @p0 .LBB2_8-.Ltmp3, $4  }
0x197: {  	v20 =	vor.u32 $0x80, v0;
	v10 =	vld.idx.msk [tilespmem:v1+s11+$0x0], $0xffff;
	[tilespmem:s19+$0xF0] =	vst v22  }
0x198: {  	v18 =	vld.idx.msk [tilespmem:v21+s11+$0x0], $0xffff;
	[tilespmem:s19+$0xA0] =	vst v9  }
0x199: {  	v19 =	vld.idx.msk [tilespmem:v7+s11+$0x0], $0xffff;
	[tilespmem:s19+$0xC0] =	vst v16  }
0x19a: {  	s21 =	sadd.s32 $0x80, s21;
	v9 =	vor.u32 $0x80, v1;
	v16 =	vld.idx.msk [tilespmem:v6+s11+$0x0], $0xffff;
	[tilespmem:s19+$0xE0] =	vst v23;
	s19 =	smov.u32 s22  }
0x19b: {  	_ =	sdelay $0x2  }
0x19c: {  	[tilespmem:s19+$0xFFFFFF40] =	vst v13  }
0x19d: {  	v13 =	vld.idx.msk [tilespmem:v3+s11+$0x0], $0xffff;
	[tilespmem:s19+$0xFFFFFF50] =	vst v17  }
0x19e: {  	[tilespmem:s19+$0xFFFFFF20] =	vst v11;
	v17 =	vld.idx.msk [tilespmem:v20+s11+$0x0], $0xffff;
	v20 =	vor.u32 $0x100, v4  }
0x19f: {  	[tilespmem:s19+$0xFFFFFF80] =	vst v18  }
0x1a0: {  	v12 =	vld.idx.msk [tilespmem:v12+s11+$0x0], $0xffff;
	v18 =	vor.u32 $0x80, v6;
	[tilespmem:s19+$0xFFFFFF10] =	vst v19  }
0x1a1: {  	[tilespmem:s19+$0xFFFFFF60] =	vst v10;
	v11 =	vld.idx.msk [tilespmem:v14+s11+$0x0], $0xffff  }
0x1a2: {  	[tilespmem:s19+$0xFFFFFF70] =	vst v13;
	v13 =	vld.idx.msk [tilespmem:v15+s11+$0x0], $0xffff  }
0x1a3: {  	v14 =	vor.u32 $0x100, v5;
	[tilespmem:s19+$0xFFFFFFC0] =	vst v17;
	v17 =	vld.idx.msk [tilespmem:v20+s11+$0x0], $0xffff  }
0x1a4: {  	v10 =	vor.u32 $0x100, v2;
	[tilespmem:s19+$0xFFFFFF30] =	vst v16;
	v8 =	vld.idx.msk [tilespmem:v8+s11+$0x0], $0xffff  }
0x1a5: {  	v16 =	vor.u32 $0x100, v7;
	[tilespmem:s19+$0xFFFFFFD0] =	vst v12;
	v15 =	vld.idx.msk [tilespmem:v18+s11+$0x0], $0xffff  }
0x1a6: {  	v4 =	vor.u32 $0x180, v4;
	[tilespmem:s19+$0xFFFFFF90] =	vst v11  }
0x1a7: {  	v9 =	vld.idx.msk [tilespmem:v9+s11+$0x0], $0xffff;
	v12 =	vor.u32 $0x100, v6;
	[tilespmem:s19+$0xFFFFFFA0] =	vst v13  }
0x1a8: {  	v11 =	vld.idx.msk [tilespmem:v14+s11+$0x0], $0xffff;
	v14 =	vor.u32 $0x100, v1;
	[tilespmem:s19+$0x0] =	vst v17  }
0x1a9: {  	v13 =	vor.u32 $0x100, v3;
	[tilespmem:s19+$0xFFFFFFF0] =	vst v8;
	v8 =	vld.idx.msk [tilespmem:v10+s11+$0x0], $0xffff  }
0x1aa: {  	v5 =	vor.u32 $0x180, v5;
	[tilespmem:s19+$0xFFFFFFB0] =	vst v15;
	v15 =	vld.idx.msk [tilespmem:v16+s11+$0x0], $0xffff  }
0x1ab: {  	v16 =	vor.u32 $0x100, v0;
	v4 =	vld.idx.msk [tilespmem:v4+s11+$0x0], $0xffff  }
0x1ac: {  	v2 =	vor.u32 $0x180, v2;
	[tilespmem:s19+$0xFFFFFFE0] =	vst v9;
	v12 =	vld.idx.msk [tilespmem:v12+s11+$0x0], $0xffff  }
0x1ad: {  	v7 =	vor.u32 $0x180, v7;
	[tilespmem:s19+$0x50] =	vst v11;
	v10 =	vld.idx.msk [tilespmem:v14+s11+$0x0], $0xffff  }
0x1ae: {  	v6 =	vor.u32 $0x180, v6;
	v9 =	vld.idx.msk [tilespmem:v13+s11+$0x0], $0xffff;
	[tilespmem:s19+$0x20] =	vst v8  }
0x1af: {  	v1 =	vor.u32 $0x180, v1;
	v5 =	vld.idx.msk [tilespmem:v5+s11+$0x0], $0xffff;
	[tilespmem:s19+$0x10] =	vst v15  }
0x1b0: {  	v3 =	vor.u32 $0x180, v3;
	v11 =	vld.idx.msk [tilespmem:v16+s11+$0x0], $0xffff;
	[tilespmem:s19+$0x80] =	vst v4  }
0x1b1: {  	v0 =	vor.u32 $0x180, v0;
	v2 =	vld.idx.msk [tilespmem:v2+s11+$0x0], $0xffff;
	[tilespmem:s19+$0x30] =	vst v12  }
0x1b2: {  	v7 =	vld.idx.msk [tilespmem:v7+s11+$0x0], $0xffff;
	[tilespmem:s19+$0x60] =	vst v10  }
0x1b3: {  	v4 =	vld.idx.msk [tilespmem:v6+s11+$0x0], $0xffff;
	[tilespmem:s19+$0x70] =	vst v9  }
0x1b4: {  	v1 =	vld.idx.msk [tilespmem:v1+s11+$0x0], $0xffff;
	[tilespmem:s19+$0xD0] =	vst v5  }
0x1b5: {  	v3 =	vld.idx.msk [tilespmem:v3+s11+$0x0], $0xffff;
	[tilespmem:s19+$0x40] =	vst v11  }
0x1b6: {  	[tilespmem:s19+$0xA0] =	vst v2;
	v0 =	vld.idx.msk [tilespmem:v0+s11+$0x0], $0xffff  }
0x1b7: {  	[tilespmem:s19+$0x90] =	vst v7  }
0x1b8: {  	[tilespmem:s19+$0xB0] =	vst v4  }
0x1b9: {  	[tilespmem:s19+$0xE0] =	vst v1  }
0x1ba: {  	[tilespmem:s19+$0xF0] =	vst v3  }
0x1bb: {  	[tilespmem:s19+$0xC0] =	vst v0  }
0x1bc: {  	s19 =	rddreg [dreg:$0xb]  }
0x1bd: {  	[hbm4b:s19+s9] =	stream.strided.scatter [tilespmem:s16], [sflag:$0x4], $0x4000, s8, s9, $0x38;
	[tilespmem:$0x19000] =	vst v63  }
0x1be: {  	s21 =	rddreg [dreg:$0xc]  }
0x1bf: {  	[tilespmem:s11], [sflag:$0x2] =	stream.strided.gather [hbm4b:s21+s9], $0x8000, s8, s9, $0x38;
	[tilespmem:$0x19000] =	vst v63  }
0x1c0: {  	_ =	swait.ge [sflag:s12], $0x8000  }
0x1c1: {  	[sflag:s12] =	ssyncset.done $0x0  }
0x1c2: {  	[sflag:s12] =	ssyncadd.s32 $0xFFFF8000  }
0x1c3: {  	_ =	swait.ge [sflag:s13], $0x4000  }
0x1c4: {  	[sflag:s13] =	ssyncset.done $0x0  }
0x1c5: {  	s22 =	simm.s32 $0x40;
	[sflag:s13] =	ssyncadd.s32 $0xFFFFC000  }
0x1c6: {  	v0 =	vld [tilespmem:s22+$0xFFFFFFC0]  }
0x1c7: {  	v1 =	vld [tilespmem:s22+$0x10]  }
0x1c8: {  	v3 =	vld [tilespmem:s22+$0xFFFFFFE0]  }
0x1c9: {  	v2 =	vld [tilespmem:s22+$0x0];
	_ =	sdelay $0x1  }
0x1ca: {  	v6 =	vld [tilespmem:s22+$0x20]  }
0x1cb: {  	v7 =	vld [tilespmem:s22+$0xFFFFFFF0];
	v4 =	vshll.u32 v0, $0x2;
	v0 =	vand.u32 $0x7F, v0;
	v5 =	vshll.u32 v1, $0x2  }
0x1cc: {  	v1 =	vand.u32 $0x7F, v1;
	v9 =	vshll.u32 v3, $0x2;
	v4 =	vand.u32 $0xFFFFFE00, v4  }
0x1cd: {  	v8 =	vld [tilespmem:s22+$0xFFFFFFD0];
	v3 =	vand.u32 $0x7F, v3;
	v4 =	vor.u32 v0, v4;
	v0 =	vshll.u32 v2, $0x2  }
0x1ce: {  	v5 =	vand.u32 $0xFFFFFE00, v5;
	v2 =	vand.u32 $0x7F, v2;
	v0 =	vand.u32 $0xFFFFFE00, v0  }
0x1cf: {  	v5 =	vor.u32 v1, v5;
	v0 =	vor.u32 v2, v0;
	v2 =	vand.u32 $0xFFFFFE00, v9;
	v9 =	vld [tilespmem:s22+$0x30]  }
0x1d0: {  	v11 =	vand.u32 $0x7F, v7;
	v2 =	vor.u32 v3, v2;
	v3 =	vshll.u32 v6, $0x2  }
0x1d1: {  	v1 =	vand.u32 $0x7F, v6;
	v12 =	vor.u32 $0x80, v4;
	v3 =	vand.u32 $0xFFFFFE00, v3  }
0x1d2: {  	v6 =	vshll.u32 v7, $0x2;
	v10 =	vld.idx.msk [tilespmem:v4+s10+$0x0], $0xffff;
	v1 =	vor.u32 v1, v3;
	v3 =	vshll.u32 v8, $0x2  }
0x1d3: {  	v6 =	vand.u32 $0xFFFFFE00, v6;
	v8 =	vand.u32 $0x7F, v8;
	v3 =	vand.u32 $0xFFFFFE00, v3  }
0x1d4: {  	v6 =	vor.u32 v11, v6;
	v17 =	vld.idx.msk [tilespmem:v5+s10+$0x0], $0xffff;
	v7 =	vor.u32 v8, v3;
	v3 =	vshll.u32 v9, $0x2  }
0x1d5: {  	v13 =	vld.idx.msk [tilespmem:v0+s10+$0x0], $0xffff;
	v8 =	vand.u32 $0x7F, v9;
	v3 =	vand.u32 $0xFFFFFE00, v3  }
0x1d6: {  	s19 =	simm.s32 $0x11100;
	v11 =	vld.idx.msk [tilespmem:v2+s10+$0x0], $0xffff;
	v3 =	vor.u32 v8, v3  }
0x1d7: {  	v20 =	vor.u32 $0x80, v0;
	[tilespmem:s19+$0xFFFFFF00] =	vst v10;
	v10 =	vld.idx.msk [tilespmem:v1+s10+$0x0], $0xffff  }
0x1d8: {  	v18 =	vld.idx.msk [tilespmem:v12+s10+$0x0], $0xffff;
	v12 =	vor.u32 $0x80, v5  }
0x1d9: {  	v15 =	vor.u32 $0x80, v2;
	v16 =	vld.idx.msk [tilespmem:v6+s10+$0x0], $0xffff  }
0x1da: {  	s20 =	simm.s32 $0x0;
	s21 =	simm.s32 $0xC0;
	s22 =	simm.s32 $0x11100;
	v9 =	vor.u32 $0x80, v1;
	v14 =	vor.u32 $0x80, v7;
	v8 =	vor.u32 $0x80, v3;
	v19 =	vld.idx.msk [tilespmem:v7+s10+$0x0], $0xffff  }
.LBB2_10:
0x1db: {  	s20 =	sadd.s32 $0x8, s20;
	[tilespmem:s19+$0xFFFFFF40] =	vst v13;
	v13 =	vld.idx.msk [tilespmem:v3+s10+$0x0], $0xffff;
	s22 =	sadd.s32 $0x200, s22  }
0x1dc: {  	p0 =	slt.u32 s20, $0xF8;
	v20 =	vld.idx.msk [tilespmem:v20+s10+$0x0], $0xffff;
	[tilespmem:s19+$0xFFFFFF50] =	vst v17  }
0x1dd: {  	v17 =	vor.u32 $0x100, v4;
	v12 =	vld.idx.msk [tilespmem:v12+s10+$0x0], $0xffff  }
0x1de: {  	v21 =	vld [tilespmem:s21+$0x10];
	[tilespmem:s19+$0xFFFFFF80] =	vst v18  }
0x1df: {  	v18 =	vld [tilespmem:s21+$0xFFFFFFE0];
	[tilespmem:s19+$0xFFFFFF10] =	vst v19;
	v19 =	vor.u32 $0x80, v6  }
0x1e0: {  	v14 =	vld.idx.msk [tilespmem:v14+s10+$0x0], $0xffff;
	[tilespmem:s19+$0xFFFFFF20] =	vst v11  }
0x1e1: {  	v11 =	vld.idx.msk [tilespmem:v15+s10+$0x0], $0xffff;
	[tilespmem:s19+$0xFFFFFF70] =	vst v13  }
0x1e2: {  	v13 =	vld.idx.msk [tilespmem:v17+s10+$0x0], $0xffff;
	[tilespmem:s19+$0xFFFFFFC0] =	vst v20  }
0x1e3: {  	v15 =	vld [tilespmem:s21+$0xFFFFFFF0];
	[tilespmem:s19+$0xFFFFFF30] =	vst v16  }
0x1e4: {  	v16 =	vld.idx.msk [tilespmem:v19+s10+$0x0], $0xffff;
	[tilespmem:s19+$0xFFFFFFD0] =	vst v12  }
0x1e5: {  	v12 =	vld [tilespmem:s21+$0xFFFFFFC0];
	[tilespmem:s19+$0xFFFFFF60] =	vst v10  }
0x1e6: {  	[tilespmem:s19+$0xFFFFFF90] =	vst v14;
	v8 =	vld.idx.msk [tilespmem:v8+s10+$0x0], $0xffff  }
0x1e7: {  	v10 =	vld [tilespmem:s21+$0x20];
	[tilespmem:s19+$0xFFFFFFA0] =	vst v11;
	v11 =	vor.u32 $0x100, v5  }
0x1e8: {  	v14 =	vld [tilespmem:s21+$0x30];
	[tilespmem:s19+$0x0] =	vst v13;
	v13 =	vor.u32 $0x100, v7  }
0x1e9: {  	v19 =	vor.u32 $0x100, v6;
	v17 =	vld [tilespmem:s21+$0xFFFFFFD0]  }
0x1ea: {  	v20 =	vor.u32 $0x180, v4;
	[tilespmem:s19+$0xFFFFFFB0] =	vst v16;
	v9 =	vld.idx.msk [tilespmem:v9+s10+$0x0], $0xffff  }
0x1eb: {  	v22 =	vor.u32 $0x100, v2;
	v23 =	vor.u32 $0x180, v5;
	v5 =	vor.u32 $0x100, v1;
	v16 =	vld [tilespmem:s21+$0x0]  }
0x1ec: {  	v24 =	vor.u32 $0x100, v0;
	v4 =	vshll.u32 v12, $0x2;
	v11 =	vld.idx.msk [tilespmem:v11+s10+$0x0], $0xffff;
	[tilespmem:s19+$0xFFFFFFF0] =	vst v8;
	v8 =	vor.u32 $0x100, v3  }
0x1ed: {  	v4 =	vand.u32 $0xFFFFFE00, v4;
	v25 =	vand.u32 $0x7F, v14;
	v14 =	vshll.u32 v14, $0x2;
	v13 =	vld.idx.msk [tilespmem:v13+s10+$0x0], $0xffff  }
0x1ee: {  	v6 =	vor.u32 $0x180, v6;
	v12 =	vand.u32 $0x7F, v12;
	v14 =	vand.u32 $0xFFFFFE00, v14;
	v19 =	vld.idx.msk [tilespmem:v19+s10+$0x0], $0xffff  }
0x1ef: {  	v7 =	vor.u32 $0x180, v7;
	v4 =	vor.u32 v12, v4;
	v12 =	vshll.u32 v21, $0x2;
	v20 =	vld.idx.msk [tilespmem:v20+s10+$0x0], $0xffff  }
0x1f0: {  	v26 =	vshll.u32 v15, $0x2;
	v14 =	vor.u32 v25, v14;
	v27 =	vshll.u32 v16, $0x2;
	v22 =	vld.idx.msk [tilespmem:v22+s10+$0x0], $0xffff;
	[tilespmem:s19+$0xFFFFFFE0] =	vst v9  }
0x1f1: {  	v21 =	vand.u32 $0x7F, v21;
	v9 =	vand.u32 $0xFFFFFE00, v26;
	v16 =	vand.u32 $0x7F, v16;
	v25 =	vld.idx.msk [tilespmem:v5+s10+$0x0], $0xffff  }
0x1f2: {  	v12 =	vand.u32 $0xFFFFFE00, v12;
	v26 =	vor.u32 $0x180, v2;
	v5 =	vand.u32 $0xFFFFFE00, v27;
	[tilespmem:s19+$0x50] =	vst v11;
	v8 =	vld.idx.msk [tilespmem:v8+s10+$0x0], $0xffff  }
0x1f3: {  	v2 =	vshll.u32 v18, $0x2;
	v11 =	vor.u32 v16, v5;
	v5 =	vor.u32 v21, v12;
	[tilespmem:s19+$0x10] =	vst v13;
	v12 =	vld.idx.msk [tilespmem:v24+s10+$0x0], $0xffff  }
0x1f4: {  	v2 =	vand.u32 $0xFFFFFE00, v2;
	v13 =	vor.u32 $0x180, v3;
	v3 =	vmov v14;
	v7 =	vld.idx.msk [tilespmem:v7+s10+$0x0], $0xffff;
	[tilespmem:s19+$0x30] =	vst v19  }
0x1f5: {  	v14 =	vand.u32 $0x7F, v18;
	v18 =	vor.u32 $0x180, v0;
	v0 =	vmovc v11;
	v19 =	vor.u32 $0x180, v1;
	[tilespmem:s19+$0x80] =	vst v20;
	v16 =	vld.idx.msk [tilespmem:v6+s10+$0x0], $0xffff  }
0x1f6: {  	v21 =	vor.u32 $0x80, v4;
	v2 =	vor.u32 v14, v2;
	v1 =	vand.u32 $0x7F, v15;
	[tilespmem:s19+$0x20] =	vst v22;
	v11 =	vld.idx.msk [tilespmem:v23+s10+$0x0], $0xffff  }
0x1f7: {  	v6 =	vor.u32 v1, v9;
	v1 =	vshll.u32 v10, $0x2;
	v9 =	vld.idx.msk [tilespmem:v26+s10+$0x0], $0xffff;
	[tilespmem:s19+$0x60] =	vst v25  }
0x1f8: {  	v10 =	vand.u32 $0x7F, v10;
	v1 =	vand.u32 $0xFFFFFE00, v1;
	v15 =	vld.idx.msk [tilespmem:v4+s10+$0x0], $0xffff;
	[tilespmem:s19+$0x70] =	vst v8  }
0x1f9: {  	v1 =	vor.u32 v10, v1;
	[tilespmem:s19+$0x40] =	vst v12;
	v22 =	vld.idx.msk [tilespmem:v13+s10+$0x0], $0xffff  }
0x1fa: {  	v8 =	vshll.u32 v17, $0x2;
	v12 =	vor.u32 $0x80, v5;
	v13 =	vld.idx.msk [tilespmem:v0+s10+$0x0], $0xffff;
	[tilespmem:s19+$0x90] =	vst v7  }
0x1fb: {  	v10 =	vand.u32 $0xFFFFFE00, v8;
	v8 =	vor.u32 $0x80, v3;
	v7 =	vand.u32 $0x7F, v17;
	[tilespmem:s19+$0xB0] =	vst v16;
	v16 =	vld.idx.msk [tilespmem:v18+s10+$0x0], $0xffff  }
0x1fc: {  	v7 =	vor.u32 v7, v10;
	[tilespmem:s19+$0xD0] =	vst v11;
	v23 =	vld.idx.msk [tilespmem:v19+s10+$0x0], $0xffff  }
0x1fd: {  	v14 =	vor.u32 $0x80, v7;
	v11 =	vld.idx.msk [tilespmem:v2+s10+$0x0], $0xffff  }
.Ltmp4:
0x1fe: {  	[tilespmem:s22+$0xFFFFFF00] =	vst v15;
	v15 =	vor.u32 $0x80, v2;
	v17 =	vld.idx.msk [tilespmem:v5+s10+$0x0], $0xffff;
	(pc) =	sbr.rel @p0 .LBB2_10-.Ltmp4, $4  }
0x1ff: {  	v20 =	vor.u32 $0x80, v0;
	v10 =	vld.idx.msk [tilespmem:v1+s10+$0x0], $0xffff;
	[tilespmem:s19+$0xF0] =	vst v22  }
0x200: {  	v18 =	vld.idx.msk [tilespmem:v21+s10+$0x0], $0xffff;
	[tilespmem:s19+$0xA0] =	vst v9  }
0x201: {  	v19 =	vld.idx.msk [tilespmem:v7+s10+$0x0], $0xffff;
	[tilespmem:s19+$0xC0] =	vst v16  }
0x202: {  	s21 =	sadd.s32 $0x80, s21;
	v9 =	vor.u32 $0x80, v1;
	v16 =	vld.idx.msk [tilespmem:v6+s10+$0x0], $0xffff;
	[tilespmem:s19+$0xE0] =	vst v23;
	s19 =	smov.u32 s22  }
0x203: {  	_ =	sdelay $0x2  }
0x204: {  	[tilespmem:s19+$0xFFFFFF40] =	vst v13  }
0x205: {  	v13 =	vld.idx.msk [tilespmem:v3+s10+$0x0], $0xffff;
	[tilespmem:s19+$0xFFFFFF50] =	vst v17  }
0x206: {  	[tilespmem:s19+$0xFFFFFF20] =	vst v11;
	v17 =	vld.idx.msk [tilespmem:v20+s10+$0x0], $0xffff;
	v20 =	vor.u32 $0x100, v4  }
0x207: {  	[tilespmem:s19+$0xFFFFFF80] =	vst v18  }
0x208: {  	v12 =	vld.idx.msk [tilespmem:v12+s10+$0x0], $0xffff;
	v18 =	vor.u32 $0x80, v6;
	[tilespmem:s19+$0xFFFFFF10] =	vst v19  }
0x209: {  	[tilespmem:s19+$0xFFFFFF60] =	vst v10;
	v11 =	vld.idx.msk [tilespmem:v14+s10+$0x0], $0xffff  }
0x20a: {  	[tilespmem:s19+$0xFFFFFF70] =	vst v13;
	v13 =	vld.idx.msk [tilespmem:v15+s10+$0x0], $0xffff  }
0x20b: {  	v14 =	vor.u32 $0x100, v5;
	[tilespmem:s19+$0xFFFFFFC0] =	vst v17;
	v17 =	vld.idx.msk [tilespmem:v20+s10+$0x0], $0xffff  }
0x20c: {  	v10 =	vor.u32 $0x100, v2;
	[tilespmem:s19+$0xFFFFFF30] =	vst v16;
	v8 =	vld.idx.msk [tilespmem:v8+s10+$0x0], $0xffff  }
0x20d: {  	v16 =	vor.u32 $0x100, v7;
	[tilespmem:s19+$0xFFFFFFD0] =	vst v12;
	v15 =	vld.idx.msk [tilespmem:v18+s10+$0x0], $0xffff  }
0x20e: {  	v4 =	vor.u32 $0x180, v4;
	[tilespmem:s19+$0xFFFFFF90] =	vst v11  }
0x20f: {  	v9 =	vld.idx.msk [tilespmem:v9+s10+$0x0], $0xffff;
	v12 =	vor.u32 $0x100, v6;
	[tilespmem:s19+$0xFFFFFFA0] =	vst v13  }
0x210: {  	v11 =	vld.idx.msk [tilespmem:v14+s10+$0x0], $0xffff;
	v14 =	vor.u32 $0x100, v1;
	[tilespmem:s19+$0x0] =	vst v17  }
0x211: {  	v13 =	vor.u32 $0x100, v3;
	[tilespmem:s19+$0xFFFFFFF0] =	vst v8;
	v8 =	vld.idx.msk [tilespmem:v10+s10+$0x0], $0xffff  }
0x212: {  	v5 =	vor.u32 $0x180, v5;
	[tilespmem:s19+$0xFFFFFFB0] =	vst v15;
	v15 =	vld.idx.msk [tilespmem:v16+s10+$0x0], $0xffff  }
0x213: {  	v16 =	vor.u32 $0x100, v0;
	v4 =	vld.idx.msk [tilespmem:v4+s10+$0x0], $0xffff  }
0x214: {  	v2 =	vor.u32 $0x180, v2;
	[tilespmem:s19+$0xFFFFFFE0] =	vst v9;
	v12 =	vld.idx.msk [tilespmem:v12+s10+$0x0], $0xffff  }
0x215: {  	v7 =	vor.u32 $0x180, v7;
	[tilespmem:s19+$0x50] =	vst v11;
	v10 =	vld.idx.msk [tilespmem:v14+s10+$0x0], $0xffff  }
0x216: {  	v6 =	vor.u32 $0x180, v6;
	v9 =	vld.idx.msk [tilespmem:v13+s10+$0x0], $0xffff;
	[tilespmem:s19+$0x20] =	vst v8  }
0x217: {  	v1 =	vor.u32 $0x180, v1;
	v5 =	vld.idx.msk [tilespmem:v5+s10+$0x0], $0xffff;
	[tilespmem:s19+$0x10] =	vst v15  }
0x218: {  	v3 =	vor.u32 $0x180, v3;
	v11 =	vld.idx.msk [tilespmem:v16+s10+$0x0], $0xffff;
	[tilespmem:s19+$0x80] =	vst v4  }
0x219: {  	v0 =	vor.u32 $0x180, v0;
	v2 =	vld.idx.msk [tilespmem:v2+s10+$0x0], $0xffff;
	[tilespmem:s19+$0x30] =	vst v12  }
0x21a: {  	v7 =	vld.idx.msk [tilespmem:v7+s10+$0x0], $0xffff;
	[tilespmem:s19+$0x60] =	vst v10  }
0x21b: {  	v4 =	vld.idx.msk [tilespmem:v6+s10+$0x0], $0xffff;
	[tilespmem:s19+$0x70] =	vst v9  }
0x21c: {  	v1 =	vld.idx.msk [tilespmem:v1+s10+$0x0], $0xffff;
	[tilespmem:s19+$0xD0] =	vst v5  }
0x21d: {  	v3 =	vld.idx.msk [tilespmem:v3+s10+$0x0], $0xffff;
	[tilespmem:s19+$0x40] =	vst v11  }
0x21e: {  	[tilespmem:s19+$0xA0] =	vst v2;
	v0 =	vld.idx.msk [tilespmem:v0+s10+$0x0], $0xffff  }
0x21f: {  	[tilespmem:s19+$0x90] =	vst v7  }
0x220: {  	[tilespmem:s19+$0xB0] =	vst v4  }
0x221: {  	[tilespmem:s19+$0xE0] =	vst v1  }
0x222: {  	[tilespmem:s19+$0xF0] =	vst v3  }
0x223: {  	[tilespmem:s19+$0xC0] =	vst v0  }
0x224: {  	s19 =	rddreg [dreg:$0xd]  }
0x225: {  	[hbm4b:s19+s9] =	stream.strided.scatter [tilespmem:s14], [sflag:$0x3], $0x4000, s8, s9, $0x38;
	[tilespmem:$0x19000] =	vst v63  }
0x226: {  	s21 =	rddreg [dreg:$0xe]  }
0x227: {  	[tilespmem:s10], [sflag:$0x1] =	stream.strided.gather [hbm4b:s21+s9], $0x8000, s8, s9, $0x38;
	[tilespmem:$0x19000] =	vst v63  }
0x228: {  	_ =	swait.ge [sflag:s15], $0x8000  }
0x229: {  	[sflag:s15] =	ssyncset.done $0x0  }
0x22a: {  	[sflag:s15] =	ssyncadd.s32 $0xFFFF8000  }
0x22b: {  	_ =	swait.ge [sflag:s17], $0x4000  }
0x22c: {  	[sflag:s17] =	ssyncset.done $0x0  }
0x22d: {  	s22 =	simm.s32 $0x40;
	[sflag:s17] =	ssyncadd.s32 $0xFFFFC000  }
0x22e: {  	v0 =	vld [tilespmem:s22+$0xFFFFFFC0]  }
0x22f: {  	v1 =	vld [tilespmem:s22+$0x10]  }
0x230: {  	v3 =	vld [tilespmem:s22+$0xFFFFFFE0]  }
0x231: {  	v2 =	vld [tilespmem:s22+$0x0];
	_ =	sdelay $0x1  }
0x232: {  	v6 =	vld [tilespmem:s22+$0x20]  }
0x233: {  	v7 =	vld [tilespmem:s22+$0xFFFFFFF0];
	v4 =	vshll.u32 v0, $0x2;
	v0 =	vand.u32 $0x7F, v0;
	v5 =	vshll.u32 v1, $0x2  }
0x234: {  	v1 =	vand.u32 $0x7F, v1;
	v9 =	vshll.u32 v3, $0x2;
	v4 =	vand.u32 $0xFFFFFE00, v4  }
0x235: {  	v8 =	vld [tilespmem:s22+$0xFFFFFFD0];
	v3 =	vand.u32 $0x7F, v3;
	v4 =	vor.u32 v0, v4;
	v0 =	vshll.u32 v2, $0x2  }
0x236: {  	v5 =	vand.u32 $0xFFFFFE00, v5;
	v2 =	vand.u32 $0x7F, v2;
	v0 =	vand.u32 $0xFFFFFE00, v0  }
0x237: {  	v5 =	vor.u32 v1, v5;
	v0 =	vor.u32 v2, v0;
	v2 =	vand.u32 $0xFFFFFE00, v9;
	v9 =	vld [tilespmem:s22+$0x30]  }
0x238: {  	v11 =	vand.u32 $0x7F, v7;
	v2 =	vor.u32 v3, v2;
	v3 =	vshll.u32 v6, $0x2  }
0x239: {  	v1 =	vand.u32 $0x7F, v6;
	v12 =	vor.u32 $0x80, v4;
	v3 =	vand.u32 $0xFFFFFE00, v3  }
0x23a: {  	v6 =	vshll.u32 v7, $0x2;
	v10 =	vld.idx.msk [tilespmem:v4+s11+$0x0], $0xffff;
	v1 =	vor.u32 v1, v3;
	v3 =	vshll.u32 v8, $0x2  }
0x23b: {  	v6 =	vand.u32 $0xFFFFFE00, v6;
	v8 =	vand.u32 $0x7F, v8;
	v3 =	vand.u32 $0xFFFFFE00, v3  }
0x23c: {  	v6 =	vor.u32 v11, v6;
	v17 =	vld.idx.msk [tilespmem:v5+s11+$0x0], $0xffff;
	v7 =	vor.u32 v8, v3;
	v3 =	vshll.u32 v9, $0x2  }
0x23d: {  	v13 =	vld.idx.msk [tilespmem:v0+s11+$0x0], $0xffff;
	v8 =	vand.u32 $0x7F, v9;
	v3 =	vand.u32 $0xFFFFFE00, v3  }
0x23e: {  	s19 =	simm.s32 $0x15100;
	v11 =	vld.idx.msk [tilespmem:v2+s11+$0x0], $0xffff;
	v3 =	vor.u32 v8, v3  }
0x23f: {  	v20 =	vor.u32 $0x80, v0;
	[tilespmem:s19+$0xFFFFFF00] =	vst v10;
	v10 =	vld.idx.msk [tilespmem:v1+s11+$0x0], $0xffff  }
0x240: {  	v18 =	vld.idx.msk [tilespmem:v12+s11+$0x0], $0xffff;
	v12 =	vor.u32 $0x80, v5  }
0x241: {  	v15 =	vor.u32 $0x80, v2;
	v16 =	vld.idx.msk [tilespmem:v6+s11+$0x0], $0xffff  }
0x242: {  	s20 =	simm.s32 $0x0;
	s21 =	simm.s32 $0xC0;
	s22 =	simm.s32 $0x15100;
	v9 =	vor.u32 $0x80, v1;
	v14 =	vor.u32 $0x80, v7;
	v8 =	vor.u32 $0x80, v3;
	v19 =	vld.idx.msk [tilespmem:v7+s11+$0x0], $0xffff  }
.LBB2_12:
0x243: {  	s20 =	sadd.s32 $0x8, s20;
	[tilespmem:s19+$0xFFFFFF40] =	vst v13;
	v13 =	vld.idx.msk [tilespmem:v3+s11+$0x0], $0xffff;
	s22 =	sadd.s32 $0x200, s22  }
0x244: {  	p0 =	slt.u32 s20, $0xF8;
	v20 =	vld.idx.msk [tilespmem:v20+s11+$0x0], $0xffff;
	[tilespmem:s19+$0xFFFFFF50] =	vst v17  }
0x245: {  	v17 =	vor.u32 $0x100, v4;
	v12 =	vld.idx.msk [tilespmem:v12+s11+$0x0], $0xffff  }
0x246: {  	v21 =	vld [tilespmem:s21+$0x10];
	[tilespmem:s19+$0xFFFFFF80] =	vst v18  }
0x247: {  	v18 =	vld [tilespmem:s21+$0xFFFFFFE0];
	[tilespmem:s19+$0xFFFFFF10] =	vst v19;
	v19 =	vor.u32 $0x80, v6  }
0x248: {  	v14 =	vld.idx.msk [tilespmem:v14+s11+$0x0], $0xffff;
	[tilespmem:s19+$0xFFFFFF20] =	vst v11  }
0x249: {  	v11 =	vld.idx.msk [tilespmem:v15+s11+$0x0], $0xffff;
	[tilespmem:s19+$0xFFFFFF70] =	vst v13  }
0x24a: {  	v13 =	vld.idx.msk [tilespmem:v17+s11+$0x0], $0xffff;
	[tilespmem:s19+$0xFFFFFFC0] =	vst v20  }
0x24b: {  	v15 =	vld [tilespmem:s21+$0xFFFFFFF0];
	[tilespmem:s19+$0xFFFFFF30] =	vst v16  }
0x24c: {  	v16 =	vld.idx.msk [tilespmem:v19+s11+$0x0], $0xffff;
	[tilespmem:s19+$0xFFFFFFD0] =	vst v12  }
0x24d: {  	v12 =	vld [tilespmem:s21+$0xFFFFFFC0];
	[tilespmem:s19+$0xFFFFFF60] =	vst v10  }
0x24e: {  	[tilespmem:s19+$0xFFFFFF90] =	vst v14;
	v8 =	vld.idx.msk [tilespmem:v8+s11+$0x0], $0xffff  }
0x24f: {  	v10 =	vld [tilespmem:s21+$0x20];
	[tilespmem:s19+$0xFFFFFFA0] =	vst v11;
	v11 =	vor.u32 $0x100, v5  }
0x250: {  	v14 =	vld [tilespmem:s21+$0x30];
	[tilespmem:s19+$0x0] =	vst v13;
	v13 =	vor.u32 $0x100, v7  }
0x251: {  	v19 =	vor.u32 $0x100, v6;
	v17 =	vld [tilespmem:s21+$0xFFFFFFD0]  }
0x252: {  	v20 =	vor.u32 $0x180, v4;
	[tilespmem:s19+$0xFFFFFFB0] =	vst v16;
	v9 =	vld.idx.msk [tilespmem:v9+s11+$0x0], $0xffff  }
0x253: {  	v22 =	vor.u32 $0x100, v2;
	v23 =	vor.u32 $0x180, v5;
	v5 =	vor.u32 $0x100, v1;
	v16 =	vld [tilespmem:s21+$0x0]  }
0x254: {  	v24 =	vor.u32 $0x100, v0;
	v4 =	vshll.u32 v12, $0x2;
	v11 =	vld.idx.msk [tilespmem:v11+s11+$0x0], $0xffff;
	[tilespmem:s19+$0xFFFFFFF0] =	vst v8;
	v8 =	vor.u32 $0x100, v3  }
0x255: {  	v4 =	vand.u32 $0xFFFFFE00, v4;
	v25 =	vand.u32 $0x7F, v14;
	v14 =	vshll.u32 v14, $0x2;
	v13 =	vld.idx.msk [tilespmem:v13+s11+$0x0], $0xffff  }
0x256: {  	v6 =	vor.u32 $0x180, v6;
	v12 =	vand.u32 $0x7F, v12;
	v14 =	vand.u32 $0xFFFFFE00, v14;
	v19 =	vld.idx.msk [tilespmem:v19+s11+$0x0], $0xffff  }
0x257: {  	v7 =	vor.u32 $0x180, v7;
	v4 =	vor.u32 v12, v4;
	v12 =	vshll.u32 v21, $0x2;
	v20 =	vld.idx.msk [tilespmem:v20+s11+$0x0], $0xffff  }
0x258: {  	v26 =	vshll.u32 v15, $0x2;
	v14 =	vor.u32 v25, v14;
	v27 =	vshll.u32 v16, $0x2;
	v22 =	vld.idx.msk [tilespmem:v22+s11+$0x0], $0xffff;
	[tilespmem:s19+$0xFFFFFFE0] =	vst v9  }
0x259: {  	v21 =	vand.u32 $0x7F, v21;
	v9 =	vand.u32 $0xFFFFFE00, v26;
	v16 =	vand.u32 $0x7F, v16;
	v25 =	vld.idx.msk [tilespmem:v5+s11+$0x0], $0xffff  }
0x25a: {  	v12 =	vand.u32 $0xFFFFFE00, v12;
	v26 =	vor.u32 $0x180, v2;
	v5 =	vand.u32 $0xFFFFFE00, v27;
	[tilespmem:s19+$0x50] =	vst v11;
	v8 =	vld.idx.msk [tilespmem:v8+s11+$0x0], $0xffff  }
0x25b: {  	v2 =	vshll.u32 v18, $0x2;
	v11 =	vor.u32 v16, v5;
	v5 =	vor.u32 v21, v12;
	[tilespmem:s19+$0x10] =	vst v13;
	v12 =	vld.idx.msk [tilespmem:v24+s11+$0x0], $0xffff  }
0x25c: {  	v2 =	vand.u32 $0xFFFFFE00, v2;
	v13 =	vor.u32 $0x180, v3;
	v3 =	vmov v14;
	v7 =	vld.idx.msk [tilespmem:v7+s11+$0x0], $0xffff;
	[tilespmem:s19+$0x30] =	vst v19  }
0x25d: {  	v14 =	vand.u32 $0x7F, v18;
	v18 =	vor.u32 $0x180, v0;
	v0 =	vmovc v11;
	v19 =	vor.u32 $0x180, v1;
	[tilespmem:s19+$0x80] =	vst v20;
	v16 =	vld.idx.msk [tilespmem:v6+s11+$0x0], $0xffff  }
0x25e: {  	v21 =	vor.u32 $0x80, v4;
	v2 =	vor.u32 v14, v2;
	v1 =	vand.u32 $0x7F, v15;
	[tilespmem:s19+$0x20] =	vst v22;
	v11 =	vld.idx.msk [tilespmem:v23+s11+$0x0], $0xffff  }
0x25f: {  	v6 =	vor.u32 v1, v9;
	v1 =	vshll.u32 v10, $0x2;
	v9 =	vld.idx.msk [tilespmem:v26+s11+$0x0], $0xffff;
	[tilespmem:s19+$0x60] =	vst v25  }
0x260: {  	v10 =	vand.u32 $0x7F, v10;
	v1 =	vand.u32 $0xFFFFFE00, v1;
	v15 =	vld.idx.msk [tilespmem:v4+s11+$0x0], $0xffff;
	[tilespmem:s19+$0x70] =	vst v8  }
0x261: {  	v1 =	vor.u32 v10, v1;
	[tilespmem:s19+$0x40] =	vst v12;
	v22 =	vld.idx.msk [tilespmem:v13+s11+$0x0], $0xffff  }
0x262: {  	v8 =	vshll.u32 v17, $0x2;
	v12 =	vor.u32 $0x80, v5;
	v13 =	vld.idx.msk [tilespmem:v0+s11+$0x0], $0xffff;
	[tilespmem:s19+$0x90] =	vst v7  }
0x263: {  	v10 =	vand.u32 $0xFFFFFE00, v8;
	v8 =	vor.u32 $0x80, v3;
	v7 =	vand.u32 $0x7F, v17;
	[tilespmem:s19+$0xB0] =	vst v16;
	v16 =	vld.idx.msk [tilespmem:v18+s11+$0x0], $0xffff  }
0x264: {  	v7 =	vor.u32 v7, v10;
	[tilespmem:s19+$0xD0] =	vst v11;
	v23 =	vld.idx.msk [tilespmem:v19+s11+$0x0], $0xffff  }
0x265: {  	v14 =	vor.u32 $0x80, v7;
	v11 =	vld.idx.msk [tilespmem:v2+s11+$0x0], $0xffff  }
.Ltmp5:
0x266: {  	[tilespmem:s22+$0xFFFFFF00] =	vst v15;
	v15 =	vor.u32 $0x80, v2;
	v17 =	vld.idx.msk [tilespmem:v5+s11+$0x0], $0xffff;
	(pc) =	sbr.rel @p0 .LBB2_12-.Ltmp5, $4  }
0x267: {  	v20 =	vor.u32 $0x80, v0;
	v10 =	vld.idx.msk [tilespmem:v1+s11+$0x0], $0xffff;
	[tilespmem:s19+$0xF0] =	vst v22  }
0x268: {  	v18 =	vld.idx.msk [tilespmem:v21+s11+$0x0], $0xffff;
	[tilespmem:s19+$0xA0] =	vst v9  }
0x269: {  	v19 =	vld.idx.msk [tilespmem:v7+s11+$0x0], $0xffff;
	[tilespmem:s19+$0xC0] =	vst v16  }
0x26a: {  	s21 =	sadd.s32 $0x80, s21;
	v9 =	vor.u32 $0x80, v1;
	v16 =	vld.idx.msk [tilespmem:v6+s11+$0x0], $0xffff;
	[tilespmem:s19+$0xE0] =	vst v23;
	s19 =	smov.u32 s22  }
0x26b: {  	_ =	sdelay $0x2  }
0x26c: {  	[tilespmem:s19+$0xFFFFFF40] =	vst v13  }
0x26d: {  	v13 =	vld.idx.msk [tilespmem:v3+s11+$0x0], $0xffff;
	[tilespmem:s19+$0xFFFFFF50] =	vst v17  }
0x26e: {  	[tilespmem:s19+$0xFFFFFF20] =	vst v11;
	v17 =	vld.idx.msk [tilespmem:v20+s11+$0x0], $0xffff;
	v20 =	vor.u32 $0x100, v4  }
0x26f: {  	[tilespmem:s19+$0xFFFFFF80] =	vst v18  }
0x270: {  	v12 =	vld.idx.msk [tilespmem:v12+s11+$0x0], $0xffff;
	v18 =	vor.u32 $0x80, v6;
	[tilespmem:s19+$0xFFFFFF10] =	vst v19  }
0x271: {  	[tilespmem:s19+$0xFFFFFF60] =	vst v10;
	v11 =	vld.idx.msk [tilespmem:v14+s11+$0x0], $0xffff  }
0x272: {  	[tilespmem:s19+$0xFFFFFF70] =	vst v13;
	v13 =	vld.idx.msk [tilespmem:v15+s11+$0x0], $0xffff  }
0x273: {  	v14 =	vor.u32 $0x100, v5;
	[tilespmem:s19+$0xFFFFFFC0] =	vst v17;
	v17 =	vld.idx.msk [tilespmem:v20+s11+$0x0], $0xffff  }
0x274: {  	v10 =	vor.u32 $0x100, v2;
	[tilespmem:s19+$0xFFFFFF30] =	vst v16;
	v8 =	vld.idx.msk [tilespmem:v8+s11+$0x0], $0xffff  }
0x275: {  	v16 =	vor.u32 $0x100, v7;
	[tilespmem:s19+$0xFFFFFFD0] =	vst v12;
	v15 =	vld.idx.msk [tilespmem:v18+s11+$0x0], $0xffff  }
0x276: {  	v4 =	vor.u32 $0x180, v4;
	[tilespmem:s19+$0xFFFFFF90] =	vst v11  }
0x277: {  	v9 =	vld.idx.msk [tilespmem:v9+s11+$0x0], $0xffff;
	v12 =	vor.u32 $0x100, v6;
	[tilespmem:s19+$0xFFFFFFA0] =	vst v13  }
0x278: {  	v11 =	vld.idx.msk [tilespmem:v14+s11+$0x0], $0xffff;
	v14 =	vor.u32 $0x100, v1;
	[tilespmem:s19+$0x0] =	vst v17  }
0x279: {  	v13 =	vor.u32 $0x100, v3;
	[tilespmem:s19+$0xFFFFFFF0] =	vst v8;
	v8 =	vld.idx.msk [tilespmem:v10+s11+$0x0], $0xffff  }
0x27a: {  	v5 =	vor.u32 $0x180, v5;
	[tilespmem:s19+$0xFFFFFFB0] =	vst v15;
	v15 =	vld.idx.msk [tilespmem:v16+s11+$0x0], $0xffff  }
0x27b: {  	v16 =	vor.u32 $0x100, v0;
	v4 =	vld.idx.msk [tilespmem:v4+s11+$0x0], $0xffff  }
0x27c: {  	v2 =	vor.u32 $0x180, v2;
	[tilespmem:s19+$0xFFFFFFE0] =	vst v9;
	v12 =	vld.idx.msk [tilespmem:v12+s11+$0x0], $0xffff  }
0x27d: {  	v7 =	vor.u32 $0x180, v7;
	[tilespmem:s19+$0x50] =	vst v11;
	v10 =	vld.idx.msk [tilespmem:v14+s11+$0x0], $0xffff  }
0x27e: {  	v6 =	vor.u32 $0x180, v6;
	v9 =	vld.idx.msk [tilespmem:v13+s11+$0x0], $0xffff;
	[tilespmem:s19+$0x20] =	vst v8  }
0x27f: {  	v1 =	vor.u32 $0x180, v1;
	v5 =	vld.idx.msk [tilespmem:v5+s11+$0x0], $0xffff;
	[tilespmem:s19+$0x10] =	vst v15  }
0x280: {  	v3 =	vor.u32 $0x180, v3;
	v11 =	vld.idx.msk [tilespmem:v16+s11+$0x0], $0xffff;
	[tilespmem:s19+$0x80] =	vst v4  }
0x281: {  	v0 =	vor.u32 $0x180, v0;
	v2 =	vld.idx.msk [tilespmem:v2+s11+$0x0], $0xffff;
	[tilespmem:s19+$0x30] =	vst v12  }
0x282: {  	v7 =	vld.idx.msk [tilespmem:v7+s11+$0x0], $0xffff;
	[tilespmem:s19+$0x60] =	vst v10  }
0x283: {  	v4 =	vld.idx.msk [tilespmem:v6+s11+$0x0], $0xffff;
	[tilespmem:s19+$0x70] =	vst v9  }
0x284: {  	v1 =	vld.idx.msk [tilespmem:v1+s11+$0x0], $0xffff;
	[tilespmem:s19+$0xD0] =	vst v5  }
0x285: {  	v3 =	vld.idx.msk [tilespmem:v3+s11+$0x0], $0xffff;
	[tilespmem:s19+$0x40] =	vst v11  }
0x286: {  	[tilespmem:s19+$0xA0] =	vst v2;
	v0 =	vld.idx.msk [tilespmem:v0+s11+$0x0], $0xffff  }
0x287: {  	[tilespmem:s19+$0x90] =	vst v7  }
0x288: {  	[tilespmem:s19+$0xB0] =	vst v4  }
0x289: {  	[tilespmem:s19+$0xE0] =	vst v1  }
0x28a: {  	[tilespmem:s19+$0xF0] =	vst v3  }
0x28b: {  	[tilespmem:s19+$0xC0] =	vst v0  }
0x28c: {  	s19 =	rddreg [dreg:$0xf]  }
0x28d: {  	[hbm4b:s19+s9] =	stream.strided.scatter [tilespmem:s16], [sflag:$0x4], $0x4000, s8, s9, $0x38;
	[tilespmem:$0x19000] =	vst v63  }
0x28e: {  	s21 =	rddreg [dreg:$0x10]  }
0x28f: {  	[tilespmem:s11], [sflag:$0x2] =	stream.strided.gather [hbm4b:s21+s9], $0x8000, s8, s9, $0x38;
	[tilespmem:$0x19000] =	vst v63  }
0x290: {  	_ =	swait.ge [sflag:s12], $0x8000  }
0x291: {  	[sflag:s12] =	ssyncset.done $0x0  }
0x292: {  	[sflag:s12] =	ssyncadd.s32 $0xFFFF8000  }
0x293: {  	_ =	swait.ge [sflag:s13], $0x4000  }
0x294: {  	[sflag:s13] =	ssyncset.done $0x0  }
0x295: {  	s22 =	simm.s32 $0x40;
	[sflag:s13] =	ssyncadd.s32 $0xFFFFC000  }
0x296: {  	v0 =	vld [tilespmem:s22+$0xFFFFFFC0]  }
0x297: {  	v1 =	vld [tilespmem:s22+$0x10]  }
0x298: {  	v3 =	vld [tilespmem:s22+$0xFFFFFFE0]  }
0x299: {  	v2 =	vld [tilespmem:s22+$0x0];
	_ =	sdelay $0x1  }
0x29a: {  	v6 =	vld [tilespmem:s22+$0x20]  }
0x29b: {  	v7 =	vld [tilespmem:s22+$0xFFFFFFF0];
	v4 =	vshll.u32 v0, $0x2;
	v0 =	vand.u32 $0x7F, v0;
	v5 =	vshll.u32 v1, $0x2  }
0x29c: {  	v1 =	vand.u32 $0x7F, v1;
	v9 =	vshll.u32 v3, $0x2;
	v4 =	vand.u32 $0xFFFFFE00, v4  }
0x29d: {  	v8 =	vld [tilespmem:s22+$0xFFFFFFD0];
	v3 =	vand.u32 $0x7F, v3;
	v4 =	vor.u32 v0, v4;
	v0 =	vshll.u32 v2, $0x2  }
0x29e: {  	v5 =	vand.u32 $0xFFFFFE00, v5;
	v2 =	vand.u32 $0x7F, v2;
	v0 =	vand.u32 $0xFFFFFE00, v0  }
0x29f: {  	v5 =	vor.u32 v1, v5;
	v0 =	vor.u32 v2, v0;
	v2 =	vand.u32 $0xFFFFFE00, v9;
	v9 =	vld [tilespmem:s22+$0x30]  }
0x2a0: {  	v11 =	vand.u32 $0x7F, v7;
	v2 =	vor.u32 v3, v2;
	v3 =	vshll.u32 v6, $0x2  }
0x2a1: {  	v1 =	vand.u32 $0x7F, v6;
	v12 =	vor.u32 $0x80, v4;
	v3 =	vand.u32 $0xFFFFFE00, v3  }
0x2a2: {  	v6 =	vshll.u32 v7, $0x2;
	v10 =	vld.idx.msk [tilespmem:v4+s10+$0x0], $0xffff;
	v1 =	vor.u32 v1, v3;
	v3 =	vshll.u32 v8, $0x2  }
0x2a3: {  	v6 =	vand.u32 $0xFFFFFE00, v6;
	v8 =	vand.u32 $0x7F, v8;
	v3 =	vand.u32 $0xFFFFFE00, v3  }
0x2a4: {  	v6 =	vor.u32 v11, v6;
	v17 =	vld.idx.msk [tilespmem:v5+s10+$0x0], $0xffff;
	v7 =	vor.u32 v8, v3;
	v3 =	vshll.u32 v9, $0x2  }
0x2a5: {  	v13 =	vld.idx.msk [tilespmem:v0+s10+$0x0], $0xffff;
	v8 =	vand.u32 $0x7F, v9;
	v3 =	vand.u32 $0xFFFFFE00, v3  }
0x2a6: {  	s19 =	simm.s32 $0x11100;
	v11 =	vld.idx.msk [tilespmem:v2+s10+$0x0], $0xffff;
	v3 =	vor.u32 v8, v3  }
0x2a7: {  	v20 =	vor.u32 $0x80, v0;
	[tilespmem:s19+$0xFFFFFF00] =	vst v10;
	v10 =	vld.idx.msk [tilespmem:v1+s10+$0x0], $0xffff  }
0x2a8: {  	v18 =	vld.idx.msk [tilespmem:v12+s10+$0x0], $0xffff;
	v12 =	vor.u32 $0x80, v5  }
0x2a9: {  	v15 =	vor.u32 $0x80, v2;
	v16 =	vld.idx.msk [tilespmem:v6+s10+$0x0], $0xffff  }
0x2aa: {  	s20 =	simm.s32 $0x0;
	s21 =	simm.s32 $0xC0;
	s22 =	simm.s32 $0x11100;
	v9 =	vor.u32 $0x80, v1;
	v14 =	vor.u32 $0x80, v7;
	v8 =	vor.u32 $0x80, v3;
	v19 =	vld.idx.msk [tilespmem:v7+s10+$0x0], $0xffff  }
.LBB2_14:
0x2ab: {  	s20 =	sadd.s32 $0x8, s20;
	[tilespmem:s19+$0xFFFFFF40] =	vst v13;
	v13 =	vld.idx.msk [tilespmem:v3+s10+$0x0], $0xffff;
	s22 =	sadd.s32 $0x200, s22  }
0x2ac: {  	p0 =	slt.u32 s20, $0xF8;
	v20 =	vld.idx.msk [tilespmem:v20+s10+$0x0], $0xffff;
	[tilespmem:s19+$0xFFFFFF50] =	vst v17  }
0x2ad: {  	v17 =	vor.u32 $0x100, v4;
	v12 =	vld.idx.msk [tilespmem:v12+s10+$0x0], $0xffff  }
0x2ae: {  	v21 =	vld [tilespmem:s21+$0x10];
	[tilespmem:s19+$0xFFFFFF80] =	vst v18  }
0x2af: {  	v18 =	vld [tilespmem:s21+$0xFFFFFFE0];
	[tilespmem:s19+$0xFFFFFF10] =	vst v19;
	v19 =	vor.u32 $0x80, v6  }
0x2b0: {  	v14 =	vld.idx.msk [tilespmem:v14+s10+$0x0], $0xffff;
	[tilespmem:s19+$0xFFFFFF20] =	vst v11  }
0x2b1: {  	v11 =	vld.idx.msk [tilespmem:v15+s10+$0x0], $0xffff;
	[tilespmem:s19+$0xFFFFFF70] =	vst v13  }
0x2b2: {  	v13 =	vld.idx.msk [tilespmem:v17+s10+$0x0], $0xffff;
	[tilespmem:s19+$0xFFFFFFC0] =	vst v20  }
0x2b3: {  	v15 =	vld [tilespmem:s21+$0xFFFFFFF0];
	[tilespmem:s19+$0xFFFFFF30] =	vst v16  }
0x2b4: {  	v16 =	vld.idx.msk [tilespmem:v19+s10+$0x0], $0xffff;
	[tilespmem:s19+$0xFFFFFFD0] =	vst v12  }
0x2b5: {  	v12 =	vld [tilespmem:s21+$0xFFFFFFC0];
	[tilespmem:s19+$0xFFFFFF60] =	vst v10  }
0x2b6: {  	[tilespmem:s19+$0xFFFFFF90] =	vst v14;
	v8 =	vld.idx.msk [tilespmem:v8+s10+$0x0], $0xffff  }
0x2b7: {  	v10 =	vld [tilespmem:s21+$0x20];
	[tilespmem:s19+$0xFFFFFFA0] =	vst v11;
	v11 =	vor.u32 $0x100, v5  }
0x2b8: {  	v14 =	vld [tilespmem:s21+$0x30];
	[tilespmem:s19+$0x0] =	vst v13;
	v13 =	vor.u32 $0x100, v7  }
0x2b9: {  	v19 =	vor.u32 $0x100, v6;
	v17 =	vld [tilespmem:s21+$0xFFFFFFD0]  }
0x2ba: {  	v20 =	vor.u32 $0x180, v4;
	[tilespmem:s19+$0xFFFFFFB0] =	vst v16;
	v9 =	vld.idx.msk [tilespmem:v9+s10+$0x0], $0xffff  }
0x2bb: {  	v22 =	vor.u32 $0x100, v2;
	v23 =	vor.u32 $0x180, v5;
	v5 =	vor.u32 $0x100, v1;
	v16 =	vld [tilespmem:s21+$0x0]  }
0x2bc: {  	v24 =	vor.u32 $0x100, v0;
	v4 =	vshll.u32 v12, $0x2;
	v11 =	vld.idx.msk [tilespmem:v11+s10+$0x0], $0xffff;
	[tilespmem:s19+$0xFFFFFFF0] =	vst v8;
	v8 =	vor.u32 $0x100, v3  }
0x2bd: {  	v4 =	vand.u32 $0xFFFFFE00, v4;
	v25 =	vand.u32 $0x7F, v14;
	v14 =	vshll.u32 v14, $0x2;
	v13 =	vld.idx.msk [tilespmem:v13+s10+$0x0], $0xffff  }
0x2be: {  	v6 =	vor.u32 $0x180, v6;
	v12 =	vand.u32 $0x7F, v12;
	v14 =	vand.u32 $0xFFFFFE00, v14;
	v19 =	vld.idx.msk [tilespmem:v19+s10+$0x0], $0xffff  }
0x2bf: {  	v7 =	vor.u32 $0x180, v7;
	v4 =	vor.u32 v12, v4;
	v12 =	vshll.u32 v21, $0x2;
	v20 =	vld.idx.msk [tilespmem:v20+s10+$0x0], $0xffff  }
0x2c0: {  	v26 =	vshll.u32 v15, $0x2;
	v14 =	vor.u32 v25, v14;
	v27 =	vshll.u32 v16, $0x2;
	v22 =	vld.idx.msk [tilespmem:v22+s10+$0x0], $0xffff;
	[tilespmem:s19+$0xFFFFFFE0] =	vst v9  }
0x2c1: {  	v21 =	vand.u32 $0x7F, v21;
	v9 =	vand.u32 $0xFFFFFE00, v26;
	v16 =	vand.u32 $0x7F, v16;
	v25 =	vld.idx.msk [tilespmem:v5+s10+$0x0], $0xffff  }
0x2c2: {  	v12 =	vand.u32 $0xFFFFFE00, v12;
	v26 =	vor.u32 $0x180, v2;
	v5 =	vand.u32 $0xFFFFFE00, v27;
	[tilespmem:s19+$0x50] =	vst v11;
	v8 =	vld.idx.msk [tilespmem:v8+s10+$0x0], $0xffff  }
0x2c3: {  	v2 =	vshll.u32 v18, $0x2;
	v11 =	vor.u32 v16, v5;
	v5 =	vor.u32 v21, v12;
	[tilespmem:s19+$0x10] =	vst v13;
	v12 =	vld.idx.msk [tilespmem:v24+s10+$0x0], $0xffff  }
0x2c4: {  	v2 =	vand.u32 $0xFFFFFE00, v2;
	v13 =	vor.u32 $0x180, v3;
	v3 =	vmov v14;
	v7 =	vld.idx.msk [tilespmem:v7+s10+$0x0], $0xffff;
	[tilespmem:s19+$0x30] =	vst v19  }
0x2c5: {  	v14 =	vand.u32 $0x7F, v18;
	v18 =	vor.u32 $0x180, v0;
	v0 =	vmovc v11;
	v19 =	vor.u32 $0x180, v1;
	[tilespmem:s19+$0x80] =	vst v20;
	v16 =	vld.idx.msk [tilespmem:v6+s10+$0x0], $0xffff  }
0x2c6: {  	v21 =	vor.u32 $0x80, v4;
	v2 =	vor.u32 v14, v2;
	v1 =	vand.u32 $0x7F, v15;
	[tilespmem:s19+$0x20] =	vst v22;
	v11 =	vld.idx.msk [tilespmem:v23+s10+$0x0], $0xffff  }
0x2c7: {  	v6 =	vor.u32 v1, v9;
	v1 =	vshll.u32 v10, $0x2;
	v9 =	vld.idx.msk [tilespmem:v26+s10+$0x0], $0xffff;
	[tilespmem:s19+$0x60] =	vst v25  }
0x2c8: {  	v10 =	vand.u32 $0x7F, v10;
	v1 =	vand.u32 $0xFFFFFE00, v1;
	v15 =	vld.idx.msk [tilespmem:v4+s10+$0x0], $0xffff;
	[tilespmem:s19+$0x70] =	vst v8  }
0x2c9: {  	v1 =	vor.u32 v10, v1;
	[tilespmem:s19+$0x40] =	vst v12;
	v22 =	vld.idx.msk [tilespmem:v13+s10+$0x0], $0xffff  }
0x2ca: {  	v8 =	vshll.u32 v17, $0x2;
	v12 =	vor.u32 $0x80, v5;
	v13 =	vld.idx.msk [tilespmem:v0+s10+$0x0], $0xffff;
	[tilespmem:s19+$0x90] =	vst v7  }
0x2cb: {  	v10 =	vand.u32 $0xFFFFFE00, v8;
	v8 =	vor.u32 $0x80, v3;
	v7 =	vand.u32 $0x7F, v17;
	[tilespmem:s19+$0xB0] =	vst v16;
	v16 =	vld.idx.msk [tilespmem:v18+s10+$0x0], $0xffff  }
0x2cc: {  	v7 =	vor.u32 v7, v10;
	[tilespmem:s19+$0xD0] =	vst v11;
	v23 =	vld.idx.msk [tilespmem:v19+s10+$0x0], $0xffff  }
0x2cd: {  	v14 =	vor.u32 $0x80, v7;
	v11 =	vld.idx.msk [tilespmem:v2+s10+$0x0], $0xffff  }
.Ltmp6:
0x2ce: {  	[tilespmem:s22+$0xFFFFFF00] =	vst v15;
	v15 =	vor.u32 $0x80, v2;
	v17 =	vld.idx.msk [tilespmem:v5+s10+$0x0], $0xffff;
	(pc) =	sbr.rel @p0 .LBB2_14-.Ltmp6, $4  }
0x2cf: {  	v20 =	vor.u32 $0x80, v0;
	v10 =	vld.idx.msk [tilespmem:v1+s10+$0x0], $0xffff;
	[tilespmem:s19+$0xF0] =	vst v22  }
0x2d0: {  	v18 =	vld.idx.msk [tilespmem:v21+s10+$0x0], $0xffff;
	[tilespmem:s19+$0xA0] =	vst v9  }
0x2d1: {  	v19 =	vld.idx.msk [tilespmem:v7+s10+$0x0], $0xffff;
	[tilespmem:s19+$0xC0] =	vst v16  }
0x2d2: {  	s21 =	sadd.s32 $0x80, s21;
	v9 =	vor.u32 $0x80, v1;
	v16 =	vld.idx.msk [tilespmem:v6+s10+$0x0], $0xffff;
	[tilespmem:s19+$0xE0] =	vst v23;
	s19 =	smov.u32 s22  }
0x2d3: {  	_ =	sdelay $0x2  }
0x2d4: {  	[tilespmem:s19+$0xFFFFFF40] =	vst v13  }
0x2d5: {  	v13 =	vld.idx.msk [tilespmem:v3+s10+$0x0], $0xffff;
	[tilespmem:s19+$0xFFFFFF50] =	vst v17  }
0x2d6: {  	[tilespmem:s19+$0xFFFFFF20] =	vst v11;
	v17 =	vld.idx.msk [tilespmem:v20+s10+$0x0], $0xffff;
	v20 =	vor.u32 $0x100, v4  }
0x2d7: {  	[tilespmem:s19+$0xFFFFFF80] =	vst v18  }
0x2d8: {  	v12 =	vld.idx.msk [tilespmem:v12+s10+$0x0], $0xffff;
	v18 =	vor.u32 $0x80, v6;
	[tilespmem:s19+$0xFFFFFF10] =	vst v19  }
0x2d9: {  	[tilespmem:s19+$0xFFFFFF60] =	vst v10;
	v11 =	vld.idx.msk [tilespmem:v14+s10+$0x0], $0xffff  }
0x2da: {  	[tilespmem:s19+$0xFFFFFF70] =	vst v13;
	v13 =	vld.idx.msk [tilespmem:v15+s10+$0x0], $0xffff  }
0x2db: {  	v14 =	vor.u32 $0x100, v5;
	[tilespmem:s19+$0xFFFFFFC0] =	vst v17;
	v17 =	vld.idx.msk [tilespmem:v20+s10+$0x0], $0xffff  }
0x2dc: {  	v10 =	vor.u32 $0x100, v2;
	[tilespmem:s19+$0xFFFFFF30] =	vst v16;
	v8 =	vld.idx.msk [tilespmem:v8+s10+$0x0], $0xffff  }
0x2dd: {  	v16 =	vor.u32 $0x100, v7;
	[tilespmem:s19+$0xFFFFFFD0] =	vst v12;
	v15 =	vld.idx.msk [tilespmem:v18+s10+$0x0], $0xffff  }
0x2de: {  	v4 =	vor.u32 $0x180, v4;
	[tilespmem:s19+$0xFFFFFF90] =	vst v11  }
0x2df: {  	v9 =	vld.idx.msk [tilespmem:v9+s10+$0x0], $0xffff;
	v12 =	vor.u32 $0x100, v6;
	[tilespmem:s19+$0xFFFFFFA0] =	vst v13  }
0x2e0: {  	v11 =	vld.idx.msk [tilespmem:v14+s10+$0x0], $0xffff;
	v14 =	vor.u32 $0x100, v1;
	[tilespmem:s19+$0x0] =	vst v17  }
0x2e1: {  	v13 =	vor.u32 $0x100, v3;
	[tilespmem:s19+$0xFFFFFFF0] =	vst v8;
	v8 =	vld.idx.msk [tilespmem:v10+s10+$0x0], $0xffff  }
0x2e2: {  	v5 =	vor.u32 $0x180, v5;
	[tilespmem:s19+$0xFFFFFFB0] =	vst v15;
	v15 =	vld.idx.msk [tilespmem:v16+s10+$0x0], $0xffff  }
0x2e3: {  	v16 =	vor.u32 $0x100, v0;
	v4 =	vld.idx.msk [tilespmem:v4+s10+$0x0], $0xffff  }
0x2e4: {  	v2 =	vor.u32 $0x180, v2;
	[tilespmem:s19+$0xFFFFFFE0] =	vst v9;
	v12 =	vld.idx.msk [tilespmem:v12+s10+$0x0], $0xffff  }
0x2e5: {  	v7 =	vor.u32 $0x180, v7;
	[tilespmem:s19+$0x50] =	vst v11;
	v10 =	vld.idx.msk [tilespmem:v14+s10+$0x0], $0xffff  }
0x2e6: {  	v6 =	vor.u32 $0x180, v6;
	v9 =	vld.idx.msk [tilespmem:v13+s10+$0x0], $0xffff;
	[tilespmem:s19+$0x20] =	vst v8  }
0x2e7: {  	v1 =	vor.u32 $0x180, v1;
	v5 =	vld.idx.msk [tilespmem:v5+s10+$0x0], $0xffff;
	[tilespmem:s19+$0x10] =	vst v15  }
0x2e8: {  	v3 =	vor.u32 $0x180, v3;
	v11 =	vld.idx.msk [tilespmem:v16+s10+$0x0], $0xffff;
	[tilespmem:s19+$0x80] =	vst v4  }
0x2e9: {  	v0 =	vor.u32 $0x180, v0;
	v2 =	vld.idx.msk [tilespmem:v2+s10+$0x0], $0xffff;
	[tilespmem:s19+$0x30] =	vst v12  }
0x2ea: {  	v7 =	vld.idx.msk [tilespmem:v7+s10+$0x0], $0xffff;
	[tilespmem:s19+$0x60] =	vst v10  }
0x2eb: {  	v4 =	vld.idx.msk [tilespmem:v6+s10+$0x0], $0xffff;
	[tilespmem:s19+$0x70] =	vst v9  }
0x2ec: {  	v1 =	vld.idx.msk [tilespmem:v1+s10+$0x0], $0xffff;
	[tilespmem:s19+$0xD0] =	vst v5  }
0x2ed: {  	v3 =	vld.idx.msk [tilespmem:v3+s10+$0x0], $0xffff;
	[tilespmem:s19+$0x40] =	vst v11  }
0x2ee: {  	[tilespmem:s19+$0xA0] =	vst v2;
	v0 =	vld.idx.msk [tilespmem:v0+s10+$0x0], $0xffff  }
0x2ef: {  	[tilespmem:s19+$0x90] =	vst v7  }
0x2f0: {  	[tilespmem:s19+$0xB0] =	vst v4  }
0x2f1: {  	[tilespmem:s19+$0xE0] =	vst v1  }
0x2f2: {  	[tilespmem:s19+$0xF0] =	vst v3  }
0x2f3: {  	[tilespmem:s19+$0xC0] =	vst v0  }
0x2f4: {  	s19 =	rddreg [dreg:$0x11]  }
0x2f5: {  	[hbm4b:s19+s9] =	stream.strided.scatter [tilespmem:s14], [sflag:$0x3], $0x4000, s8, s9, $0x38;
	[tilespmem:$0x19000] =	vst v63  }
0x2f6: {  	s21 =	rddreg [dreg:$0x12]  }
0x2f7: {  	[tilespmem:s10], [sflag:$0x1] =	stream.strided.gather [hbm4b:s21+s9], $0x8000, s8, s9, $0x38;
	[tilespmem:$0x19000] =	vst v63  }
0x2f8: {  	_ =	swait.ge [sflag:s15], $0x8000  }
0x2f9: {  	[sflag:s15] =	ssyncset.done $0x0  }
0x2fa: {  	[sflag:s15] =	ssyncadd.s32 $0xFFFF8000  }
0x2fb: {  	_ =	swait.ge [sflag:s17], $0x4000  }
0x2fc: {  	[sflag:s17] =	ssyncset.done $0x0  }
0x2fd: {  	s22 =	simm.s32 $0x40;
	[sflag:s17] =	ssyncadd.s32 $0xFFFFC000  }
0x2fe: {  	v0 =	vld [tilespmem:s22+$0xFFFFFFC0]  }
0x2ff: {  	v1 =	vld [tilespmem:s22+$0x10]  }
0x300: {  	v3 =	vld [tilespmem:s22+$0xFFFFFFE0]  }
0x301: {  	v2 =	vld [tilespmem:s22+$0x0];
	_ =	sdelay $0x1  }
0x302: {  	v6 =	vld [tilespmem:s22+$0x20]  }
0x303: {  	v7 =	vld [tilespmem:s22+$0xFFFFFFF0];
	v4 =	vshll.u32 v0, $0x2;
	v0 =	vand.u32 $0x7F, v0;
	v5 =	vshll.u32 v1, $0x2  }
0x304: {  	v1 =	vand.u32 $0x7F, v1;
	v9 =	vshll.u32 v3, $0x2;
	v4 =	vand.u32 $0xFFFFFE00, v4  }
0x305: {  	v8 =	vld [tilespmem:s22+$0xFFFFFFD0];
	v3 =	vand.u32 $0x7F, v3;
	v4 =	vor.u32 v0, v4;
	v0 =	vshll.u32 v2, $0x2  }
0x306: {  	v5 =	vand.u32 $0xFFFFFE00, v5;
	v2 =	vand.u32 $0x7F, v2;
	v0 =	vand.u32 $0xFFFFFE00, v0  }
0x307: {  	v5 =	vor.u32 v1, v5;
	v0 =	vor.u32 v2, v0;
	v2 =	vand.u32 $0xFFFFFE00, v9;
	v9 =	vld [tilespmem:s22+$0x30]  }
0x308: {  	v11 =	vand.u32 $0x7F, v7;
	v2 =	vor.u32 v3, v2;
	v3 =	vshll.u32 v6, $0x2  }
0x309: {  	v1 =	vand.u32 $0x7F, v6;
	v12 =	vor.u32 $0x80, v4;
	v3 =	vand.u32 $0xFFFFFE00, v3  }
0x30a: {  	v6 =	vshll.u32 v7, $0x2;
	v10 =	vld.idx.msk [tilespmem:v4+s11+$0x0], $0xffff;
	v1 =	vor.u32 v1, v3;
	v3 =	vshll.u32 v8, $0x2  }
0x30b: {  	v6 =	vand.u32 $0xFFFFFE00, v6;
	v8 =	vand.u32 $0x7F, v8;
	v3 =	vand.u32 $0xFFFFFE00, v3  }
0x30c: {  	v6 =	vor.u32 v11, v6;
	v17 =	vld.idx.msk [tilespmem:v5+s11+$0x0], $0xffff;
	v7 =	vor.u32 v8, v3;
	v3 =	vshll.u32 v9, $0x2  }
0x30d: {  	v13 =	vld.idx.msk [tilespmem:v0+s11+$0x0], $0xffff;
	v8 =	vand.u32 $0x7F, v9;
	v3 =	vand.u32 $0xFFFFFE00, v3  }
0x30e: {  	s19 =	simm.s32 $0x15100;
	v11 =	vld.idx.msk [tilespmem:v2+s11+$0x0], $0xffff;
	v3 =	vor.u32 v8, v3  }
0x30f: {  	v20 =	vor.u32 $0x80, v0;
	[tilespmem:s19+$0xFFFFFF00] =	vst v10;
	v10 =	vld.idx.msk [tilespmem:v1+s11+$0x0], $0xffff  }
0x310: {  	v18 =	vld.idx.msk [tilespmem:v12+s11+$0x0], $0xffff;
	v12 =	vor.u32 $0x80, v5  }
0x311: {  	v15 =	vor.u32 $0x80, v2;
	v16 =	vld.idx.msk [tilespmem:v6+s11+$0x0], $0xffff  }
0x312: {  	s20 =	simm.s32 $0x0;
	s21 =	simm.s32 $0xC0;
	s22 =	simm.s32 $0x15100;
	v9 =	vor.u32 $0x80, v1;
	v14 =	vor.u32 $0x80, v7;
	v8 =	vor.u32 $0x80, v3;
	v19 =	vld.idx.msk [tilespmem:v7+s11+$0x0], $0xffff  }
.LBB2_16:
0x313: {  	s20 =	sadd.s32 $0x8, s20;
	[tilespmem:s19+$0xFFFFFF40] =	vst v13;
	v13 =	vld.idx.msk [tilespmem:v3+s11+$0x0], $0xffff;
	s22 =	sadd.s32 $0x200, s22  }
0x314: {  	p0 =	slt.u32 s20, $0xF8;
	v20 =	vld.idx.msk [tilespmem:v20+s11+$0x0], $0xffff;
	[tilespmem:s19+$0xFFFFFF50] =	vst v17  }
0x315: {  	v17 =	vor.u32 $0x100, v4;
	v12 =	vld.idx.msk [tilespmem:v12+s11+$0x0], $0xffff  }
0x316: {  	v21 =	vld [tilespmem:s21+$0x10];
	[tilespmem:s19+$0xFFFFFF80] =	vst v18  }
0x317: {  	v18 =	vld [tilespmem:s21+$0xFFFFFFE0];
	[tilespmem:s19+$0xFFFFFF10] =	vst v19;
	v19 =	vor.u32 $0x80, v6  }
0x318: {  	v14 =	vld.idx.msk [tilespmem:v14+s11+$0x0], $0xffff;
	[tilespmem:s19+$0xFFFFFF20] =	vst v11  }
0x319: {  	v11 =	vld.idx.msk [tilespmem:v15+s11+$0x0], $0xffff;
	[tilespmem:s19+$0xFFFFFF70] =	vst v13  }
0x31a: {  	v13 =	vld.idx.msk [tilespmem:v17+s11+$0x0], $0xffff;
	[tilespmem:s19+$0xFFFFFFC0] =	vst v20  }
0x31b: {  	v15 =	vld [tilespmem:s21+$0xFFFFFFF0];
	[tilespmem:s19+$0xFFFFFF30] =	vst v16  }
0x31c: {  	v16 =	vld.idx.msk [tilespmem:v19+s11+$0x0], $0xffff;
	[tilespmem:s19+$0xFFFFFFD0] =	vst v12  }
0x31d: {  	v12 =	vld [tilespmem:s21+$0xFFFFFFC0];
	[tilespmem:s19+$0xFFFFFF60] =	vst v10  }
0x31e: {  	[tilespmem:s19+$0xFFFFFF90] =	vst v14;
	v8 =	vld.idx.msk [tilespmem:v8+s11+$0x0], $0xffff  }
0x31f: {  	v10 =	vld [tilespmem:s21+$0x20];
	[tilespmem:s19+$0xFFFFFFA0] =	vst v11;
	v11 =	vor.u32 $0x100, v5  }
0x320: {  	v14 =	vld [tilespmem:s21+$0x30];
	[tilespmem:s19+$0x0] =	vst v13;
	v13 =	vor.u32 $0x100, v7  }
0x321: {  	v19 =	vor.u32 $0x100, v6;
	v17 =	vld [tilespmem:s21+$0xFFFFFFD0]  }
0x322: {  	v20 =	vor.u32 $0x180, v4;
	[tilespmem:s19+$0xFFFFFFB0] =	vst v16;
	v9 =	vld.idx.msk [tilespmem:v9+s11+$0x0], $0xffff  }
0x323: {  	v22 =	vor.u32 $0x100, v2;
	v23 =	vor.u32 $0x180, v5;
	v5 =	vor.u32 $0x100, v1;
	v16 =	vld [tilespmem:s21+$0x0]  }
0x324: {  	v24 =	vor.u32 $0x100, v0;
	v4 =	vshll.u32 v12, $0x2;
	v11 =	vld.idx.msk [tilespmem:v11+s11+$0x0], $0xffff;
	[tilespmem:s19+$0xFFFFFFF0] =	vst v8;
	v8 =	vor.u32 $0x100, v3  }
0x325: {  	v4 =	vand.u32 $0xFFFFFE00, v4;
	v25 =	vand.u32 $0x7F, v14;
	v14 =	vshll.u32 v14, $0x2;
	v13 =	vld.idx.msk [tilespmem:v13+s11+$0x0], $0xffff  }
0x326: {  	v6 =	vor.u32 $0x180, v6;
	v12 =	vand.u32 $0x7F, v12;
	v14 =	vand.u32 $0xFFFFFE00, v14;
	v19 =	vld.idx.msk [tilespmem:v19+s11+$0x0], $0xffff  }
0x327: {  	v7 =	vor.u32 $0x180, v7;
	v4 =	vor.u32 v12, v4;
	v12 =	vshll.u32 v21, $0x2;
	v20 =	vld.idx.msk [tilespmem:v20+s11+$0x0], $0xffff  }
0x328: {  	v26 =	vshll.u32 v15, $0x2;
	v14 =	vor.u32 v25, v14;
	v27 =	vshll.u32 v16, $0x2;
	v22 =	vld.idx.msk [tilespmem:v22+s11+$0x0], $0xffff;
	[tilespmem:s19+$0xFFFFFFE0] =	vst v9  }
0x329: {  	v21 =	vand.u32 $0x7F, v21;
	v9 =	vand.u32 $0xFFFFFE00, v26;
	v16 =	vand.u32 $0x7F, v16;
	v25 =	vld.idx.msk [tilespmem:v5+s11+$0x0], $0xffff  }
0x32a: {  	v12 =	vand.u32 $0xFFFFFE00, v12;
	v26 =	vor.u32 $0x180, v2;
	v5 =	vand.u32 $0xFFFFFE00, v27;
	[tilespmem:s19+$0x50] =	vst v11;
	v8 =	vld.idx.msk [tilespmem:v8+s11+$0x0], $0xffff  }
0x32b: {  	v2 =	vshll.u32 v18, $0x2;
	v11 =	vor.u32 v16, v5;
	v5 =	vor.u32 v21, v12;
	[tilespmem:s19+$0x10] =	vst v13;
	v12 =	vld.idx.msk [tilespmem:v24+s11+$0x0], $0xffff  }
0x32c: {  	v2 =	vand.u32 $0xFFFFFE00, v2;
	v13 =	vor.u32 $0x180, v3;
	v3 =	vmov v14;
	v7 =	vld.idx.msk [tilespmem:v7+s11+$0x0], $0xffff;
	[tilespmem:s19+$0x30] =	vst v19  }
0x32d: {  	v14 =	vand.u32 $0x7F, v18;
	v18 =	vor.u32 $0x180, v0;
	v0 =	vmovc v11;
	v19 =	vor.u32 $0x180, v1;
	[tilespmem:s19+$0x80] =	vst v20;
	v16 =	vld.idx.msk [tilespmem:v6+s11+$0x0], $0xffff  }
0x32e: {  	v21 =	vor.u32 $0x80, v4;
	v2 =	vor.u32 v14, v2;
	v1 =	vand.u32 $0x7F, v15;
	[tilespmem:s19+$0x20] =	vst v22;
	v11 =	vld.idx.msk [tilespmem:v23+s11+$0x0], $0xffff  }
0x32f: {  	v6 =	vor.u32 v1, v9;
	v1 =	vshll.u32 v10, $0x2;
	v9 =	vld.idx.msk [tilespmem:v26+s11+$0x0], $0xffff;
	[tilespmem:s19+$0x60] =	vst v25  }
0x330: {  	v10 =	vand.u32 $0x7F, v10;
	v1 =	vand.u32 $0xFFFFFE00, v1;
	v15 =	vld.idx.msk [tilespmem:v4+s11+$0x0], $0xffff;
	[tilespmem:s19+$0x70] =	vst v8  }
0x331: {  	v1 =	vor.u32 v10, v1;
	[tilespmem:s19+$0x40] =	vst v12;
	v22 =	vld.idx.msk [tilespmem:v13+s11+$0x0], $0xffff  }
0x332: {  	v8 =	vshll.u32 v17, $0x2;
	v12 =	vor.u32 $0x80, v5;
	v13 =	vld.idx.msk [tilespmem:v0+s11+$0x0], $0xffff;
	[tilespmem:s19+$0x90] =	vst v7  }
0x333: {  	v10 =	vand.u32 $0xFFFFFE00, v8;
	v8 =	vor.u32 $0x80, v3;
	v7 =	vand.u32 $0x7F, v17;
	[tilespmem:s19+$0xB0] =	vst v16;
	v16 =	vld.idx.msk [tilespmem:v18+s11+$0x0], $0xffff  }
0x334: {  	v7 =	vor.u32 v7, v10;
	[tilespmem:s19+$0xD0] =	vst v11;
	v23 =	vld.idx.msk [tilespmem:v19+s11+$0x0], $0xffff  }
0x335: {  	v14 =	vor.u32 $0x80, v7;
	v11 =	vld.idx.msk [tilespmem:v2+s11+$0x0], $0xffff  }
.Ltmp7:
0x336: {  	[tilespmem:s22+$0xFFFFFF00] =	vst v15;
	v15 =	vor.u32 $0x80, v2;
	v17 =	vld.idx.msk [tilespmem:v5+s11+$0x0], $0xffff;
	(pc) =	sbr.rel @p0 .LBB2_16-.Ltmp7, $4  }
0x337: {  	v20 =	vor.u32 $0x80, v0;
	v10 =	vld.idx.msk [tilespmem:v1+s11+$0x0], $0xffff;
	[tilespmem:s19+$0xF0] =	vst v22  }
0x338: {  	v18 =	vld.idx.msk [tilespmem:v21+s11+$0x0], $0xffff;
	[tilespmem:s19+$0xA0] =	vst v9  }
0x339: {  	v19 =	vld.idx.msk [tilespmem:v7+s11+$0x0], $0xffff;
	[tilespmem:s19+$0xC0] =	vst v16  }
0x33a: {  	s21 =	sadd.s32 $0x80, s21;
	v9 =	vor.u32 $0x80, v1;
	v16 =	vld.idx.msk [tilespmem:v6+s11+$0x0], $0xffff;
	[tilespmem:s19+$0xE0] =	vst v23;
	s19 =	smov.u32 s22  }
0x33b: {  	_ =	sdelay $0x2  }
0x33c: {  	[tilespmem:s19+$0xFFFFFF40] =	vst v13  }
0x33d: {  	v13 =	vld.idx.msk [tilespmem:v3+s11+$0x0], $0xffff;
	[tilespmem:s19+$0xFFFFFF50] =	vst v17  }
0x33e: {  	[tilespmem:s19+$0xFFFFFF20] =	vst v11;
	v17 =	vld.idx.msk [tilespmem:v20+s11+$0x0], $0xffff;
	v20 =	vor.u32 $0x100, v4  }
0x33f: {  	[tilespmem:s19+$0xFFFFFF80] =	vst v18  }
0x340: {  	v12 =	vld.idx.msk [tilespmem:v12+s11+$0x0], $0xffff;
	v18 =	vor.u32 $0x80, v6;
	[tilespmem:s19+$0xFFFFFF10] =	vst v19  }
0x341: {  	[tilespmem:s19+$0xFFFFFF60] =	vst v10;
	v11 =	vld.idx.msk [tilespmem:v14+s11+$0x0], $0xffff  }
0x342: {  	[tilespmem:s19+$0xFFFFFF70] =	vst v13;
	v13 =	vld.idx.msk [tilespmem:v15+s11+$0x0], $0xffff  }
0x343: {  	v14 =	vor.u32 $0x100, v5;
	[tilespmem:s19+$0xFFFFFFC0] =	vst v17;
	v17 =	vld.idx.msk [tilespmem:v20+s11+$0x0], $0xffff  }
0x344: {  	v10 =	vor.u32 $0x100, v2;
	[tilespmem:s19+$0xFFFFFF30] =	vst v16;
	v8 =	vld.idx.msk [tilespmem:v8+s11+$0x0], $0xffff  }
0x345: {  	v16 =	vor.u32 $0x100, v7;
	[tilespmem:s19+$0xFFFFFFD0] =	vst v12;
	v15 =	vld.idx.msk [tilespmem:v18+s11+$0x0], $0xffff  }
0x346: {  	v4 =	vor.u32 $0x180, v4;
	[tilespmem:s19+$0xFFFFFF90] =	vst v11  }
0x347: {  	v9 =	vld.idx.msk [tilespmem:v9+s11+$0x0], $0xffff;
	v12 =	vor.u32 $0x100, v6;
	[tilespmem:s19+$0xFFFFFFA0] =	vst v13  }
0x348: {  	v11 =	vld.idx.msk [tilespmem:v14+s11+$0x0], $0xffff;
	v14 =	vor.u32 $0x100, v1;
	[tilespmem:s19+$0x0] =	vst v17  }
0x349: {  	v13 =	vor.u32 $0x100, v3;
	[tilespmem:s19+$0xFFFFFFF0] =	vst v8;
	v8 =	vld.idx.msk [tilespmem:v10+s11+$0x0], $0xffff  }
0x34a: {  	v5 =	vor.u32 $0x180, v5;
	[tilespmem:s19+$0xFFFFFFB0] =	vst v15;
	v15 =	vld.idx.msk [tilespmem:v16+s11+$0x0], $0xffff  }
0x34b: {  	v16 =	vor.u32 $0x100, v0;
	v4 =	vld.idx.msk [tilespmem:v4+s11+$0x0], $0xffff  }
0x34c: {  	v2 =	vor.u32 $0x180, v2;
	[tilespmem:s19+$0xFFFFFFE0] =	vst v9;
	v12 =	vld.idx.msk [tilespmem:v12+s11+$0x0], $0xffff  }
0x34d: {  	v7 =	vor.u32 $0x180, v7;
	[tilespmem:s19+$0x50] =	vst v11;
	v10 =	vld.idx.msk [tilespmem:v14+s11+$0x0], $0xffff  }
0x34e: {  	v6 =	vor.u32 $0x180, v6;
	v9 =	vld.idx.msk [tilespmem:v13+s11+$0x0], $0xffff;
	[tilespmem:s19+$0x20] =	vst v8  }
0x34f: {  	v1 =	vor.u32 $0x180, v1;
	v5 =	vld.idx.msk [tilespmem:v5+s11+$0x0], $0xffff;
	[tilespmem:s19+$0x10] =	vst v15  }
0x350: {  	v3 =	vor.u32 $0x180, v3;
	v11 =	vld.idx.msk [tilespmem:v16+s11+$0x0], $0xffff;
	[tilespmem:s19+$0x80] =	vst v4  }
0x351: {  	v0 =	vor.u32 $0x180, v0;
	v2 =	vld.idx.msk [tilespmem:v2+s11+$0x0], $0xffff;
	[tilespmem:s19+$0x30] =	vst v12  }
0x352: {  	v7 =	vld.idx.msk [tilespmem:v7+s11+$0x0], $0xffff;
	[tilespmem:s19+$0x60] =	vst v10  }
0x353: {  	v4 =	vld.idx.msk [tilespmem:v6+s11+$0x0], $0xffff;
	[tilespmem:s19+$0x70] =	vst v9  }
0x354: {  	v1 =	vld.idx.msk [tilespmem:v1+s11+$0x0], $0xffff;
	[tilespmem:s19+$0xD0] =	vst v5  }
0x355: {  	v3 =	vld.idx.msk [tilespmem:v3+s11+$0x0], $0xffff;
	[tilespmem:s19+$0x40] =	vst v11  }
0x356: {  	[tilespmem:s19+$0xA0] =	vst v2;
	v0 =	vld.idx.msk [tilespmem:v0+s11+$0x0], $0xffff  }
0x357: {  	[tilespmem:s19+$0x90] =	vst v7  }
0x358: {  	[tilespmem:s19+$0xB0] =	vst v4  }
0x359: {  	[tilespmem:s19+$0xE0] =	vst v1  }
0x35a: {  	[tilespmem:s19+$0xF0] =	vst v3  }
0x35b: {  	[tilespmem:s19+$0xC0] =	vst v0  }
0x35c: {  	s19 =	rddreg [dreg:$0x13]  }
0x35d: {  	[hbm4b:s19+s9] =	stream.strided.scatter [tilespmem:s16], [sflag:$0x4], $0x4000, s8, s9, $0x38;
	[tilespmem:$0x19000] =	vst v63  }
0x35e: {  	s21 =	rddreg [dreg:$0x14]  }
0x35f: {  	[tilespmem:s11], [sflag:$0x2] =	stream.strided.gather [hbm4b:s21+s9], $0x8000, s8, s9, $0x38;
	[tilespmem:$0x19000] =	vst v63  }
0x360: {  	_ =	swait.ge [sflag:s12], $0x8000  }
0x361: {  	[sflag:s12] =	ssyncset.done $0x0  }
0x362: {  	[sflag:s12] =	ssyncadd.s32 $0xFFFF8000  }
0x363: {  	_ =	swait.ge [sflag:s13], $0x4000  }
0x364: {  	[sflag:s13] =	ssyncset.done $0x0  }
0x365: {  	s22 =	simm.s32 $0x40;
	[sflag:s13] =	ssyncadd.s32 $0xFFFFC000  }
0x366: {  	v0 =	vld [tilespmem:s22+$0xFFFFFFC0]  }
0x367: {  	v1 =	vld [tilespmem:s22+$0x10]  }
0x368: {  	v3 =	vld [tilespmem:s22+$0xFFFFFFE0]  }
0x369: {  	v2 =	vld [tilespmem:s22+$0x0];
	_ =	sdelay $0x1  }
0x36a: {  	v6 =	vld [tilespmem:s22+$0x20]  }
0x36b: {  	v7 =	vld [tilespmem:s22+$0xFFFFFFF0];
	v4 =	vshll.u32 v0, $0x2;
	v0 =	vand.u32 $0x7F, v0;
	v5 =	vshll.u32 v1, $0x2  }
0x36c: {  	v1 =	vand.u32 $0x7F, v1;
	v9 =	vshll.u32 v3, $0x2;
	v4 =	vand.u32 $0xFFFFFE00, v4  }
0x36d: {  	v8 =	vld [tilespmem:s22+$0xFFFFFFD0];
	v3 =	vand.u32 $0x7F, v3;
	v4 =	vor.u32 v0, v4;
	v0 =	vshll.u32 v2, $0x2  }
0x36e: {  	v5 =	vand.u32 $0xFFFFFE00, v5;
	v2 =	vand.u32 $0x7F, v2;
	v0 =	vand.u32 $0xFFFFFE00, v0  }
0x36f: {  	v5 =	vor.u32 v1, v5;
	v0 =	vor.u32 v2, v0;
	v2 =	vand.u32 $0xFFFFFE00, v9;
	v9 =	vld [tilespmem:s22+$0x30]  }
0x370: {  	v11 =	vand.u32 $0x7F, v7;
	v2 =	vor.u32 v3, v2;
	v3 =	vshll.u32 v6, $0x2  }
0x371: {  	v1 =	vand.u32 $0x7F, v6;
	v12 =	vor.u32 $0x80, v4;
	v3 =	vand.u32 $0xFFFFFE00, v3  }
0x372: {  	v6 =	vshll.u32 v7, $0x2;
	v10 =	vld.idx.msk [tilespmem:v4+s10+$0x0], $0xffff;
	v1 =	vor.u32 v1, v3;
	v3 =	vshll.u32 v8, $0x2  }
0x373: {  	v6 =	vand.u32 $0xFFFFFE00, v6;
	v8 =	vand.u32 $0x7F, v8;
	v3 =	vand.u32 $0xFFFFFE00, v3  }
0x374: {  	v6 =	vor.u32 v11, v6;
	v17 =	vld.idx.msk [tilespmem:v5+s10+$0x0], $0xffff;
	v7 =	vor.u32 v8, v3;
	v3 =	vshll.u32 v9, $0x2  }
0x375: {  	v13 =	vld.idx.msk [tilespmem:v0+s10+$0x0], $0xffff;
	v8 =	vand.u32 $0x7F, v9;
	v3 =	vand.u32 $0xFFFFFE00, v3  }
0x376: {  	s19 =	simm.s32 $0x11100;
	v11 =	vld.idx.msk [tilespmem:v2+s10+$0x0], $0xffff;
	v3 =	vor.u32 v8, v3  }
0x377: {  	v20 =	vor.u32 $0x80, v0;
	[tilespmem:s19+$0xFFFFFF00] =	vst v10;
	v10 =	vld.idx.msk [tilespmem:v1+s10+$0x0], $0xffff  }
0x378: {  	v18 =	vld.idx.msk [tilespmem:v12+s10+$0x0], $0xffff;
	v12 =	vor.u32 $0x80, v5  }
0x379: {  	v15 =	vor.u32 $0x80, v2;
	v16 =	vld.idx.msk [tilespmem:v6+s10+$0x0], $0xffff  }
0x37a: {  	s20 =	simm.s32 $0x0;
	s21 =	simm.s32 $0xC0;
	s22 =	simm.s32 $0x11100;
	v9 =	vor.u32 $0x80, v1;
	v14 =	vor.u32 $0x80, v7;
	v8 =	vor.u32 $0x80, v3;
	v19 =	vld.idx.msk [tilespmem:v7+s10+$0x0], $0xffff  }
.LBB2_18:
0x37b: {  	s20 =	sadd.s32 $0x8, s20;
	[tilespmem:s19+$0xFFFFFF40] =	vst v13;
	v13 =	vld.idx.msk [tilespmem:v3+s10+$0x0], $0xffff;
	s22 =	sadd.s32 $0x200, s22  }
0x37c: {  	p0 =	slt.u32 s20, $0xF8;
	v20 =	vld.idx.msk [tilespmem:v20+s10+$0x0], $0xffff;
	[tilespmem:s19+$0xFFFFFF50] =	vst v17  }
0x37d: {  	v17 =	vor.u32 $0x100, v4;
	v12 =	vld.idx.msk [tilespmem:v12+s10+$0x0], $0xffff  }
0x37e: {  	v21 =	vld [tilespmem:s21+$0x10];
	[tilespmem:s19+$0xFFFFFF80] =	vst v18  }
0x37f: {  	v18 =	vld [tilespmem:s21+$0xFFFFFFE0];
	[tilespmem:s19+$0xFFFFFF10] =	vst v19;
	v19 =	vor.u32 $0x80, v6  }
0x380: {  	v14 =	vld.idx.msk [tilespmem:v14+s10+$0x0], $0xffff;
	[tilespmem:s19+$0xFFFFFF20] =	vst v11  }
0x381: {  	v11 =	vld.idx.msk [tilespmem:v15+s10+$0x0], $0xffff;
	[tilespmem:s19+$0xFFFFFF70] =	vst v13  }
0x382: {  	v13 =	vld.idx.msk [tilespmem:v17+s10+$0x0], $0xffff;
	[tilespmem:s19+$0xFFFFFFC0] =	vst v20  }
0x383: {  	v15 =	vld [tilespmem:s21+$0xFFFFFFF0];
	[tilespmem:s19+$0xFFFFFF30] =	vst v16  }
0x384: {  	v16 =	vld.idx.msk [tilespmem:v19+s10+$0x0], $0xffff;
	[tilespmem:s19+$0xFFFFFFD0] =	vst v12  }
0x385: {  	v12 =	vld [tilespmem:s21+$0xFFFFFFC0];
	[tilespmem:s19+$0xFFFFFF60] =	vst v10  }
0x386: {  	[tilespmem:s19+$0xFFFFFF90] =	vst v14;
	v8 =	vld.idx.msk [tilespmem:v8+s10+$0x0], $0xffff  }
0x387: {  	v10 =	vld [tilespmem:s21+$0x20];
	[tilespmem:s19+$0xFFFFFFA0] =	vst v11;
	v11 =	vor.u32 $0x100, v5  }
0x388: {  	v14 =	vld [tilespmem:s21+$0x30];
	[tilespmem:s19+$0x0] =	vst v13;
	v13 =	vor.u32 $0x100, v7  }
0x389: {  	v19 =	vor.u32 $0x100, v6;
	v17 =	vld [tilespmem:s21+$0xFFFFFFD0]  }
0x38a: {  	v20 =	vor.u32 $0x180, v4;
	[tilespmem:s19+$0xFFFFFFB0] =	vst v16;
	v9 =	vld.idx.msk [tilespmem:v9+s10+$0x0], $0xffff  }
0x38b: {  	v22 =	vor.u32 $0x100, v2;
	v23 =	vor.u32 $0x180, v5;
	v5 =	vor.u32 $0x100, v1;
	v16 =	vld [tilespmem:s21+$0x0]  }
0x38c: {  	v24 =	vor.u32 $0x100, v0;
	v4 =	vshll.u32 v12, $0x2;
	v11 =	vld.idx.msk [tilespmem:v11+s10+$0x0], $0xffff;
	[tilespmem:s19+$0xFFFFFFF0] =	vst v8;
	v8 =	vor.u32 $0x100, v3  }
0x38d: {  	v4 =	vand.u32 $0xFFFFFE00, v4;
	v25 =	vand.u32 $0x7F, v14;
	v14 =	vshll.u32 v14, $0x2;
	v13 =	vld.idx.msk [tilespmem:v13+s10+$0x0], $0xffff  }
0x38e: {  	v6 =	vor.u32 $0x180, v6;
	v12 =	vand.u32 $0x7F, v12;
	v14 =	vand.u32 $0xFFFFFE00, v14;
	v19 =	vld.idx.msk [tilespmem:v19+s10+$0x0], $0xffff  }
0x38f: {  	v7 =	vor.u32 $0x180, v7;
	v4 =	vor.u32 v12, v4;
	v12 =	vshll.u32 v21, $0x2;
	v20 =	vld.idx.msk [tilespmem:v20+s10+$0x0], $0xffff  }
0x390: {  	v26 =	vshll.u32 v15, $0x2;
	v14 =	vor.u32 v25, v14;
	v27 =	vshll.u32 v16, $0x2;
	v22 =	vld.idx.msk [tilespmem:v22+s10+$0x0], $0xffff;
	[tilespmem:s19+$0xFFFFFFE0] =	vst v9  }
0x391: {  	v21 =	vand.u32 $0x7F, v21;
	v9 =	vand.u32 $0xFFFFFE00, v26;
	v16 =	vand.u32 $0x7F, v16;
	v25 =	vld.idx.msk [tilespmem:v5+s10+$0x0], $0xffff  }
0x392: {  	v12 =	vand.u32 $0xFFFFFE00, v12;
	v26 =	vor.u32 $0x180, v2;
	v5 =	vand.u32 $0xFFFFFE00, v27;
	[tilespmem:s19+$0x50] =	vst v11;
	v8 =	vld.idx.msk [tilespmem:v8+s10+$0x0], $0xffff  }
0x393: {  	v2 =	vshll.u32 v18, $0x2;
	v11 =	vor.u32 v16, v5;
	v5 =	vor.u32 v21, v12;
	[tilespmem:s19+$0x10] =	vst v13;
	v12 =	vld.idx.msk [tilespmem:v24+s10+$0x0], $0xffff  }
0x394: {  	v2 =	vand.u32 $0xFFFFFE00, v2;
	v13 =	vor.u32 $0x180, v3;
	v3 =	vmov v14;
	v7 =	vld.idx.msk [tilespmem:v7+s10+$0x0], $0xffff;
	[tilespmem:s19+$0x30] =	vst v19  }
0x395: {  	v14 =	vand.u32 $0x7F, v18;
	v18 =	vor.u32 $0x180, v0;
	v0 =	vmovc v11;
	v19 =	vor.u32 $0x180, v1;
	[tilespmem:s19+$0x80] =	vst v20;
	v16 =	vld.idx.msk [tilespmem:v6+s10+$0x0], $0xffff  }
0x396: {  	v21 =	vor.u32 $0x80, v4;
	v2 =	vor.u32 v14, v2;
	v1 =	vand.u32 $0x7F, v15;
	[tilespmem:s19+$0x20] =	vst v22;
	v11 =	vld.idx.msk [tilespmem:v23+s10+$0x0], $0xffff  }
0x397: {  	v6 =	vor.u32 v1, v9;
	v1 =	vshll.u32 v10, $0x2;
	v9 =	vld.idx.msk [tilespmem:v26+s10+$0x0], $0xffff;
	[tilespmem:s19+$0x60] =	vst v25  }
0x398: {  	v10 =	vand.u32 $0x7F, v10;
	v1 =	vand.u32 $0xFFFFFE00, v1;
	v15 =	vld.idx.msk [tilespmem:v4+s10+$0x0], $0xffff;
	[tilespmem:s19+$0x70] =	vst v8  }
0x399: {  	v1 =	vor.u32 v10, v1;
	[tilespmem:s19+$0x40] =	vst v12;
	v22 =	vld.idx.msk [tilespmem:v13+s10+$0x0], $0xffff  }
0x39a: {  	v8 =	vshll.u32 v17, $0x2;
	v12 =	vor.u32 $0x80, v5;
	v13 =	vld.idx.msk [tilespmem:v0+s10+$0x0], $0xffff;
	[tilespmem:s19+$0x90] =	vst v7  }
0x39b: {  	v10 =	vand.u32 $0xFFFFFE00, v8;
	v8 =	vor.u32 $0x80, v3;
	v7 =	vand.u32 $0x7F, v17;
	[tilespmem:s19+$0xB0] =	vst v16;
	v16 =	vld.idx.msk [tilespmem:v18+s10+$0x0], $0xffff  }
0x39c: {  	v7 =	vor.u32 v7, v10;
	[tilespmem:s19+$0xD0] =	vst v11;
	v23 =	vld.idx.msk [tilespmem:v19+s10+$0x0], $0xffff  }
0x39d: {  	v14 =	vor.u32 $0x80, v7;
	v11 =	vld.idx.msk [tilespmem:v2+s10+$0x0], $0xffff  }
.Ltmp8:
0x39e: {  	[tilespmem:s22+$0xFFFFFF00] =	vst v15;
	v15 =	vor.u32 $0x80, v2;
	v17 =	vld.idx.msk [tilespmem:v5+s10+$0x0], $0xffff;
	(pc) =	sbr.rel @p0 .LBB2_18-.Ltmp8, $4  }
0x39f: {  	v20 =	vor.u32 $0x80, v0;
	v10 =	vld.idx.msk [tilespmem:v1+s10+$0x0], $0xffff;
	[tilespmem:s19+$0xF0] =	vst v22  }
0x3a0: {  	v18 =	vld.idx.msk [tilespmem:v21+s10+$0x0], $0xffff;
	[tilespmem:s19+$0xA0] =	vst v9  }
0x3a1: {  	v19 =	vld.idx.msk [tilespmem:v7+s10+$0x0], $0xffff;
	[tilespmem:s19+$0xC0] =	vst v16  }
0x3a2: {  	s21 =	sadd.s32 $0x80, s21;
	v9 =	vor.u32 $0x80, v1;
	v16 =	vld.idx.msk [tilespmem:v6+s10+$0x0], $0xffff;
	[tilespmem:s19+$0xE0] =	vst v23;
	s19 =	smov.u32 s22  }
0x3a3: {  	_ =	sdelay $0x2  }
0x3a4: {  	[tilespmem:s19+$0xFFFFFF40] =	vst v13  }
0x3a5: {  	v13 =	vld.idx.msk [tilespmem:v3+s10+$0x0], $0xffff;
	[tilespmem:s19+$0xFFFFFF50] =	vst v17  }
0x3a6: {  	[tilespmem:s19+$0xFFFFFF20] =	vst v11;
	v17 =	vld.idx.msk [tilespmem:v20+s10+$0x0], $0xffff;
	v20 =	vor.u32 $0x100, v4  }
0x3a7: {  	[tilespmem:s19+$0xFFFFFF80] =	vst v18  }
0x3a8: {  	v12 =	vld.idx.msk [tilespmem:v12+s10+$0x0], $0xffff;
	v18 =	vor.u32 $0x80, v6;
	[tilespmem:s19+$0xFFFFFF10] =	vst v19  }
0x3a9: {  	[tilespmem:s19+$0xFFFFFF60] =	vst v10;
	v11 =	vld.idx.msk [tilespmem:v14+s10+$0x0], $0xffff  }
0x3aa: {  	[tilespmem:s19+$0xFFFFFF70] =	vst v13;
	v13 =	vld.idx.msk [tilespmem:v15+s10+$0x0], $0xffff  }
0x3ab: {  	v14 =	vor.u32 $0x100, v5;
	[tilespmem:s19+$0xFFFFFFC0] =	vst v17;
	v17 =	vld.idx.msk [tilespmem:v20+s10+$0x0], $0xffff  }
0x3ac: {  	v10 =	vor.u32 $0x100, v2;
	[tilespmem:s19+$0xFFFFFF30] =	vst v16;
	v8 =	vld.idx.msk [tilespmem:v8+s10+$0x0], $0xffff  }
0x3ad: {  	v16 =	vor.u32 $0x100, v7;
	[tilespmem:s19+$0xFFFFFFD0] =	vst v12;
	v15 =	vld.idx.msk [tilespmem:v18+s10+$0x0], $0xffff  }
0x3ae: {  	v4 =	vor.u32 $0x180, v4;
	[tilespmem:s19+$0xFFFFFF90] =	vst v11  }
0x3af: {  	v9 =	vld.idx.msk [tilespmem:v9+s10+$0x0], $0xffff;
	v12 =	vor.u32 $0x100, v6;
	[tilespmem:s19+$0xFFFFFFA0] =	vst v13  }
0x3b0: {  	v11 =	vld.idx.msk [tilespmem:v14+s10+$0x0], $0xffff;
	v14 =	vor.u32 $0x100, v1;
	[tilespmem:s19+$0x0] =	vst v17  }
0x3b1: {  	v13 =	vor.u32 $0x100, v3;
	[tilespmem:s19+$0xFFFFFFF0] =	vst v8;
	v8 =	vld.idx.msk [tilespmem:v10+s10+$0x0], $0xffff  }
0x3b2: {  	v5 =	vor.u32 $0x180, v5;
	[tilespmem:s19+$0xFFFFFFB0] =	vst v15;
	v15 =	vld.idx.msk [tilespmem:v16+s10+$0x0], $0xffff  }
0x3b3: {  	v16 =	vor.u32 $0x100, v0;
	v4 =	vld.idx.msk [tilespmem:v4+s10+$0x0], $0xffff  }
0x3b4: {  	v2 =	vor.u32 $0x180, v2;
	[tilespmem:s19+$0xFFFFFFE0] =	vst v9;
	v12 =	vld.idx.msk [tilespmem:v12+s10+$0x0], $0xffff  }
0x3b5: {  	v7 =	vor.u32 $0x180, v7;
	[tilespmem:s19+$0x50] =	vst v11;
	v10 =	vld.idx.msk [tilespmem:v14+s10+$0x0], $0xffff  }
0x3b6: {  	v6 =	vor.u32 $0x180, v6;
	v9 =	vld.idx.msk [tilespmem:v13+s10+$0x0], $0xffff;
	[tilespmem:s19+$0x20] =	vst v8  }
0x3b7: {  	v1 =	vor.u32 $0x180, v1;
	v5 =	vld.idx.msk [tilespmem:v5+s10+$0x0], $0xffff;
	[tilespmem:s19+$0x10] =	vst v15  }
0x3b8: {  	v3 =	vor.u32 $0x180, v3;
	v11 =	vld.idx.msk [tilespmem:v16+s10+$0x0], $0xffff;
	[tilespmem:s19+$0x80] =	vst v4  }
0x3b9: {  	v0 =	vor.u32 $0x180, v0;
	v2 =	vld.idx.msk [tilespmem:v2+s10+$0x0], $0xffff;
	[tilespmem:s19+$0x30] =	vst v12  }
0x3ba: {  	v7 =	vld.idx.msk [tilespmem:v7+s10+$0x0], $0xffff;
	[tilespmem:s19+$0x60] =	vst v10  }
0x3bb: {  	v4 =	vld.idx.msk [tilespmem:v6+s10+$0x0], $0xffff;
	[tilespmem:s19+$0x70] =	vst v9  }
0x3bc: {  	v1 =	vld.idx.msk [tilespmem:v1+s10+$0x0], $0xffff;
	[tilespmem:s19+$0xD0] =	vst v5  }
0x3bd: {  	v3 =	vld.idx.msk [tilespmem:v3+s10+$0x0], $0xffff;
	[tilespmem:s19+$0x40] =	vst v11  }
0x3be: {  	[tilespmem:s19+$0xA0] =	vst v2;
	v0 =	vld.idx.msk [tilespmem:v0+s10+$0x0], $0xffff  }
0x3bf: {  	[tilespmem:s19+$0x90] =	vst v7  }
0x3c0: {  	[tilespmem:s19+$0xB0] =	vst v4  }
0x3c1: {  	[tilespmem:s19+$0xE0] =	vst v1  }
0x3c2: {  	[tilespmem:s19+$0xF0] =	vst v3  }
0x3c3: {  	[tilespmem:s19+$0xC0] =	vst v0  }
0x3c4: {  	s19 =	rddreg [dreg:$0x15]  }
0x3c5: {  	[hbm4b:s19+s9] =	stream.strided.scatter [tilespmem:s14], [sflag:$0x3], $0x4000, s8, s9, $0x38;
	[tilespmem:$0x19000] =	vst v63  }
0x3c6: {  	_ = 	snop  }
0x3c7: {  	[tilespmem:s10], [sflag:$0x1] =	stream.strided.gather [hbm4b:s23+s9], $0x8000, s8, s9, $0x38;
	[tilespmem:$0x19000] =	vst v63  }
0x3c8: {  	_ =	swait.ge [sflag:s15], $0x8000  }
0x3c9: {  	[sflag:s15] =	ssyncset.done $0x0  }
0x3ca: {  	[sflag:s15] =	ssyncadd.s32 $0xFFFF8000  }
0x3cb: {  	_ =	swait.ge [sflag:s17], $0x4000  }
0x3cc: {  	[sflag:s17] =	ssyncset.done $0x0  }
0x3cd: {  	s22 =	simm.s32 $0x40;
	[sflag:s17] =	ssyncadd.s32 $0xFFFFC000  }
0x3ce: {  	v0 =	vld [tilespmem:s22+$0xFFFFFFC0]  }
0x3cf: {  	v1 =	vld [tilespmem:s22+$0x10]  }
0x3d0: {  	v3 =	vld [tilespmem:s22+$0xFFFFFFE0]  }
0x3d1: {  	v2 =	vld [tilespmem:s22+$0x0];
	_ =	sdelay $0x1  }
0x3d2: {  	v6 =	vld [tilespmem:s22+$0x20]  }
0x3d3: {  	v7 =	vld [tilespmem:s22+$0xFFFFFFF0];
	v4 =	vshll.u32 v0, $0x2;
	v0 =	vand.u32 $0x7F, v0;
	v5 =	vshll.u32 v1, $0x2  }
0x3d4: {  	v1 =	vand.u32 $0x7F, v1;
	v9 =	vshll.u32 v3, $0x2;
	v4 =	vand.u32 $0xFFFFFE00, v4  }
0x3d5: {  	v8 =	vld [tilespmem:s22+$0xFFFFFFD0];
	v3 =	vand.u32 $0x7F, v3;
	v4 =	vor.u32 v0, v4;
	v0 =	vshll.u32 v2, $0x2  }
0x3d6: {  	v5 =	vand.u32 $0xFFFFFE00, v5;
	v2 =	vand.u32 $0x7F, v2;
	v0 =	vand.u32 $0xFFFFFE00, v0  }
0x3d7: {  	v5 =	vor.u32 v1, v5;
	v0 =	vor.u32 v2, v0;
	v2 =	vand.u32 $0xFFFFFE00, v9;
	v9 =	vld [tilespmem:s22+$0x30]  }
0x3d8: {  	v11 =	vand.u32 $0x7F, v7;
	v2 =	vor.u32 v3, v2;
	v3 =	vshll.u32 v6, $0x2  }
0x3d9: {  	v1 =	vand.u32 $0x7F, v6;
	v12 =	vor.u32 $0x80, v4;
	v3 =	vand.u32 $0xFFFFFE00, v3  }
0x3da: {  	v6 =	vshll.u32 v7, $0x2;
	v10 =	vld.idx.msk [tilespmem:v4+s11+$0x0], $0xffff;
	v1 =	vor.u32 v1, v3;
	v3 =	vshll.u32 v8, $0x2  }
0x3db: {  	v6 =	vand.u32 $0xFFFFFE00, v6;
	v8 =	vand.u32 $0x7F, v8;
	v3 =	vand.u32 $0xFFFFFE00, v3  }
0x3dc: {  	v6 =	vor.u32 v11, v6;
	v17 =	vld.idx.msk [tilespmem:v5+s11+$0x0], $0xffff;
	v7 =	vor.u32 v8, v3;
	v3 =	vshll.u32 v9, $0x2  }
0x3dd: {  	v13 =	vld.idx.msk [tilespmem:v0+s11+$0x0], $0xffff;
	v8 =	vand.u32 $0x7F, v9;
	v3 =	vand.u32 $0xFFFFFE00, v3  }
0x3de: {  	s19 =	simm.s32 $0x15100;
	v11 =	vld.idx.msk [tilespmem:v2+s11+$0x0], $0xffff;
	v3 =	vor.u32 v8, v3  }
0x3df: {  	v20 =	vor.u32 $0x80, v0;
	[tilespmem:s19+$0xFFFFFF00] =	vst v10;
	v10 =	vld.idx.msk [tilespmem:v1+s11+$0x0], $0xffff  }
0x3e0: {  	v18 =	vld.idx.msk [tilespmem:v12+s11+$0x0], $0xffff;
	v12 =	vor.u32 $0x80, v5  }
0x3e1: {  	v15 =	vor.u32 $0x80, v2;
	v16 =	vld.idx.msk [tilespmem:v6+s11+$0x0], $0xffff  }
0x3e2: {  	s20 =	simm.s32 $0x0;
	s21 =	simm.s32 $0xC0;
	s22 =	simm.s32 $0x15100;
	v9 =	vor.u32 $0x80, v1;
	v14 =	vor.u32 $0x80, v7;
	v8 =	vor.u32 $0x80, v3;
	v19 =	vld.idx.msk [tilespmem:v7+s11+$0x0], $0xffff  }
.LBB2_20:
0x3e3: {  	s20 =	sadd.s32 $0x8, s20;
	[tilespmem:s19+$0xFFFFFF40] =	vst v13;
	v13 =	vld.idx.msk [tilespmem:v3+s11+$0x0], $0xffff;
	s22 =	sadd.s32 $0x200, s22  }
0x3e4: {  	p0 =	slt.u32 s20, $0xF8;
	v20 =	vld.idx.msk [tilespmem:v20+s11+$0x0], $0xffff;
	[tilespmem:s19+$0xFFFFFF50] =	vst v17  }
0x3e5: {  	v17 =	vor.u32 $0x100, v4;
	v12 =	vld.idx.msk [tilespmem:v12+s11+$0x0], $0xffff  }
0x3e6: {  	v21 =	vld [tilespmem:s21+$0x10];
	[tilespmem:s19+$0xFFFFFF80] =	vst v18  }
0x3e7: {  	v18 =	vld [tilespmem:s21+$0xFFFFFFE0];
	[tilespmem:s19+$0xFFFFFF10] =	vst v19;
	v19 =	vor.u32 $0x80, v6  }
0x3e8: {  	v14 =	vld.idx.msk [tilespmem:v14+s11+$0x0], $0xffff;
	[tilespmem:s19+$0xFFFFFF20] =	vst v11  }
0x3e9: {  	v11 =	vld.idx.msk [tilespmem:v15+s11+$0x0], $0xffff;
	[tilespmem:s19+$0xFFFFFF70] =	vst v13  }
0x3ea: {  	v13 =	vld.idx.msk [tilespmem:v17+s11+$0x0], $0xffff;
	[tilespmem:s19+$0xFFFFFFC0] =	vst v20  }
0x3eb: {  	v15 =	vld [tilespmem:s21+$0xFFFFFFF0];
	[tilespmem:s19+$0xFFFFFF30] =	vst v16  }
0x3ec: {  	v16 =	vld.idx.msk [tilespmem:v19+s11+$0x0], $0xffff;
	[tilespmem:s19+$0xFFFFFFD0] =	vst v12  }
0x3ed: {  	v12 =	vld [tilespmem:s21+$0xFFFFFFC0];
	[tilespmem:s19+$0xFFFFFF60] =	vst v10  }
0x3ee: {  	[tilespmem:s19+$0xFFFFFF90] =	vst v14;
	v8 =	vld.idx.msk [tilespmem:v8+s11+$0x0], $0xffff  }
0x3ef: {  	v10 =	vld [tilespmem:s21+$0x20];
	[tilespmem:s19+$0xFFFFFFA0] =	vst v11;
	v11 =	vor.u32 $0x100, v5  }
0x3f0: {  	v14 =	vld [tilespmem:s21+$0x30];
	[tilespmem:s19+$0x0] =	vst v13;
	v13 =	vor.u32 $0x100, v7  }
0x3f1: {  	v19 =	vor.u32 $0x100, v6;
	v17 =	vld [tilespmem:s21+$0xFFFFFFD0]  }
0x3f2: {  	v20 =	vor.u32 $0x180, v4;
	[tilespmem:s19+$0xFFFFFFB0] =	vst v16;
	v9 =	vld.idx.msk [tilespmem:v9+s11+$0x0], $0xffff  }
0x3f3: {  	v22 =	vor.u32 $0x100, v2;
	v23 =	vor.u32 $0x180, v5;
	v5 =	vor.u32 $0x100, v1;
	v16 =	vld [tilespmem:s21+$0x0]  }
0x3f4: {  	v24 =	vor.u32 $0x100, v0;
	v4 =	vshll.u32 v12, $0x2;
	v11 =	vld.idx.msk [tilespmem:v11+s11+$0x0], $0xffff;
	[tilespmem:s19+$0xFFFFFFF0] =	vst v8;
	v8 =	vor.u32 $0x100, v3  }
0x3f5: {  	v4 =	vand.u32 $0xFFFFFE00, v4;
	v25 =	vand.u32 $0x7F, v14;
	v14 =	vshll.u32 v14, $0x2;
	v13 =	vld.idx.msk [tilespmem:v13+s11+$0x0], $0xffff  }
0x3f6: {  	v6 =	vor.u32 $0x180, v6;
	v12 =	vand.u32 $0x7F, v12;
	v14 =	vand.u32 $0xFFFFFE00, v14;
	v19 =	vld.idx.msk [tilespmem:v19+s11+$0x0], $0xffff  }
0x3f7: {  	v7 =	vor.u32 $0x180, v7;
	v4 =	vor.u32 v12, v4;
	v12 =	vshll.u32 v21, $0x2;
	v20 =	vld.idx.msk [tilespmem:v20+s11+$0x0], $0xffff  }
0x3f8: {  	v26 =	vshll.u32 v15, $0x2;
	v14 =	vor.u32 v25, v14;
	v27 =	vshll.u32 v16, $0x2;
	v22 =	vld.idx.msk [tilespmem:v22+s11+$0x0], $0xffff;
	[tilespmem:s19+$0xFFFFFFE0] =	vst v9  }
0x3f9: {  	v21 =	vand.u32 $0x7F, v21;
	v9 =	vand.u32 $0xFFFFFE00, v26;
	v16 =	vand.u32 $0x7F, v16;
	v25 =	vld.idx.msk [tilespmem:v5+s11+$0x0], $0xffff  }
0x3fa: {  	v12 =	vand.u32 $0xFFFFFE00, v12;
	v26 =	vor.u32 $0x180, v2;
	v5 =	vand.u32 $0xFFFFFE00, v27;
	[tilespmem:s19+$0x50] =	vst v11;
	v8 =	vld.idx.msk [tilespmem:v8+s11+$0x0], $0xffff  }
0x3fb: {  	v2 =	vshll.u32 v18, $0x2;
	v11 =	vor.u32 v16, v5;
	v5 =	vor.u32 v21, v12;
	[tilespmem:s19+$0x10] =	vst v13;
	v12 =	vld.idx.msk [tilespmem:v24+s11+$0x0], $0xffff  }
0x3fc: {  	v2 =	vand.u32 $0xFFFFFE00, v2;
	v13 =	vor.u32 $0x180, v3;
	v3 =	vmov v14;
	v7 =	vld.idx.msk [tilespmem:v7+s11+$0x0], $0xffff;
	[tilespmem:s19+$0x30] =	vst v19  }
0x3fd: {  	v14 =	vand.u32 $0x7F, v18;
	v18 =	vor.u32 $0x180, v0;
	v0 =	vmovc v11;
	v19 =	vor.u32 $0x180, v1;
	[tilespmem:s19+$0x80] =	vst v20;
	v16 =	vld.idx.msk [tilespmem:v6+s11+$0x0], $0xffff  }
0x3fe: {  	v21 =	vor.u32 $0x80, v4;
	v2 =	vor.u32 v14, v2;
	v1 =	vand.u32 $0x7F, v15;
	[tilespmem:s19+$0x20] =	vst v22;
	v11 =	vld.idx.msk [tilespmem:v23+s11+$0x0], $0xffff  }
0x3ff: {  	v6 =	vor.u32 v1, v9;
	v1 =	vshll.u32 v10, $0x2;
	v9 =	vld.idx.msk [tilespmem:v26+s11+$0x0], $0xffff;
	[tilespmem:s19+$0x60] =	vst v25  }
0x400: {  	v10 =	vand.u32 $0x7F, v10;
	v1 =	vand.u32 $0xFFFFFE00, v1;
	v15 =	vld.idx.msk [tilespmem:v4+s11+$0x0], $0xffff;
	[tilespmem:s19+$0x70] =	vst v8  }
0x401: {  	v1 =	vor.u32 v10, v1;
	[tilespmem:s19+$0x40] =	vst v12;
	v22 =	vld.idx.msk [tilespmem:v13+s11+$0x0], $0xffff  }
0x402: {  	v8 =	vshll.u32 v17, $0x2;
	v12 =	vor.u32 $0x80, v5;
	v13 =	vld.idx.msk [tilespmem:v0+s11+$0x0], $0xffff;
	[tilespmem:s19+$0x90] =	vst v7  }
0x403: {  	v10 =	vand.u32 $0xFFFFFE00, v8;
	v8 =	vor.u32 $0x80, v3;
	v7 =	vand.u32 $0x7F, v17;
	[tilespmem:s19+$0xB0] =	vst v16;
	v16 =	vld.idx.msk [tilespmem:v18+s11+$0x0], $0xffff  }
0x404: {  	v7 =	vor.u32 v7, v10;
	[tilespmem:s19+$0xD0] =	vst v11;
	v23 =	vld.idx.msk [tilespmem:v19+s11+$0x0], $0xffff  }
0x405: {  	v14 =	vor.u32 $0x80, v7;
	v11 =	vld.idx.msk [tilespmem:v2+s11+$0x0], $0xffff  }
.Ltmp9:
0x406: {  	[tilespmem:s22+$0xFFFFFF00] =	vst v15;
	v15 =	vor.u32 $0x80, v2;
	v17 =	vld.idx.msk [tilespmem:v5+s11+$0x0], $0xffff;
	(pc) =	sbr.rel @p0 .LBB2_20-.Ltmp9, $4  }
0x407: {  	v20 =	vor.u32 $0x80, v0;
	v10 =	vld.idx.msk [tilespmem:v1+s11+$0x0], $0xffff;
	[tilespmem:s19+$0xF0] =	vst v22  }
0x408: {  	v18 =	vld.idx.msk [tilespmem:v21+s11+$0x0], $0xffff;
	[tilespmem:s19+$0xA0] =	vst v9  }
0x409: {  	v19 =	vld.idx.msk [tilespmem:v7+s11+$0x0], $0xffff;
	[tilespmem:s19+$0xC0] =	vst v16  }
0x40a: {  	s21 =	sadd.s32 $0x80, s21;
	v9 =	vor.u32 $0x80, v1;
	v16 =	vld.idx.msk [tilespmem:v6+s11+$0x0], $0xffff;
	[tilespmem:s19+$0xE0] =	vst v23;
	s19 =	smov.u32 s22  }
0x40b: {  	_ =	sdelay $0x2  }
0x40c: {  	[tilespmem:s19+$0xFFFFFF40] =	vst v13  }
0x40d: {  	v13 =	vld.idx.msk [tilespmem:v3+s11+$0x0], $0xffff;
	[tilespmem:s19+$0xFFFFFF50] =	vst v17  }
0x40e: {  	[tilespmem:s19+$0xFFFFFF20] =	vst v11;
	v17 =	vld.idx.msk [tilespmem:v20+s11+$0x0], $0xffff;
	v20 =	vor.u32 $0x100, v4  }
0x40f: {  	[tilespmem:s19+$0xFFFFFF80] =	vst v18  }
0x410: {  	v12 =	vld.idx.msk [tilespmem:v12+s11+$0x0], $0xffff;
	v18 =	vor.u32 $0x80, v6;
	[tilespmem:s19+$0xFFFFFF10] =	vst v19  }
0x411: {  	[tilespmem:s19+$0xFFFFFF60] =	vst v10;
	v11 =	vld.idx.msk [tilespmem:v14+s11+$0x0], $0xffff  }
0x412: {  	[tilespmem:s19+$0xFFFFFF70] =	vst v13;
	v13 =	vld.idx.msk [tilespmem:v15+s11+$0x0], $0xffff  }
0x413: {  	v14 =	vor.u32 $0x100, v5;
	[tilespmem:s19+$0xFFFFFFC0] =	vst v17;
	v17 =	vld.idx.msk [tilespmem:v20+s11+$0x0], $0xffff  }
0x414: {  	v10 =	vor.u32 $0x100, v2;
	[tilespmem:s19+$0xFFFFFF30] =	vst v16;
	v8 =	vld.idx.msk [tilespmem:v8+s11+$0x0], $0xffff  }
0x415: {  	v16 =	vor.u32 $0x100, v7;
	[tilespmem:s19+$0xFFFFFFD0] =	vst v12;
	v15 =	vld.idx.msk [tilespmem:v18+s11+$0x0], $0xffff  }
0x416: {  	v4 =	vor.u32 $0x180, v4;
	[tilespmem:s19+$0xFFFFFF90] =	vst v11  }
0x417: {  	v9 =	vld.idx.msk [tilespmem:v9+s11+$0x0], $0xffff;
	v12 =	vor.u32 $0x100, v6;
	[tilespmem:s19+$0xFFFFFFA0] =	vst v13  }
0x418: {  	v11 =	vld.idx.msk [tilespmem:v14+s11+$0x0], $0xffff;
	v14 =	vor.u32 $0x100, v1;
	[tilespmem:s19+$0x0] =	vst v17  }
0x419: {  	v13 =	vor.u32 $0x100, v3;
	[tilespmem:s19+$0xFFFFFFF0] =	vst v8;
	v8 =	vld.idx.msk [tilespmem:v10+s11+$0x0], $0xffff  }
0x41a: {  	v5 =	vor.u32 $0x180, v5;
	[tilespmem:s19+$0xFFFFFFB0] =	vst v15;
	v15 =	vld.idx.msk [tilespmem:v16+s11+$0x0], $0xffff  }
0x41b: {  	v16 =	vor.u32 $0x100, v0;
	v4 =	vld.idx.msk [tilespmem:v4+s11+$0x0], $0xffff  }
0x41c: {  	v2 =	vor.u32 $0x180, v2;
	[tilespmem:s19+$0xFFFFFFE0] =	vst v9;
	v12 =	vld.idx.msk [tilespmem:v12+s11+$0x0], $0xffff  }
0x41d: {  	v7 =	vor.u32 $0x180, v7;
	[tilespmem:s19+$0x50] =	vst v11;
	v10 =	vld.idx.msk [tilespmem:v14+s11+$0x0], $0xffff  }
0x41e: {  	v6 =	vor.u32 $0x180, v6;
	v9 =	vld.idx.msk [tilespmem:v13+s11+$0x0], $0xffff;
	[tilespmem:s19+$0x20] =	vst v8  }
0x41f: {  	v1 =	vor.u32 $0x180, v1;
	v5 =	vld.idx.msk [tilespmem:v5+s11+$0x0], $0xffff;
	[tilespmem:s19+$0x10] =	vst v15  }
0x420: {  	v3 =	vor.u32 $0x180, v3;
	v11 =	vld.idx.msk [tilespmem:v16+s11+$0x0], $0xffff;
	[tilespmem:s19+$0x80] =	vst v4  }
0x421: {  	v0 =	vor.u32 $0x180, v0;
	v2 =	vld.idx.msk [tilespmem:v2+s11+$0x0], $0xffff;
	[tilespmem:s19+$0x30] =	vst v12  }
0x422: {  	v7 =	vld.idx.msk [tilespmem:v7+s11+$0x0], $0xffff;
	[tilespmem:s19+$0x60] =	vst v10  }
0x423: {  	v4 =	vld.idx.msk [tilespmem:v6+s11+$0x0], $0xffff;
	[tilespmem:s19+$0x70] =	vst v9  }
0x424: {  	v1 =	vld.idx.msk [tilespmem:v1+s11+$0x0], $0xffff;
	[tilespmem:s19+$0xD0] =	vst v5  }
0x425: {  	v3 =	vld.idx.msk [tilespmem:v3+s11+$0x0], $0xffff;
	[tilespmem:s19+$0x40] =	vst v11  }
0x426: {  	[tilespmem:s19+$0xA0] =	vst v2;
	v0 =	vld.idx.msk [tilespmem:v0+s11+$0x0], $0xffff  }
0x427: {  	[tilespmem:s19+$0x90] =	vst v7  }
0x428: {  	[tilespmem:s19+$0xB0] =	vst v4  }
0x429: {  	[tilespmem:s19+$0xE0] =	vst v1  }
0x42a: {  	[tilespmem:s19+$0xF0] =	vst v3  }
0x42b: {  	[tilespmem:s19+$0xC0] =	vst v0  }
0x42c: {  	[hbm4b:s24+s9] =	stream.strided.scatter [tilespmem:s16], [sflag:$0x4], $0x4000, s8, s9, $0x38;
	[tilespmem:$0x19000] =	vst v63  }
0x42d: {  	_ = 	snop  }
0x42e: {  	[tilespmem:s11], [sflag:$0x2] =	stream.strided.gather [hbm4b:s26+s9], $0x8000, s8, s9, $0x38;
	[tilespmem:$0x19000] =	vst v63  }
0x42f: {  	_ =	swait.ge [sflag:s12], $0x8000  }
0x430: {  	[sflag:s12] =	ssyncset.done $0x0  }
0x431: {  	[sflag:s12] =	ssyncadd.s32 $0xFFFF8000  }
0x432: {  	_ =	swait.ge [sflag:s13], $0x4000  }
0x433: {  	[sflag:s13] =	ssyncset.done $0x0  }
0x434: {  	s22 =	simm.s32 $0x40;
	[sflag:s13] =	ssyncadd.s32 $0xFFFFC000  }
0x435: {  	v0 =	vld [tilespmem:s22+$0xFFFFFFC0]  }
0x436: {  	v1 =	vld [tilespmem:s22+$0x10]  }
0x437: {  	v3 =	vld [tilespmem:s22+$0xFFFFFFE0]  }
0x438: {  	v2 =	vld [tilespmem:s22+$0x0];
	_ =	sdelay $0x1  }
0x439: {  	v6 =	vld [tilespmem:s22+$0x20]  }
0x43a: {  	v7 =	vld [tilespmem:s22+$0xFFFFFFF0];
	v4 =	vshll.u32 v0, $0x2;
	v0 =	vand.u32 $0x7F, v0;
	v5 =	vshll.u32 v1, $0x2  }
0x43b: {  	v1 =	vand.u32 $0x7F, v1;
	v9 =	vshll.u32 v3, $0x2;
	v4 =	vand.u32 $0xFFFFFE00, v4  }
0x43c: {  	v8 =	vld [tilespmem:s22+$0xFFFFFFD0];
	v3 =	vand.u32 $0x7F, v3;
	v4 =	vor.u32 v0, v4;
	v0 =	vshll.u32 v2, $0x2  }
0x43d: {  	v5 =	vand.u32 $0xFFFFFE00, v5;
	v2 =	vand.u32 $0x7F, v2;
	v0 =	vand.u32 $0xFFFFFE00, v0  }
0x43e: {  	v5 =	vor.u32 v1, v5;
	v0 =	vor.u32 v2, v0;
	v2 =	vand.u32 $0xFFFFFE00, v9;
	v9 =	vld [tilespmem:s22+$0x30]  }
0x43f: {  	v11 =	vand.u32 $0x7F, v7;
	v2 =	vor.u32 v3, v2;
	v3 =	vshll.u32 v6, $0x2  }
0x440: {  	v1 =	vand.u32 $0x7F, v6;
	v12 =	vor.u32 $0x80, v4;
	v3 =	vand.u32 $0xFFFFFE00, v3  }
0x441: {  	v6 =	vshll.u32 v7, $0x2;
	v10 =	vld.idx.msk [tilespmem:v4+s10+$0x0], $0xffff;
	v1 =	vor.u32 v1, v3;
	v3 =	vshll.u32 v8, $0x2  }
0x442: {  	v6 =	vand.u32 $0xFFFFFE00, v6;
	v8 =	vand.u32 $0x7F, v8;
	v3 =	vand.u32 $0xFFFFFE00, v3  }
0x443: {  	v6 =	vor.u32 v11, v6;
	v17 =	vld.idx.msk [tilespmem:v5+s10+$0x0], $0xffff;
	v7 =	vor.u32 v8, v3;
	v3 =	vshll.u32 v9, $0x2  }
0x444: {  	v13 =	vld.idx.msk [tilespmem:v0+s10+$0x0], $0xffff;
	v8 =	vand.u32 $0x7F, v9;
	v3 =	vand.u32 $0xFFFFFE00, v3  }
0x445: {  	s19 =	simm.s32 $0x11100;
	v11 =	vld.idx.msk [tilespmem:v2+s10+$0x0], $0xffff;
	v3 =	vor.u32 v8, v3  }
0x446: {  	v20 =	vor.u32 $0x80, v0;
	[tilespmem:s19+$0xFFFFFF00] =	vst v10;
	v10 =	vld.idx.msk [tilespmem:v1+s10+$0x0], $0xffff  }
0x447: {  	v18 =	vld.idx.msk [tilespmem:v12+s10+$0x0], $0xffff;
	v12 =	vor.u32 $0x80, v5  }
0x448: {  	v15 =	vor.u32 $0x80, v2;
	v16 =	vld.idx.msk [tilespmem:v6+s10+$0x0], $0xffff  }
0x449: {  	s20 =	simm.s32 $0x0;
	s21 =	simm.s32 $0xC0;
	s22 =	simm.s32 $0x11100;
	v9 =	vor.u32 $0x80, v1;
	v14 =	vor.u32 $0x80, v7;
	v8 =	vor.u32 $0x80, v3;
	v19 =	vld.idx.msk [tilespmem:v7+s10+$0x0], $0xffff  }
.LBB2_22:
0x44a: {  	s20 =	sadd.s32 $0x8, s20;
	[tilespmem:s19+$0xFFFFFF40] =	vst v13;
	v13 =	vld.idx.msk [tilespmem:v3+s10+$0x0], $0xffff;
	s22 =	sadd.s32 $0x200, s22  }
0x44b: {  	p0 =	slt.u32 s20, $0xF8;
	v20 =	vld.idx.msk [tilespmem:v20+s10+$0x0], $0xffff;
	[tilespmem:s19+$0xFFFFFF50] =	vst v17  }
0x44c: {  	v17 =	vor.u32 $0x100, v4;
	v12 =	vld.idx.msk [tilespmem:v12+s10+$0x0], $0xffff  }
0x44d: {  	v21 =	vld [tilespmem:s21+$0x10];
	[tilespmem:s19+$0xFFFFFF80] =	vst v18  }
0x44e: {  	v18 =	vld [tilespmem:s21+$0xFFFFFFE0];
	[tilespmem:s19+$0xFFFFFF10] =	vst v19;
	v19 =	vor.u32 $0x80, v6  }
0x44f: {  	v14 =	vld.idx.msk [tilespmem:v14+s10+$0x0], $0xffff;
	[tilespmem:s19+$0xFFFFFF20] =	vst v11  }
0x450: {  	v11 =	vld.idx.msk [tilespmem:v15+s10+$0x0], $0xffff;
	[tilespmem:s19+$0xFFFFFF70] =	vst v13  }
0x451: {  	v13 =	vld.idx.msk [tilespmem:v17+s10+$0x0], $0xffff;
	[tilespmem:s19+$0xFFFFFFC0] =	vst v20  }
0x452: {  	v15 =	vld [tilespmem:s21+$0xFFFFFFF0];
	[tilespmem:s19+$0xFFFFFF30] =	vst v16  }
0x453: {  	v16 =	vld.idx.msk [tilespmem:v19+s10+$0x0], $0xffff;
	[tilespmem:s19+$0xFFFFFFD0] =	vst v12  }
0x454: {  	v12 =	vld [tilespmem:s21+$0xFFFFFFC0];
	[tilespmem:s19+$0xFFFFFF60] =	vst v10  }
0x455: {  	[tilespmem:s19+$0xFFFFFF90] =	vst v14;
	v8 =	vld.idx.msk [tilespmem:v8+s10+$0x0], $0xffff  }
0x456: {  	v10 =	vld [tilespmem:s21+$0x20];
	[tilespmem:s19+$0xFFFFFFA0] =	vst v11;
	v11 =	vor.u32 $0x100, v5  }
0x457: {  	v14 =	vld [tilespmem:s21+$0x30];
	[tilespmem:s19+$0x0] =	vst v13;
	v13 =	vor.u32 $0x100, v7  }
0x458: {  	v19 =	vor.u32 $0x100, v6;
	v17 =	vld [tilespmem:s21+$0xFFFFFFD0]  }
0x459: {  	v20 =	vor.u32 $0x180, v4;
	[tilespmem:s19+$0xFFFFFFB0] =	vst v16;
	v9 =	vld.idx.msk [tilespmem:v9+s10+$0x0], $0xffff  }
0x45a: {  	v22 =	vor.u32 $0x100, v2;
	v23 =	vor.u32 $0x180, v5;
	v5 =	vor.u32 $0x100, v1;
	v16 =	vld [tilespmem:s21+$0x0]  }
0x45b: {  	v24 =	vor.u32 $0x100, v0;
	v4 =	vshll.u32 v12, $0x2;
	v11 =	vld.idx.msk [tilespmem:v11+s10+$0x0], $0xffff;
	[tilespmem:s19+$0xFFFFFFF0] =	vst v8;
	v8 =	vor.u32 $0x100, v3  }
0x45c: {  	v4 =	vand.u32 $0xFFFFFE00, v4;
	v25 =	vand.u32 $0x7F, v14;
	v14 =	vshll.u32 v14, $0x2;
	v13 =	vld.idx.msk [tilespmem:v13+s10+$0x0], $0xffff  }
0x45d: {  	v6 =	vor.u32 $0x180, v6;
	v12 =	vand.u32 $0x7F, v12;
	v14 =	vand.u32 $0xFFFFFE00, v14;
	v19 =	vld.idx.msk [tilespmem:v19+s10+$0x0], $0xffff  }
0x45e: {  	v7 =	vor.u32 $0x180, v7;
	v4 =	vor.u32 v12, v4;
	v12 =	vshll.u32 v21, $0x2;
	v20 =	vld.idx.msk [tilespmem:v20+s10+$0x0], $0xffff  }
0x45f: {  	v26 =	vshll.u32 v15, $0x2;
	v14 =	vor.u32 v25, v14;
	v27 =	vshll.u32 v16, $0x2;
	v22 =	vld.idx.msk [tilespmem:v22+s10+$0x0], $0xffff;
	[tilespmem:s19+$0xFFFFFFE0] =	vst v9  }
0x460: {  	v21 =	vand.u32 $0x7F, v21;
	v9 =	vand.u32 $0xFFFFFE00, v26;
	v16 =	vand.u32 $0x7F, v16;
	v25 =	vld.idx.msk [tilespmem:v5+s10+$0x0], $0xffff  }
0x461: {  	v12 =	vand.u32 $0xFFFFFE00, v12;
	v26 =	vor.u32 $0x180, v2;
	v5 =	vand.u32 $0xFFFFFE00, v27;
	[tilespmem:s19+$0x50] =	vst v11;
	v8 =	vld.idx.msk [tilespmem:v8+s10+$0x0], $0xffff  }
0x462: {  	v2 =	vshll.u32 v18, $0x2;
	v11 =	vor.u32 v16, v5;
	v5 =	vor.u32 v21, v12;
	[tilespmem:s19+$0x10] =	vst v13;
	v12 =	vld.idx.msk [tilespmem:v24+s10+$0x0], $0xffff  }
0x463: {  	v2 =	vand.u32 $0xFFFFFE00, v2;
	v13 =	vor.u32 $0x180, v3;
	v3 =	vmov v14;
	v7 =	vld.idx.msk [tilespmem:v7+s10+$0x0], $0xffff;
	[tilespmem:s19+$0x30] =	vst v19  }
0x464: {  	v14 =	vand.u32 $0x7F, v18;
	v18 =	vor.u32 $0x180, v0;
	v0 =	vmovc v11;
	v19 =	vor.u32 $0x180, v1;
	[tilespmem:s19+$0x80] =	vst v20;
	v16 =	vld.idx.msk [tilespmem:v6+s10+$0x0], $0xffff  }
0x465: {  	v21 =	vor.u32 $0x80, v4;
	v2 =	vor.u32 v14, v2;
	v1 =	vand.u32 $0x7F, v15;
	[tilespmem:s19+$0x20] =	vst v22;
	v11 =	vld.idx.msk [tilespmem:v23+s10+$0x0], $0xffff  }
0x466: {  	v6 =	vor.u32 v1, v9;
	v1 =	vshll.u32 v10, $0x2;
	v9 =	vld.idx.msk [tilespmem:v26+s10+$0x0], $0xffff;
	[tilespmem:s19+$0x60] =	vst v25  }
0x467: {  	v10 =	vand.u32 $0x7F, v10;
	v1 =	vand.u32 $0xFFFFFE00, v1;
	v15 =	vld.idx.msk [tilespmem:v4+s10+$0x0], $0xffff;
	[tilespmem:s19+$0x70] =	vst v8  }
0x468: {  	v1 =	vor.u32 v10, v1;
	[tilespmem:s19+$0x40] =	vst v12;
	v22 =	vld.idx.msk [tilespmem:v13+s10+$0x0], $0xffff  }
0x469: {  	v8 =	vshll.u32 v17, $0x2;
	v12 =	vor.u32 $0x80, v5;
	v13 =	vld.idx.msk [tilespmem:v0+s10+$0x0], $0xffff;
	[tilespmem:s19+$0x90] =	vst v7  }
0x46a: {  	v10 =	vand.u32 $0xFFFFFE00, v8;
	v8 =	vor.u32 $0x80, v3;
	v7 =	vand.u32 $0x7F, v17;
	[tilespmem:s19+$0xB0] =	vst v16;
	v16 =	vld.idx.msk [tilespmem:v18+s10+$0x0], $0xffff  }
0x46b: {  	v7 =	vor.u32 v7, v10;
	[tilespmem:s19+$0xD0] =	vst v11;
	v23 =	vld.idx.msk [tilespmem:v19+s10+$0x0], $0xffff  }
0x46c: {  	v14 =	vor.u32 $0x80, v7;
	v11 =	vld.idx.msk [tilespmem:v2+s10+$0x0], $0xffff  }
.Ltmp10:
0x46d: {  	[tilespmem:s22+$0xFFFFFF00] =	vst v15;
	v15 =	vor.u32 $0x80, v2;
	v17 =	vld.idx.msk [tilespmem:v5+s10+$0x0], $0xffff;
	(pc) =	sbr.rel @p0 .LBB2_22-.Ltmp10, $4  }
0x46e: {  	v20 =	vor.u32 $0x80, v0;
	v10 =	vld.idx.msk [tilespmem:v1+s10+$0x0], $0xffff;
	[tilespmem:s19+$0xF0] =	vst v22  }
0x46f: {  	v18 =	vld.idx.msk [tilespmem:v21+s10+$0x0], $0xffff;
	[tilespmem:s19+$0xA0] =	vst v9  }
0x470: {  	v19 =	vld.idx.msk [tilespmem:v7+s10+$0x0], $0xffff;
	[tilespmem:s19+$0xC0] =	vst v16  }
0x471: {  	s21 =	sadd.s32 $0x80, s21;
	v9 =	vor.u32 $0x80, v1;
	v16 =	vld.idx.msk [tilespmem:v6+s10+$0x0], $0xffff;
	[tilespmem:s19+$0xE0] =	vst v23;
	s19 =	smov.u32 s22  }
0x472: {  	_ =	sdelay $0x2  }
0x473: {  	[tilespmem:s19+$0xFFFFFF40] =	vst v13  }
0x474: {  	v13 =	vld.idx.msk [tilespmem:v3+s10+$0x0], $0xffff;
	[tilespmem:s19+$0xFFFFFF50] =	vst v17  }
0x475: {  	[tilespmem:s19+$0xFFFFFF20] =	vst v11;
	v17 =	vld.idx.msk [tilespmem:v20+s10+$0x0], $0xffff;
	v20 =	vor.u32 $0x100, v4  }
0x476: {  	[tilespmem:s19+$0xFFFFFF80] =	vst v18  }
0x477: {  	v12 =	vld.idx.msk [tilespmem:v12+s10+$0x0], $0xffff;
	v18 =	vor.u32 $0x80, v6;
	[tilespmem:s19+$0xFFFFFF10] =	vst v19  }
0x478: {  	[tilespmem:s19+$0xFFFFFF60] =	vst v10;
	v11 =	vld.idx.msk [tilespmem:v14+s10+$0x0], $0xffff  }
0x479: {  	[tilespmem:s19+$0xFFFFFF70] =	vst v13;
	v13 =	vld.idx.msk [tilespmem:v15+s10+$0x0], $0xffff  }
0x47a: {  	v14 =	vor.u32 $0x100, v5;
	[tilespmem:s19+$0xFFFFFFC0] =	vst v17;
	v17 =	vld.idx.msk [tilespmem:v20+s10+$0x0], $0xffff  }
0x47b: {  	v10 =	vor.u32 $0x100, v2;
	[tilespmem:s19+$0xFFFFFF30] =	vst v16;
	v8 =	vld.idx.msk [tilespmem:v8+s10+$0x0], $0xffff  }
0x47c: {  	v16 =	vor.u32 $0x100, v7;
	[tilespmem:s19+$0xFFFFFFD0] =	vst v12;
	v15 =	vld.idx.msk [tilespmem:v18+s10+$0x0], $0xffff  }
0x47d: {  	v4 =	vor.u32 $0x180, v4;
	[tilespmem:s19+$0xFFFFFF90] =	vst v11  }
0x47e: {  	v9 =	vld.idx.msk [tilespmem:v9+s10+$0x0], $0xffff;
	v12 =	vor.u32 $0x100, v6;
	[tilespmem:s19+$0xFFFFFFA0] =	vst v13  }
0x47f: {  	v11 =	vld.idx.msk [tilespmem:v14+s10+$0x0], $0xffff;
	v14 =	vor.u32 $0x100, v1;
	[tilespmem:s19+$0x0] =	vst v17  }
0x480: {  	v13 =	vor.u32 $0x100, v3;
	[tilespmem:s19+$0xFFFFFFF0] =	vst v8;
	v8 =	vld.idx.msk [tilespmem:v10+s10+$0x0], $0xffff  }
0x481: {  	v5 =	vor.u32 $0x180, v5;
	[tilespmem:s19+$0xFFFFFFB0] =	vst v15;
	v15 =	vld.idx.msk [tilespmem:v16+s10+$0x0], $0xffff  }
0x482: {  	v16 =	vor.u32 $0x100, v0;
	v4 =	vld.idx.msk [tilespmem:v4+s10+$0x0], $0xffff  }
0x483: {  	v2 =	vor.u32 $0x180, v2;
	[tilespmem:s19+$0xFFFFFFE0] =	vst v9;
	v12 =	vld.idx.msk [tilespmem:v12+s10+$0x0], $0xffff  }
0x484: {  	v7 =	vor.u32 $0x180, v7;
	[tilespmem:s19+$0x50] =	vst v11;
	v10 =	vld.idx.msk [tilespmem:v14+s10+$0x0], $0xffff  }
0x485: {  	v6 =	vor.u32 $0x180, v6;
	v9 =	vld.idx.msk [tilespmem:v13+s10+$0x0], $0xffff;
	[tilespmem:s19+$0x20] =	vst v8  }
0x486: {  	v1 =	vor.u32 $0x180, v1;
	v5 =	vld.idx.msk [tilespmem:v5+s10+$0x0], $0xffff;
	[tilespmem:s19+$0x10] =	vst v15  }
0x487: {  	v3 =	vor.u32 $0x180, v3;
	v11 =	vld.idx.msk [tilespmem:v16+s10+$0x0], $0xffff;
	[tilespmem:s19+$0x80] =	vst v4  }
0x488: {  	v0 =	vor.u32 $0x180, v0;
	v2 =	vld.idx.msk [tilespmem:v2+s10+$0x0], $0xffff;
	[tilespmem:s19+$0x30] =	vst v12  }
0x489: {  	v7 =	vld.idx.msk [tilespmem:v7+s10+$0x0], $0xffff;
	[tilespmem:s19+$0x60] =	vst v10  }
0x48a: {  	v4 =	vld.idx.msk [tilespmem:v6+s10+$0x0], $0xffff;
	[tilespmem:s19+$0x70] =	vst v9  }
0x48b: {  	v1 =	vld.idx.msk [tilespmem:v1+s10+$0x0], $0xffff;
	[tilespmem:s19+$0xD0] =	vst v5  }
0x48c: {  	v3 =	vld.idx.msk [tilespmem:v3+s10+$0x0], $0xffff;
	[tilespmem:s19+$0x40] =	vst v11  }
0x48d: {  	[tilespmem:s19+$0xA0] =	vst v2;
	v0 =	vld.idx.msk [tilespmem:v0+s10+$0x0], $0xffff  }
0x48e: {  	[tilespmem:s19+$0x90] =	vst v7  }
0x48f: {  	[tilespmem:s19+$0xB0] =	vst v4  }
0x490: {  	[tilespmem:s19+$0xE0] =	vst v1  }
0x491: {  	[tilespmem:s19+$0xF0] =	vst v3  }
0x492: {  	[tilespmem:s19+$0xC0] =	vst v0  }
0x493: {  	[hbm4b:s28+s9] =	stream.strided.scatter [tilespmem:s14], [sflag:$0x3], $0x4000, s8, s9, $0x38;
	[tilespmem:$0x19000] =	vst v63  }
0x494: {  	_ = 	snop  }
0x495: {  	[tilespmem:s10], [sflag:$0x1] =	stream.strided.gather [hbm4b:s29+s9], $0x8000, s8, s9, $0x38;
	[tilespmem:$0x19000] =	vst v63  }
0x496: {  	_ =	swait.ge [sflag:s15], $0x8000  }
0x497: {  	[sflag:s15] =	ssyncset.done $0x0  }
0x498: {  	[sflag:s15] =	ssyncadd.s32 $0xFFFF8000  }
0x499: {  	_ =	swait.ge [sflag:s17], $0x4000  }
0x49a: {  	[sflag:s17] =	ssyncset.done $0x0  }
0x49b: {  	s22 =	simm.s32 $0x40;
	[sflag:s17] =	ssyncadd.s32 $0xFFFFC000  }
0x49c: {  	v0 =	vld [tilespmem:s22+$0xFFFFFFC0]  }
0x49d: {  	v1 =	vld [tilespmem:s22+$0x10]  }
0x49e: {  	v3 =	vld [tilespmem:s22+$0xFFFFFFE0]  }
0x49f: {  	v2 =	vld [tilespmem:s22+$0x0];
	_ =	sdelay $0x1  }
0x4a0: {  	v6 =	vld [tilespmem:s22+$0x20]  }
0x4a1: {  	v7 =	vld [tilespmem:s22+$0xFFFFFFF0];
	v4 =	vshll.u32 v0, $0x2;
	v0 =	vand.u32 $0x7F, v0;
	v5 =	vshll.u32 v1, $0x2  }
0x4a2: {  	v1 =	vand.u32 $0x7F, v1;
	v9 =	vshll.u32 v3, $0x2;
	v4 =	vand.u32 $0xFFFFFE00, v4  }
0x4a3: {  	v8 =	vld [tilespmem:s22+$0xFFFFFFD0];
	v3 =	vand.u32 $0x7F, v3;
	v4 =	vor.u32 v0, v4;
	v0 =	vshll.u32 v2, $0x2  }
0x4a4: {  	v5 =	vand.u32 $0xFFFFFE00, v5;
	v2 =	vand.u32 $0x7F, v2;
	v0 =	vand.u32 $0xFFFFFE00, v0  }
0x4a5: {  	v5 =	vor.u32 v1, v5;
	v0 =	vor.u32 v2, v0;
	v2 =	vand.u32 $0xFFFFFE00, v9;
	v9 =	vld [tilespmem:s22+$0x30]  }
0x4a6: {  	v11 =	vand.u32 $0x7F, v7;
	v2 =	vor.u32 v3, v2;
	v3 =	vshll.u32 v6, $0x2  }
0x4a7: {  	v1 =	vand.u32 $0x7F, v6;
	v12 =	vor.u32 $0x80, v4;
	v3 =	vand.u32 $0xFFFFFE00, v3  }
0x4a8: {  	v6 =	vshll.u32 v7, $0x2;
	v10 =	vld.idx.msk [tilespmem:v4+s11+$0x0], $0xffff;
	v1 =	vor.u32 v1, v3;
	v3 =	vshll.u32 v8, $0x2  }
0x4a9: {  	v6 =	vand.u32 $0xFFFFFE00, v6;
	v8 =	vand.u32 $0x7F, v8;
	v3 =	vand.u32 $0xFFFFFE00, v3  }
0x4aa: {  	v6 =	vor.u32 v11, v6;
	v17 =	vld.idx.msk [tilespmem:v5+s11+$0x0], $0xffff;
	v7 =	vor.u32 v8, v3;
	v3 =	vshll.u32 v9, $0x2  }
0x4ab: {  	v13 =	vld.idx.msk [tilespmem:v0+s11+$0x0], $0xffff;
	v8 =	vand.u32 $0x7F, v9;
	v3 =	vand.u32 $0xFFFFFE00, v3  }
0x4ac: {  	s19 =	simm.s32 $0x15100;
	v11 =	vld.idx.msk [tilespmem:v2+s11+$0x0], $0xffff;
	v3 =	vor.u32 v8, v3  }
0x4ad: {  	v20 =	vor.u32 $0x80, v0;
	[tilespmem:s19+$0xFFFFFF00] =	vst v10;
	v10 =	vld.idx.msk [tilespmem:v1+s11+$0x0], $0xffff  }
0x4ae: {  	v18 =	vld.idx.msk [tilespmem:v12+s11+$0x0], $0xffff;
	v12 =	vor.u32 $0x80, v5  }
0x4af: {  	v15 =	vor.u32 $0x80, v2;
	v16 =	vld.idx.msk [tilespmem:v6+s11+$0x0], $0xffff  }
0x4b0: {  	s20 =	simm.s32 $0x0;
	s21 =	simm.s32 $0xC0;
	s22 =	simm.s32 $0x15100;
	v9 =	vor.u32 $0x80, v1;
	v14 =	vor.u32 $0x80, v7;
	v8 =	vor.u32 $0x80, v3;
	v19 =	vld.idx.msk [tilespmem:v7+s11+$0x0], $0xffff  }
.LBB2_24:
0x4b1: {  	s20 =	sadd.s32 $0x8, s20;
	[tilespmem:s19+$0xFFFFFF40] =	vst v13;
	v13 =	vld.idx.msk [tilespmem:v3+s11+$0x0], $0xffff;
	s22 =	sadd.s32 $0x200, s22  }
0x4b2: {  	p0 =	slt.u32 s20, $0xF8;
	v20 =	vld.idx.msk [tilespmem:v20+s11+$0x0], $0xffff;
	[tilespmem:s19+$0xFFFFFF50] =	vst v17  }
0x4b3: {  	v17 =	vor.u32 $0x100, v4;
	v12 =	vld.idx.msk [tilespmem:v12+s11+$0x0], $0xffff  }
0x4b4: {  	v21 =	vld [tilespmem:s21+$0x10];
	[tilespmem:s19+$0xFFFFFF80] =	vst v18  }
0x4b5: {  	v18 =	vld [tilespmem:s21+$0xFFFFFFE0];
	[tilespmem:s19+$0xFFFFFF10] =	vst v19;
	v19 =	vor.u32 $0x80, v6  }
0x4b6: {  	v14 =	vld.idx.msk [tilespmem:v14+s11+$0x0], $0xffff;
	[tilespmem:s19+$0xFFFFFF20] =	vst v11  }
0x4b7: {  	v11 =	vld.idx.msk [tilespmem:v15+s11+$0x0], $0xffff;
	[tilespmem:s19+$0xFFFFFF70] =	vst v13  }
0x4b8: {  	v13 =	vld.idx.msk [tilespmem:v17+s11+$0x0], $0xffff;
	[tilespmem:s19+$0xFFFFFFC0] =	vst v20  }
0x4b9: {  	v15 =	vld [tilespmem:s21+$0xFFFFFFF0];
	[tilespmem:s19+$0xFFFFFF30] =	vst v16  }
0x4ba: {  	v16 =	vld.idx.msk [tilespmem:v19+s11+$0x0], $0xffff;
	[tilespmem:s19+$0xFFFFFFD0] =	vst v12  }
0x4bb: {  	v12 =	vld [tilespmem:s21+$0xFFFFFFC0];
	[tilespmem:s19+$0xFFFFFF60] =	vst v10  }
0x4bc: {  	[tilespmem:s19+$0xFFFFFF90] =	vst v14;
	v8 =	vld.idx.msk [tilespmem:v8+s11+$0x0], $0xffff  }
0x4bd: {  	v10 =	vld [tilespmem:s21+$0x20];
	[tilespmem:s19+$0xFFFFFFA0] =	vst v11;
	v11 =	vor.u32 $0x100, v5  }
0x4be: {  	v14 =	vld [tilespmem:s21+$0x30];
	[tilespmem:s19+$0x0] =	vst v13;
	v13 =	vor.u32 $0x100, v7  }
0x4bf: {  	v19 =	vor.u32 $0x100, v6;
	v17 =	vld [tilespmem:s21+$0xFFFFFFD0]  }
0x4c0: {  	v20 =	vor.u32 $0x180, v4;
	[tilespmem:s19+$0xFFFFFFB0] =	vst v16;
	v9 =	vld.idx.msk [tilespmem:v9+s11+$0x0], $0xffff  }
0x4c1: {  	v22 =	vor.u32 $0x100, v2;
	v23 =	vor.u32 $0x180, v5;
	v5 =	vor.u32 $0x100, v1;
	v16 =	vld [tilespmem:s21+$0x0]  }
0x4c2: {  	v24 =	vor.u32 $0x100, v0;
	v4 =	vshll.u32 v12, $0x2;
	v11 =	vld.idx.msk [tilespmem:v11+s11+$0x0], $0xffff;
	[tilespmem:s19+$0xFFFFFFF0] =	vst v8;
	v8 =	vor.u32 $0x100, v3  }
0x4c3: {  	v4 =	vand.u32 $0xFFFFFE00, v4;
	v25 =	vand.u32 $0x7F, v14;
	v14 =	vshll.u32 v14, $0x2;
	v13 =	vld.idx.msk [tilespmem:v13+s11+$0x0], $0xffff  }
0x4c4: {  	v6 =	vor.u32 $0x180, v6;
	v12 =	vand.u32 $0x7F, v12;
	v14 =	vand.u32 $0xFFFFFE00, v14;
	v19 =	vld.idx.msk [tilespmem:v19+s11+$0x0], $0xffff  }
0x4c5: {  	v7 =	vor.u32 $0x180, v7;
	v4 =	vor.u32 v12, v4;
	v12 =	vshll.u32 v21, $0x2;
	v20 =	vld.idx.msk [tilespmem:v20+s11+$0x0], $0xffff  }
0x4c6: {  	v26 =	vshll.u32 v15, $0x2;
	v14 =	vor.u32 v25, v14;
	v27 =	vshll.u32 v16, $0x2;
	v22 =	vld.idx.msk [tilespmem:v22+s11+$0x0], $0xffff;
	[tilespmem:s19+$0xFFFFFFE0] =	vst v9  }
0x4c7: {  	v21 =	vand.u32 $0x7F, v21;
	v9 =	vand.u32 $0xFFFFFE00, v26;
	v16 =	vand.u32 $0x7F, v16;
	v25 =	vld.idx.msk [tilespmem:v5+s11+$0x0], $0xffff  }
0x4c8: {  	v12 =	vand.u32 $0xFFFFFE00, v12;
	v26 =	vor.u32 $0x180, v2;
	v5 =	vand.u32 $0xFFFFFE00, v27;
	[tilespmem:s19+$0x50] =	vst v11;
	v8 =	vld.idx.msk [tilespmem:v8+s11+$0x0], $0xffff  }
0x4c9: {  	v2 =	vshll.u32 v18, $0x2;
	v11 =	vor.u32 v16, v5;
	v5 =	vor.u32 v21, v12;
	[tilespmem:s19+$0x10] =	vst v13;
	v12 =	vld.idx.msk [tilespmem:v24+s11+$0x0], $0xffff  }
0x4ca: {  	v2 =	vand.u32 $0xFFFFFE00, v2;
	v13 =	vor.u32 $0x180, v3;
	v3 =	vmov v14;
	v7 =	vld.idx.msk [tilespmem:v7+s11+$0x0], $0xffff;
	[tilespmem:s19+$0x30] =	vst v19  }
0x4cb: {  	v14 =	vand.u32 $0x7F, v18;
	v18 =	vor.u32 $0x180, v0;
	v0 =	vmovc v11;
	v19 =	vor.u32 $0x180, v1;
	[tilespmem:s19+$0x80] =	vst v20;
	v16 =	vld.idx.msk [tilespmem:v6+s11+$0x0], $0xffff  }
0x4cc: {  	v21 =	vor.u32 $0x80, v4;
	v2 =	vor.u32 v14, v2;
	v1 =	vand.u32 $0x7F, v15;
	[tilespmem:s19+$0x20] =	vst v22;
	v11 =	vld.idx.msk [tilespmem:v23+s11+$0x0], $0xffff  }
0x4cd: {  	v6 =	vor.u32 v1, v9;
	v1 =	vshll.u32 v10, $0x2;
	v9 =	vld.idx.msk [tilespmem:v26+s11+$0x0], $0xffff;
	[tilespmem:s19+$0x60] =	vst v25  }
0x4ce: {  	v10 =	vand.u32 $0x7F, v10;
	v1 =	vand.u32 $0xFFFFFE00, v1;
	v15 =	vld.idx.msk [tilespmem:v4+s11+$0x0], $0xffff;
	[tilespmem:s19+$0x70] =	vst v8  }
0x4cf: {  	v1 =	vor.u32 v10, v1;
	[tilespmem:s19+$0x40] =	vst v12;
	v22 =	vld.idx.msk [tilespmem:v13+s11+$0x0], $0xffff  }
0x4d0: {  	v8 =	vshll.u32 v17, $0x2;
	v12 =	vor.u32 $0x80, v5;
	v13 =	vld.idx.msk [tilespmem:v0+s11+$0x0], $0xffff;
	[tilespmem:s19+$0x90] =	vst v7  }
0x4d1: {  	v10 =	vand.u32 $0xFFFFFE00, v8;
	v8 =	vor.u32 $0x80, v3;
	v7 =	vand.u32 $0x7F, v17;
	[tilespmem:s19+$0xB0] =	vst v16;
	v16 =	vld.idx.msk [tilespmem:v18+s11+$0x0], $0xffff  }
0x4d2: {  	v7 =	vor.u32 v7, v10;
	[tilespmem:s19+$0xD0] =	vst v11;
	v23 =	vld.idx.msk [tilespmem:v19+s11+$0x0], $0xffff  }
0x4d3: {  	v14 =	vor.u32 $0x80, v7;
	v11 =	vld.idx.msk [tilespmem:v2+s11+$0x0], $0xffff  }
.Ltmp11:
0x4d4: {  	[tilespmem:s22+$0xFFFFFF00] =	vst v15;
	v15 =	vor.u32 $0x80, v2;
	v17 =	vld.idx.msk [tilespmem:v5+s11+$0x0], $0xffff;
	(pc) =	sbr.rel @p0 .LBB2_24-.Ltmp11, $4  }
0x4d5: {  	v20 =	vor.u32 $0x80, v0;
	v10 =	vld.idx.msk [tilespmem:v1+s11+$0x0], $0xffff;
	[tilespmem:s19+$0xF0] =	vst v22  }
0x4d6: {  	v18 =	vld.idx.msk [tilespmem:v21+s11+$0x0], $0xffff;
	[tilespmem:s19+$0xA0] =	vst v9  }
0x4d7: {  	v19 =	vld.idx.msk [tilespmem:v7+s11+$0x0], $0xffff;
	[tilespmem:s19+$0xC0] =	vst v16  }
0x4d8: {  	s21 =	sadd.s32 $0x80, s21;
	v9 =	vor.u32 $0x80, v1;
	v16 =	vld.idx.msk [tilespmem:v6+s11+$0x0], $0xffff;
	[tilespmem:s19+$0xE0] =	vst v23;
	s19 =	smov.u32 s22  }
0x4d9: {  	_ =	sdelay $0x2  }
0x4da: {  	[tilespmem:s19+$0xFFFFFF40] =	vst v13  }
0x4db: {  	v13 =	vld.idx.msk [tilespmem:v3+s11+$0x0], $0xffff;
	[tilespmem:s19+$0xFFFFFF50] =	vst v17  }
0x4dc: {  	[tilespmem:s19+$0xFFFFFF20] =	vst v11;
	v17 =	vld.idx.msk [tilespmem:v20+s11+$0x0], $0xffff;
	v20 =	vor.u32 $0x100, v4  }
0x4dd: {  	[tilespmem:s19+$0xFFFFFF80] =	vst v18  }
0x4de: {  	v12 =	vld.idx.msk [tilespmem:v12+s11+$0x0], $0xffff;
	v18 =	vor.u32 $0x80, v6;
	[tilespmem:s19+$0xFFFFFF10] =	vst v19  }
0x4df: {  	[tilespmem:s19+$0xFFFFFF60] =	vst v10;
	v11 =	vld.idx.msk [tilespmem:v14+s11+$0x0], $0xffff  }
0x4e0: {  	[tilespmem:s19+$0xFFFFFF70] =	vst v13;
	v13 =	vld.idx.msk [tilespmem:v15+s11+$0x0], $0xffff  }
0x4e1: {  	v14 =	vor.u32 $0x100, v5;
	[tilespmem:s19+$0xFFFFFFC0] =	vst v17;
	v17 =	vld.idx.msk [tilespmem:v20+s11+$0x0], $0xffff  }
0x4e2: {  	v10 =	vor.u32 $0x100, v2;
	[tilespmem:s19+$0xFFFFFF30] =	vst v16;
	v8 =	vld.idx.msk [tilespmem:v8+s11+$0x0], $0xffff  }
0x4e3: {  	v16 =	vor.u32 $0x100, v7;
	[tilespmem:s19+$0xFFFFFFD0] =	vst v12;
	v15 =	vld.idx.msk [tilespmem:v18+s11+$0x0], $0xffff  }
0x4e4: {  	v4 =	vor.u32 $0x180, v4;
	[tilespmem:s19+$0xFFFFFF90] =	vst v11  }
0x4e5: {  	v9 =	vld.idx.msk [tilespmem:v9+s11+$0x0], $0xffff;
	v12 =	vor.u32 $0x100, v6;
	[tilespmem:s19+$0xFFFFFFA0] =	vst v13  }
0x4e6: {  	v11 =	vld.idx.msk [tilespmem:v14+s11+$0x0], $0xffff;
	v14 =	vor.u32 $0x100, v1;
	[tilespmem:s19+$0x0] =	vst v17  }
0x4e7: {  	v13 =	vor.u32 $0x100, v3;
	[tilespmem:s19+$0xFFFFFFF0] =	vst v8;
	v8 =	vld.idx.msk [tilespmem:v10+s11+$0x0], $0xffff  }
0x4e8: {  	v5 =	vor.u32 $0x180, v5;
	[tilespmem:s19+$0xFFFFFFB0] =	vst v15;
	v15 =	vld.idx.msk [tilespmem:v16+s11+$0x0], $0xffff  }
0x4e9: {  	v16 =	vor.u32 $0x100, v0;
	v4 =	vld.idx.msk [tilespmem:v4+s11+$0x0], $0xffff  }
0x4ea: {  	v2 =	vor.u32 $0x180, v2;
	[tilespmem:s19+$0xFFFFFFE0] =	vst v9;
	v12 =	vld.idx.msk [tilespmem:v12+s11+$0x0], $0xffff  }
0x4eb: {  	v7 =	vor.u32 $0x180, v7;
	[tilespmem:s19+$0x50] =	vst v11;
	v10 =	vld.idx.msk [tilespmem:v14+s11+$0x0], $0xffff  }
0x4ec: {  	v6 =	vor.u32 $0x180, v6;
	v9 =	vld.idx.msk [tilespmem:v13+s11+$0x0], $0xffff;
	[tilespmem:s19+$0x20] =	vst v8  }
0x4ed: {  	v1 =	vor.u32 $0x180, v1;
	v5 =	vld.idx.msk [tilespmem:v5+s11+$0x0], $0xffff;
	[tilespmem:s19+$0x10] =	vst v15  }
0x4ee: {  	v3 =	vor.u32 $0x180, v3;
	v11 =	vld.idx.msk [tilespmem:v16+s11+$0x0], $0xffff;
	[tilespmem:s19+$0x80] =	vst v4  }
0x4ef: {  	v0 =	vor.u32 $0x180, v0;
	v2 =	vld.idx.msk [tilespmem:v2+s11+$0x0], $0xffff;
	[tilespmem:s19+$0x30] =	vst v12  }
0x4f0: {  	v7 =	vld.idx.msk [tilespmem:v7+s11+$0x0], $0xffff;
	[tilespmem:s19+$0x60] =	vst v10  }
0x4f1: {  	v4 =	vld.idx.msk [tilespmem:v6+s11+$0x0], $0xffff;
	[tilespmem:s19+$0x70] =	vst v9  }
0x4f2: {  	v1 =	vld.idx.msk [tilespmem:v1+s11+$0x0], $0xffff;
	[tilespmem:s19+$0xD0] =	vst v5  }
0x4f3: {  	v3 =	vld.idx.msk [tilespmem:v3+s11+$0x0], $0xffff;
	[tilespmem:s19+$0x40] =	vst v11  }
0x4f4: {  	[tilespmem:s19+$0xA0] =	vst v2;
	v0 =	vld.idx.msk [tilespmem:v0+s11+$0x0], $0xffff  }
0x4f5: {  	[tilespmem:s19+$0x90] =	vst v7  }
0x4f6: {  	[tilespmem:s19+$0xB0] =	vst v4  }
0x4f7: {  	[tilespmem:s19+$0xE0] =	vst v1  }
0x4f8: {  	[tilespmem:s19+$0xF0] =	vst v3  }
0x4f9: {  	[tilespmem:s19+$0xC0] =	vst v0  }
0x4fa: {  	[hbm4b:s30+s9] =	stream.strided.scatter [tilespmem:s16], [sflag:$0x4], $0x4000, s8, s9, $0x38;
	[tilespmem:$0x19000] =	vst v63  }
0x4fb: {  	_ = 	snop  }
0x4fc: {  	[tilespmem:s11], [sflag:$0x2] =	stream.strided.gather [hbm4b:s31+s9], $0x8000, s8, s9, $0x38;
	[tilespmem:$0x19000] =	vst v63  }
0x4fd: {  	_ =	swait.ge [sflag:s12], $0x8000  }
0x4fe: {  	[sflag:s12] =	ssyncset.done $0x0  }
0x4ff: {  	[sflag:s12] =	ssyncadd.s32 $0xFFFF8000  }
0x500: {  	_ =	swait.ge [sflag:s13], $0x4000  }
0x501: {  	[sflag:s13] =	ssyncset.done $0x0  }
0x502: {  	s22 =	simm.s32 $0x40;
	[sflag:s13] =	ssyncadd.s32 $0xFFFFC000  }
0x503: {  	v0 =	vld [tilespmem:s22+$0xFFFFFFC0]  }
0x504: {  	v1 =	vld [tilespmem:s22+$0x10]  }
0x505: {  	v3 =	vld [tilespmem:s22+$0xFFFFFFE0]  }
0x506: {  	v2 =	vld [tilespmem:s22+$0x0];
	_ =	sdelay $0x1  }
0x507: {  	v6 =	vld [tilespmem:s22+$0x20]  }
0x508: {  	v7 =	vld [tilespmem:s22+$0xFFFFFFF0];
	v4 =	vshll.u32 v0, $0x2;
	v0 =	vand.u32 $0x7F, v0;
	v5 =	vshll.u32 v1, $0x2  }
0x509: {  	v1 =	vand.u32 $0x7F, v1;
	v9 =	vshll.u32 v3, $0x2;
	v4 =	vand.u32 $0xFFFFFE00, v4  }
0x50a: {  	v8 =	vld [tilespmem:s22+$0xFFFFFFD0];
	v3 =	vand.u32 $0x7F, v3;
	v4 =	vor.u32 v0, v4;
	v0 =	vshll.u32 v2, $0x2  }
0x50b: {  	v5 =	vand.u32 $0xFFFFFE00, v5;
	v2 =	vand.u32 $0x7F, v2;
	v0 =	vand.u32 $0xFFFFFE00, v0  }
0x50c: {  	v5 =	vor.u32 v1, v5;
	v0 =	vor.u32 v2, v0;
	v2 =	vand.u32 $0xFFFFFE00, v9;
	v9 =	vld [tilespmem:s22+$0x30]  }
0x50d: {  	v11 =	vand.u32 $0x7F, v7;
	v2 =	vor.u32 v3, v2;
	v3 =	vshll.u32 v6, $0x2  }
0x50e: {  	v1 =	vand.u32 $0x7F, v6;
	v12 =	vor.u32 $0x80, v4;
	v3 =	vand.u32 $0xFFFFFE00, v3  }
0x50f: {  	v6 =	vshll.u32 v7, $0x2;
	v10 =	vld.idx.msk [tilespmem:v4+s10+$0x0], $0xffff;
	v1 =	vor.u32 v1, v3;
	v3 =	vshll.u32 v8, $0x2  }
0x510: {  	v6 =	vand.u32 $0xFFFFFE00, v6;
	v8 =	vand.u32 $0x7F, v8;
	v3 =	vand.u32 $0xFFFFFE00, v3  }
0x511: {  	v6 =	vor.u32 v11, v6;
	v17 =	vld.idx.msk [tilespmem:v5+s10+$0x0], $0xffff;
	v7 =	vor.u32 v8, v3;
	v3 =	vshll.u32 v9, $0x2  }
0x512: {  	v13 =	vld.idx.msk [tilespmem:v0+s10+$0x0], $0xffff;
	v8 =	vand.u32 $0x7F, v9;
	v3 =	vand.u32 $0xFFFFFE00, v3  }
0x513: {  	s19 =	simm.s32 $0x11100;
	v11 =	vld.idx.msk [tilespmem:v2+s10+$0x0], $0xffff;
	v3 =	vor.u32 v8, v3  }
0x514: {  	v20 =	vor.u32 $0x80, v0;
	[tilespmem:s19+$0xFFFFFF00] =	vst v10;
	v10 =	vld.idx.msk [tilespmem:v1+s10+$0x0], $0xffff  }
0x515: {  	v18 =	vld.idx.msk [tilespmem:v12+s10+$0x0], $0xffff;
	v12 =	vor.u32 $0x80, v5  }
0x516: {  	v15 =	vor.u32 $0x80, v2;
	v16 =	vld.idx.msk [tilespmem:v6+s10+$0x0], $0xffff  }
0x517: {  	s20 =	simm.s32 $0x0;
	s21 =	simm.s32 $0xC0;
	s22 =	simm.s32 $0x11100;
	v9 =	vor.u32 $0x80, v1;
	v14 =	vor.u32 $0x80, v7;
	v8 =	vor.u32 $0x80, v3;
	v19 =	vld.idx.msk [tilespmem:v7+s10+$0x0], $0xffff  }
.LBB2_26:
0x518: {  	s20 =	sadd.s32 $0x8, s20;
	[tilespmem:s19+$0xFFFFFF40] =	vst v13;
	v13 =	vld.idx.msk [tilespmem:v3+s10+$0x0], $0xffff;
	s22 =	sadd.s32 $0x200, s22  }
0x519: {  	p0 =	slt.u32 s20, $0xF8;
	v20 =	vld.idx.msk [tilespmem:v20+s10+$0x0], $0xffff;
	[tilespmem:s19+$0xFFFFFF50] =	vst v17  }
0x51a: {  	v17 =	vor.u32 $0x100, v4;
	v12 =	vld.idx.msk [tilespmem:v12+s10+$0x0], $0xffff  }
0x51b: {  	v21 =	vld [tilespmem:s21+$0x10];
	[tilespmem:s19+$0xFFFFFF80] =	vst v18  }
0x51c: {  	v18 =	vld [tilespmem:s21+$0xFFFFFFE0];
	[tilespmem:s19+$0xFFFFFF10] =	vst v19;
	v19 =	vor.u32 $0x80, v6  }
0x51d: {  	v14 =	vld.idx.msk [tilespmem:v14+s10+$0x0], $0xffff;
	[tilespmem:s19+$0xFFFFFF20] =	vst v11  }
0x51e: {  	v11 =	vld.idx.msk [tilespmem:v15+s10+$0x0], $0xffff;
	[tilespmem:s19+$0xFFFFFF70] =	vst v13  }
0x51f: {  	v13 =	vld.idx.msk [tilespmem:v17+s10+$0x0], $0xffff;
	[tilespmem:s19+$0xFFFFFFC0] =	vst v20  }
0x520: {  	v15 =	vld [tilespmem:s21+$0xFFFFFFF0];
	[tilespmem:s19+$0xFFFFFF30] =	vst v16  }
0x521: {  	v16 =	vld.idx.msk [tilespmem:v19+s10+$0x0], $0xffff;
	[tilespmem:s19+$0xFFFFFFD0] =	vst v12  }
0x522: {  	v12 =	vld [tilespmem:s21+$0xFFFFFFC0];
	[tilespmem:s19+$0xFFFFFF60] =	vst v10  }
0x523: {  	[tilespmem:s19+$0xFFFFFF90] =	vst v14;
	v8 =	vld.idx.msk [tilespmem:v8+s10+$0x0], $0xffff  }
0x524: {  	v10 =	vld [tilespmem:s21+$0x20];
	[tilespmem:s19+$0xFFFFFFA0] =	vst v11;
	v11 =	vor.u32 $0x100, v5  }
0x525: {  	v14 =	vld [tilespmem:s21+$0x30];
	[tilespmem:s19+$0x0] =	vst v13;
	v13 =	vor.u32 $0x100, v7  }
0x526: {  	v19 =	vor.u32 $0x100, v6;
	v17 =	vld [tilespmem:s21+$0xFFFFFFD0]  }
0x527: {  	v20 =	vor.u32 $0x180, v4;
	[tilespmem:s19+$0xFFFFFFB0] =	vst v16;
	v9 =	vld.idx.msk [tilespmem:v9+s10+$0x0], $0xffff  }
0x528: {  	v22 =	vor.u32 $0x100, v2;
	v23 =	vor.u32 $0x180, v5;
	v5 =	vor.u32 $0x100, v1;
	v16 =	vld [tilespmem:s21+$0x0]  }
0x529: {  	v24 =	vor.u32 $0x100, v0;
	v4 =	vshll.u32 v12, $0x2;
	v11 =	vld.idx.msk [tilespmem:v11+s10+$0x0], $0xffff;
	[tilespmem:s19+$0xFFFFFFF0] =	vst v8;
	v8 =	vor.u32 $0x100, v3  }
0x52a: {  	v4 =	vand.u32 $0xFFFFFE00, v4;
	v25 =	vand.u32 $0x7F, v14;
	v14 =	vshll.u32 v14, $0x2;
	v13 =	vld.idx.msk [tilespmem:v13+s10+$0x0], $0xffff  }
0x52b: {  	v6 =	vor.u32 $0x180, v6;
	v12 =	vand.u32 $0x7F, v12;
	v14 =	vand.u32 $0xFFFFFE00, v14;
	v19 =	vld.idx.msk [tilespmem:v19+s10+$0x0], $0xffff  }
0x52c: {  	v7 =	vor.u32 $0x180, v7;
	v4 =	vor.u32 v12, v4;
	v12 =	vshll.u32 v21, $0x2;
	v20 =	vld.idx.msk [tilespmem:v20+s10+$0x0], $0xffff  }
0x52d: {  	v26 =	vshll.u32 v15, $0x2;
	v14 =	vor.u32 v25, v14;
	v27 =	vshll.u32 v16, $0x2;
	v22 =	vld.idx.msk [tilespmem:v22+s10+$0x0], $0xffff;
	[tilespmem:s19+$0xFFFFFFE0] =	vst v9  }
0x52e: {  	v21 =	vand.u32 $0x7F, v21;
	v9 =	vand.u32 $0xFFFFFE00, v26;
	v16 =	vand.u32 $0x7F, v16;
	v25 =	vld.idx.msk [tilespmem:v5+s10+$0x0], $0xffff  }
0x52f: {  	v12 =	vand.u32 $0xFFFFFE00, v12;
	v26 =	vor.u32 $0x180, v2;
	v5 =	vand.u32 $0xFFFFFE00, v27;
	[tilespmem:s19+$0x50] =	vst v11;
	v8 =	vld.idx.msk [tilespmem:v8+s10+$0x0], $0xffff  }
0x530: {  	v2 =	vshll.u32 v18, $0x2;
	v11 =	vor.u32 v16, v5;
	v5 =	vor.u32 v21, v12;
	[tilespmem:s19+$0x10] =	vst v13;
	v12 =	vld.idx.msk [tilespmem:v24+s10+$0x0], $0xffff  }
0x531: {  	v2 =	vand.u32 $0xFFFFFE00, v2;
	v13 =	vor.u32 $0x180, v3;
	v3 =	vmov v14;
	v7 =	vld.idx.msk [tilespmem:v7+s10+$0x0], $0xffff;
	[tilespmem:s19+$0x30] =	vst v19  }
0x532: {  	v14 =	vand.u32 $0x7F, v18;
	v18 =	vor.u32 $0x180, v0;
	v0 =	vmovc v11;
	v19 =	vor.u32 $0x180, v1;
	[tilespmem:s19+$0x80] =	vst v20;
	v16 =	vld.idx.msk [tilespmem:v6+s10+$0x0], $0xffff  }
0x533: {  	v21 =	vor.u32 $0x80, v4;
	v2 =	vor.u32 v14, v2;
	v1 =	vand.u32 $0x7F, v15;
	[tilespmem:s19+$0x20] =	vst v22;
	v11 =	vld.idx.msk [tilespmem:v23+s10+$0x0], $0xffff  }
0x534: {  	v6 =	vor.u32 v1, v9;
	v1 =	vshll.u32 v10, $0x2;
	v9 =	vld.idx.msk [tilespmem:v26+s10+$0x0], $0xffff;
	[tilespmem:s19+$0x60] =	vst v25  }
0x535: {  	v10 =	vand.u32 $0x7F, v10;
	v1 =	vand.u32 $0xFFFFFE00, v1;
	v15 =	vld.idx.msk [tilespmem:v4+s10+$0x0], $0xffff;
	[tilespmem:s19+$0x70] =	vst v8  }
0x536: {  	v1 =	vor.u32 v10, v1;
	[tilespmem:s19+$0x40] =	vst v12;
	v22 =	vld.idx.msk [tilespmem:v13+s10+$0x0], $0xffff  }
0x537: {  	v8 =	vshll.u32 v17, $0x2;
	v12 =	vor.u32 $0x80, v5;
	v13 =	vld.idx.msk [tilespmem:v0+s10+$0x0], $0xffff;
	[tilespmem:s19+$0x90] =	vst v7  }
0x538: {  	v10 =	vand.u32 $0xFFFFFE00, v8;
	v8 =	vor.u32 $0x80, v3;
	v7 =	vand.u32 $0x7F, v17;
	[tilespmem:s19+$0xB0] =	vst v16;
	v16 =	vld.idx.msk [tilespmem:v18+s10+$0x0], $0xffff  }
0x539: {  	v7 =	vor.u32 v7, v10;
	[tilespmem:s19+$0xD0] =	vst v11;
	v23 =	vld.idx.msk [tilespmem:v19+s10+$0x0], $0xffff  }
0x53a: {  	v14 =	vor.u32 $0x80, v7;
	v11 =	vld.idx.msk [tilespmem:v2+s10+$0x0], $0xffff  }
.Ltmp12:
0x53b: {  	[tilespmem:s22+$0xFFFFFF00] =	vst v15;
	v15 =	vor.u32 $0x80, v2;
	v17 =	vld.idx.msk [tilespmem:v5+s10+$0x0], $0xffff;
	(pc) =	sbr.rel @p0 .LBB2_26-.Ltmp12, $4  }
0x53c: {  	v20 =	vor.u32 $0x80, v0;
	v10 =	vld.idx.msk [tilespmem:v1+s10+$0x0], $0xffff;
	[tilespmem:s19+$0xF0] =	vst v22  }
0x53d: {  	v18 =	vld.idx.msk [tilespmem:v21+s10+$0x0], $0xffff;
	[tilespmem:s19+$0xA0] =	vst v9  }
0x53e: {  	v19 =	vld.idx.msk [tilespmem:v7+s10+$0x0], $0xffff;
	[tilespmem:s19+$0xC0] =	vst v16  }
0x53f: {  	s21 =	sadd.s32 $0x80, s21;
	v9 =	vor.u32 $0x80, v1;
	v16 =	vld.idx.msk [tilespmem:v6+s10+$0x0], $0xffff;
	[tilespmem:s19+$0xE0] =	vst v23;
	s19 =	smov.u32 s22  }
0x540: {  	_ =	sdelay $0x2  }
0x541: {  	[tilespmem:s19+$0xFFFFFF40] =	vst v13  }
0x542: {  	v13 =	vld.idx.msk [tilespmem:v3+s10+$0x0], $0xffff;
	[tilespmem:s19+$0xFFFFFF50] =	vst v17  }
0x543: {  	[tilespmem:s19+$0xFFFFFF20] =	vst v11;
	v17 =	vld.idx.msk [tilespmem:v20+s10+$0x0], $0xffff;
	v20 =	vor.u32 $0x100, v4  }
0x544: {  	[tilespmem:s19+$0xFFFFFF80] =	vst v18  }
0x545: {  	v12 =	vld.idx.msk [tilespmem:v12+s10+$0x0], $0xffff;
	v18 =	vor.u32 $0x80, v6;
	[tilespmem:s19+$0xFFFFFF10] =	vst v19  }
0x546: {  	[tilespmem:s19+$0xFFFFFF60] =	vst v10;
	v11 =	vld.idx.msk [tilespmem:v14+s10+$0x0], $0xffff  }
0x547: {  	[tilespmem:s19+$0xFFFFFF70] =	vst v13;
	v13 =	vld.idx.msk [tilespmem:v15+s10+$0x0], $0xffff  }
0x548: {  	v14 =	vor.u32 $0x100, v5;
	[tilespmem:s19+$0xFFFFFFC0] =	vst v17;
	v17 =	vld.idx.msk [tilespmem:v20+s10+$0x0], $0xffff  }
0x549: {  	v10 =	vor.u32 $0x100, v2;
	[tilespmem:s19+$0xFFFFFF30] =	vst v16;
	v8 =	vld.idx.msk [tilespmem:v8+s10+$0x0], $0xffff  }
0x54a: {  	v16 =	vor.u32 $0x100, v7;
	[tilespmem:s19+$0xFFFFFFD0] =	vst v12;
	v15 =	vld.idx.msk [tilespmem:v18+s10+$0x0], $0xffff  }
0x54b: {  	v4 =	vor.u32 $0x180, v4;
	[tilespmem:s19+$0xFFFFFF90] =	vst v11  }
0x54c: {  	v9 =	vld.idx.msk [tilespmem:v9+s10+$0x0], $0xffff;
	v12 =	vor.u32 $0x100, v6;
	[tilespmem:s19+$0xFFFFFFA0] =	vst v13  }
0x54d: {  	v11 =	vld.idx.msk [tilespmem:v14+s10+$0x0], $0xffff;
	v14 =	vor.u32 $0x100, v1;
	[tilespmem:s19+$0x0] =	vst v17  }
0x54e: {  	v13 =	vor.u32 $0x100, v3;
	[tilespmem:s19+$0xFFFFFFF0] =	vst v8;
	v8 =	vld.idx.msk [tilespmem:v10+s10+$0x0], $0xffff  }
0x54f: {  	v5 =	vor.u32 $0x180, v5;
	[tilespmem:s19+$0xFFFFFFB0] =	vst v15;
	v15 =	vld.idx.msk [tilespmem:v16+s10+$0x0], $0xffff  }
0x550: {  	v16 =	vor.u32 $0x100, v0;
	v4 =	vld.idx.msk [tilespmem:v4+s10+$0x0], $0xffff  }
0x551: {  	v2 =	vor.u32 $0x180, v2;
	[tilespmem:s19+$0xFFFFFFE0] =	vst v9;
	v12 =	vld.idx.msk [tilespmem:v12+s10+$0x0], $0xffff  }
0x552: {  	v7 =	vor.u32 $0x180, v7;
	[tilespmem:s19+$0x50] =	vst v11;
	v10 =	vld.idx.msk [tilespmem:v14+s10+$0x0], $0xffff  }
0x553: {  	v6 =	vor.u32 $0x180, v6;
	v9 =	vld.idx.msk [tilespmem:v13+s10+$0x0], $0xffff;
	[tilespmem:s19+$0x20] =	vst v8  }
0x554: {  	v1 =	vor.u32 $0x180, v1;
	v5 =	vld.idx.msk [tilespmem:v5+s10+$0x0], $0xffff;
	[tilespmem:s19+$0x10] =	vst v15  }
0x555: {  	v3 =	vor.u32 $0x180, v3;
	v11 =	vld.idx.msk [tilespmem:v16+s10+$0x0], $0xffff;
	[tilespmem:s19+$0x80] =	vst v4  }
0x556: {  	v0 =	vor.u32 $0x180, v0;
	v2 =	vld.idx.msk [tilespmem:v2+s10+$0x0], $0xffff;
	[tilespmem:s19+$0x30] =	vst v12  }
0x557: {  	v7 =	vld.idx.msk [tilespmem:v7+s10+$0x0], $0xffff;
	[tilespmem:s19+$0x60] =	vst v10  }
0x558: {  	v4 =	vld.idx.msk [tilespmem:v6+s10+$0x0], $0xffff;
	[tilespmem:s19+$0x70] =	vst v9  }
0x559: {  	v1 =	vld.idx.msk [tilespmem:v1+s10+$0x0], $0xffff;
	[tilespmem:s19+$0xD0] =	vst v5  }
0x55a: {  	v3 =	vld.idx.msk [tilespmem:v3+s10+$0x0], $0xffff;
	[tilespmem:s19+$0x40] =	vst v11  }
0x55b: {  	[tilespmem:s19+$0xA0] =	vst v2;
	v0 =	vld.idx.msk [tilespmem:v0+s10+$0x0], $0xffff  }
0x55c: {  	[tilespmem:s19+$0x90] =	vst v7  }
0x55d: {  	[tilespmem:s19+$0xB0] =	vst v4  }
0x55e: {  	[tilespmem:s19+$0xE0] =	vst v1  }
0x55f: {  	[tilespmem:s19+$0xF0] =	vst v3  }
0x560: {  	[tilespmem:s19+$0xC0] =	vst v0  }
0x561: {  	[hbm4b:s0+s9] =	stream.strided.scatter [tilespmem:s14], [sflag:$0x3], $0x4000, s8, s9, $0x38;
	[tilespmem:$0x19000] =	vst v63  }
0x562: {  	_ = 	snop  }
0x563: {  	[tilespmem:s10], [sflag:$0x1] =	stream.strided.gather [hbm4b:s1+s9], $0x8000, s8, s9, $0x38;
	[tilespmem:$0x19000] =	vst v63  }
0x564: {  	_ =	swait.ge [sflag:s15], $0x8000  }
0x565: {  	[sflag:s15] =	ssyncset.done $0x0  }
0x566: {  	[sflag:s15] =	ssyncadd.s32 $0xFFFF8000  }
0x567: {  	_ =	swait.ge [sflag:s17], $0x4000  }
0x568: {  	[sflag:s17] =	ssyncset.done $0x0  }
0x569: {  	s22 =	simm.s32 $0x40;
	[sflag:s17] =	ssyncadd.s32 $0xFFFFC000  }
0x56a: {  	v0 =	vld [tilespmem:s22+$0xFFFFFFC0]  }
0x56b: {  	v1 =	vld [tilespmem:s22+$0x10]  }
0x56c: {  	v3 =	vld [tilespmem:s22+$0xFFFFFFE0]  }
0x56d: {  	v2 =	vld [tilespmem:s22+$0x0];
	_ =	sdelay $0x1  }
0x56e: {  	v6 =	vld [tilespmem:s22+$0x20]  }
0x56f: {  	v7 =	vld [tilespmem:s22+$0xFFFFFFF0];
	v4 =	vshll.u32 v0, $0x2;
	v0 =	vand.u32 $0x7F, v0;
	v5 =	vshll.u32 v1, $0x2  }
0x570: {  	v1 =	vand.u32 $0x7F, v1;
	v9 =	vshll.u32 v3, $0x2;
	v4 =	vand.u32 $0xFFFFFE00, v4  }
0x571: {  	v8 =	vld [tilespmem:s22+$0xFFFFFFD0];
	v3 =	vand.u32 $0x7F, v3;
	v4 =	vor.u32 v0, v4;
	v0 =	vshll.u32 v2, $0x2  }
0x572: {  	v5 =	vand.u32 $0xFFFFFE00, v5;
	v2 =	vand.u32 $0x7F, v2;
	v0 =	vand.u32 $0xFFFFFE00, v0  }
0x573: {  	v5 =	vor.u32 v1, v5;
	v0 =	vor.u32 v2, v0;
	v2 =	vand.u32 $0xFFFFFE00, v9;
	v9 =	vld [tilespmem:s22+$0x30]  }
0x574: {  	v11 =	vand.u32 $0x7F, v7;
	v2 =	vor.u32 v3, v2;
	v3 =	vshll.u32 v6, $0x2  }
0x575: {  	v1 =	vand.u32 $0x7F, v6;
	v12 =	vor.u32 $0x80, v4;
	v3 =	vand.u32 $0xFFFFFE00, v3  }
0x576: {  	v6 =	vshll.u32 v7, $0x2;
	v10 =	vld.idx.msk [tilespmem:v4+s11+$0x0], $0xffff;
	v1 =	vor.u32 v1, v3;
	v3 =	vshll.u32 v8, $0x2  }
0x577: {  	v6 =	vand.u32 $0xFFFFFE00, v6;
	v8 =	vand.u32 $0x7F, v8;
	v3 =	vand.u32 $0xFFFFFE00, v3  }
0x578: {  	v6 =	vor.u32 v11, v6;
	v17 =	vld.idx.msk [tilespmem:v5+s11+$0x0], $0xffff;
	v7 =	vor.u32 v8, v3;
	v3 =	vshll.u32 v9, $0x2  }
0x579: {  	v13 =	vld.idx.msk [tilespmem:v0+s11+$0x0], $0xffff;
	v8 =	vand.u32 $0x7F, v9;
	v3 =	vand.u32 $0xFFFFFE00, v3  }
0x57a: {  	s19 =	simm.s32 $0x15100;
	v11 =	vld.idx.msk [tilespmem:v2+s11+$0x0], $0xffff;
	v3 =	vor.u32 v8, v3  }
0x57b: {  	v20 =	vor.u32 $0x80, v0;
	[tilespmem:s19+$0xFFFFFF00] =	vst v10;
	v10 =	vld.idx.msk [tilespmem:v1+s11+$0x0], $0xffff  }
0x57c: {  	v18 =	vld.idx.msk [tilespmem:v12+s11+$0x0], $0xffff;
	v12 =	vor.u32 $0x80, v5  }
0x57d: {  	v15 =	vor.u32 $0x80, v2;
	v16 =	vld.idx.msk [tilespmem:v6+s11+$0x0], $0xffff  }
0x57e: {  	s20 =	simm.s32 $0x0;
	s21 =	simm.s32 $0xC0;
	s22 =	simm.s32 $0x15100;
	v9 =	vor.u32 $0x80, v1;
	v14 =	vor.u32 $0x80, v7;
	v8 =	vor.u32 $0x80, v3;
	v19 =	vld.idx.msk [tilespmem:v7+s11+$0x0], $0xffff  }
.LBB2_28:
0x57f: {  	s20 =	sadd.s32 $0x8, s20;
	[tilespmem:s19+$0xFFFFFF40] =	vst v13;
	v13 =	vld.idx.msk [tilespmem:v3+s11+$0x0], $0xffff;
	s22 =	sadd.s32 $0x200, s22  }
0x580: {  	p0 =	slt.u32 s20, $0xF8;
	v20 =	vld.idx.msk [tilespmem:v20+s11+$0x0], $0xffff;
	[tilespmem:s19+$0xFFFFFF50] =	vst v17  }
0x581: {  	v17 =	vor.u32 $0x100, v4;
	v12 =	vld.idx.msk [tilespmem:v12+s11+$0x0], $0xffff  }
0x582: {  	v21 =	vld [tilespmem:s21+$0x10];
	[tilespmem:s19+$0xFFFFFF80] =	vst v18  }
0x583: {  	v18 =	vld [tilespmem:s21+$0xFFFFFFE0];
	[tilespmem:s19+$0xFFFFFF10] =	vst v19;
	v19 =	vor.u32 $0x80, v6  }
0x584: {  	v14 =	vld.idx.msk [tilespmem:v14+s11+$0x0], $0xffff;
	[tilespmem:s19+$0xFFFFFF20] =	vst v11  }
0x585: {  	v11 =	vld.idx.msk [tilespmem:v15+s11+$0x0], $0xffff;
	[tilespmem:s19+$0xFFFFFF70] =	vst v13  }
0x586: {  	v13 =	vld.idx.msk [tilespmem:v17+s11+$0x0], $0xffff;
	[tilespmem:s19+$0xFFFFFFC0] =	vst v20  }
0x587: {  	v15 =	vld [tilespmem:s21+$0xFFFFFFF0];
	[tilespmem:s19+$0xFFFFFF30] =	vst v16  }
0x588: {  	v16 =	vld.idx.msk [tilespmem:v19+s11+$0x0], $0xffff;
	[tilespmem:s19+$0xFFFFFFD0] =	vst v12  }
0x589: {  	v12 =	vld [tilespmem:s21+$0xFFFFFFC0];
	[tilespmem:s19+$0xFFFFFF60] =	vst v10  }
0x58a: {  	[tilespmem:s19+$0xFFFFFF90] =	vst v14;
	v8 =	vld.idx.msk [tilespmem:v8+s11+$0x0], $0xffff  }
0x58b: {  	v10 =	vld [tilespmem:s21+$0x20];
	[tilespmem:s19+$0xFFFFFFA0] =	vst v11;
	v11 =	vor.u32 $0x100, v5  }
0x58c: {  	v14 =	vld [tilespmem:s21+$0x30];
	[tilespmem:s19+$0x0] =	vst v13;
	v13 =	vor.u32 $0x100, v7  }
0x58d: {  	v19 =	vor.u32 $0x100, v6;
	v17 =	vld [tilespmem:s21+$0xFFFFFFD0]  }
0x58e: {  	v20 =	vor.u32 $0x180, v4;
	[tilespmem:s19+$0xFFFFFFB0] =	vst v16;
	v9 =	vld.idx.msk [tilespmem:v9+s11+$0x0], $0xffff  }
0x58f: {  	v22 =	vor.u32 $0x100, v2;
	v23 =	vor.u32 $0x180, v5;
	v5 =	vor.u32 $0x100, v1;
	v16 =	vld [tilespmem:s21+$0x0]  }
0x590: {  	v24 =	vor.u32 $0x100, v0;
	v4 =	vshll.u32 v12, $0x2;
	v11 =	vld.idx.msk [tilespmem:v11+s11+$0x0], $0xffff;
	[tilespmem:s19+$0xFFFFFFF0] =	vst v8;
	v8 =	vor.u32 $0x100, v3  }
0x591: {  	v4 =	vand.u32 $0xFFFFFE00, v4;
	v25 =	vand.u32 $0x7F, v14;
	v14 =	vshll.u32 v14, $0x2;
	v13 =	vld.idx.msk [tilespmem:v13+s11+$0x0], $0xffff  }
0x592: {  	v6 =	vor.u32 $0x180, v6;
	v12 =	vand.u32 $0x7F, v12;
	v14 =	vand.u32 $0xFFFFFE00, v14;
	v19 =	vld.idx.msk [tilespmem:v19+s11+$0x0], $0xffff  }
0x593: {  	v7 =	vor.u32 $0x180, v7;
	v4 =	vor.u32 v12, v4;
	v12 =	vshll.u32 v21, $0x2;
	v20 =	vld.idx.msk [tilespmem:v20+s11+$0x0], $0xffff  }
0x594: {  	v26 =	vshll.u32 v15, $0x2;
	v14 =	vor.u32 v25, v14;
	v27 =	vshll.u32 v16, $0x2;
	v22 =	vld.idx.msk [tilespmem:v22+s11+$0x0], $0xffff;
	[tilespmem:s19+$0xFFFFFFE0] =	vst v9  }
0x595: {  	v21 =	vand.u32 $0x7F, v21;
	v9 =	vand.u32 $0xFFFFFE00, v26;
	v16 =	vand.u32 $0x7F, v16;
	v25 =	vld.idx.msk [tilespmem:v5+s11+$0x0], $0xffff  }
0x596: {  	v12 =	vand.u32 $0xFFFFFE00, v12;
	v26 =	vor.u32 $0x180, v2;
	v5 =	vand.u32 $0xFFFFFE00, v27;
	[tilespmem:s19+$0x50] =	vst v11;
	v8 =	vld.idx.msk [tilespmem:v8+s11+$0x0], $0xffff  }
0x597: {  	v2 =	vshll.u32 v18, $0x2;
	v11 =	vor.u32 v16, v5;
	v5 =	vor.u32 v21, v12;
	[tilespmem:s19+$0x10] =	vst v13;
	v12 =	vld.idx.msk [tilespmem:v24+s11+$0x0], $0xffff  }
0x598: {  	v2 =	vand.u32 $0xFFFFFE00, v2;
	v13 =	vor.u32 $0x180, v3;
	v3 =	vmov v14;
	v7 =	vld.idx.msk [tilespmem:v7+s11+$0x0], $0xffff;
	[tilespmem:s19+$0x30] =	vst v19  }
0x599: {  	v14 =	vand.u32 $0x7F, v18;
	v18 =	vor.u32 $0x180, v0;
	v0 =	vmovc v11;
	v19 =	vor.u32 $0x180, v1;
	[tilespmem:s19+$0x80] =	vst v20;
	v16 =	vld.idx.msk [tilespmem:v6+s11+$0x0], $0xffff  }
0x59a: {  	v21 =	vor.u32 $0x80, v4;
	v2 =	vor.u32 v14, v2;
	v1 =	vand.u32 $0x7F, v15;
	[tilespmem:s19+$0x20] =	vst v22;
	v11 =	vld.idx.msk [tilespmem:v23+s11+$0x0], $0xffff  }
0x59b: {  	v6 =	vor.u32 v1, v9;
	v1 =	vshll.u32 v10, $0x2;
	v9 =	vld.idx.msk [tilespmem:v26+s11+$0x0], $0xffff;
	[tilespmem:s19+$0x60] =	vst v25  }
0x59c: {  	v10 =	vand.u32 $0x7F, v10;
	v1 =	vand.u32 $0xFFFFFE00, v1;
	v15 =	vld.idx.msk [tilespmem:v4+s11+$0x0], $0xffff;
	[tilespmem:s19+$0x70] =	vst v8  }
0x59d: {  	v1 =	vor.u32 v10, v1;
	[tilespmem:s19+$0x40] =	vst v12;
	v22 =	vld.idx.msk [tilespmem:v13+s11+$0x0], $0xffff  }
0x59e: {  	v8 =	vshll.u32 v17, $0x2;
	v12 =	vor.u32 $0x80, v5;
	v13 =	vld.idx.msk [tilespmem:v0+s11+$0x0], $0xffff;
	[tilespmem:s19+$0x90] =	vst v7  }
0x59f: {  	v10 =	vand.u32 $0xFFFFFE00, v8;
	v8 =	vor.u32 $0x80, v3;
	v7 =	vand.u32 $0x7F, v17;
	[tilespmem:s19+$0xB0] =	vst v16;
	v16 =	vld.idx.msk [tilespmem:v18+s11+$0x0], $0xffff  }
0x5a0: {  	v7 =	vor.u32 v7, v10;
	[tilespmem:s19+$0xD0] =	vst v11;
	v23 =	vld.idx.msk [tilespmem:v19+s11+$0x0], $0xffff  }
0x5a1: {  	v14 =	vor.u32 $0x80, v7;
	v11 =	vld.idx.msk [tilespmem:v2+s11+$0x0], $0xffff  }
.Ltmp13:
0x5a2: {  	[tilespmem:s22+$0xFFFFFF00] =	vst v15;
	v15 =	vor.u32 $0x80, v2;
	v17 =	vld.idx.msk [tilespmem:v5+s11+$0x0], $0xffff;
	(pc) =	sbr.rel @p0 .LBB2_28-.Ltmp13, $4  }
0x5a3: {  	v20 =	vor.u32 $0x80, v0;
	v10 =	vld.idx.msk [tilespmem:v1+s11+$0x0], $0xffff;
	[tilespmem:s19+$0xF0] =	vst v22  }
0x5a4: {  	v18 =	vld.idx.msk [tilespmem:v21+s11+$0x0], $0xffff;
	[tilespmem:s19+$0xA0] =	vst v9  }
0x5a5: {  	v19 =	vld.idx.msk [tilespmem:v7+s11+$0x0], $0xffff;
	[tilespmem:s19+$0xC0] =	vst v16  }
0x5a6: {  	s21 =	sadd.s32 $0x80, s21;
	v9 =	vor.u32 $0x80, v1;
	v16 =	vld.idx.msk [tilespmem:v6+s11+$0x0], $0xffff;
	[tilespmem:s19+$0xE0] =	vst v23;
	s19 =	smov.u32 s22  }
0x5a7: {  	_ =	sdelay $0x2  }
0x5a8: {  	[tilespmem:s19+$0xFFFFFF40] =	vst v13  }
0x5a9: {  	v13 =	vld.idx.msk [tilespmem:v3+s11+$0x0], $0xffff;
	[tilespmem:s19+$0xFFFFFF50] =	vst v17  }
0x5aa: {  	[tilespmem:s19+$0xFFFFFF20] =	vst v11;
	v17 =	vld.idx.msk [tilespmem:v20+s11+$0x0], $0xffff;
	v20 =	vor.u32 $0x100, v4  }
0x5ab: {  	[tilespmem:s19+$0xFFFFFF80] =	vst v18  }
0x5ac: {  	v12 =	vld.idx.msk [tilespmem:v12+s11+$0x0], $0xffff;
	v18 =	vor.u32 $0x80, v6;
	[tilespmem:s19+$0xFFFFFF10] =	vst v19  }
0x5ad: {  	[tilespmem:s19+$0xFFFFFF60] =	vst v10;
	v11 =	vld.idx.msk [tilespmem:v14+s11+$0x0], $0xffff  }
0x5ae: {  	[tilespmem:s19+$0xFFFFFF70] =	vst v13;
	v13 =	vld.idx.msk [tilespmem:v15+s11+$0x0], $0xffff  }
0x5af: {  	v14 =	vor.u32 $0x100, v5;
	[tilespmem:s19+$0xFFFFFFC0] =	vst v17;
	v17 =	vld.idx.msk [tilespmem:v20+s11+$0x0], $0xffff  }
0x5b0: {  	v10 =	vor.u32 $0x100, v2;
	[tilespmem:s19+$0xFFFFFF30] =	vst v16;
	v8 =	vld.idx.msk [tilespmem:v8+s11+$0x0], $0xffff  }
0x5b1: {  	v16 =	vor.u32 $0x100, v7;
	[tilespmem:s19+$0xFFFFFFD0] =	vst v12;
	v15 =	vld.idx.msk [tilespmem:v18+s11+$0x0], $0xffff  }
0x5b2: {  	v4 =	vor.u32 $0x180, v4;
	[tilespmem:s19+$0xFFFFFF90] =	vst v11  }
0x5b3: {  	v9 =	vld.idx.msk [tilespmem:v9+s11+$0x0], $0xffff;
	v12 =	vor.u32 $0x100, v6;
	[tilespmem:s19+$0xFFFFFFA0] =	vst v13  }
0x5b4: {  	v11 =	vld.idx.msk [tilespmem:v14+s11+$0x0], $0xffff;
	v14 =	vor.u32 $0x100, v1;
	[tilespmem:s19+$0x0] =	vst v17  }
0x5b5: {  	v13 =	vor.u32 $0x100, v3;
	[tilespmem:s19+$0xFFFFFFF0] =	vst v8;
	v8 =	vld.idx.msk [tilespmem:v10+s11+$0x0], $0xffff  }
0x5b6: {  	v5 =	vor.u32 $0x180, v5;
	[tilespmem:s19+$0xFFFFFFB0] =	vst v15;
	v15 =	vld.idx.msk [tilespmem:v16+s11+$0x0], $0xffff  }
0x5b7: {  	v16 =	vor.u32 $0x100, v0;
	v4 =	vld.idx.msk [tilespmem:v4+s11+$0x0], $0xffff  }
0x5b8: {  	v2 =	vor.u32 $0x180, v2;
	[tilespmem:s19+$0xFFFFFFE0] =	vst v9;
	v12 =	vld.idx.msk [tilespmem:v12+s11+$0x0], $0xffff  }
0x5b9: {  	v7 =	vor.u32 $0x180, v7;
	[tilespmem:s19+$0x50] =	vst v11;
	v10 =	vld.idx.msk [tilespmem:v14+s11+$0x0], $0xffff  }
0x5ba: {  	v6 =	vor.u32 $0x180, v6;
	v9 =	vld.idx.msk [tilespmem:v13+s11+$0x0], $0xffff;
	[tilespmem:s19+$0x20] =	vst v8  }
0x5bb: {  	v1 =	vor.u32 $0x180, v1;
	v5 =	vld.idx.msk [tilespmem:v5+s11+$0x0], $0xffff;
	[tilespmem:s19+$0x10] =	vst v15  }
0x5bc: {  	v3 =	vor.u32 $0x180, v3;
	v11 =	vld.idx.msk [tilespmem:v16+s11+$0x0], $0xffff;
	[tilespmem:s19+$0x80] =	vst v4  }
0x5bd: {  	v0 =	vor.u32 $0x180, v0;
	v2 =	vld.idx.msk [tilespmem:v2+s11+$0x0], $0xffff;
	[tilespmem:s19+$0x30] =	vst v12  }
0x5be: {  	v7 =	vld.idx.msk [tilespmem:v7+s11+$0x0], $0xffff;
	[tilespmem:s19+$0x60] =	vst v10  }
0x5bf: {  	v4 =	vld.idx.msk [tilespmem:v6+s11+$0x0], $0xffff;
	[tilespmem:s19+$0x70] =	vst v9  }
0x5c0: {  	v1 =	vld.idx.msk [tilespmem:v1+s11+$0x0], $0xffff;
	[tilespmem:s19+$0xD0] =	vst v5  }
0x5c1: {  	v3 =	vld.idx.msk [tilespmem:v3+s11+$0x0], $0xffff;
	[tilespmem:s19+$0x40] =	vst v11  }
0x5c2: {  	[tilespmem:s19+$0xA0] =	vst v2;
	v0 =	vld.idx.msk [tilespmem:v0+s11+$0x0], $0xffff  }
0x5c3: {  	[tilespmem:s19+$0x90] =	vst v7  }
0x5c4: {  	[tilespmem:s19+$0xB0] =	vst v4  }
0x5c5: {  	[tilespmem:s19+$0xE0] =	vst v1  }
0x5c6: {  	[tilespmem:s19+$0xF0] =	vst v3  }
0x5c7: {  	[tilespmem:s19+$0xC0] =	vst v0  }
0x5c8: {  	[hbm4b:s2+s9] =	stream.strided.scatter [tilespmem:s16], [sflag:$0x4], $0x4000, s8, s9, $0x38;
	[tilespmem:$0x19000] =	vst v63  }
0x5c9: {  	_ = 	snop  }
0x5ca: {  	[tilespmem:s11], [sflag:$0x2] =	stream.strided.gather [hbm4b:s4+s9], $0x8000, s8, s9, $0x38;
	[tilespmem:$0x19000] =	vst v63  }
0x5cb: {  	_ =	swait.ge [sflag:s12], $0x8000  }
0x5cc: {  	[sflag:s12] =	ssyncset.done $0x0  }
0x5cd: {  	[sflag:s12] =	ssyncadd.s32 $0xFFFF8000  }
0x5ce: {  	_ =	swait.ge [sflag:s13], $0x4000  }
0x5cf: {  	[sflag:s13] =	ssyncset.done $0x0  }
0x5d0: {  	s22 =	simm.s32 $0x40;
	[sflag:s13] =	ssyncadd.s32 $0xFFFFC000  }
0x5d1: {  	v0 =	vld [tilespmem:s22+$0xFFFFFFC0]  }
0x5d2: {  	v1 =	vld [tilespmem:s22+$0x10]  }
0x5d3: {  	v3 =	vld [tilespmem:s22+$0xFFFFFFE0]  }
0x5d4: {  	v2 =	vld [tilespmem:s22+$0x0];
	_ =	sdelay $0x1  }
0x5d5: {  	v6 =	vld [tilespmem:s22+$0x20]  }
0x5d6: {  	v7 =	vld [tilespmem:s22+$0xFFFFFFF0];
	v4 =	vshll.u32 v0, $0x2;
	v0 =	vand.u32 $0x7F, v0;
	v5 =	vshll.u32 v1, $0x2  }
0x5d7: {  	v1 =	vand.u32 $0x7F, v1;
	v9 =	vshll.u32 v3, $0x2;
	v4 =	vand.u32 $0xFFFFFE00, v4  }
0x5d8: {  	v8 =	vld [tilespmem:s22+$0xFFFFFFD0];
	v3 =	vand.u32 $0x7F, v3;
	v4 =	vor.u32 v0, v4;
	v0 =	vshll.u32 v2, $0x2  }
0x5d9: {  	v5 =	vand.u32 $0xFFFFFE00, v5;
	v2 =	vand.u32 $0x7F, v2;
	v0 =	vand.u32 $0xFFFFFE00, v0  }
0x5da: {  	v5 =	vor.u32 v1, v5;
	v0 =	vor.u32 v2, v0;
	v2 =	vand.u32 $0xFFFFFE00, v9;
	v9 =	vld [tilespmem:s22+$0x30]  }
0x5db: {  	v11 =	vand.u32 $0x7F, v7;
	v2 =	vor.u32 v3, v2;
	v3 =	vshll.u32 v6, $0x2  }
0x5dc: {  	v1 =	vand.u32 $0x7F, v6;
	v12 =	vor.u32 $0x80, v4;
	v3 =	vand.u32 $0xFFFFFE00, v3  }
0x5dd: {  	v6 =	vshll.u32 v7, $0x2;
	v10 =	vld.idx.msk [tilespmem:v4+s10+$0x0], $0xffff;
	v1 =	vor.u32 v1, v3;
	v3 =	vshll.u32 v8, $0x2  }
0x5de: {  	v6 =	vand.u32 $0xFFFFFE00, v6;
	v8 =	vand.u32 $0x7F, v8;
	v3 =	vand.u32 $0xFFFFFE00, v3  }
0x5df: {  	v6 =	vor.u32 v11, v6;
	v17 =	vld.idx.msk [tilespmem:v5+s10+$0x0], $0xffff;
	v7 =	vor.u32 v8, v3;
	v3 =	vshll.u32 v9, $0x2  }
0x5e0: {  	v13 =	vld.idx.msk [tilespmem:v0+s10+$0x0], $0xffff;
	v8 =	vand.u32 $0x7F, v9;
	v3 =	vand.u32 $0xFFFFFE00, v3  }
0x5e1: {  	s19 =	simm.s32 $0x11100;
	v11 =	vld.idx.msk [tilespmem:v2+s10+$0x0], $0xffff;
	v3 =	vor.u32 v8, v3  }
0x5e2: {  	v20 =	vor.u32 $0x80, v0;
	[tilespmem:s19+$0xFFFFFF00] =	vst v10;
	v10 =	vld.idx.msk [tilespmem:v1+s10+$0x0], $0xffff  }
0x5e3: {  	v18 =	vld.idx.msk [tilespmem:v12+s10+$0x0], $0xffff;
	v12 =	vor.u32 $0x80, v5  }
0x5e4: {  	v15 =	vor.u32 $0x80, v2;
	v16 =	vld.idx.msk [tilespmem:v6+s10+$0x0], $0xffff  }
0x5e5: {  	s20 =	simm.s32 $0x0;
	s21 =	simm.s32 $0xC0;
	s22 =	simm.s32 $0x11100;
	v9 =	vor.u32 $0x80, v1;
	v14 =	vor.u32 $0x80, v7;
	v8 =	vor.u32 $0x80, v3;
	v19 =	vld.idx.msk [tilespmem:v7+s10+$0x0], $0xffff  }
.LBB2_30:
0x5e6: {  	s20 =	sadd.s32 $0x8, s20;
	[tilespmem:s19+$0xFFFFFF40] =	vst v13;
	v13 =	vld.idx.msk [tilespmem:v3+s10+$0x0], $0xffff;
	s22 =	sadd.s32 $0x200, s22  }
0x5e7: {  	p0 =	slt.u32 s20, $0xF8;
	v20 =	vld.idx.msk [tilespmem:v20+s10+$0x0], $0xffff;
	[tilespmem:s19+$0xFFFFFF50] =	vst v17  }
0x5e8: {  	v17 =	vor.u32 $0x100, v4;
	v12 =	vld.idx.msk [tilespmem:v12+s10+$0x0], $0xffff  }
0x5e9: {  	v21 =	vld [tilespmem:s21+$0x10];
	[tilespmem:s19+$0xFFFFFF80] =	vst v18  }
0x5ea: {  	v18 =	vld [tilespmem:s21+$0xFFFFFFE0];
	[tilespmem:s19+$0xFFFFFF10] =	vst v19;
	v19 =	vor.u32 $0x80, v6  }
0x5eb: {  	v14 =	vld.idx.msk [tilespmem:v14+s10+$0x0], $0xffff;
	[tilespmem:s19+$0xFFFFFF20] =	vst v11  }
0x5ec: {  	v11 =	vld.idx.msk [tilespmem:v15+s10+$0x0], $0xffff;
	[tilespmem:s19+$0xFFFFFF70] =	vst v13  }
0x5ed: {  	v13 =	vld.idx.msk [tilespmem:v17+s10+$0x0], $0xffff;
	[tilespmem:s19+$0xFFFFFFC0] =	vst v20  }
0x5ee: {  	v15 =	vld [tilespmem:s21+$0xFFFFFFF0];
	[tilespmem:s19+$0xFFFFFF30] =	vst v16  }
0x5ef: {  	v16 =	vld.idx.msk [tilespmem:v19+s10+$0x0], $0xffff;
	[tilespmem:s19+$0xFFFFFFD0] =	vst v12  }
0x5f0: {  	v12 =	vld [tilespmem:s21+$0xFFFFFFC0];
	[tilespmem:s19+$0xFFFFFF60] =	vst v10  }
0x5f1: {  	[tilespmem:s19+$0xFFFFFF90] =	vst v14;
	v8 =	vld.idx.msk [tilespmem:v8+s10+$0x0], $0xffff  }
0x5f2: {  	v10 =	vld [tilespmem:s21+$0x20];
	[tilespmem:s19+$0xFFFFFFA0] =	vst v11;
	v11 =	vor.u32 $0x100, v5  }
0x5f3: {  	v14 =	vld [tilespmem:s21+$0x30];
	[tilespmem:s19+$0x0] =	vst v13;
	v13 =	vor.u32 $0x100, v7  }
0x5f4: {  	v19 =	vor.u32 $0x100, v6;
	v17 =	vld [tilespmem:s21+$0xFFFFFFD0]  }
0x5f5: {  	v20 =	vor.u32 $0x180, v4;
	[tilespmem:s19+$0xFFFFFFB0] =	vst v16;
	v9 =	vld.idx.msk [tilespmem:v9+s10+$0x0], $0xffff  }
0x5f6: {  	v22 =	vor.u32 $0x100, v2;
	v23 =	vor.u32 $0x180, v5;
	v5 =	vor.u32 $0x100, v1;
	v16 =	vld [tilespmem:s21+$0x0]  }
0x5f7: {  	v24 =	vor.u32 $0x100, v0;
	v4 =	vshll.u32 v12, $0x2;
	v11 =	vld.idx.msk [tilespmem:v11+s10+$0x0], $0xffff;
	[tilespmem:s19+$0xFFFFFFF0] =	vst v8;
	v8 =	vor.u32 $0x100, v3  }
0x5f8: {  	v4 =	vand.u32 $0xFFFFFE00, v4;
	v25 =	vand.u32 $0x7F, v14;
	v14 =	vshll.u32 v14, $0x2;
	v13 =	vld.idx.msk [tilespmem:v13+s10+$0x0], $0xffff  }
0x5f9: {  	v6 =	vor.u32 $0x180, v6;
	v12 =	vand.u32 $0x7F, v12;
	v14 =	vand.u32 $0xFFFFFE00, v14;
	v19 =	vld.idx.msk [tilespmem:v19+s10+$0x0], $0xffff  }
0x5fa: {  	v7 =	vor.u32 $0x180, v7;
	v4 =	vor.u32 v12, v4;
	v12 =	vshll.u32 v21, $0x2;
	v20 =	vld.idx.msk [tilespmem:v20+s10+$0x0], $0xffff  }
0x5fb: {  	v26 =	vshll.u32 v15, $0x2;
	v14 =	vor.u32 v25, v14;
	v27 =	vshll.u32 v16, $0x2;
	v22 =	vld.idx.msk [tilespmem:v22+s10+$0x0], $0xffff;
	[tilespmem:s19+$0xFFFFFFE0] =	vst v9  }
0x5fc: {  	v21 =	vand.u32 $0x7F, v21;
	v9 =	vand.u32 $0xFFFFFE00, v26;
	v16 =	vand.u32 $0x7F, v16;
	v25 =	vld.idx.msk [tilespmem:v5+s10+$0x0], $0xffff  }
0x5fd: {  	v12 =	vand.u32 $0xFFFFFE00, v12;
	v26 =	vor.u32 $0x180, v2;
	v5 =	vand.u32 $0xFFFFFE00, v27;
	[tilespmem:s19+$0x50] =	vst v11;
	v8 =	vld.idx.msk [tilespmem:v8+s10+$0x0], $0xffff  }
0x5fe: {  	v2 =	vshll.u32 v18, $0x2;
	v11 =	vor.u32 v16, v5;
	v5 =	vor.u32 v21, v12;
	[tilespmem:s19+$0x10] =	vst v13;
	v12 =	vld.idx.msk [tilespmem:v24+s10+$0x0], $0xffff  }
0x5ff: {  	v2 =	vand.u32 $0xFFFFFE00, v2;
	v13 =	vor.u32 $0x180, v3;
	v3 =	vmov v14;
	v7 =	vld.idx.msk [tilespmem:v7+s10+$0x0], $0xffff;
	[tilespmem:s19+$0x30] =	vst v19  }
0x600: {  	v14 =	vand.u32 $0x7F, v18;
	v18 =	vor.u32 $0x180, v0;
	v0 =	vmovc v11;
	v19 =	vor.u32 $0x180, v1;
	[tilespmem:s19+$0x80] =	vst v20;
	v16 =	vld.idx.msk [tilespmem:v6+s10+$0x0], $0xffff  }
0x601: {  	v21 =	vor.u32 $0x80, v4;
	v2 =	vor.u32 v14, v2;
	v1 =	vand.u32 $0x7F, v15;
	[tilespmem:s19+$0x20] =	vst v22;
	v11 =	vld.idx.msk [tilespmem:v23+s10+$0x0], $0xffff  }
0x602: {  	v6 =	vor.u32 v1, v9;
	v1 =	vshll.u32 v10, $0x2;
	v9 =	vld.idx.msk [tilespmem:v26+s10+$0x0], $0xffff;
	[tilespmem:s19+$0x60] =	vst v25  }
0x603: {  	v10 =	vand.u32 $0x7F, v10;
	v1 =	vand.u32 $0xFFFFFE00, v1;
	v15 =	vld.idx.msk [tilespmem:v4+s10+$0x0], $0xffff;
	[tilespmem:s19+$0x70] =	vst v8  }
0x604: {  	v1 =	vor.u32 v10, v1;
	[tilespmem:s19+$0x40] =	vst v12;
	v22 =	vld.idx.msk [tilespmem:v13+s10+$0x0], $0xffff  }
0x605: {  	v8 =	vshll.u32 v17, $0x2;
	v12 =	vor.u32 $0x80, v5;
	v13 =	vld.idx.msk [tilespmem:v0+s10+$0x0], $0xffff;
	[tilespmem:s19+$0x90] =	vst v7  }
0x606: {  	v10 =	vand.u32 $0xFFFFFE00, v8;
	v8 =	vor.u32 $0x80, v3;
	v7 =	vand.u32 $0x7F, v17;
	[tilespmem:s19+$0xB0] =	vst v16;
	v16 =	vld.idx.msk [tilespmem:v18+s10+$0x0], $0xffff  }
0x607: {  	v7 =	vor.u32 v7, v10;
	[tilespmem:s19+$0xD0] =	vst v11;
	v23 =	vld.idx.msk [tilespmem:v19+s10+$0x0], $0xffff  }
0x608: {  	v14 =	vor.u32 $0x80, v7;
	v11 =	vld.idx.msk [tilespmem:v2+s10+$0x0], $0xffff  }
.Ltmp14:
0x609: {  	[tilespmem:s22+$0xFFFFFF00] =	vst v15;
	v15 =	vor.u32 $0x80, v2;
	v17 =	vld.idx.msk [tilespmem:v5+s10+$0x0], $0xffff;
	(pc) =	sbr.rel @p0 .LBB2_30-.Ltmp14, $4  }
0x60a: {  	v20 =	vor.u32 $0x80, v0;
	v10 =	vld.idx.msk [tilespmem:v1+s10+$0x0], $0xffff;
	[tilespmem:s19+$0xF0] =	vst v22  }
0x60b: {  	v18 =	vld.idx.msk [tilespmem:v21+s10+$0x0], $0xffff;
	[tilespmem:s19+$0xA0] =	vst v9  }
0x60c: {  	v19 =	vld.idx.msk [tilespmem:v7+s10+$0x0], $0xffff;
	[tilespmem:s19+$0xC0] =	vst v16  }
0x60d: {  	s21 =	sadd.s32 $0x80, s21;
	v9 =	vor.u32 $0x80, v1;
	v16 =	vld.idx.msk [tilespmem:v6+s10+$0x0], $0xffff;
	[tilespmem:s19+$0xE0] =	vst v23;
	s19 =	smov.u32 s22  }
0x60e: {  	_ =	sdelay $0x2  }
0x60f: {  	[tilespmem:s19+$0xFFFFFF40] =	vst v13  }
0x610: {  	v13 =	vld.idx.msk [tilespmem:v3+s10+$0x0], $0xffff;
	[tilespmem:s19+$0xFFFFFF50] =	vst v17  }
0x611: {  	[tilespmem:s19+$0xFFFFFF20] =	vst v11;
	v17 =	vld.idx.msk [tilespmem:v20+s10+$0x0], $0xffff;
	v20 =	vor.u32 $0x100, v4  }
0x612: {  	[tilespmem:s19+$0xFFFFFF80] =	vst v18  }
0x613: {  	v12 =	vld.idx.msk [tilespmem:v12+s10+$0x0], $0xffff;
	v18 =	vor.u32 $0x80, v6;
	[tilespmem:s19+$0xFFFFFF10] =	vst v19  }
0x614: {  	[tilespmem:s19+$0xFFFFFF60] =	vst v10;
	v11 =	vld.idx.msk [tilespmem:v14+s10+$0x0], $0xffff  }
0x615: {  	[tilespmem:s19+$0xFFFFFF70] =	vst v13;
	v13 =	vld.idx.msk [tilespmem:v15+s10+$0x0], $0xffff  }
0x616: {  	v14 =	vor.u32 $0x100, v5;
	[tilespmem:s19+$0xFFFFFFC0] =	vst v17;
	v17 =	vld.idx.msk [tilespmem:v20+s10+$0x0], $0xffff  }
0x617: {  	v10 =	vor.u32 $0x100, v2;
	[tilespmem:s19+$0xFFFFFF30] =	vst v16;
	v8 =	vld.idx.msk [tilespmem:v8+s10+$0x0], $0xffff  }
0x618: {  	v16 =	vor.u32 $0x100, v7;
	[tilespmem:s19+$0xFFFFFFD0] =	vst v12;
	v15 =	vld.idx.msk [tilespmem:v18+s10+$0x0], $0xffff  }
0x619: {  	v4 =	vor.u32 $0x180, v4;
	[tilespmem:s19+$0xFFFFFF90] =	vst v11  }
0x61a: {  	v9 =	vld.idx.msk [tilespmem:v9+s10+$0x0], $0xffff;
	v12 =	vor.u32 $0x100, v6;
	[tilespmem:s19+$0xFFFFFFA0] =	vst v13  }
0x61b: {  	v11 =	vld.idx.msk [tilespmem:v14+s10+$0x0], $0xffff;
	v14 =	vor.u32 $0x100, v1;
	[tilespmem:s19+$0x0] =	vst v17  }
0x61c: {  	v13 =	vor.u32 $0x100, v3;
	[tilespmem:s19+$0xFFFFFFF0] =	vst v8;
	v8 =	vld.idx.msk [tilespmem:v10+s10+$0x0], $0xffff  }
0x61d: {  	v5 =	vor.u32 $0x180, v5;
	[tilespmem:s19+$0xFFFFFFB0] =	vst v15;
	v15 =	vld.idx.msk [tilespmem:v16+s10+$0x0], $0xffff  }
0x61e: {  	v16 =	vor.u32 $0x100, v0;
	v4 =	vld.idx.msk [tilespmem:v4+s10+$0x0], $0xffff  }
0x61f: {  	v2 =	vor.u32 $0x180, v2;
	[tilespmem:s19+$0xFFFFFFE0] =	vst v9;
	v12 =	vld.idx.msk [tilespmem:v12+s10+$0x0], $0xffff  }
0x620: {  	v7 =	vor.u32 $0x180, v7;
	[tilespmem:s19+$0x50] =	vst v11;
	v10 =	vld.idx.msk [tilespmem:v14+s10+$0x0], $0xffff  }
0x621: {  	v6 =	vor.u32 $0x180, v6;
	v9 =	vld.idx.msk [tilespmem:v13+s10+$0x0], $0xffff;
	[tilespmem:s19+$0x20] =	vst v8  }
0x622: {  	v1 =	vor.u32 $0x180, v1;
	v5 =	vld.idx.msk [tilespmem:v5+s10+$0x0], $0xffff;
	[tilespmem:s19+$0x10] =	vst v15  }
0x623: {  	v3 =	vor.u32 $0x180, v3;
	v11 =	vld.idx.msk [tilespmem:v16+s10+$0x0], $0xffff;
	[tilespmem:s19+$0x80] =	vst v4  }
0x624: {  	v0 =	vor.u32 $0x180, v0;
	v2 =	vld.idx.msk [tilespmem:v2+s10+$0x0], $0xffff;
	[tilespmem:s19+$0x30] =	vst v12  }
0x625: {  	v7 =	vld.idx.msk [tilespmem:v7+s10+$0x0], $0xffff;
	[tilespmem:s19+$0x60] =	vst v10  }
0x626: {  	v4 =	vld.idx.msk [tilespmem:v6+s10+$0x0], $0xffff;
	[tilespmem:s19+$0x70] =	vst v9  }
0x627: {  	v1 =	vld.idx.msk [tilespmem:v1+s10+$0x0], $0xffff;
	[tilespmem:s19+$0xD0] =	vst v5  }
0x628: {  	v3 =	vld.idx.msk [tilespmem:v3+s10+$0x0], $0xffff;
	[tilespmem:s19+$0x40] =	vst v11  }
0x629: {  	[tilespmem:s19+$0xA0] =	vst v2;
	v0 =	vld.idx.msk [tilespmem:v0+s10+$0x0], $0xffff  }
0x62a: {  	[tilespmem:s19+$0x90] =	vst v7  }
0x62b: {  	[tilespmem:s19+$0xB0] =	vst v4  }
0x62c: {  	[tilespmem:s19+$0xE0] =	vst v1  }
0x62d: {  	[tilespmem:s19+$0xF0] =	vst v3  }
0x62e: {  	[tilespmem:s19+$0xC0] =	vst v0  }
0x62f: {  	[hbm4b:s5+s9] =	stream.strided.scatter [tilespmem:s14], [sflag:$0x3], $0x4000, s8, s9, $0x38;
	[tilespmem:$0x19000] =	vst v63  }
0x630: {  	_ =	swait.ge [sflag:s15], $0x8000  }
0x631: {  	[sflag:s15] =	ssyncset.done $0x0  }
0x632: {  	[sflag:s15] =	ssyncadd.s32 $0xFFFF8000  }
0x633: {  	_ =	swait.ge [sflag:s17], $0x4000  }
0x634: {  	[sflag:s17] =	ssyncset.done $0x0  }
0x635: {  	s22 =	simm.s32 $0x40;
	[sflag:s17] =	ssyncadd.s32 $0xFFFFC000  }
0x636: {  	v0 =	vld [tilespmem:s22+$0xFFFFFFC0]  }
0x637: {  	v1 =	vld [tilespmem:s22+$0x10]  }
0x638: {  	v3 =	vld [tilespmem:s22+$0xFFFFFFE0]  }
0x639: {  	v2 =	vld [tilespmem:s22+$0x0];
	_ =	sdelay $0x1  }
0x63a: {  	v6 =	vld [tilespmem:s22+$0x20]  }
0x63b: {  	v7 =	vld [tilespmem:s22+$0xFFFFFFF0];
	v4 =	vshll.u32 v0, $0x2;
	v0 =	vand.u32 $0x7F, v0;
	v5 =	vshll.u32 v1, $0x2  }
0x63c: {  	v1 =	vand.u32 $0x7F, v1;
	v9 =	vshll.u32 v3, $0x2;
	v4 =	vand.u32 $0xFFFFFE00, v4  }
0x63d: {  	v8 =	vld [tilespmem:s22+$0xFFFFFFD0];
	v3 =	vand.u32 $0x7F, v3;
	v4 =	vor.u32 v0, v4;
	v0 =	vshll.u32 v2, $0x2  }
0x63e: {  	v5 =	vand.u32 $0xFFFFFE00, v5;
	v2 =	vand.u32 $0x7F, v2;
	v0 =	vand.u32 $0xFFFFFE00, v0  }
0x63f: {  	v5 =	vor.u32 v1, v5;
	v0 =	vor.u32 v2, v0;
	v2 =	vand.u32 $0xFFFFFE00, v9;
	v9 =	vld [tilespmem:s22+$0x30]  }
0x640: {  	v11 =	vand.u32 $0x7F, v7;
	v2 =	vor.u32 v3, v2;
	v3 =	vshll.u32 v6, $0x2  }
0x641: {  	v1 =	vand.u32 $0x7F, v6;
	v12 =	vor.u32 $0x80, v4;
	v3 =	vand.u32 $0xFFFFFE00, v3  }
0x642: {  	v6 =	vshll.u32 v7, $0x2;
	v10 =	vld.idx.msk [tilespmem:v4+s11+$0x0], $0xffff;
	v1 =	vor.u32 v1, v3;
	v3 =	vshll.u32 v8, $0x2  }
0x643: {  	v6 =	vand.u32 $0xFFFFFE00, v6;
	v8 =	vand.u32 $0x7F, v8;
	v3 =	vand.u32 $0xFFFFFE00, v3  }
0x644: {  	v6 =	vor.u32 v11, v6;
	v17 =	vld.idx.msk [tilespmem:v5+s11+$0x0], $0xffff;
	v7 =	vor.u32 v8, v3;
	v3 =	vshll.u32 v9, $0x2  }
0x645: {  	v13 =	vld.idx.msk [tilespmem:v0+s11+$0x0], $0xffff;
	v8 =	vand.u32 $0x7F, v9;
	v3 =	vand.u32 $0xFFFFFE00, v3  }
0x646: {  	s19 =	simm.s32 $0x15100;
	v11 =	vld.idx.msk [tilespmem:v2+s11+$0x0], $0xffff;
	v3 =	vor.u32 v8, v3  }
0x647: {  	v20 =	vor.u32 $0x80, v0;
	[tilespmem:s19+$0xFFFFFF00] =	vst v10;
	v10 =	vld.idx.msk [tilespmem:v1+s11+$0x0], $0xffff  }
0x648: {  	v18 =	vld.idx.msk [tilespmem:v12+s11+$0x0], $0xffff;
	v12 =	vor.u32 $0x80, v5  }
0x649: {  	v15 =	vor.u32 $0x80, v2;
	v16 =	vld.idx.msk [tilespmem:v6+s11+$0x0], $0xffff  }
0x64a: {  	s20 =	simm.s32 $0x0;
	s21 =	simm.s32 $0xC0;
	s22 =	simm.s32 $0x15100;
	v9 =	vor.u32 $0x80, v1;
	v14 =	vor.u32 $0x80, v7;
	v8 =	vor.u32 $0x80, v3;
	v19 =	vld.idx.msk [tilespmem:v7+s11+$0x0], $0xffff  }
.LBB2_32:
0x64b: {  	s20 =	sadd.s32 $0x8, s20;
	[tilespmem:s19+$0xFFFFFF40] =	vst v13;
	v13 =	vld.idx.msk [tilespmem:v3+s11+$0x0], $0xffff;
	s22 =	sadd.s32 $0x200, s22  }
0x64c: {  	p0 =	slt.u32 s20, $0xF8;
	v20 =	vld.idx.msk [tilespmem:v20+s11+$0x0], $0xffff;
	[tilespmem:s19+$0xFFFFFF50] =	vst v17  }
0x64d: {  	v17 =	vor.u32 $0x100, v4;
	v12 =	vld.idx.msk [tilespmem:v12+s11+$0x0], $0xffff  }
0x64e: {  	v21 =	vld [tilespmem:s21+$0x10];
	[tilespmem:s19+$0xFFFFFF80] =	vst v18  }
0x64f: {  	v18 =	vld [tilespmem:s21+$0xFFFFFFE0];
	[tilespmem:s19+$0xFFFFFF10] =	vst v19;
	v19 =	vor.u32 $0x80, v6  }
0x650: {  	v14 =	vld.idx.msk [tilespmem:v14+s11+$0x0], $0xffff;
	[tilespmem:s19+$0xFFFFFF20] =	vst v11  }
0x651: {  	v11 =	vld.idx.msk [tilespmem:v15+s11+$0x0], $0xffff;
	[tilespmem:s19+$0xFFFFFF70] =	vst v13  }
0x652: {  	v13 =	vld.idx.msk [tilespmem:v17+s11+$0x0], $0xffff;
	[tilespmem:s19+$0xFFFFFFC0] =	vst v20  }
0x653: {  	v15 =	vld [tilespmem:s21+$0xFFFFFFF0];
	[tilespmem:s19+$0xFFFFFF30] =	vst v16  }
0x654: {  	v16 =	vld.idx.msk [tilespmem:v19+s11+$0x0], $0xffff;
	[tilespmem:s19+$0xFFFFFFD0] =	vst v12  }
0x655: {  	v12 =	vld [tilespmem:s21+$0xFFFFFFC0];
	[tilespmem:s19+$0xFFFFFF60] =	vst v10  }
0x656: {  	[tilespmem:s19+$0xFFFFFF90] =	vst v14;
	v8 =	vld.idx.msk [tilespmem:v8+s11+$0x0], $0xffff  }
0x657: {  	v10 =	vld [tilespmem:s21+$0x20];
	[tilespmem:s19+$0xFFFFFFA0] =	vst v11;
	v11 =	vor.u32 $0x100, v5  }
0x658: {  	v14 =	vld [tilespmem:s21+$0x30];
	[tilespmem:s19+$0x0] =	vst v13;
	v13 =	vor.u32 $0x100, v7  }
0x659: {  	v19 =	vor.u32 $0x100, v6;
	v17 =	vld [tilespmem:s21+$0xFFFFFFD0]  }
0x65a: {  	v20 =	vor.u32 $0x180, v4;
	[tilespmem:s19+$0xFFFFFFB0] =	vst v16;
	v9 =	vld.idx.msk [tilespmem:v9+s11+$0x0], $0xffff  }
0x65b: {  	v22 =	vor.u32 $0x100, v2;
	v23 =	vor.u32 $0x180, v5;
	v5 =	vor.u32 $0x100, v1;
	v16 =	vld [tilespmem:s21+$0x0]  }
0x65c: {  	v24 =	vor.u32 $0x100, v0;
	v4 =	vshll.u32 v12, $0x2;
	v11 =	vld.idx.msk [tilespmem:v11+s11+$0x0], $0xffff;
	[tilespmem:s19+$0xFFFFFFF0] =	vst v8;
	v8 =	vor.u32 $0x100, v3  }
0x65d: {  	v4 =	vand.u32 $0xFFFFFE00, v4;
	v25 =	vand.u32 $0x7F, v14;
	v14 =	vshll.u32 v14, $0x2;
	v13 =	vld.idx.msk [tilespmem:v13+s11+$0x0], $0xffff  }
0x65e: {  	v6 =	vor.u32 $0x180, v6;
	v12 =	vand.u32 $0x7F, v12;
	v14 =	vand.u32 $0xFFFFFE00, v14;
	v19 =	vld.idx.msk [tilespmem:v19+s11+$0x0], $0xffff  }
0x65f: {  	v7 =	vor.u32 $0x180, v7;
	v4 =	vor.u32 v12, v4;
	v12 =	vshll.u32 v21, $0x2;
	v20 =	vld.idx.msk [tilespmem:v20+s11+$0x0], $0xffff  }
0x660: {  	v26 =	vshll.u32 v15, $0x2;
	v14 =	vor.u32 v25, v14;
	v27 =	vshll.u32 v16, $0x2;
	v22 =	vld.idx.msk [tilespmem:v22+s11+$0x0], $0xffff;
	[tilespmem:s19+$0xFFFFFFE0] =	vst v9  }
0x661: {  	v21 =	vand.u32 $0x7F, v21;
	v9 =	vand.u32 $0xFFFFFE00, v26;
	v16 =	vand.u32 $0x7F, v16;
	v25 =	vld.idx.msk [tilespmem:v5+s11+$0x0], $0xffff  }
0x662: {  	v12 =	vand.u32 $0xFFFFFE00, v12;
	v26 =	vor.u32 $0x180, v2;
	v5 =	vand.u32 $0xFFFFFE00, v27;
	[tilespmem:s19+$0x50] =	vst v11;
	v8 =	vld.idx.msk [tilespmem:v8+s11+$0x0], $0xffff  }
0x663: {  	v2 =	vshll.u32 v18, $0x2;
	v11 =	vor.u32 v16, v5;
	v5 =	vor.u32 v21, v12;
	[tilespmem:s19+$0x10] =	vst v13;
	v12 =	vld.idx.msk [tilespmem:v24+s11+$0x0], $0xffff  }
0x664: {  	v2 =	vand.u32 $0xFFFFFE00, v2;
	v13 =	vor.u32 $0x180, v3;
	v3 =	vmov v14;
	v7 =	vld.idx.msk [tilespmem:v7+s11+$0x0], $0xffff;
	[tilespmem:s19+$0x30] =	vst v19  }
0x665: {  	v14 =	vand.u32 $0x7F, v18;
	v18 =	vor.u32 $0x180, v0;
	v0 =	vmovc v11;
	v19 =	vor.u32 $0x180, v1;
	[tilespmem:s19+$0x80] =	vst v20;
	v16 =	vld.idx.msk [tilespmem:v6+s11+$0x0], $0xffff  }
0x666: {  	v21 =	vor.u32 $0x80, v4;
	v2 =	vor.u32 v14, v2;
	v1 =	vand.u32 $0x7F, v15;
	[tilespmem:s19+$0x20] =	vst v22;
	v11 =	vld.idx.msk [tilespmem:v23+s11+$0x0], $0xffff  }
0x667: {  	v6 =	vor.u32 v1, v9;
	v1 =	vshll.u32 v10, $0x2;
	v9 =	vld.idx.msk [tilespmem:v26+s11+$0x0], $0xffff;
	[tilespmem:s19+$0x60] =	vst v25  }
0x668: {  	v10 =	vand.u32 $0x7F, v10;
	v1 =	vand.u32 $0xFFFFFE00, v1;
	v15 =	vld.idx.msk [tilespmem:v4+s11+$0x0], $0xffff;
	[tilespmem:s19+$0x70] =	vst v8  }
0x669: {  	v1 =	vor.u32 v10, v1;
	[tilespmem:s19+$0x40] =	vst v12;
	v22 =	vld.idx.msk [tilespmem:v13+s11+$0x0], $0xffff  }
0x66a: {  	v8 =	vshll.u32 v17, $0x2;
	v12 =	vor.u32 $0x80, v5;
	v13 =	vld.idx.msk [tilespmem:v0+s11+$0x0], $0xffff;
	[tilespmem:s19+$0x90] =	vst v7  }
0x66b: {  	v10 =	vand.u32 $0xFFFFFE00, v8;
	v8 =	vor.u32 $0x80, v3;
	v7 =	vand.u32 $0x7F, v17;
	[tilespmem:s19+$0xB0] =	vst v16;
	v16 =	vld.idx.msk [tilespmem:v18+s11+$0x0], $0xffff  }
0x66c: {  	v7 =	vor.u32 v7, v10;
	[tilespmem:s19+$0xD0] =	vst v11;
	v23 =	vld.idx.msk [tilespmem:v19+s11+$0x0], $0xffff  }
0x66d: {  	v14 =	vor.u32 $0x80, v7;
	v11 =	vld.idx.msk [tilespmem:v2+s11+$0x0], $0xffff  }
.Ltmp15:
0x66e: {  	[tilespmem:s22+$0xFFFFFF00] =	vst v15;
	v15 =	vor.u32 $0x80, v2;
	v17 =	vld.idx.msk [tilespmem:v5+s11+$0x0], $0xffff;
	(pc) =	sbr.rel @p0 .LBB2_32-.Ltmp15, $4  }
0x66f: {  	v20 =	vor.u32 $0x80, v0;
	v10 =	vld.idx.msk [tilespmem:v1+s11+$0x0], $0xffff;
	[tilespmem:s19+$0xF0] =	vst v22  }
0x670: {  	v18 =	vld.idx.msk [tilespmem:v21+s11+$0x0], $0xffff;
	[tilespmem:s19+$0xA0] =	vst v9  }
0x671: {  	v19 =	vld.idx.msk [tilespmem:v7+s11+$0x0], $0xffff;
	[tilespmem:s19+$0xC0] =	vst v16  }
0x672: {  	s21 =	sadd.s32 $0x80, s21;
	v9 =	vor.u32 $0x80, v1;
	v16 =	vld.idx.msk [tilespmem:v6+s11+$0x0], $0xffff;
	[tilespmem:s19+$0xE0] =	vst v23;
	s19 =	smov.u32 s22  }
0x673: {  	_ =	sdelay $0x1  }
0x674: {  	[tilespmem:s19+$0xFFFFFF40] =	vst v13  }
0x675: {  	[tilespmem:s19+$0xFFFFFF50] =	vst v17  }
0x676: {  	v34 =	vld.idx.msk [tilespmem:v3+s11+$0x0], $0xffff;
	[tilespmem:s19+$0xFFFFFF20] =	vst v11  }
0x677: {  	v36 =	vor.u32 $0x80, v6;
	v35 =	vld.idx.msk [tilespmem:v20+s11+$0x0], $0xffff;
	[tilespmem:s19+$0xFFFFFF60] =	vst v10  }
0x678: {  	v37 =	vor.u32 $0x100, v4;
	v12 =	vld.idx.msk [tilespmem:v12+s11+$0x0], $0xffff;
	[tilespmem:s19+$0xFFFFFF80] =	vst v18  }
0x679: {  	v39 =	vld.idx.msk [tilespmem:v15+s11+$0x0], $0xffff;
	[tilespmem:s19+$0xFFFFFF10] =	vst v19  }
0x67a: {  	v40 =	vor.u32 $0x100, v5;
	v9 =	vld.idx.msk [tilespmem:v9+s11+$0x0], $0xffff;
	[tilespmem:s19+$0xFFFFFF30] =	vst v16  }
0x67b: {  	v46 =	vor.u32 $0x100, v2;
	v38 =	vld.idx.msk [tilespmem:v14+s11+$0x0], $0xffff;
	[tilespmem:s19+$0xFFFFFF70] =	vst v34  }
0x67c: {  	v51 =	vor.u32 $0x100, v0;
	v41 =	vld.idx.msk [tilespmem:v36+s11+$0x0], $0xffff;
	[tilespmem:s19+$0xFFFFFFC0] =	vst v35  }
0x67d: {  	v49 =	vor.u32 $0x100, v1;
	v43 =	vld.idx.msk [tilespmem:v37+s11+$0x0], $0xffff;
	[tilespmem:s19+$0xFFFFFFD0] =	vst v12  }
0x67e: {  	v42 =	vor.u32 $0x100, v7;
	v8 =	vld.idx.msk [tilespmem:v8+s11+$0x0], $0xffff;
	[tilespmem:s19+$0xFFFFFFA0] =	vst v39  }
0x67f: {  	v44 =	vor.u32 $0x100, v6;
	v47 =	vld.idx.msk [tilespmem:v40+s11+$0x0], $0xffff;
	[tilespmem:s19+$0xFFFFFFE0] =	vst v9  }
0x680: {  	v45 =	vor.u32 $0x180, v4;
	v54 =	vld.idx.msk [tilespmem:v46+s11+$0x0], $0xffff;
	[tilespmem:s19+$0xFFFFFF90] =	vst v38  }
0x681: {  	v48 =	vor.u32 $0x100, v3;
	v60 =	vld.idx.msk [tilespmem:v51+s11+$0x0], $0xffff;
	[tilespmem:s19+$0xFFFFFFB0] =	vst v41  }
0x682: {  	v55 =	vor.u32 $0x180, v5;
	v57 =	vld.idx.msk [tilespmem:v49+s11+$0x0], $0xffff;
	[tilespmem:s19+$0x0] =	vst v43  }
0x683: {  	v59 =	vor.u32 $0x180, v2;
	v50 =	vld.idx.msk [tilespmem:v42+s11+$0x0], $0xffff;
	[tilespmem:s19+$0xFFFFFFF0] =	vst v8  }
0x684: {  	v61 =	vor.u32 $0x180, v0;
	v12 =	vld.idx.msk [tilespmem:v44+s11+$0x0], $0xffff;
	[tilespmem:s19+$0x50] =	vst v47  }
0x685: {  	v63 =	vor.u32 $0x180, v1;
	v4 =	vld.idx.msk [tilespmem:v45+s11+$0x0], $0xffff;
	[tilespmem:s19+$0x20] =	vst v54  }
0x686: {  	v52 =	vor.u32 $0x180, v7;
	v56 =	vld.idx.msk [tilespmem:v48+s11+$0x0], $0xffff;
	[tilespmem:s19+$0x40] =	vst v60  }
0x687: {  	v53 =	vor.u32 $0x180, v6;
	v5 =	vld.idx.msk [tilespmem:v55+s11+$0x0], $0xffff;
	[tilespmem:s19+$0x60] =	vst v57  }
0x688: {  	v58 =	vor.u32 $0x180, v3;
	v2 =	vld.idx.msk [tilespmem:v59+s11+$0x0], $0xffff;
	[tilespmem:s19+$0x10] =	vst v50  }
0x689: {  	v0 =	vld.idx.msk [tilespmem:v61+s11+$0x0], $0xffff;
	[tilespmem:s19+$0x30] =	vst v12  }
0x68a: {  	v1 =	vld.idx.msk [tilespmem:v63+s11+$0x0], $0xffff;
	[tilespmem:s19+$0x80] =	vst v4  }
0x68b: {  	v7 =	vld.idx.msk [tilespmem:v52+s11+$0x0], $0xffff;
	[tilespmem:s19+$0x70] =	vst v56  }
0x68c: {  	v62 =	vld.idx.msk [tilespmem:v53+s11+$0x0], $0xffff;
	[tilespmem:s19+$0xD0] =	vst v5  }
0x68d: {  	v3 =	vld.idx.msk [tilespmem:v58+s11+$0x0], $0xffff;
	[tilespmem:s19+$0xA0] =	vst v2  }
0x68e: {  	[tilespmem:s19+$0xC0] =	vst v0  }
0x68f: {  	[tilespmem:s19+$0xE0] =	vst v1  }
0x690: {  	[tilespmem:s19+$0x90] =	vst v7  }
0x691: {  	[tilespmem:s19+$0xB0] =	vst v62  }
0x692: {  	s18 =	sadd.s32 $0x1, s18;
	[tilespmem:s19+$0xF0] =	vst v3  }
0x693: {  	[hbm4b:s7+s9] =	stream.strided.scatter [tilespmem:s16], [sflag:$0x4], $0x4000, s8, s9, $0x38;
	[tilespmem:$0x19000] =	vst v63  }
0x694: {  	p0 =	sne.s32 s18, s25;
	_ =	swait.ge [sflag:s13], $0x4000  }
.Ltmp16:
0x695: {  	[sflag:s13] =	ssyncset.done $0x0;
	(pc) =	sbr.rel @p0 .LBB2_1-.Ltmp16, $4  }
0x696: {  	[sflag:s13] =	ssyncadd.s32 $0xFFFFC000  }
0x697: {  	_ =	swait.ge [sflag:s17], $0x4000  }
0x698: {  	[sflag:s17] =	ssyncset.done $0x0  }
0x699: {  	[sflag:s17] =	ssyncadd.s32 $0xFFFFC000  }
0x69a: {  	_ =	sfence.sel $0x180000  }
0x69b: {  	[bflag:$0x0] =	sbarrier.arrive $0xFFFF  }
0x69c: {  	_ =	strace $0x90000047  }
0x69d: {  	s0 =	stileid.u32;
	[bflag:$0x2] =	sbarrier.arrive $0xFFFF  }
0x69e: {  	p0 =	sne.s32 s0, $0x0;
	s0 =	rddreg [dreg:$0x3]  }
0x69f: {  	s0 =	sadd.s32 @!p0 $0x100000, s0  }
0x6a0: {  	[sflag:s0] =	ssyncadd.tile.s32 @!p0 $0x1;
	_ =	shalt  }
.Lfunc_end2:
_tile_overlayer_lowered:
.L_overlay_start_2:
0x6a1: {  	(tag) =	ssettag $0x2  }
0x6a2: {  	s0 =	rddreg [dreg:$0x0];
	s2 =	stileid.u32  }
0x6a3: {  	s1 =	rddreg [dreg:$0x1];
	p0 =	sne.s32 s2, $0x0  }
0x6a4: {  	s3 =	rddreg [dreg:$0x2];
	[bflag:$0x3] =	sbarrier.arrive $0xFFFF;
	s2 =	simm.s32 @!p0 $0x1C05  }
0x6a5: {  	[timem:s3], [sflag:s2] =	dma.local @!p0 [hbm:s0], s1  }
0x6a6: {  	s0 =	simm.s32 @!p0 $0x5  }
0x6a7: {  	_ =	swait.ge @!p0 [sflag:s0], s1  }
0x6a8: {  	s1 =	ssub.s32 @!p0 $0x0, s1;
	[sflag:s0] =	ssyncset.done @!p0 $0x0  }
0x6a9: {  	[sflag:s0] =	ssyncadd.s32 @!p0 s1  }
0x6aa: {  	[bflag:$0x3] =	sbarrier.arrive $0xFFFF  }
0x6ab: {  	_ =	shalt  }

</sc_bundles>
